<compile_context>
chip_gen: v7x
topology: tpu7x:2x2x1
jax: 0.10.2.dev20260603
libtpu: 0.0.44.dev20260713+nightly
codegen_flags: <defaults>
</compile_context>

<pallas_src>
import functools

import jax
import jax.numpy as jnp
from jax import lax
from jax.experimental import pallas as pl
from jax.experimental.pallas import tpu as pltpu
from jax.experimental.pallas import tpu_sc as plsc

_C_IN, _N, _A, _NN, _KS, _C_OUT = 32, 10000, 12, 16, 3, 64
_D = _A * _C_IN
_M = _KS * _C_IN
_MP = 128
_L = 16

_NC, _NS = 2, 16
_NW = _NC * _NS
_CH = 4
_CR = _CH * _A
_NCHUNK = _N // _CH
_ITERS = -(-_NCHUNK // _NW)


def _sc_body(table_hbm, idx_hbm, w_hbm, nf_hbm,
             idx0, idx1, rows0, rows1, w0, w1, out0, out1,
             g0, g1, o0, o1, ic0, ic1, ws0, ws1):
    wid = lax.axis_index("s") * _NC + lax.axis_index("c")
    n_me = (_NCHUNK - wid + _NW - 1) // _NW

    def start_idx(c, idxv, icsem):
        pltpu.async_copy(idx_hbm.at[pl.ds(c * _CH * _NN, _CH * _NN)], idxv,
                         icsem)

    def wait_idx(idxv, icsem):
        pltpu.make_async_copy(idx_hbm.at[pl.ds(0, _CH * _NN)], idxv,
                              icsem).wait()

    def start_w(c, wv, wsem):
        pltpu.async_copy(w_hbm.at[pl.ds(c * _CH, _CH)], wv, wsem)

    def wait_w(wv, wsem):
        pltpu.make_async_copy(w_hbm.at[pl.ds(0, _CH)], wv, wsem).wait()

    def start_gather(idxv, rowsv, gsem):
        pltpu.async_copy(table_hbm.at[idxv], rowsv, gsem)

    def wait_gather(idxv, rowsv, gsem):
        pltpu.make_async_copy(table_hbm.at[idxv], rowsv, gsem).wait()

    def wait_out(outv, osem):
        pltpu.make_async_copy(outv, nf_hbm.at[pl.ds(0, _CR)], osem).wait()

    def zrow(r, carry):
        for outv in (out0, out1):
            outv[r, pl.ds(_M, _L)] = jnp.zeros((_L,), jnp.float32)
            outv[r, pl.ds(_M + _L, _L)] = jnp.zeros((_L,), jnp.float32)
        return carry

    lax.fori_loop(0, _CR, zrow, 0)

    def compute(rowsv, wv, outv):
        def pt_body(pt, carry):
            def a_body(a, c2):
                wvk = [wv[pt, a, k, :] for k in range(_KS)]
                acc = [[jnp.zeros((_L,), jnp.float32) for _ in range(2)]
                       for _ in range(_KS)]
                for n in range(_NN):
                    r0 = rowsv[pt * _NN + n, pl.ds(a * _C_IN, _L)]
                    r1 = rowsv[pt * _NN + n, pl.ds(a * _C_IN + _L, _L)]
                    for k in range(_KS):
                        s = wvk[k][n]
                        acc[k][0] = acc[k][0] + s * r0
                        acc[k][1] = acc[k][1] + s * r1
                for k in range(_KS):
                    outv[pt * _A + a, pl.ds(k * _C_IN, _L)] = acc[k][0]
                    outv[pt * _A + a, pl.ds(k * _C_IN + _L, _L)] = acc[k][1]
                return c2

            lax.fori_loop(0, _A, a_body, 0, unroll=2)
            return carry

        lax.fori_loop(0, _CH, pt_body, 0)

    c0 = wid
    c1 = wid + _NW

    @pl.when(c0 < _NCHUNK)
    def _():
        pltpu.sync_copy(idx_hbm.at[pl.ds(c0 * _CH * _NN, _CH * _NN)], idx0)
        pltpu.sync_copy(w_hbm.at[pl.ds(c0 * _CH, _CH)], w0)
        start_gather(idx0, rows0, g0)

    @pl.when(c1 < _NCHUNK)
    def _():
        start_idx(c1, idx1, ic1)
        start_w(c1, w1, ws1)

    def loop(ch2, carry):
        cA = (2 * ch2) * _NW + wid
        cB = cA + _NW

        @pl.when(cA < _NCHUNK)
        def _():
            wait_gather(idx0, rows0, g0)

            @pl.when(cA + 2 * _NW < _NCHUNK)
            def _():
                start_idx(cA + 2 * _NW, idx0, ic0)

            @pl.when(cB < _NCHUNK)
            def _():
                wait_idx(idx1, ic1)
                start_gather(idx1, rows1, g1)

            @pl.when(ch2 >= 1)
            def _():
                wait_w(w0, ws0)
                wait_out(out0, o0)

            compute(rows0, w0, out0)
            pltpu.async_copy(out0, nf_hbm.at[pl.ds(cA * _CR, _CR)], o0)

            @pl.when(cA + 2 * _NW < _NCHUNK)
            def _():
                start_w(cA + 2 * _NW, w0, ws0)

        @pl.when(cB < _NCHUNK)
        def _():
            wait_gather(idx1, rows1, g1)

            @pl.when(cB + 2 * _NW < _NCHUNK)
            def _():
                start_idx(cB + 2 * _NW, idx1, ic1)

            @pl.when(cB + _NW < _NCHUNK)
            def _():
                wait_idx(idx0, ic0)
                start_gather(idx0, rows0, g0)

            wait_w(w1, ws1)

            @pl.when(ch2 >= 1)
            def _():
                wait_out(out1, o1)

            compute(rows1, w1, out1)
            pltpu.async_copy(out1, nf_hbm.at[pl.ds(cB * _CR, _CR)], o1)

            @pl.when(cB + 2 * _NW < _NCHUNK)
            def _():
                start_w(cB + 2 * _NW, w1, ws1)

        return carry

    lax.fori_loop(0, (_ITERS + 1) // 2, loop, 0)

    @pl.when(n_me >= 1)
    def _():
        wait_out(out0, o0)

    @pl.when(n_me >= 2)
    def _():
        wait_out(out1, o1)


@functools.cache
def _get_sc_nf():
    return pl.kernel(
        _sc_body,
        out_type=jax.ShapeDtypeStruct((_N * _A, _MP), jnp.float32),
        mesh=plsc.VectorSubcoreMesh(
            core_axis_name="c", subcore_axis_name="s",
            num_cores=_NC, num_subcores=_NS),
        scratch_types=[
            pltpu.VMEM((_CH * _NN,), jnp.int32),
            pltpu.VMEM((_CH * _NN,), jnp.int32),
            pltpu.VMEM((_CH * _NN, _D), jnp.float32),
            pltpu.VMEM((_CH * _NN, _D), jnp.float32),
            pltpu.VMEM((_CH, _A, _KS, _NN), jnp.float32),
            pltpu.VMEM((_CH, _A, _KS, _NN), jnp.float32),
            pltpu.VMEM((_CR, _MP), jnp.float32),
            pltpu.VMEM((_CR, _MP), jnp.float32),
            pltpu.SemaphoreType.DMA,
            pltpu.SemaphoreType.DMA,
            pltpu.SemaphoreType.DMA,
            pltpu.SemaphoreType.DMA,
            pltpu.SemaphoreType.DMA,
            pltpu.SemaphoreType.DMA,
            pltpu.SemaphoreType.DMA,
            pltpu.SemaphoreType.DMA,
        ],
    )


_RB = 2000
_G1 = (_N * _A) // _RB


def _tc_body(w2_ref, x_ref, o_ref, st_ref):
    ph = pl.program_id(0)
    i = pl.program_id(1)

    @pl.when(ph == 0)
    def _():
        y = lax.dot_general(x_ref[...].astype(jnp.bfloat16),
                            w2_ref[...].astype(jnp.bfloat16),
                            (((1,), (0,)), ((), ())),
                            preferred_element_type=jnp.float32)
        o_ref[pl.ds(i * _RB, _RB), :] = y

        @pl.when(i == 0)
        def _():
            st_ref[...] = jnp.zeros_like(st_ref)

        st_ref[0, :] += jnp.sum(y, axis=0)
        st_ref[1, :] += jnp.sum(y * y, axis=0)

    @pl.when(ph == 1)
    def _():
        cnt = float(_N * _A)
        mean = st_ref[0, :] / cnt
        var = st_ref[1, :] / cnt - mean * mean
        inv = lax.rsqrt(var + 1e-5)
        y = o_ref[pl.ds(i * _RB, _RB), :]
        o_ref[pl.ds(i * _RB, _RB), :] = jnp.maximum(
            (y - mean[None, :]) * inv[None, :], 0.0)


_tc_call = pl.pallas_call(
    _tc_body,
    grid=(2, _G1),
    in_specs=[
        pl.BlockSpec((_MP, _C_OUT), lambda ph, i: (0, 0)),
        pl.BlockSpec((_RB, _MP), lambda ph, i: (i * (1 - ph), 0)),
    ],
    out_specs=pl.BlockSpec((_N * _A, _C_OUT), lambda ph, i: (0, 0)),
    out_shape=jax.ShapeDtypeStruct((_N * _A, _C_OUT), jnp.float32),
    scratch_shapes=[pltpu.VMEM((2, _C_OUT), jnp.float32)],
    compiler_params=pltpu.CompilerParams(vmem_limit_bytes=100 * 1024 * 1024),
)


def kernel(xyz, feats, anchors, inter_idx, inter_w, W):
    table = feats[0].transpose(1, 2, 0).reshape(_N, _D)
    idx = inter_idx[0].reshape(_N * _NN).astype(jnp.int32)
    wgt = inter_w[0]
    x = _get_sc_nf()(table, idx, wgt)
    w2 = W.reshape(_C_OUT, _C_IN, _KS).transpose(2, 1, 0).reshape(_M, _C_OUT)
    w2p = jnp.pad(w2, ((0, _MP - _M), (0, 0)))
    out = _tc_call(w2p, x)
    return out.reshape(_N, _A, _C_OUT).transpose(2, 0, 1)[None]

# --- scband reference (transcript-rebuilt; emitter-appended) ---
"""Pipeline reference for scband-inter-so3-conv-block-4243427689051 (READ-ONLY COPY).

The authoritative reference and input builder live on the scoring server;
editing this copy changes nothing except your own understanding.
"""

import jax, jax.numpy as jnp
import numpy as np

B, C_IN, N, A, NN, KS, C_OUT = 1, 32, 10000, 12, 16, 3, 64


def setup_inputs(seed: int = 0) -> dict:
    key = jax.random.key(seed)
    k0, k1, k2, k3, k4, k5 = jax.random.split(key, 6)
    xyz = jax.random.normal(k0, (B, 3, N), dtype=jnp.float32)
    feats = jax.random.normal(k1, (B, C_IN, N, A), dtype=jnp.float32)
    anchors = jax.random.normal(k2, (A, 3), dtype=jnp.float32)
    inter_idx = jax.random.randint(k3, (B, N, NN), 0, N)
    inter_w = jax.random.uniform(k4, (B, N, A, KS, NN), dtype=jnp.float32)
    # learned kernel of BasicSO3Conv inside InterSO3Conv: [dim_out, dim_in*kernel_size]
    W = jax.random.normal(k5, (C_OUT, C_IN * KS), dtype=jnp.float32) * 0.05
    return {"xyz": xyz, "feats": feats, "anchors": anchors, "inter_idx": inter_idx, "inter_w": inter_w, "W": W}


def reference(xyz, feats, anchors, inter_idx, inter_w, W):
    # --- InterSO3Conv with precomputed inter_idx / inter_w (lazy_sample path, stride=1) ---
    # gather neighbor features: feats [B,C,N,A], inter_idx [B,Np,NN] -> [B,C,Np,NN,A]
    def gather_one(f, idx):
        return f[:, idx, :]
    g = jax.vmap(gather_one)(feats, inter_idx)
    # kernel interpolation: inter_w [B,Np,A,KS,NN] -> new_feats [B,C,KS,Np,A]
    new_feats = jnp.einsum('bpakn,bcpna->bckpa', inter_w, g)
    b, c, k, p, a = new_feats.shape
    flat = new_feats.reshape(b, c * k, p * a)
    # BasicSO3Conv 1x1 kernel: W [C_OUT, C_IN*KS]
    out = jnp.einsum('oc,bcp->bop', W, flat).reshape(b, W.shape[0], p, a)
    # --- InstanceNorm2d(dim_out, affine=False) over (Np, A) ---
    mean = out.mean(axis=(2, 3), keepdims=True)
    var = out.var(axis=(2, 3), keepdims=True)
    normed = (out - mean) / jnp.sqrt(var + 1e-5)
    # --- relu ---
    feat = jax.nn.relu(normed)
    # stride=1: sample_idx is pass-through (identity); xyz/anchors pass through unchanged
    return feat

if __name__ == "__main__":
    import jax
    _d = setup_inputs()
    print(jax.jit(kernel)(*tuple(_d.values())))

</pallas_src>

<mosaic_0001>
#map = affine_map<(d0, d1) -> (0, 0)>
#map1 = affine_map<(d0, d1) -> (0)>
#map2 = affine_map<(d0, d1) -> (0, 0, 0, 0)>
module attributes {stable_mosaic.version = 14 : i64} {
  func.func @_sc_body(%arg0: i32, %arg1: i32, %arg2: memref<10000x384xf32, #tpu.memory_space<hbm>>, %arg3: memref<160000xi32, #tpu.memory_space<hbm>>, %arg4: memref<10000x12x3x16xf32, #tpu.memory_space<hbm>>, %arg5: memref<120000x128xf32, #tpu.memory_space<hbm>>, %arg6: memref<64xi32, #tpu.memory_space<vmem>>, %arg7: memref<64xi32, #tpu.memory_space<vmem>>, %arg8: memref<64x384xf32, #tpu.memory_space<vmem>>, %arg9: memref<64x384xf32, #tpu.memory_space<vmem>>, %arg10: memref<4x12x3x16xf32, #tpu.memory_space<vmem>>, %arg11: memref<4x12x3x16xf32, #tpu.memory_space<vmem>>, %arg12: memref<48x128xf32, #tpu.memory_space<vmem>>, %arg13: memref<48x128xf32, #tpu.memory_space<vmem>>, %arg14: memref<!tpu.dma_semaphore, #tpu.memory_space<semaphore_mem>>, %arg15: memref<!tpu.dma_semaphore, #tpu.memory_space<semaphore_mem>>, %arg16: memref<!tpu.dma_semaphore, #tpu.memory_space<semaphore_mem>>, %arg17: memref<!tpu.dma_semaphore, #tpu.memory_space<semaphore_mem>>, %arg18: memref<!tpu.dma_semaphore, #tpu.memory_space<semaphore_mem>>, %arg19: memref<!tpu.dma_semaphore, #tpu.memory_space<semaphore_mem>>, %arg20: memref<!tpu.dma_semaphore, #tpu.memory_space<semaphore_mem>>, %arg21: memref<!tpu.dma_semaphore, #tpu.memory_space<semaphore_mem>>) attributes {dimension_semantics = [#tpu.dimension_semantics<core_parallel>, #tpu.dimension_semantics<subcore_parallel>], iteration_bounds = array<i64: 2, 16>, scalar_prefetch = 0 : i64, scratch_operands = 16 : i64, tpu.core_type = #tpu.core_type<sc_vector_subcore>, window_params = [{transform_indices = #map}, {transform_indices = #map1}, {transform_indices = #map2}, {transform_indices = #map}]} {
    %mul3A = arith.constant 2 : i32
    %mul3A_0 = arith.muli %arg1, %mul3A : i32
    %add3A = arith.addi %mul3A_0, %arg0 : i32
    %sub3A = arith.constant 2500 : i32
    %sub3A_1 = arith.subi %sub3A, %add3A : i32
    %add3A_2 = arith.constant 32 : i32
    %add3A_3 = arith.addi %sub3A_1, %add3A_2 : i32
    %sub3A_4 = arith.constant 1 : i32
    %sub3A_5 = arith.subi %add3A_3, %sub3A_4 : i32
    %jit3A = arith.constant 32 : i32
    %div3A = arith.divsi %sub3A_5, %jit3A : i32
    %sign3A = arith.constant 0 : i32
    %sign3A_6 = arith.cmpi sgt, %sub3A_5, %sign3A : i32
    %sign3A_7 = arith.extui %sign3A_6 : i1 to i32
    %sign3A_8 = arith.constant 0 : i32
    %sign3A_9 = arith.cmpi slt, %sub3A_5, %sign3A_8 : i32
    %sign3A_10 = arith.extui %sign3A_9 : i1 to i32
    %sign3A_11 = arith.subi %sign3A_7, %sign3A_10 : i32
    %sign3A_12 = arith.constant 0 : i32
    %sign3A_13 = arith.cmpi sgt, %jit3A, %sign3A_12 : i32
    %sign3A_14 = arith.extui %sign3A_13 : i1 to i32
    %sign3A_15 = arith.constant 0 : i32
    %sign3A_16 = arith.cmpi slt, %jit3A, %sign3A_15 : i32
    %sign3A_17 = arith.extui %sign3A_16 : i1 to i32
    %sign3A_18 = arith.subi %sign3A_14, %sign3A_17 : i32
    %ne3A = arith.cmpi ne, %sign3A_11, %sign3A_18 : i32
    %rem3A = arith.remsi %sub3A_5, %jit3A : i32
    %ne3A_19 = arith.constant 0 : i32
    %ne3A_20 = arith.cmpi ne, %rem3A, %ne3A_19 : i32
    %and3A = arith.andi %ne3A, %ne3A_20 : i1
    %sub3A_21 = arith.constant 1 : i32
    %sub3A_22 = arith.subi %div3A, %sub3A_21 : i32
    %select_n3A = arith.select %and3A, %sub3A_22, %div3A : i32
    %scan3A = arith.constant 0 : i32
    %scan3A_23 = arith.constant 0 : i32
    %scan3A_24 = arith.constant 48 : i32
    %scan3A_25 = arith.addi %scan3A_23, %scan3A_24 : i32
    %scan3A_26 = arith.constant 1 : i32
    scf.for %scan3A_52 = %scan3A_23 to %scan3A_25 step %scan3A_26  : i32 {
      %broadcast_in_dim3A = arith.constant 0.000000e+00 : f32
      %broadcast_in_dim3A_53 = vector.broadcast %broadcast_in_dim3A : f32 to vector<16xf32>
      %swap3A = arith.index_cast %scan3A_52 : i32 to index
      %swap3A_54 = arith.constant 96 : index
      %swap3A_55 = tpu.vector_load %arg12[%swap3A, %swap3A_54] {strides = array<i32>} : memref<48x128xf32, #tpu.memory_space<vmem>>, vector<1x16xf32>,
      %swap3A_56 = vector.shape_cast %swap3A_55 : vector<1x16xf32> to vector<16xf32>
      %swap3A_57 = vector.shape_cast %broadcast_in_dim3A_53 : vector<16xf32> to vector<1x16xf32>
      tpu.vector_store %arg12[%swap3A, %swap3A_54], %swap3A_57 {strides = array<i32>} : memref<48x128xf32, #tpu.memory_space<vmem>>, vector<1x16xf32>,
      %broadcast_in_dim3A_58 = arith.constant 0.000000e+00 : f32
      %broadcast_in_dim3A_59 = vector.broadcast %broadcast_in_dim3A_58 : f32 to vector<16xf32>
      %swap3A_60 = arith.index_cast %scan3A_52 : i32 to index
      %swap3A_61 = arith.constant 112 : index
      %swap3A_62 = tpu.vector_load %arg12[%swap3A_60, %swap3A_61] {strides = array<i32>} : memref<48x128xf32, #tpu.memory_space<vmem>>, vector<1x16xf32>,
      %swap3A_63 = vector.shape_cast %swap3A_62 : vector<1x16xf32> to vector<16xf32>
      %swap3A_64 = vector.shape_cast %broadcast_in_dim3A_59 : vector<16xf32> to vector<1x16xf32>
      tpu.vector_store %arg12[%swap3A_60, %swap3A_61], %swap3A_64 {strides = array<i32>} : memref<48x128xf32, #tpu.memory_space<vmem>>, vector<1x16xf32>,
      %broadcast_in_dim3A_65 = arith.constant 0.000000e+00 : f32
      %broadcast_in_dim3A_66 = vector.broadcast %broadcast_in_dim3A_65 : f32 to vector<16xf32>
      %swap3A_67 = arith.index_cast %scan3A_52 : i32 to index
      %swap3A_68 = arith.constant 96 : index
      %swap3A_69 = tpu.vector_load %arg13[%swap3A_67, %swap3A_68] {strides = array<i32>} : memref<48x128xf32, #tpu.memory_space<vmem>>, vector<1x16xf32>,
      %swap3A_70 = vector.shape_cast %swap3A_69 : vector<1x16xf32> to vector<16xf32>
      %swap3A_71 = vector.shape_cast %broadcast_in_dim3A_66 : vector<16xf32> to vector<1x16xf32>
      tpu.vector_store %arg13[%swap3A_67, %swap3A_68], %swap3A_71 {strides = array<i32>} : memref<48x128xf32, #tpu.memory_space<vmem>>, vector<1x16xf32>,
      %broadcast_in_dim3A_72 = arith.constant 0.000000e+00 : f32
      %broadcast_in_dim3A_73 = vector.broadcast %broadcast_in_dim3A_72 : f32 to vector<16xf32>
      %swap3A_74 = arith.index_cast %scan3A_52 : i32 to index
      %swap3A_75 = arith.constant 112 : index
      %swap3A_76 = tpu.vector_load %arg13[%swap3A_74, %swap3A_75] {strides = array<i32>} : memref<48x128xf32, #tpu.memory_space<vmem>>, vector<1x16xf32>,
      %swap3A_77 = vector.shape_cast %swap3A_76 : vector<1x16xf32> to vector<16xf32>
      %swap3A_78 = vector.shape_cast %broadcast_in_dim3A_73 : vector<16xf32> to vector<1x16xf32>
      tpu.vector_store %arg13[%swap3A_74, %swap3A_75], %swap3A_78 {strides = array<i32>} : memref<48x128xf32, #tpu.memory_space<vmem>>, vector<1x16xf32>,
    }
    %scan3A_27 = arith.constant 48 : i32
    %add3A_28 = arith.constant 32 : i32
    %add3A_29 = arith.addi %add3A, %add3A_28 : i32
    %lt3A = arith.constant 2500 : i32
    %lt3A_30 = arith.cmpi slt, %add3A, %lt3A : i32
    %convert_element_type3A = arith.extui %lt3A_30 : i1 to i32
    %cond3A = arith.constant 0 : i32
    %cond3A_31 = arith.cmpi ne, %convert_element_type3A, %cond3A : i32
    scf.if %cond3A_31 {
      %mul3A_52 = arith.constant 4 : i32
      %mul3A_53 = arith.muli %add3A, %mul3A_52 : i32
      %mul3A_54 = arith.constant 16 : i32
      %mul3A_55 = arith.muli %mul3A_53, %mul3A_54 : i32
      "tpu.region"() ({
        %run_scoped3A = tpu.sem_alloc : memref<!tpu.dma_semaphore, #tpu.memory_space<semaphore_mem>>
        %dma_start3A_60 = tpu.memref_slice %arg3[%mul3A_55] : memref<160000xi32, #tpu.memory_space<hbm>> -> memref<64xi32, #tpu.memory_space<hbm>>
        %dma_start3A_61 = tpu.memref_slice %arg3[%mul3A_55] : memref<160000xi32, #tpu.memory_space<hbm>> -> memref<64xi32, #tpu.memory_space<hbm>>
        tpu.enqueue_dma source(%dma_start3A_61 : memref<64xi32, #tpu.memory_space<hbm>>) target(%arg6 : memref<64xi32, #tpu.memory_space<vmem>>) target_semaphore(%run_scoped3A : memref<!tpu.dma_semaphore, #tpu.memory_space<semaphore_mem>>)
        %dma_wait3A = tpu.memref_slice %arg3[%mul3A_55] : memref<160000xi32, #tpu.memory_space<hbm>> -> memref<64xi32, #tpu.memory_space<hbm>>
        %dma_wait3A_62 = tpu.memref_slice %arg3[%mul3A_55] : memref<160000xi32, #tpu.memory_space<hbm>> -> memref<64xi32, #tpu.memory_space<hbm>>
        tpu.wait_dma2 semaphore(%run_scoped3A : memref<!tpu.dma_semaphore, #tpu.memory_space<semaphore_mem>>) src(%dma_wait3A_62 : memref<64xi32, #tpu.memory_space<hbm>>) dst(%arg6 : memref<64xi32, #tpu.memory_space<vmem>>)
        tpu.yield
      }) : () -> ()
      %mul3A_56 = arith.constant 4 : i32
      %mul3A_57 = arith.muli %add3A, %mul3A_56 : i32
      "tpu.region"() ({
        %run_scoped3A = tpu.sem_alloc : memref<!tpu.dma_semaphore, #tpu.memory_space<semaphore_mem>>
        %dma_start3A_60 = arith.constant 0 : i32
        %dma_start3A_61 = arith.constant 0 : i32
        %dma_start3A_62 = arith.constant 0 : i32
        %dma_start3A_63 = tpu.memref_slice %arg4[%mul3A_57, %dma_start3A_60, %dma_start3A_61, %dma_start3A_62] : memref<10000x12x3x16xf32, #tpu.memory_space<hbm>> -> memref<4x12x3x16xf32, #tpu.memory_space<hbm>>
        %dma_start3A_64 = arith.constant 0 : i32
        %dma_start3A_65 = arith.constant 0 : i32
        %dma_start3A_66 = arith.constant 0 : i32
        %dma_start3A_67 = tpu.memref_slice %arg4[%mul3A_57, %dma_start3A_64, %dma_start3A_65, %dma_start3A_66] : memref<10000x12x3x16xf32, #tpu.memory_space<hbm>> -> memref<4x12x3x16xf32, #tpu.memory_space<hbm>>
        tpu.enqueue_dma source(%dma_start3A_67 : memref<4x12x3x16xf32, #tpu.memory_space<hbm>>) target(%arg10 : memref<4x12x3x16xf32, #tpu.memory_space<vmem>>) target_semaphore(%run_scoped3A : memref<!tpu.dma_semaphore, #tpu.memory_space<semaphore_mem>>)
        %dma_wait3A = arith.constant 0 : i32
        %dma_wait3A_68 = arith.constant 0 : i32
        %dma_wait3A_69 = arith.constant 0 : i32
        %dma_wait3A_70 = tpu.memref_slice %arg4[%mul3A_57, %dma_wait3A, %dma_wait3A_68, %dma_wait3A_69] : memref<10000x12x3x16xf32, #tpu.memory_space<hbm>> -> memref<4x12x3x16xf32, #tpu.memory_space<hbm>>
        %dma_wait3A_71 = arith.constant 0 : i32
        %dma_wait3A_72 = arith.constant 0 : i32
        %dma_wait3A_73 = arith.constant 0 : i32
        %dma_wait3A_74 = tpu.memref_slice %arg4[%mul3A_57, %dma_wait3A_71, %dma_wait3A_72, %dma_wait3A_73] : memref<10000x12x3x16xf32, #tpu.memory_space<hbm>> -> memref<4x12x3x16xf32, #tpu.memory_space<hbm>>
        tpu.wait_dma2 semaphore(%run_scoped3A : memref<!tpu.dma_semaphore, #tpu.memory_space<semaphore_mem>>) src(%dma_wait3A_74 : memref<4x12x3x16xf32, #tpu.memory_space<hbm>>) dst(%arg10 : memref<4x12x3x16xf32, #tpu.memory_space<vmem>>)
        tpu.yield
      }) : () -> ()
      %dma_start3A = arith.constant 0 : i32
      %dma_start3A_58 = arith.constant 0 : i32
      %dma_start3A_59 = tpu.memref_slice %arg2[%dma_start3A, %dma_start3A_58] : memref<10000x384xf32, #tpu.memory_space<hbm>> -> memref<10000x384xf32, #tpu.memory_space<hbm>>
      tpu.enqueue_indirect_dma source(%dma_start3A_59 : memref<10000x384xf32, #tpu.memory_space<hbm>>) target(%arg8 : memref<64x384xf32, #tpu.memory_space<vmem>>) offsets(%arg6 : memref<64xi32, #tpu.memory_space<vmem>>) semaphore(%arg14 : memref<!tpu.dma_semaphore, #tpu.memory_space<semaphore_mem>>)
    } else {
    }
    %lt3A_32 = arith.constant 2500 : i32
    %lt3A_33 = arith.cmpi slt, %add3A_29, %lt3A_32 : i32
    %convert_element_type3A_34 = arith.extui %lt3A_33 : i1 to i32
    %cond3A_35 = arith.constant 0 : i32
    %cond3A_36 = arith.cmpi ne, %convert_element_type3A_34, %cond3A_35 : i32
    scf.if %cond3A_36 {
      %mul3A_52 = arith.constant 4 : i32
      %mul3A_53 = arith.muli %add3A_29, %mul3A_52 : i32
      %mul3A_54 = arith.constant 16 : i32
      %mul3A_55 = arith.muli %mul3A_53, %mul3A_54 : i32
      %dma_start3A = tpu.memref_slice %arg3[%mul3A_55] : memref<160000xi32, #tpu.memory_space<hbm>> -> memref<64xi32, #tpu.memory_space<hbm>>
      %dma_start3A_56 = tpu.memref_slice %arg3[%mul3A_55] : memref<160000xi32, #tpu.memory_space<hbm>> -> memref<64xi32, #tpu.memory_space<hbm>>
      tpu.enqueue_dma source(%dma_start3A_56 : memref<64xi32, #tpu.memory_space<hbm>>) target(%arg7 : memref<64xi32, #tpu.memory_space<vmem>>) target_semaphore(%arg19 : memref<!tpu.dma_semaphore, #tpu.memory_space<semaphore_mem>>)
      %mul3A_57 = arith.constant 4 : i32
      %mul3A_58 = arith.muli %add3A_29, %mul3A_57 : i32
      %dma_start3A_59 = arith.constant 0 : i32
      %dma_start3A_60 = arith.constant 0 : i32
      %dma_start3A_61 = arith.constant 0 : i32
      %dma_start3A_62 = tpu.memref_slice %arg4[%mul3A_58, %dma_start3A_59, %dma_start3A_60, %dma_start3A_61] : memref<10000x12x3x16xf32, #tpu.memory_space<hbm>> -> memref<4x12x3x16xf32, #tpu.memory_space<hbm>>
      %dma_start3A_63 = arith.constant 0 : i32
      %dma_start3A_64 = arith.constant 0 : i32
      %dma_start3A_65 = arith.constant 0 : i32
      %dma_start3A_66 = tpu.memref_slice %arg4[%mul3A_58, %dma_start3A_63, %dma_start3A_64, %dma_start3A_65] : memref<10000x12x3x16xf32, #tpu.memory_space<hbm>> -> memref<4x12x3x16xf32, #tpu.memory_space<hbm>>
      tpu.enqueue_dma source(%dma_start3A_66 : memref<4x12x3x16xf32, #tpu.memory_space<hbm>>) target(%arg11 : memref<4x12x3x16xf32, #tpu.memory_space<vmem>>) target_semaphore(%arg21 : memref<!tpu.dma_semaphore, #tpu.memory_space<semaphore_mem>>)
    } else {
    }
    %scan3A_37 = arith.constant 0 : i32
    %scan3A_38 = arith.constant 0 : i32
    %scan3A_39 = arith.constant 40 : i32
    %scan3A_40 = arith.addi %scan3A_38, %scan3A_39 : i32
    %scan3A_41 = arith.constant 1 : i32
    scf.for %scan3A_52 = %scan3A_38 to %scan3A_40 step %scan3A_41  : i32 {
      %mul3A_53 = arith.constant 2 : i32
      %mul3A_54 = arith.muli %mul3A_53, %scan3A_52 : i32
      %mul3A_55 = arith.constant 32 : i32
      %mul3A_56 = arith.muli %mul3A_54, %mul3A_55 : i32
      %add3A_57 = arith.addi %mul3A_56, %add3A : i32
      %add3A_58 = arith.constant 32 : i32
      %add3A_59 = arith.addi %add3A_57, %add3A_58 : i32
      %lt3A_60 = arith.constant 2500 : i32
      %lt3A_61 = arith.cmpi slt, %add3A_57, %lt3A_60 : i32
      %convert_element_type3A_62 = arith.extui %lt3A_61 : i1 to i32
      %cond3A_63 = arith.constant 0 : i32
      %cond3A_64 = arith.cmpi ne, %convert_element_type3A_62, %cond3A_63 : i32
      scf.if %cond3A_64 {
        %dma_wait3A = arith.constant 0 : i32
        %dma_wait3A_70 = arith.constant 0 : i32
        %dma_wait3A_71 = tpu.memref_slice %arg2[%dma_wait3A, %dma_wait3A_70] : memref<10000x384xf32, #tpu.memory_space<hbm>> -> memref<10000x384xf32, #tpu.memory_space<hbm>>
        tpu.wait_indirect_dma semaphore(%arg14 : memref<!tpu.dma_semaphore, #tpu.memory_space<semaphore_mem>>) src(%dma_wait3A_71 : memref<10000x384xf32, #tpu.memory_space<hbm>>) dst(%arg8 : memref<64x384xf32, #tpu.memory_space<vmem>>)
        %add3A_72 = arith.constant 64 : i32
        %add3A_73 = arith.addi %add3A_57, %add3A_72 : i32
        %lt3A_74 = arith.constant 2500 : i32
        %lt3A_75 = arith.cmpi slt, %add3A_73, %lt3A_74 : i32
        %convert_element_type3A_76 = arith.extui %lt3A_75 : i1 to i32
        %cond3A_77 = arith.constant 0 : i32
        %cond3A_78 = arith.cmpi ne, %convert_element_type3A_76, %cond3A_77 : i32
        scf.if %cond3A_78 {
          %add3A_107 = arith.constant 64 : i32
          %add3A_108 = arith.addi %add3A_57, %add3A_107 : i32
          %mul3A_109 = arith.constant 4 : i32
          %mul3A_110 = arith.muli %add3A_108, %mul3A_109 : i32
          %mul3A_111 = arith.constant 16 : i32
          %mul3A_112 = arith.muli %mul3A_110, %mul3A_111 : i32
          %dma_start3A_113 = tpu.memref_slice %arg3[%mul3A_112] : memref<160000xi32, #tpu.memory_space<hbm>> -> memref<64xi32, #tpu.memory_space<hbm>>
          %dma_start3A_114 = tpu.memref_slice %arg3[%mul3A_112] : memref<160000xi32, #tpu.memory_space<hbm>> -> memref<64xi32, #tpu.memory_space<hbm>>
          tpu.enqueue_dma source(%dma_start3A_114 : memref<64xi32, #tpu.memory_space<hbm>>) target(%arg6 : memref<64xi32, #tpu.memory_space<vmem>>) target_semaphore(%arg18 : memref<!tpu.dma_semaphore, #tpu.memory_space<semaphore_mem>>)
        } else {
        }
        %lt3A_79 = arith.constant 2500 : i32
        %lt3A_80 = arith.cmpi slt, %add3A_59, %lt3A_79 : i32
        %convert_element_type3A_81 = arith.extui %lt3A_80 : i1 to i32
        %cond3A_82 = arith.constant 0 : i32
        %cond3A_83 = arith.cmpi ne, %convert_element_type3A_81, %cond3A_82 : i32
        scf.if %cond3A_83 {
          %dma_wait3A_107 = arith.constant 0 : i32
          %dma_wait3A_108 = tpu.memref_slice %arg3[%dma_wait3A_107] : memref<160000xi32, #tpu.memory_space<hbm>> -> memref<64xi32, #tpu.memory_space<hbm>>
          %dma_wait3A_109 = arith.constant 0 : i32
          %dma_wait3A_110 = tpu.memref_slice %arg3[%dma_wait3A_109] : memref<160000xi32, #tpu.memory_space<hbm>> -> memref<64xi32, #tpu.memory_space<hbm>>
          tpu.wait_dma2 semaphore(%arg19 : memref<!tpu.dma_semaphore, #tpu.memory_space<semaphore_mem>>) src(%dma_wait3A_110 : memref<64xi32, #tpu.memory_space<hbm>>) dst(%arg7 : memref<64xi32, #tpu.memory_space<vmem>>)
          %dma_start3A_111 = arith.constant 0 : i32
          %dma_start3A_112 = arith.constant 0 : i32
          %dma_start3A_113 = tpu.memref_slice %arg2[%dma_start3A_111, %dma_start3A_112] : memref<10000x384xf32, #tpu.memory_space<hbm>> -> memref<10000x384xf32, #tpu.memory_space<hbm>>
          tpu.enqueue_indirect_dma source(%dma_start3A_113 : memref<10000x384xf32, #tpu.memory_space<hbm>>) target(%arg9 : memref<64x384xf32, #tpu.memory_space<vmem>>) offsets(%arg7 : memref<64xi32, #tpu.memory_space<vmem>>) semaphore(%arg15 : memref<!tpu.dma_semaphore, #tpu.memory_space<semaphore_mem>>)
        } else {
        }
        %ge3A_84 = arith.constant 1 : i32
        %ge3A_85 = arith.cmpi sge, %scan3A_52, %ge3A_84 : i32
        %convert_element_type3A_86 = arith.extui %ge3A_85 : i1 to i32
        %cond3A_87 = arith.constant 0 : i32
        %cond3A_88 = arith.cmpi ne, %convert_element_type3A_86, %cond3A_87 : i32
        scf.if %cond3A_88 {
          %dma_wait3A_107 = arith.constant 0 : i32
          %dma_wait3A_108 = arith.constant 0 : i32
          %dma_wait3A_109 = arith.constant 0 : i32
          %dma_wait3A_110 = arith.constant 0 : i32
          %dma_wait3A_111 = tpu.memref_slice %arg4[%dma_wait3A_107, %dma_wait3A_108, %dma_wait3A_109, %dma_wait3A_110] : memref<10000x12x3x16xf32, #tpu.memory_space<hbm>> -> memref<4x12x3x16xf32, #tpu.memory_space<hbm>>
          %dma_wait3A_112 = arith.constant 0 : i32
          %dma_wait3A_113 = arith.constant 0 : i32
          %dma_wait3A_114 = arith.constant 0 : i32
          %dma_wait3A_115 = arith.constant 0 : i32
          %dma_wait3A_116 = tpu.memref_slice %arg4[%dma_wait3A_112, %dma_wait3A_113, %dma_wait3A_114, %dma_wait3A_115] : memref<10000x12x3x16xf32, #tpu.memory_space<hbm>> -> memref<4x12x3x16xf32, #tpu.memory_space<hbm>>
          tpu.wait_dma2 semaphore(%arg20 : memref<!tpu.dma_semaphore, #tpu.memory_space<semaphore_mem>>) src(%dma_wait3A_116 : memref<4x12x3x16xf32, #tpu.memory_space<hbm>>) dst(%arg10 : memref<4x12x3x16xf32, #tpu.memory_space<vmem>>)
          %dma_wait3A_117 = arith.constant 0 : i32
          %dma_wait3A_118 = arith.constant 0 : i32
          %dma_wait3A_119 = tpu.memref_slice %arg5[%dma_wait3A_117, %dma_wait3A_118] : memref<120000x128xf32, #tpu.memory_space<hbm>> -> memref<48x128xf32, #tpu.memory_space<hbm>>
          %dma_wait3A_120 = arith.constant 0 : i32
          %dma_wait3A_121 = arith.constant 0 : i32
          %dma_wait3A_122 = tpu.memref_slice %arg5[%dma_wait3A_120, %dma_wait3A_121] : memref<120000x128xf32, #tpu.memory_space<hbm>> -> memref<48x128xf32, #tpu.memory_space<hbm>>
          tpu.wait_dma2 semaphore(%arg16 : memref<!tpu.dma_semaphore, #tpu.memory_space<semaphore_mem>>) src(%arg12 : memref<48x128xf32, #tpu.memory_space<vmem>>) dst(%dma_wait3A_122 : memref<48x128xf32, #tpu.memory_space<hbm>>)
        } else {
        }
        %scan3A_89 = arith.constant 0 : i32
        %scan3A_90 = arith.constant 0 : i32
        %scan3A_91 = arith.constant 4 : i32
        %scan3A_92 = arith.addi %scan3A_90, %scan3A_91 : i32
        %scan3A_93 = arith.constant 1 : i32
        scf.for %scan3A_107 = %scan3A_90 to %scan3A_92 step %scan3A_93  : i32 {
          %scan3A_108 = arith.constant 0 : i32
          %scan3A_109 = arith.constant 0 : i32
          %scan3A_110 = arith.constant 12 : i32
          %scan3A_111 = arith.addi %scan3A_109, %scan3A_110 : i32
          %scan3A_112 = arith.constant 2 : i32
          scf.for %scan3A_114 = %scan3A_109 to %scan3A_111 step %scan3A_112  : i32 {
            %get3A = arith.constant 0 : i32
            %get3A_115 = arith.index_cast %scan3A_107 : i32 to index
            %get3A_116 = arith.index_cast %scan3A_114 : i32 to index
            %get3A_117 = arith.index_cast %get3A : i32 to index
            %get3A_118 = arith.constant 0 : index
            %get3A_119 = tpu.vector_load %arg10[%get3A_115, %get3A_116, %get3A_117, %get3A_118] {strides = array<i32>} : memref<4x12x3x16xf32, #tpu.memory_space<vmem>>, vector<1x1x1x16xf32>,
            %get3A_120 = vector.shape_cast %get3A_119 : vector<1x1x1x16xf32> to vector<16xf32>
            %get3A_121 = arith.constant 1 : i32
            %get3A_122 = arith.index_cast %scan3A_107 : i32 to index
            %get3A_123 = arith.index_cast %scan3A_114 : i32 to index
            %get3A_124 = arith.index_cast %get3A_121 : i32 to index
            %get3A_125 = arith.constant 0 : index
            %get3A_126 = tpu.vector_load %arg10[%get3A_122, %get3A_123, %get3A_124, %get3A_125] {strides = array<i32>} : memref<4x12x3x16xf32, #tpu.memory_space<vmem>>, vector<1x1x1x16xf32>,
            %get3A_127 = vector.shape_cast %get3A_126 : vector<1x1x1x16xf32> to vector<16xf32>
            %get3A_128 = arith.constant 2 : i32
            %get3A_129 = arith.index_cast %scan3A_107 : i32 to index
            %get3A_130 = arith.index_cast %scan3A_114 : i32 to index
            %get3A_131 = arith.index_cast %get3A_128 : i32 to index
            %get3A_132 = arith.constant 0 : index
            %get3A_133 = tpu.vector_load %arg10[%get3A_129, %get3A_130, %get3A_131, %get3A_132] {strides = array<i32>} : memref<4x12x3x16xf32, #tpu.memory_space<vmem>>, vector<1x1x1x16xf32>,
            %get3A_134 = vector.shape_cast %get3A_133 : vector<1x1x1x16xf32> to vector<16xf32>
            %broadcast_in_dim3A = arith.constant 0.000000e+00 : f32
            %broadcast_in_dim3A_135 = vector.broadcast %broadcast_in_dim3A : f32 to vector<16xf32>
            %broadcast_in_dim3A_136 = arith.constant 0.000000e+00 : f32
            %broadcast_in_dim3A_137 = vector.broadcast %broadcast_in_dim3A_136 : f32 to vector<16xf32>
            %broadcast_in_dim3A_138 = arith.constant 0.000000e+00 : f32
            %broadcast_in_dim3A_139 = vector.broadcast %broadcast_in_dim3A_138 : f32 to vector<16xf32>
            %broadcast_in_dim3A_140 = arith.constant 0.000000e+00 : f32
            %broadcast_in_dim3A_141 = vector.broadcast %broadcast_in_dim3A_140 : f32 to vector<16xf32>
            %broadcast_in_dim3A_142 = arith.constant 0.000000e+00 : f32
            %broadcast_in_dim3A_143 = vector.broadcast %broadcast_in_dim3A_142 : f32 to vector<16xf32>
            %broadcast_in_dim3A_144 = arith.constant 0.000000e+00 : f32
            %broadcast_in_dim3A_145 = vector.broadcast %broadcast_in_dim3A_144 : f32 to vector<16xf32>
            %mul3A_146 = arith.constant 16 : i32
            %mul3A_147 = arith.muli %scan3A_107, %mul3A_146 : i32
            %add3A_148 = arith.constant 0 : i32
            %add3A_149 = arith.addi %mul3A_147, %add3A_148 : i32
            %mul3A_150 = arith.constant 32 : i32
            %mul3A_151 = arith.muli %scan3A_114, %mul3A_150 : i32
            %get3A_152 = arith.index_cast %add3A_149 : i32 to index
            %get3A_153 = arith.index_cast %mul3A_151 : i32 to index
            %get3A_154 = tpu.vector_load %arg8[%get3A_152, %get3A_153] {strides = array<i32>} : memref<64x384xf32, #tpu.memory_space<vmem>>, vector<1x16xf32>,
            %get3A_155 = vector.shape_cast %get3A_154 : vector<1x16xf32> to vector<16xf32>
            %mul3A_156 = arith.constant 16 : i32
            %mul3A_157 = arith.muli %scan3A_107, %mul3A_156 : i32
            %add3A_158 = arith.constant 0 : i32
            %add3A_159 = arith.addi %mul3A_157, %add3A_158 : i32
            %mul3A_160 = arith.constant 32 : i32
            %mul3A_161 = arith.muli %scan3A_114, %mul3A_160 : i32
            %add3A_162 = arith.constant 16 : i32
            %add3A_163 = arith.addi %mul3A_161, %add3A_162 : i32
            %get3A_164 = arith.index_cast %add3A_159 : i32 to index
            %get3A_165 = arith.index_cast %add3A_163 : i32 to index
            %get3A_166 = tpu.vector_load %arg8[%get3A_164, %get3A_165] {strides = array<i32>} : memref<64x384xf32, #tpu.memory_space<vmem>>, vector<1x16xf32>,
            %get3A_167 = vector.shape_cast %get3A_166 : vector<1x16xf32> to vector<16xf32>
            %slice3A = vector.extract_strided_slice %get3A_120 {offsets = [0], sizes = [1], strides = [1]} : vector<16xf32> to vector<1xf32>
            %squeeze3A = vector.extract %slice3A[0] : f32 from vector<1xf32>
            %mul3A_168 = vector.broadcast %squeeze3A : f32 to vector<16xf32>
            %mul3A_169 = arith.mulf %mul3A_168, %get3A_155 : vector<16xf32>
            %add3A_170 = arith.addf %broadcast_in_dim3A_135, %mul3A_169 : vector<16xf32>
            %mul3A_171 = vector.broadcast %squeeze3A : f32 to vector<16xf32>
            %mul3A_172 = arith.mulf %mul3A_171, %get3A_167 : vector<16xf32>
            %add3A_173 = arith.addf %broadcast_in_dim3A_137, %mul3A_172 : vector<16xf32>
            %slice3A_174 = vector.extract_strided_slice %get3A_127 {offsets = [0], sizes = [1], strides = [1]} : vector<16xf32> to vector<1xf32>
            %squeeze3A_175 = vector.extract %slice3A_174[0] : f32 from vector<1xf32>
            %mul3A_176 = vector.broadcast %squeeze3A_175 : f32 to vector<16xf32>
            %mul3A_177 = arith.mulf %mul3A_176, %get3A_155 : vector<16xf32>
            %add3A_178 = arith.addf %broadcast_in_dim3A_139, %mul3A_177 : vector<16xf32>
            %mul3A_179 = vector.broadcast %squeeze3A_175 : f32 to vector<16xf32>
            %mul3A_180 = arith.mulf %mul3A_179, %get3A_167 : vector<16xf32>
            %add3A_181 = arith.addf %broadcast_in_dim3A_141, %mul3A_180 : vector<16xf32>
            %slice3A_182 = vector.extract_strided_slice %get3A_134 {offsets = [0], sizes = [1], strides = [1]} : vector<16xf32> to vector<1xf32>
            %squeeze3A_183 = vector.extract %slice3A_182[0] : f32 from vector<1xf32>
            %mul3A_184 = vector.broadcast %squeeze3A_183 : f32 to vector<16xf32>
            %mul3A_185 = arith.mulf %mul3A_184, %get3A_155 : vector<16xf32>
            %add3A_186 = arith.addf %broadcast_in_dim3A_143, %mul3A_185 : vector<16xf32>
            %mul3A_187 = vector.broadcast %squeeze3A_183 : f32 to vector<16xf32>
            %mul3A_188 = arith.mulf %mul3A_187, %get3A_167 : vector<16xf32>
            %add3A_189 = arith.addf %broadcast_in_dim3A_145, %mul3A_188 : vector<16xf32>
            %mul3A_190 = arith.constant 16 : i32
            %mul3A_191 = arith.muli %scan3A_107, %mul3A_190 : i32
            %add3A_192 = arith.constant 1 : i32
            %add3A_193 = arith.addi %mul3A_191, %add3A_192 : i32
            %mul3A_194 = arith.constant 32 : i32
            %mul3A_195 = arith.muli %scan3A_114, %mul3A_194 : i32
            %get3A_196 = arith.index_cast %add3A_193 : i32 to index
            %get3A_197 = arith.index_cast %mul3A_195 : i32 to index
            %get3A_198 = tpu.vector_load %arg8[%get3A_196, %get3A_197] {strides = array<i32>} : memref<64x384xf32, #tpu.memory_space<vmem>>, vector<1x16xf32>,
            %get3A_199 = vector.shape_cast %get3A_198 : vector<1x16xf32> to vector<16xf32>
            %mul3A_200 = arith.constant 16 : i32
            %mul3A_201 = arith.muli %scan3A_107, %mul3A_200 : i32
            %add3A_202 = arith.constant 1 : i32
            %add3A_203 = arith.addi %mul3A_201, %add3A_202 : i32
            %mul3A_204 = arith.constant 32 : i32
            %mul3A_205 = arith.muli %scan3A_114, %mul3A_204 : i32
            %add3A_206 = arith.constant 16 : i32
            %add3A_207 = arith.addi %mul3A_205, %add3A_206 : i32
            %get3A_208 = arith.index_cast %add3A_203 : i32 to index
            %get3A_209 = arith.index_cast %add3A_207 : i32 to index
            %get3A_210 = tpu.vector_load %arg8[%get3A_208, %get3A_209] {strides = array<i32>} : memref<64x384xf32, #tpu.memory_space<vmem>>, vector<1x16xf32>,
            %get3A_211 = vector.shape_cast %get3A_210 : vector<1x16xf32> to vector<16xf32>
            %slice3A_212 = vector.extract_strided_slice %get3A_120 {offsets = [1], sizes = [1], strides = [1]} : vector<16xf32> to vector<1xf32>
            %squeeze3A_213 = vector.extract %slice3A_212[0] : f32 from vector<1xf32>
            %mul3A_214 = vector.broadcast %squeeze3A_213 : f32 to vector<16xf32>
            %mul3A_215 = arith.mulf %mul3A_214, %get3A_199 : vector<16xf32>
            %add3A_216 = arith.addf %add3A_170, %mul3A_215 : vector<16xf32>
            %mul3A_217 = vector.broadcast %squeeze3A_213 : f32 to vector<16xf32>
            %mul3A_218 = arith.mulf %mul3A_217, %get3A_211 : vector<16xf32>
            %add3A_219 = arith.addf %add3A_173, %mul3A_218 : vector<16xf32>
            %slice3A_220 = vector.extract_strided_slice %get3A_127 {offsets = [1], sizes = [1], strides = [1]} : vector<16xf32> to vector<1xf32>
            %squeeze3A_221 = vector.extract %slice3A_220[0] : f32 from vector<1xf32>
            %mul3A_222 = vector.broadcast %squeeze3A_221 : f32 to vector<16xf32>
            %mul3A_223 = arith.mulf %mul3A_222, %get3A_199 : vector<16xf32>
            %add3A_224 = arith.addf %add3A_178, %mul3A_223 : vector<16xf32>
            %mul3A_225 = vector.broadcast %squeeze3A_221 : f32 to vector<16xf32>
            %mul3A_226 = arith.mulf %mul3A_225, %get3A_211 : vector<16xf32>
            %add3A_227 = arith.addf %add3A_181, %mul3A_226 : vector<16xf32>
            %slice3A_228 = vector.extract_strided_slice %get3A_134 {offsets = [1], sizes = [1], strides = [1]} : vector<16xf32> to vector<1xf32>
            %squeeze3A_229 = vector.extract %slice3A_228[0] : f32 from vector<1xf32>
            %mul3A_230 = vector.broadcast %squeeze3A_229 : f32 to vector<16xf32>
            %mul3A_231 = arith.mulf %mul3A_230, %get3A_199 : vector<16xf32>
            %add3A_232 = arith.addf %add3A_186, %mul3A_231 : vector<16xf32>
            %mul3A_233 = vector.broadcast %squeeze3A_229 : f32 to vector<16xf32>
            %mul3A_234 = arith.mulf %mul3A_233, %get3A_211 : vector<16xf32>
            %add3A_235 = arith.addf %add3A_189, %mul3A_234 : vector<16xf32>
            %mul3A_236 = arith.constant 16 : i32
            %mul3A_237 = arith.muli %scan3A_107, %mul3A_236 : i32
            %add3A_238 = arith.constant 2 : i32
            %add3A_239 = arith.addi %mul3A_237, %add3A_238 : i32
            %mul3A_240 = arith.constant 32 : i32
            %mul3A_241 = arith.muli %scan3A_114, %mul3A_240 : i32
            %get3A_242 = arith.index_cast %add3A_239 : i32 to index
            %get3A_243 = arith.index_cast %mul3A_241 : i32 to index
            %get3A_244 = tpu.vector_load %arg8[%get3A_242, %get3A_243] {strides = array<i32>} : memref<64x384xf32, #tpu.memory_space<vmem>>, vector<1x16xf32>,
            %get3A_245 = vector.shape_cast %get3A_244 : vector<1x16xf32> to vector<16xf32>
            %mul3A_246 = arith.constant 16 : i32
            %mul3A_247 = arith.muli %scan3A_107, %mul3A_246 : i32
            %add3A_248 = arith.constant 2 : i32
            %add3A_249 = arith.addi %mul3A_247, %add3A_248 : i32
            %mul3A_250 = arith.constant 32 : i32
            %mul3A_251 = arith.muli %scan3A_114, %mul3A_250 : i32
            %add3A_252 = arith.constant 16 : i32
            %add3A_253 = arith.addi %mul3A_251, %add3A_252 : i32
            %get3A_254 = arith.index_cast %add3A_249 : i32 to index
            %get3A_255 = arith.index_cast %add3A_253 : i32 to index
            %get3A_256 = tpu.vector_load %arg8[%get3A_254, %get3A_255] {strides = array<i32>} : memref<64x384xf32, #tpu.memory_space<vmem>>, vector<1x16xf32>,
            %get3A_257 = vector.shape_cast %get3A_256 : vector<1x16xf32> to vector<16xf32>
            %slice3A_258 = vector.extract_strided_slice %get3A_120 {offsets = [2], sizes = [1], strides = [1]} : vector<16xf32> to vector<1xf32>
            %squeeze3A_259 = vector.extract %slice3A_258[0] : f32 from vector<1xf32>
            %mul3A_260 = vector.broadcast %squeeze3A_259 : f32 to vector<16xf32>
            %mul3A_261 = arith.mulf %mul3A_260, %get3A_245 : vector<16xf32>
            %add3A_262 = arith.addf %add3A_216, %mul3A_261 : vector<16xf32>
            %mul3A_263 = vector.broadcast %squeeze3A_259 : f32 to vector<16xf32>
            %mul3A_264 = arith.mulf %mul3A_263, %get3A_257 : vector<16xf32>
            %add3A_265 = arith.addf %add3A_219, %mul3A_264 : vector<16xf32>
            %slice3A_266 = vector.extract_strided_slice %get3A_127 {offsets = [2], sizes = [1], strides = [1]} : vector<16xf32> to vector<1xf32>
            %squeeze3A_267 = vector.extract %slice3A_266[0] : f32 from vector<1xf32>
            %mul3A_268 = vector.broadcast %squeeze3A_267 : f32 to vector<16xf32>
            %mul3A_269 = arith.mulf %mul3A_268, %get3A_245 : vector<16xf32>
            %add3A_270 = arith.addf %add3A_224, %mul3A_269 : vector<16xf32>
            %mul3A_271 = vector.broadcast %squeeze3A_267 : f32 to vector<16xf32>
            %mul3A_272 = arith.mulf %mul3A_271, %get3A_257 : vector<16xf32>
            %add3A_273 = arith.addf %add3A_227, %mul3A_272 : vector<16xf32>
            %slice3A_274 = vector.extract_strided_slice %get3A_134 {offsets = [2], sizes = [1], strides = [1]} : vector<16xf32> to vector<1xf32>
            %squeeze3A_275 = vector.extract %slice3A_274[0] : f32 from vector<1xf32>
            %mul3A_276 = vector.broadcast %squeeze3A_275 : f32 to vector<16xf32>
            %mul3A_277 = arith.mulf %mul3A_276, %get3A_245 : vector<16xf32>
            %add3A_278 = arith.addf %add3A_232, %mul3A_277 : vector<16xf32>
            %mul3A_279 = vector.broadcast %squeeze3A_275 : f32 to vector<16xf32>
            %mul3A_280 = arith.mulf %mul3A_279, %get3A_257 : vector<16xf32>
            %add3A_281 = arith.addf %add3A_235, %mul3A_280 : vector<16xf32>
            %mul3A_282 = arith.constant 16 : i32
            %mul3A_283 = arith.muli %scan3A_107, %mul3A_282 : i32
            %add3A_284 = arith.constant 3 : i32
            %add3A_285 = arith.addi %mul3A_283, %add3A_284 : i32
            %mul3A_286 = arith.constant 32 : i32
            %mul3A_287 = arith.muli %scan3A_114, %mul3A_286 : i32
            %get3A_288 = arith.index_cast %add3A_285 : i32 to index
            %get3A_289 = arith.index_cast %mul3A_287 : i32 to index
            %get3A_290 = tpu.vector_load %arg8[%get3A_288, %get3A_289] {strides = array<i32>} : memref<64x384xf32, #tpu.memory_space<vmem>>, vector<1x16xf32>,
            %get3A_291 = vector.shape_cast %get3A_290 : vector<1x16xf32> to vector<16xf32>
            %mul3A_292 = arith.constant 16 : i32
            %mul3A_293 = arith.muli %scan3A_107, %mul3A_292 : i32
            %add3A_294 = arith.constant 3 : i32
            %add3A_295 = arith.addi %mul3A_293, %add3A_294 : i32
            %mul3A_296 = arith.constant 32 : i32
            %mul3A_297 = arith.muli %scan3A_114, %mul3A_296 : i32
            %add3A_298 = arith.constant 16 : i32
            %add3A_299 = arith.addi %mul3A_297, %add3A_298 : i32
            %get3A_300 = arith.index_cast %add3A_295 : i32 to index
            %get3A_301 = arith.index_cast %add3A_299 : i32 to index
            %get3A_302 = tpu.vector_load %arg8[%get3A_300, %get3A_301] {strides = array<i32>} : memref<64x384xf32, #tpu.memory_space<vmem>>, vector<1x16xf32>,
            %get3A_303 = vector.shape_cast %get3A_302 : vector<1x16xf32> to vector<16xf32>
            %slice3A_304 = vector.extract_strided_slice %get3A_120 {offsets = [3], sizes = [1], strides = [1]} : vector<16xf32> to vector<1xf32>
            %squeeze3A_305 = vector.extract %slice3A_304[0] : f32 from vector<1xf32>
            %mul3A_306 = vector.broadcast %squeeze3A_305 : f32 to vector<16xf32>
            %mul3A_307 = arith.mulf %mul3A_306, %get3A_291 : vector<16xf32>
            %add3A_308 = arith.addf %add3A_262, %mul3A_307 : vector<16xf32>
            %mul3A_309 = vector.broadcast %squeeze3A_305 : f32 to vector<16xf32>
            %mul3A_310 = arith.mulf %mul3A_309, %get3A_303 : vector<16xf32>
            %add3A_311 = arith.addf %add3A_265, %mul3A_310 : vector<16xf32>
            %slice3A_312 = vector.extract_strided_slice %get3A_127 {offsets = [3], sizes = [1], strides = [1]} : vector<16xf32> to vector<1xf32>
            %squeeze3A_313 = vector.extract %slice3A_312[0] : f32 from vector<1xf32>
            %mul3A_314 = vector.broadcast %squeeze3A_313 : f32 to vector<16xf32>
            %mul3A_315 = arith.mulf %mul3A_314, %get3A_291 : vector<16xf32>
            %add3A_316 = arith.addf %add3A_270, %mul3A_315 : vector<16xf32>
            %mul3A_317 = vector.broadcast %squeeze3A_313 : f32 to vector<16xf32>
            %mul3A_318 = arith.mulf %mul3A_317, %get3A_303 : vector<16xf32>
            %add3A_319 = arith.addf %add3A_273, %mul3A_318 : vector<16xf32>
            %slice3A_320 = vector.extract_strided_slice %get3A_134 {offsets = [3], sizes = [1], strides = [1]} : vector<16xf32> to vector<1xf32>
            %squeeze3A_321 = vector.extract %slice3A_320[0] : f32 from vector<1xf32>
            %mul3A_322 = vector.broadcast %squeeze3A_321 : f32 to vector<16xf32>
            %mul3A_323 = arith.mulf %mul3A_322, %get3A_291 : vector<16xf32>
            %add3A_324 = arith.addf %add3A_278, %mul3A_323 : vector<16xf32>
            %mul3A_325 = vector.broadcast %squeeze3A_321 : f32 to vector<16xf32>
            %mul3A_326 = arith.mulf %mul3A_325, %get3A_303 : vector<16xf32>
            %add3A_327 = arith.addf %add3A_281, %mul3A_326 : vector<16xf32>
            %mul3A_328 = arith.constant 16 : i32
            %mul3A_329 = arith.muli %scan3A_107, %mul3A_328 : i32
            %add3A_330 = arith.constant 4 : i32
            %add3A_331 = arith.addi %mul3A_329, %add3A_330 : i32
            %mul3A_332 = arith.constant 32 : i32
            %mul3A_333 = arith.muli %scan3A_114, %mul3A_332 : i32
            %get3A_334 = arith.index_cast %add3A_331 : i32 to index
            %get3A_335 = arith.index_cast %mul3A_333 : i32 to index
            %get3A_336 = tpu.vector_load %arg8[%get3A_334, %get3A_335] {strides = array<i32>} : memref<64x384xf32, #tpu.memory_space<vmem>>, vector<1x16xf32>,
            %get3A_337 = vector.shape_cast %get3A_336 : vector<1x16xf32> to vector<16xf32>
            %mul3A_338 = arith.constant 16 : i32
            %mul3A_339 = arith.muli %scan3A_107, %mul3A_338 : i32
            %add3A_340 = arith.constant 4 : i32
            %add3A_341 = arith.addi %mul3A_339, %add3A_340 : i32
            %mul3A_342 = arith.constant 32 : i32
            %mul3A_343 = arith.muli %scan3A_114, %mul3A_342 : i32
            %add3A_344 = arith.constant 16 : i32
            %add3A_345 = arith.addi %mul3A_343, %add3A_344 : i32
            %get3A_346 = arith.index_cast %add3A_341 : i32 to index
            %get3A_347 = arith.index_cast %add3A_345 : i32 to index
            %get3A_348 = tpu.vector_load %arg8[%get3A_346, %get3A_347] {strides = array<i32>} : memref<64x384xf32, #tpu.memory_space<vmem>>, vector<1x16xf32>,
            %get3A_349 = vector.shape_cast %get3A_348 : vector<1x16xf32> to vector<16xf32>
            %slice3A_350 = vector.extract_strided_slice %get3A_120 {offsets = [4], sizes = [1], strides = [1]} : vector<16xf32> to vector<1xf32>
            %squeeze3A_351 = vector.extract %slice3A_350[0] : f32 from vector<1xf32>
            %mul3A_352 = vector.broadcast %squeeze3A_351 : f32 to vector<16xf32>
            %mul3A_353 = arith.mulf %mul3A_352, %get3A_337 : vector<16xf32>
            %add3A_354 = arith.addf %add3A_308, %mul3A_353 : vector<16xf32>
            %mul3A_355 = vector.broadcast %squeeze3A_351 : f32 to vector<16xf32>
            %mul3A_356 = arith.mulf %mul3A_355, %get3A_349 : vector<16xf32>
            %add3A_357 = arith.addf %add3A_311, %mul3A_356 : vector<16xf32>
            %slice3A_358 = vector.extract_strided_slice %get3A_127 {offsets = [4], sizes = [1], strides = [1]} : vector<16xf32> to vector<1xf32>
            %squeeze3A_359 = vector.extract %slice3A_358[0] : f32 from vector<1xf32>
            %mul3A_360 = vector.broadcast %squeeze3A_359 : f32 to vector<16xf32>
            %mul3A_361 = arith.mulf %mul3A_360, %get3A_337 : vector<16xf32>
            %add3A_362 = arith.addf %add3A_316, %mul3A_361 : vector<16xf32>
            %mul3A_363 = vector.broadcast %squeeze3A_359 : f32 to vector<16xf32>
            %mul3A_364 = arith.mulf %mul3A_363, %get3A_349 : vector<16xf32>
            %add3A_365 = arith.addf %add3A_319, %mul3A_364 : vector<16xf32>
            %slice3A_366 = vector.extract_strided_slice %get3A_134 {offsets = [4], sizes = [1], strides = [1]} : vector<16xf32> to vector<1xf32>
            %squeeze3A_367 = vector.extract %slice3A_366[0] : f32 from vector<1xf32>
            %mul3A_368 = vector.broadcast %squeeze3A_367 : f32 to vector<16xf32>
            %mul3A_369 = arith.mulf %mul3A_368, %get3A_337 : vector<16xf32>
            %add3A_370 = arith.addf %add3A_324, %mul3A_369 : vector<16xf32>
            %mul3A_371 = vector.broadcast %squeeze3A_367 : f32 to vector<16xf32>
            %mul3A_372 = arith.mulf %mul3A_371, %get3A_349 : vector<16xf32>
            %add3A_373 = arith.addf %add3A_327, %mul3A_372 : vector<16xf32>
            %mul3A_374 = arith.constant 16 : i32
            %mul3A_375 = arith.muli %scan3A_107, %mul3A_374 : i32
            %add3A_376 = arith.constant 5 : i32
            %add3A_377 = arith.addi %mul3A_375, %add3A_376 : i32
            %mul3A_378 = arith.constant 32 : i32
            %mul3A_379 = arith.muli %scan3A_114, %mul3A_378 : i32
            %get3A_380 = arith.index_cast %add3A_377 : i32 to index
            %get3A_381 = arith.index_cast %mul3A_379 : i32 to index
            %get3A_382 = tpu.vector_load %arg8[%get3A_380, %get3A_381] {strides = array<i32>} : memref<64x384xf32, #tpu.memory_space<vmem>>, vector<1x16xf32>,
            %get3A_383 = vector.shape_cast %get3A_382 : vector<1x16xf32> to vector<16xf32>
            %mul3A_384 = arith.constant 16 : i32
            %mul3A_385 = arith.muli %scan3A_107, %mul3A_384 : i32
            %add3A_386 = arith.constant 5 : i32
            %add3A_387 = arith.addi %mul3A_385, %add3A_386 : i32
            %mul3A_388 = arith.constant 32 : i32
            %mul3A_389 = arith.muli %scan3A_114, %mul3A_388 : i32
            %add3A_390 = arith.constant 16 : i32
            %add3A_391 = arith.addi %mul3A_389, %add3A_390 : i32
            %get3A_392 = arith.index_cast %add3A_387 : i32 to index
            %get3A_393 = arith.index_cast %add3A_391 : i32 to index
            %get3A_394 = tpu.vector_load %arg8[%get3A_392, %get3A_393] {strides = array<i32>} : memref<64x384xf32, #tpu.memory_space<vmem>>, vector<1x16xf32>,
            %get3A_395 = vector.shape_cast %get3A_394 : vector<1x16xf32> to vector<16xf32>
            %slice3A_396 = vector.extract_strided_slice %get3A_120 {offsets = [5], sizes = [1], strides = [1]} : vector<16xf32> to vector<1xf32>
            %squeeze3A_397 = vector.extract %slice3A_396[0] : f32 from vector<1xf32>
            %mul3A_398 = vector.broadcast %squeeze3A_397 : f32 to vector<16xf32>
            %mul3A_399 = arith.mulf %mul3A_398, %get3A_383 : vector<16xf32>
            %add3A_400 = arith.addf %add3A_354, %mul3A_399 : vector<16xf32>
            %mul3A_401 = vector.broadcast %squeeze3A_397 : f32 to vector<16xf32>
            %mul3A_402 = arith.mulf %mul3A_401, %get3A_395 : vector<16xf32>
            %add3A_403 = arith.addf %add3A_357, %mul3A_402 : vector<16xf32>
            %slice3A_404 = vector.extract_strided_slice %get3A_127 {offsets = [5], sizes = [1], strides = [1]} : vector<16xf32> to vector<1xf32>
            %squeeze3A_405 = vector.extract %slice3A_404[0] : f32 from vector<1xf32>
            %mul3A_406 = vector.broadcast %squeeze3A_405 : f32 to vector<16xf32>
            %mul3A_407 = arith.mulf %mul3A_406, %get3A_383 : vector<16xf32>
            %add3A_408 = arith.addf %add3A_362, %mul3A_407 : vector<16xf32>
            %mul3A_409 = vector.broadcast %squeeze3A_405 : f32 to vector<16xf32>
            %mul3A_410 = arith.mulf %mul3A_409, %get3A_395 : vector<16xf32>
            %add3A_411 = arith.addf %add3A_365, %mul3A_410 : vector<16xf32>
            %slice3A_412 = vector.extract_strided_slice %get3A_134 {offsets = [5], sizes = [1], strides = [1]} : vector<16xf32> to vector<1xf32>
            %squeeze3A_413 = vector.extract %slice3A_412[0] : f32 from vector<1xf32>
            %mul3A_414 = vector.broadcast %squeeze3A_413 : f32 to vector<16xf32>
            %mul3A_415 = arith.mulf %mul3A_414, %get3A_383 : vector<16xf32>
            %add3A_416 = arith.addf %add3A_370, %mul3A_415 : vector<16xf32>
            %mul3A_417 = vector.broadcast %squeeze3A_413 : f32 to vector<16xf32>
            %mul3A_418 = arith.mulf %mul3A_417, %get3A_395 : vector<16xf32>
            %add3A_419 = arith.addf %add3A_373, %mul3A_418 : vector<16xf32>
            %mul3A_420 = arith.constant 16 : i32
            %mul3A_421 = arith.muli %scan3A_107, %mul3A_420 : i32
            %add3A_422 = arith.constant 6 : i32
            %add3A_423 = arith.addi %mul3A_421, %add3A_422 : i32
            %mul3A_424 = arith.constant 32 : i32
            %mul3A_425 = arith.muli %scan3A_114, %mul3A_424 : i32
            %get3A_426 = arith.index_cast %add3A_423 : i32 to index
            %get3A_427 = arith.index_cast %mul3A_425 : i32 to index
            %get3A_428 = tpu.vector_load %arg8[%get3A_426, %get3A_427] {strides = array<i32>} : memref<64x384xf32, #tpu.memory_space<vmem>>, vector<1x16xf32>,
            %get3A_429 = vector.shape_cast %get3A_428 : vector<1x16xf32> to vector<16xf32>
            %mul3A_430 = arith.constant 16 : i32
            %mul3A_431 = arith.muli %scan3A_107, %mul3A_430 : i32
            %add3A_432 = arith.constant 6 : i32
            %add3A_433 = arith.addi %mul3A_431, %add3A_432 : i32
            %mul3A_434 = arith.constant 32 : i32
            %mul3A_435 = arith.muli %scan3A_114, %mul3A_434 : i32
            %add3A_436 = arith.constant 16 : i32
            %add3A_437 = arith.addi %mul3A_435, %add3A_436 : i32
            %get3A_438 = arith.index_cast %add3A_433 : i32 to index
            %get3A_439 = arith.index_cast %add3A_437 : i32 to index
            %get3A_440 = tpu.vector_load %arg8[%get3A_438, %get3A_439] {strides = array<i32>} : memref<64x384xf32, #tpu.memory_space<vmem>>, vector<1x16xf32>,
            %get3A_441 = vector.shape_cast %get3A_440 : vector<1x16xf32> to vector<16xf32>
            %slice3A_442 = vector.extract_strided_slice %get3A_120 {offsets = [6], sizes = [1], strides = [1]} : vector<16xf32> to vector<1xf32>
            %squeeze3A_443 = vector.extract %slice3A_442[0] : f32 from vector<1xf32>
            %mul3A_444 = vector.broadcast %squeeze3A_443 : f32 to vector<16xf32>
            %mul3A_445 = arith.mulf %mul3A_444, %get3A_429 : vector<16xf32>
            %add3A_446 = arith.addf %add3A_400, %mul3A_445 : vector<16xf32>
            %mul3A_447 = vector.broadcast %squeeze3A_443 : f32 to vector<16xf32>
            %mul3A_448 = arith.mulf %mul3A_447, %get3A_441 : vector<16xf32>
            %add3A_449 = arith.addf %add3A_403, %mul3A_448 : vector<16xf32>
            %slice3A_450 = vector.extract_strided_slice %get3A_127 {offsets = [6], sizes = [1], strides = [1]} : vector<16xf32> to vector<1xf32>
            %squeeze3A_451 = vector.extract %slice3A_450[0] : f32 from vector<1xf32>
            %mul3A_452 = vector.broadcast %squeeze3A_451 : f32 to vector<16xf32>
            %mul3A_453 = arith.mulf %mul3A_452, %get3A_429 : vector<16xf32>
            %add3A_454 = arith.addf %add3A_408, %mul3A_453 : vector<16xf32>
            %mul3A_455 = vector.broadcast %squeeze3A_451 : f32 to vector<16xf32>
            %mul3A_456 = arith.mulf %mul3A_455, %get3A_441 : vector<16xf32>
            %add3A_457 = arith.addf %add3A_411, %mul3A_456 : vector<16xf32>
            %slice3A_458 = vector.extract_strided_slice %get3A_134 {offsets = [6], sizes = [1], strides = [1]} : vector<16xf32> to vector<1xf32>
            %squeeze3A_459 = vector.extract %slice3A_458[0] : f32 from vector<1xf32>
            %mul3A_460 = vector.broadcast %squeeze3A_459 : f32 to vector<16xf32>
            %mul3A_461 = arith.mulf %mul3A_460, %get3A_429 : vector<16xf32>
            %add3A_462 = arith.addf %add3A_416, %mul3A_461 : vector<16xf32>
            %mul3A_463 = vector.broadcast %squeeze3A_459 : f32 to vector<16xf32>
            %mul3A_464 = arith.mulf %mul3A_463, %get3A_441 : vector<16xf32>
            %add3A_465 = arith.addf %add3A_419, %mul3A_464 : vector<16xf32>
            %mul3A_466 = arith.constant 16 : i32
            %mul3A_467 = arith.muli %scan3A_107, %mul3A_466 : i32
            %add3A_468 = arith.constant 7 : i32
            %add3A_469 = arith.addi %mul3A_467, %add3A_468 : i32
            %mul3A_470 = arith.constant 32 : i32
            %mul3A_471 = arith.muli %scan3A_114, %mul3A_470 : i32
            %get3A_472 = arith.index_cast %add3A_469 : i32 to index
            %get3A_473 = arith.index_cast %mul3A_471 : i32 to index
            %get3A_474 = tpu.vector_load %arg8[%get3A_472, %get3A_473] {strides = array<i32>} : memref<64x384xf32, #tpu.memory_space<vmem>>, vector<1x16xf32>,
            %get3A_475 = vector.shape_cast %get3A_474 : vector<1x16xf32> to vector<16xf32>
            %mul3A_476 = arith.constant 16 : i32
            %mul3A_477 = arith.muli %scan3A_107, %mul3A_476 : i32
            %add3A_478 = arith.constant 7 : i32
            %add3A_479 = arith.addi %mul3A_477, %add3A_478 : i32
            %mul3A_480 = arith.constant 32 : i32
            %mul3A_481 = arith.muli %scan3A_114, %mul3A_480 : i32
            %add3A_482 = arith.constant 16 : i32
            %add3A_483 = arith.addi %mul3A_481, %add3A_482 : i32
            %get3A_484 = arith.index_cast %add3A_479 : i32 to index
            %get3A_485 = arith.index_cast %add3A_483 : i32 to index
            %get3A_486 = tpu.vector_load %arg8[%get3A_484, %get3A_485] {strides = array<i32>} : memref<64x384xf32, #tpu.memory_space<vmem>>, vector<1x16xf32>,
            %get3A_487 = vector.shape_cast %get3A_486 : vector<1x16xf32> to vector<16xf32>
            %slice3A_488 = vector.extract_strided_slice %get3A_120 {offsets = [7], sizes = [1], strides = [1]} : vector<16xf32> to vector<1xf32>
            %squeeze3A_489 = vector.extract %slice3A_488[0] : f32 from vector<1xf32>
            %mul3A_490 = vector.broadcast %squeeze3A_489 : f32 to vector<16xf32>
            %mul3A_491 = arith.mulf %mul3A_490, %get3A_475 : vector<16xf32>
            %add3A_492 = arith.addf %add3A_446, %mul3A_491 : vector<16xf32>
            %mul3A_493 = vector.broadcast %squeeze3A_489 : f32 to vector<16xf32>
            %mul3A_494 = arith.mulf %mul3A_493, %get3A_487 : vector<16xf32>
            %add3A_495 = arith.addf %add3A_449, %mul3A_494 : vector<16xf32>
            %slice3A_496 = vector.extract_strided_slice %get3A_127 {offsets = [7], sizes = [1], strides = [1]} : vector<16xf32> to vector<1xf32>
            %squeeze3A_497 = vector.extract %slice3A_496[0] : f32 from vector<1xf32>
            %mul3A_498 = vector.broadcast %squeeze3A_497 : f32 to vector<16xf32>
            %mul3A_499 = arith.mulf %mul3A_498, %get3A_475 : vector<16xf32>
            %add3A_500 = arith.addf %add3A_454, %mul3A_499 : vector<16xf32>
            %mul3A_501 = vector.broadcast %squeeze3A_497 : f32 to vector<16xf32>
            %mul3A_502 = arith.mulf %mul3A_501, %get3A_487 : vector<16xf32>
            %add3A_503 = arith.addf %add3A_457, %mul3A_502 : vector<16xf32>
            %slice3A_504 = vector.extract_strided_slice %get3A_134 {offsets = [7], sizes = [1], strides = [1]} : vector<16xf32> to vector<1xf32>
            %squeeze3A_505 = vector.extract %slice3A_504[0] : f32 from vector<1xf32>
            %mul3A_506 = vector.broadcast %squeeze3A_505 : f32 to vector<16xf32>
            %mul3A_507 = arith.mulf %mul3A_506, %get3A_475 : vector<16xf32>
            %add3A_508 = arith.addf %add3A_462, %mul3A_507 : vector<16xf32>
            %mul3A_509 = vector.broadcast %squeeze3A_505 : f32 to vector<16xf32>
            %mul3A_510 = arith.mulf %mul3A_509, %get3A_487 : vector<16xf32>
            %add3A_511 = arith.addf %add3A_465, %mul3A_510 : vector<16xf32>
            %mul3A_512 = arith.constant 16 : i32
            %mul3A_513 = arith.muli %scan3A_107, %mul3A_512 : i32
            %add3A_514 = arith.constant 8 : i32
            %add3A_515 = arith.addi %mul3A_513, %add3A_514 : i32
            %mul3A_516 = arith.constant 32 : i32
            %mul3A_517 = arith.muli %scan3A_114, %mul3A_516 : i32
            %get3A_518 = arith.index_cast %add3A_515 : i32 to index
            %get3A_519 = arith.index_cast %mul3A_517 : i32 to index
            %get3A_520 = tpu.vector_load %arg8[%get3A_518, %get3A_519] {strides = array<i32>} : memref<64x384xf32, #tpu.memory_space<vmem>>, vector<1x16xf32>,
            %get3A_521 = vector.shape_cast %get3A_520 : vector<1x16xf32> to vector<16xf32>
            %mul3A_522 = arith.constant 16 : i32
            %mul3A_523 = arith.muli %scan3A_107, %mul3A_522 : i32
            %add3A_524 = arith.constant 8 : i32
            %add3A_525 = arith.addi %mul3A_523, %add3A_524 : i32
            %mul3A_526 = arith.constant 32 : i32
            %mul3A_527 = arith.muli %scan3A_114, %mul3A_526 : i32
            %add3A_528 = arith.constant 16 : i32
            %add3A_529 = arith.addi %mul3A_527, %add3A_528 : i32
            %get3A_530 = arith.index_cast %add3A_525 : i32 to index
            %get3A_531 = arith.index_cast %add3A_529 : i32 to index
            %get3A_532 = tpu.vector_load %arg8[%get3A_530, %get3A_531] {strides = array<i32>} : memref<64x384xf32, #tpu.memory_space<vmem>>, vector<1x16xf32>,
            %get3A_533 = vector.shape_cast %get3A_532 : vector<1x16xf32> to vector<16xf32>
            %slice3A_534 = vector.extract_strided_slice %get3A_120 {offsets = [8], sizes = [1], strides = [1]} : vector<16xf32> to vector<1xf32>
            %squeeze3A_535 = vector.extract %slice3A_534[0] : f32 from vector<1xf32>
            %mul3A_536 = vector.broadcast %squeeze3A_535 : f32 to vector<16xf32>
            %mul3A_537 = arith.mulf %mul3A_536, %get3A_521 : vector<16xf32>
            %add3A_538 = arith.addf %add3A_492, %mul3A_537 : vector<16xf32>
            %mul3A_539 = vector.broadcast %squeeze3A_535 : f32 to vector<16xf32>
            %mul3A_540 = arith.mulf %mul3A_539, %get3A_533 : vector<16xf32>
            %add3A_541 = arith.addf %add3A_495, %mul3A_540 : vector<16xf32>
            %slice3A_542 = vector.extract_strided_slice %get3A_127 {offsets = [8], sizes = [1], strides = [1]} : vector<16xf32> to vector<1xf32>
            %squeeze3A_543 = vector.extract %slice3A_542[0] : f32 from vector<1xf32>
            %mul3A_544 = vector.broadcast %squeeze3A_543 : f32 to vector<16xf32>
            %mul3A_545 = arith.mulf %mul3A_544, %get3A_521 : vector<16xf32>
            %add3A_546 = arith.addf %add3A_500, %mul3A_545 : vector<16xf32>
            %mul3A_547 = vector.broadcast %squeeze3A_543 : f32 to vector<16xf32>
            %mul3A_548 = arith.mulf %mul3A_547, %get3A_533 : vector<16xf32>
            %add3A_549 = arith.addf %add3A_503, %mul3A_548 : vector<16xf32>
            %slice3A_550 = vector.extract_strided_slice %get3A_134 {offsets = [8], sizes = [1], strides = [1]} : vector<16xf32> to vector<1xf32>
            %squeeze3A_551 = vector.extract %slice3A_550[0] : f32 from vector<1xf32>
            %mul3A_552 = vector.broadcast %squeeze3A_551 : f32 to vector<16xf32>
            %mul3A_553 = arith.mulf %mul3A_552, %get3A_521 : vector<16xf32>
            %add3A_554 = arith.addf %add3A_508, %mul3A_553 : vector<16xf32>
            %mul3A_555 = vector.broadcast %squeeze3A_551 : f32 to vector<16xf32>
            %mul3A_556 = arith.mulf %mul3A_555, %get3A_533 : vector<16xf32>
            %add3A_557 = arith.addf %add3A_511, %mul3A_556 : vector<16xf32>
            %mul3A_558 = arith.constant 16 : i32
            %mul3A_559 = arith.muli %scan3A_107, %mul3A_558 : i32
            %add3A_560 = arith.constant 9 : i32
            %add3A_561 = arith.addi %mul3A_559, %add3A_560 : i32
            %mul3A_562 = arith.constant 32 : i32
            %mul3A_563 = arith.muli %scan3A_114, %mul3A_562 : i32
            %get3A_564 = arith.index_cast %add3A_561 : i32 to index
            %get3A_565 = arith.index_cast %mul3A_563 : i32 to index
            %get3A_566 = tpu.vector_load %arg8[%get3A_564, %get3A_565] {strides = array<i32>} : memref<64x384xf32, #tpu.memory_space<vmem>>, vector<1x16xf32>,
            %get3A_567 = vector.shape_cast %get3A_566 : vector<1x16xf32> to vector<16xf32>
            %mul3A_568 = arith.constant 16 : i32
            %mul3A_569 = arith.muli %scan3A_107, %mul3A_568 : i32
            %add3A_570 = arith.constant 9 : i32
            %add3A_571 = arith.addi %mul3A_569, %add3A_570 : i32
            %mul3A_572 = arith.constant 32 : i32
            %mul3A_573 = arith.muli %scan3A_114, %mul3A_572 : i32
            %add3A_574 = arith.constant 16 : i32
            %add3A_575 = arith.addi %mul3A_573, %add3A_574 : i32
            %get3A_576 = arith.index_cast %add3A_571 : i32 to index
            %get3A_577 = arith.index_cast %add3A_575 : i32 to index
            %get3A_578 = tpu.vector_load %arg8[%get3A_576, %get3A_577] {strides = array<i32>} : memref<64x384xf32, #tpu.memory_space<vmem>>, vector<1x16xf32>,
            %get3A_579 = vector.shape_cast %get3A_578 : vector<1x16xf32> to vector<16xf32>
            %slice3A_580 = vector.extract_strided_slice %get3A_120 {offsets = [9], sizes = [1], strides = [1]} : vector<16xf32> to vector<1xf32>
            %squeeze3A_581 = vector.extract %slice3A_580[0] : f32 from vector<1xf32>
            %mul3A_582 = vector.broadcast %squeeze3A_581 : f32 to vector<16xf32>
            %mul3A_583 = arith.mulf %mul3A_582, %get3A_567 : vector<16xf32>
            %add3A_584 = arith.addf %add3A_538, %mul3A_583 : vector<16xf32>
            %mul3A_585 = vector.broadcast %squeeze3A_581 : f32 to vector<16xf32>
            %mul3A_586 = arith.mulf %mul3A_585, %get3A_579 : vector<16xf32>
            %add3A_587 = arith.addf %add3A_541, %mul3A_586 : vector<16xf32>
            %slice3A_588 = vector.extract_strided_slice %get3A_127 {offsets = [9], sizes = [1], strides = [1]} : vector<16xf32> to vector<1xf32>
            %squeeze3A_589 = vector.extract %slice3A_588[0] : f32 from vector<1xf32>
            %mul3A_590 = vector.broadcast %squeeze3A_589 : f32 to vector<16xf32>
            %mul3A_591 = arith.mulf %mul3A_590, %get3A_567 : vector<16xf32>
            %add3A_592 = arith.addf %add3A_546, %mul3A_591 : vector<16xf32>
            %mul3A_593 = vector.broadcast %squeeze3A_589 : f32 to vector<16xf32>
            %mul3A_594 = arith.mulf %mul3A_593, %get3A_579 : vector<16xf32>
            %add3A_595 = arith.addf %add3A_549, %mul3A_594 : vector<16xf32>
            %slice3A_596 = vector.extract_strided_slice %get3A_134 {offsets = [9], sizes = [1], strides = [1]} : vector<16xf32> to vector<1xf32>
            %squeeze3A_597 = vector.extract %slice3A_596[0] : f32 from vector<1xf32>
            %mul3A_598 = vector.broadcast %squeeze3A_597 : f32 to vector<16xf32>
            %mul3A_599 = arith.mulf %mul3A_598, %get3A_567 : vector<16xf32>
            %add3A_600 = arith.addf %add3A_554, %mul3A_599 : vector<16xf32>
            %mul3A_601 = vector.broadcast %squeeze3A_597 : f32 to vector<16xf32>
            %mul3A_602 = arith.mulf %mul3A_601, %get3A_579 : vector<16xf32>
            %add3A_603 = arith.addf %add3A_557, %mul3A_602 : vector<16xf32>
            %mul3A_604 = arith.constant 16 : i32
            %mul3A_605 = arith.muli %scan3A_107, %mul3A_604 : i32
            %add3A_606 = arith.constant 10 : i32
            %add3A_607 = arith.addi %mul3A_605, %add3A_606 : i32
            %mul3A_608 = arith.constant 32 : i32
            %mul3A_609 = arith.muli %scan3A_114, %mul3A_608 : i32
            %get3A_610 = arith.index_cast %add3A_607 : i32 to index
            %get3A_611 = arith.index_cast %mul3A_609 : i32 to index
            %get3A_612 = tpu.vector_load %arg8[%get3A_610, %get3A_611] {strides = array<i32>} : memref<64x384xf32, #tpu.memory_space<vmem>>, vector<1x16xf32>,
            %get3A_613 = vector.shape_cast %get3A_612 : vector<1x16xf32> to vector<16xf32>
            %mul3A_614 = arith.constant 16 : i32
            %mul3A_615 = arith.muli %scan3A_107, %mul3A_614 : i32
            %add3A_616 = arith.constant 10 : i32
            %add3A_617 = arith.addi %mul3A_615, %add3A_616 : i32
            %mul3A_618 = arith.constant 32 : i32
            %mul3A_619 = arith.muli %scan3A_114, %mul3A_618 : i32
            %add3A_620 = arith.constant 16 : i32
            %add3A_621 = arith.addi %mul3A_619, %add3A_620 : i32
            %get3A_622 = arith.index_cast %add3A_617 : i32 to index
            %get3A_623 = arith.index_cast %add3A_621 : i32 to index
            %get3A_624 = tpu.vector_load %arg8[%get3A_622, %get3A_623] {strides = array<i32>} : memref<64x384xf32, #tpu.memory_space<vmem>>, vector<1x16xf32>,
            %get3A_625 = vector.shape_cast %get3A_624 : vector<1x16xf32> to vector<16xf32>
            %slice3A_626 = vector.extract_strided_slice %get3A_120 {offsets = [10], sizes = [1], strides = [1]} : vector<16xf32> to vector<1xf32>
            %squeeze3A_627 = vector.extract %slice3A_626[0] : f32 from vector<1xf32>
            %mul3A_628 = vector.broadcast %squeeze3A_627 : f32 to vector<16xf32>
            %mul3A_629 = arith.mulf %mul3A_628, %get3A_613 : vector<16xf32>
            %add3A_630 = arith.addf %add3A_584, %mul3A_629 : vector<16xf32>
            %mul3A_631 = vector.broadcast %squeeze3A_627 : f32 to vector<16xf32>
            %mul3A_632 = arith.mulf %mul3A_631, %get3A_625 : vector<16xf32>
            %add3A_633 = arith.addf %add3A_587, %mul3A_632 : vector<16xf32>
            %slice3A_634 = vector.extract_strided_slice %get3A_127 {offsets = [10], sizes = [1], strides = [1]} : vector<16xf32> to vector<1xf32>
            %squeeze3A_635 = vector.extract %slice3A_634[0] : f32 from vector<1xf32>
            %mul3A_636 = vector.broadcast %squeeze3A_635 : f32 to vector<16xf32>
            %mul3A_637 = arith.mulf %mul3A_636, %get3A_613 : vector<16xf32>
            %add3A_638 = arith.addf %add3A_592, %mul3A_637 : vector<16xf32>
            %mul3A_639 = vector.broadcast %squeeze3A_635 : f32 to vector<16xf32>
            %mul3A_640 = arith.mulf %mul3A_639, %get3A_625 : vector<16xf32>
            %add3A_641 = arith.addf %add3A_595, %mul3A_640 : vector<16xf32>
            %slice3A_642 = vector.extract_strided_slice %get3A_134 {offsets = [10], sizes = [1], strides = [1]} : vector<16xf32> to vector<1xf32>
            %squeeze3A_643 = vector.extract %slice3A_642[0] : f32 from vector<1xf32>
            %mul3A_644 = vector.broadcast %squeeze3A_643 : f32 to vector<16xf32>
            %mul3A_645 = arith.mulf %mul3A_644, %get3A_613 : vector<16xf32>
            %add3A_646 = arith.addf %add3A_600, %mul3A_645 : vector<16xf32>
            %mul3A_647 = vector.broadcast %squeeze3A_643 : f32 to vector<16xf32>
            %mul3A_648 = arith.mulf %mul3A_647, %get3A_625 : vector<16xf32>
            %add3A_649 = arith.addf %add3A_603, %mul3A_648 : vector<16xf32>
            %mul3A_650 = arith.constant 16 : i32
            %mul3A_651 = arith.muli %scan3A_107, %mul3A_650 : i32
            %add3A_652 = arith.constant 11 : i32
            %add3A_653 = arith.addi %mul3A_651, %add3A_652 : i32
            %mul3A_654 = arith.constant 32 : i32
            %mul3A_655 = arith.muli %scan3A_114, %mul3A_654 : i32
            %get3A_656 = arith.index_cast %add3A_653 : i32 to index
            %get3A_657 = arith.index_cast %mul3A_655 : i32 to index
            %get3A_658 = tpu.vector_load %arg8[%get3A_656, %get3A_657] {strides = array<i32>} : memref<64x384xf32, #tpu.memory_space<vmem>>, vector<1x16xf32>,
            %get3A_659 = vector.shape_cast %get3A_658 : vector<1x16xf32> to vector<16xf32>
            %mul3A_660 = arith.constant 16 : i32
            %mul3A_661 = arith.muli %scan3A_107, %mul3A_660 : i32
            %add3A_662 = arith.constant 11 : i32
            %add3A_663 = arith.addi %mul3A_661, %add3A_662 : i32
            %mul3A_664 = arith.constant 32 : i32
            %mul3A_665 = arith.muli %scan3A_114, %mul3A_664 : i32
            %add3A_666 = arith.constant 16 : i32
            %add3A_667 = arith.addi %mul3A_665, %add3A_666 : i32
            %get3A_668 = arith.index_cast %add3A_663 : i32 to index
            %get3A_669 = arith.index_cast %add3A_667 : i32 to index
            %get3A_670 = tpu.vector_load %arg8[%get3A_668, %get3A_669] {strides = array<i32>} : memref<64x384xf32, #tpu.memory_space<vmem>>, vector<1x16xf32>,
            %get3A_671 = vector.shape_cast %get3A_670 : vector<1x16xf32> to vector<16xf32>
            %slice3A_672 = vector.extract_strided_slice %get3A_120 {offsets = [11], sizes = [1], strides = [1]} : vector<16xf32> to vector<1xf32>
            %squeeze3A_673 = vector.extract %slice3A_672[0] : f32 from vector<1xf32>
            %mul3A_674 = vector.broadcast %squeeze3A_673 : f32 to vector<16xf32>
            %mul3A_675 = arith.mulf %mul3A_674, %get3A_659 : vector<16xf32>
            %add3A_676 = arith.addf %add3A_630, %mul3A_675 : vector<16xf32>
            %mul3A_677 = vector.broadcast %squeeze3A_673 : f32 to vector<16xf32>
            %mul3A_678 = arith.mulf %mul3A_677, %get3A_671 : vector<16xf32>
            %add3A_679 = arith.addf %add3A_633, %mul3A_678 : vector<16xf32>
            %slice3A_680 = vector.extract_strided_slice %get3A_127 {offsets = [11], sizes = [1], strides = [1]} : vector<16xf32> to vector<1xf32>
            %squeeze3A_681 = vector.extract %slice3A_680[0] : f32 from vector<1xf32>
            %mul3A_682 = vector.broadcast %squeeze3A_681 : f32 to vector<16xf32>
            %mul3A_683 = arith.mulf %mul3A_682, %get3A_659 : vector<16xf32>
            %add3A_684 = arith.addf %add3A_638, %mul3A_683 : vector<16xf32>
            %mul3A_685 = vector.broadcast %squeeze3A_681 : f32 to vector<16xf32>
            %mul3A_686 = arith.mulf %mul3A_685, %get3A_671 : vector<16xf32>
            %add3A_687 = arith.addf %add3A_641, %mul3A_686 : vector<16xf32>
            %slice3A_688 = vector.extract_strided_slice %get3A_134 {offsets = [11], sizes = [1], strides = [1]} : vector<16xf32> to vector<1xf32>
            %squeeze3A_689 = vector.extract %slice3A_688[0] : f32 from vector<1xf32>
            %mul3A_690 = vector.broadcast %squeeze3A_689 : f32 to vector<16xf32>
            %mul3A_691 = arith.mulf %mul3A_690, %get3A_659 : vector<16xf32>
            %add3A_692 = arith.addf %add3A_646, %mul3A_691 : vector<16xf32>
            %mul3A_693 = vector.broadcast %squeeze3A_689 : f32 to vector<16xf32>
            %mul3A_694 = arith.mulf %mul3A_693, %get3A_671 : vector<16xf32>
            %add3A_695 = arith.addf %add3A_649, %mul3A_694 : vector<16xf32>
            %mul3A_696 = arith.constant 16 : i32
            %mul3A_697 = arith.muli %scan3A_107, %mul3A_696 : i32
            %add3A_698 = arith.constant 12 : i32
            %add3A_699 = arith.addi %mul3A_697, %add3A_698 : i32
            %mul3A_700 = arith.constant 32 : i32
            %mul3A_701 = arith.muli %scan3A_114, %mul3A_700 : i32
            %get3A_702 = arith.index_cast %add3A_699 : i32 to index
            %get3A_703 = arith.index_cast %mul3A_701 : i32 to index
            %get3A_704 = tpu.vector_load %arg8[%get3A_702, %get3A_703] {strides = array<i32>} : memref<64x384xf32, #tpu.memory_space<vmem>>, vector<1x16xf32>,
            %get3A_705 = vector.shape_cast %get3A_704 : vector<1x16xf32> to vector<16xf32>
            %mul3A_706 = arith.constant 16 : i32
            %mul3A_707 = arith.muli %scan3A_107, %mul3A_706 : i32
            %add3A_708 = arith.constant 12 : i32
            %add3A_709 = arith.addi %mul3A_707, %add3A_708 : i32
            %mul3A_710 = arith.constant 32 : i32
            %mul3A_711 = arith.muli %scan3A_114, %mul3A_710 : i32
            %add3A_712 = arith.constant 16 : i32
            %add3A_713 = arith.addi %mul3A_711, %add3A_712 : i32
            %get3A_714 = arith.index_cast %add3A_709 : i32 to index
            %get3A_715 = arith.index_cast %add3A_713 : i32 to index
            %get3A_716 = tpu.vector_load %arg8[%get3A_714, %get3A_715] {strides = array<i32>} : memref<64x384xf32, #tpu.memory_space<vmem>>, vector<1x16xf32>,
            %get3A_717 = vector.shape_cast %get3A_716 : vector<1x16xf32> to vector<16xf32>
            %slice3A_718 = vector.extract_strided_slice %get3A_120 {offsets = [12], sizes = [1], strides = [1]} : vector<16xf32> to vector<1xf32>
            %squeeze3A_719 = vector.extract %slice3A_718[0] : f32 from vector<1xf32>
            %mul3A_720 = vector.broadcast %squeeze3A_719 : f32 to vector<16xf32>
            %mul3A_721 = arith.mulf %mul3A_720, %get3A_705 : vector<16xf32>
            %add3A_722 = arith.addf %add3A_676, %mul3A_721 : vector<16xf32>
            %mul3A_723 = vector.broadcast %squeeze3A_719 : f32 to vector<16xf32>
            %mul3A_724 = arith.mulf %mul3A_723, %get3A_717 : vector<16xf32>
            %add3A_725 = arith.addf %add3A_679, %mul3A_724 : vector<16xf32>
            %slice3A_726 = vector.extract_strided_slice %get3A_127 {offsets = [12], sizes = [1], strides = [1]} : vector<16xf32> to vector<1xf32>
            %squeeze3A_727 = vector.extract %slice3A_726[0] : f32 from vector<1xf32>
            %mul3A_728 = vector.broadcast %squeeze3A_727 : f32 to vector<16xf32>
            %mul3A_729 = arith.mulf %mul3A_728, %get3A_705 : vector<16xf32>
            %add3A_730 = arith.addf %add3A_684, %mul3A_729 : vector<16xf32>
            %mul3A_731 = vector.broadcast %squeeze3A_727 : f32 to vector<16xf32>
            %mul3A_732 = arith.mulf %mul3A_731, %get3A_717 : vector<16xf32>
            %add3A_733 = arith.addf %add3A_687, %mul3A_732 : vector<16xf32>
            %slice3A_734 = vector.extract_strided_slice %get3A_134 {offsets = [12], sizes = [1], strides = [1]} : vector<16xf32> to vector<1xf32>
            %squeeze3A_735 = vector.extract %slice3A_734[0] : f32 from vector<1xf32>
            %mul3A_736 = vector.broadcast %squeeze3A_735 : f32 to vector<16xf32>
            %mul3A_737 = arith.mulf %mul3A_736, %get3A_705 : vector<16xf32>
            %add3A_738 = arith.addf %add3A_692, %mul3A_737 : vector<16xf32>
            %mul3A_739 = vector.broadcast %squeeze3A_735 : f32 to vector<16xf32>
            %mul3A_740 = arith.mulf %mul3A_739, %get3A_717 : vector<16xf32>
            %add3A_741 = arith.addf %add3A_695, %mul3A_740 : vector<16xf32>
            %mul3A_742 = arith.constant 16 : i32
            %mul3A_743 = arith.muli %scan3A_107, %mul3A_742 : i32
            %add3A_744 = arith.constant 13 : i32
            %add3A_745 = arith.addi %mul3A_743, %add3A_744 : i32
            %mul3A_746 = arith.constant 32 : i32
            %mul3A_747 = arith.muli %scan3A_114, %mul3A_746 : i32
            %get3A_748 = arith.index_cast %add3A_745 : i32 to index
            %get3A_749 = arith.index_cast %mul3A_747 : i32 to index
            %get3A_750 = tpu.vector_load %arg8[%get3A_748, %get3A_749] {strides = array<i32>} : memref<64x384xf32, #tpu.memory_space<vmem>>, vector<1x16xf32>,
            %get3A_751 = vector.shape_cast %get3A_750 : vector<1x16xf32> to vector<16xf32>
            %mul3A_752 = arith.constant 16 : i32
            %mul3A_753 = arith.muli %scan3A_107, %mul3A_752 : i32
            %add3A_754 = arith.constant 13 : i32
            %add3A_755 = arith.addi %mul3A_753, %add3A_754 : i32
            %mul3A_756 = arith.constant 32 : i32
            %mul3A_757 = arith.muli %scan3A_114, %mul3A_756 : i32
            %add3A_758 = arith.constant 16 : i32
            %add3A_759 = arith.addi %mul3A_757, %add3A_758 : i32
            %get3A_760 = arith.index_cast %add3A_755 : i32 to index
            %get3A_761 = arith.index_cast %add3A_759 : i32 to index
            %get3A_762 = tpu.vector_load %arg8[%get3A_760, %get3A_761] {strides = array<i32>} : memref<64x384xf32, #tpu.memory_space<vmem>>, vector<1x16xf32>,
            %get3A_763 = vector.shape_cast %get3A_762 : vector<1x16xf32> to vector<16xf32>
            %slice3A_764 = vector.extract_strided_slice %get3A_120 {offsets = [13], sizes = [1], strides = [1]} : vector<16xf32> to vector<1xf32>
            %squeeze3A_765 = vector.extract %slice3A_764[0] : f32 from vector<1xf32>
            %mul3A_766 = vector.broadcast %squeeze3A_765 : f32 to vector<16xf32>
            %mul3A_767 = arith.mulf %mul3A_766, %get3A_751 : vector<16xf32>
            %add3A_768 = arith.addf %add3A_722, %mul3A_767 : vector<16xf32>
            %mul3A_769 = vector.broadcast %squeeze3A_765 : f32 to vector<16xf32>
            %mul3A_770 = arith.mulf %mul3A_769, %get3A_763 : vector<16xf32>
            %add3A_771 = arith.addf %add3A_725, %mul3A_770 : vector<16xf32>
            %slice3A_772 = vector.extract_strided_slice %get3A_127 {offsets = [13], sizes = [1], strides = [1]} : vector<16xf32> to vector<1xf32>
            %squeeze3A_773 = vector.extract %slice3A_772[0] : f32 from vector<1xf32>
            %mul3A_774 = vector.broadcast %squeeze3A_773 : f32 to vector<16xf32>
            %mul3A_775 = arith.mulf %mul3A_774, %get3A_751 : vector<16xf32>
            %add3A_776 = arith.addf %add3A_730, %mul3A_775 : vector<16xf32>
            %mul3A_777 = vector.broadcast %squeeze3A_773 : f32 to vector<16xf32>
            %mul3A_778 = arith.mulf %mul3A_777, %get3A_763 : vector<16xf32>
            %add3A_779 = arith.addf %add3A_733, %mul3A_778 : vector<16xf32>
            %slice3A_780 = vector.extract_strided_slice %get3A_134 {offsets = [13], sizes = [1], strides = [1]} : vector<16xf32> to vector<1xf32>
            %squeeze3A_781 = vector.extract %slice3A_780[0] : f32 from vector<1xf32>
            %mul3A_782 = vector.broadcast %squeeze3A_781 : f32 to vector<16xf32>
            %mul3A_783 = arith.mulf %mul3A_782, %get3A_751 : vector<16xf32>
            %add3A_784 = arith.addf %add3A_738, %mul3A_783 : vector<16xf32>
            %mul3A_785 = vector.broadcast %squeeze3A_781 : f32 to vector<16xf32>
            %mul3A_786 = arith.mulf %mul3A_785, %get3A_763 : vector<16xf32>
            %add3A_787 = arith.addf %add3A_741, %mul3A_786 : vector<16xf32>
            %mul3A_788 = arith.constant 16 : i32
            %mul3A_789 = arith.muli %scan3A_107, %mul3A_788 : i32
            %add3A_790 = arith.constant 14 : i32
            %add3A_791 = arith.addi %mul3A_789, %add3A_790 : i32
            %mul3A_792 = arith.constant 32 : i32
            %mul3A_793 = arith.muli %scan3A_114, %mul3A_792 : i32
            %get3A_794 = arith.index_cast %add3A_791 : i32 to index
            %get3A_795 = arith.index_cast %mul3A_793 : i32 to index
            %get3A_796 = tpu.vector_load %arg8[%get3A_794, %get3A_795] {strides = array<i32>} : memref<64x384xf32, #tpu.memory_space<vmem>>, vector<1x16xf32>,
            %get3A_797 = vector.shape_cast %get3A_796 : vector<1x16xf32> to vector<16xf32>
            %mul3A_798 = arith.constant 16 : i32
            %mul3A_799 = arith.muli %scan3A_107, %mul3A_798 : i32
            %add3A_800 = arith.constant 14 : i32
            %add3A_801 = arith.addi %mul3A_799, %add3A_800 : i32
            %mul3A_802 = arith.constant 32 : i32
            %mul3A_803 = arith.muli %scan3A_114, %mul3A_802 : i32
            %add3A_804 = arith.constant 16 : i32
            %add3A_805 = arith.addi %mul3A_803, %add3A_804 : i32
            %get3A_806 = arith.index_cast %add3A_801 : i32 to index
            %get3A_807 = arith.index_cast %add3A_805 : i32 to index
            %get3A_808 = tpu.vector_load %arg8[%get3A_806, %get3A_807] {strides = array<i32>} : memref<64x384xf32, #tpu.memory_space<vmem>>, vector<1x16xf32>,
            %get3A_809 = vector.shape_cast %get3A_808 : vector<1x16xf32> to vector<16xf32>
            %slice3A_810 = vector.extract_strided_slice %get3A_120 {offsets = [14], sizes = [1], strides = [1]} : vector<16xf32> to vector<1xf32>
            %squeeze3A_811 = vector.extract %slice3A_810[0] : f32 from vector<1xf32>
            %mul3A_812 = vector.broadcast %squeeze3A_811 : f32 to vector<16xf32>
            %mul3A_813 = arith.mulf %mul3A_812, %get3A_797 : vector<16xf32>
            %add3A_814 = arith.addf %add3A_768, %mul3A_813 : vector<16xf32>
            %mul3A_815 = vector.broadcast %squeeze3A_811 : f32 to vector<16xf32>
            %mul3A_816 = arith.mulf %mul3A_815, %get3A_809 : vector<16xf32>
            %add3A_817 = arith.addf %add3A_771, %mul3A_816 : vector<16xf32>
            %slice3A_818 = vector.extract_strided_slice %get3A_127 {offsets = [14], sizes = [1], strides = [1]} : vector<16xf32> to vector<1xf32>
            %squeeze3A_819 = vector.extract %slice3A_818[0] : f32 from vector<1xf32>
            %mul3A_820 = vector.broadcast %squeeze3A_819 : f32 to vector<16xf32>
            %mul3A_821 = arith.mulf %mul3A_820, %get3A_797 : vector<16xf32>
            %add3A_822 = arith.addf %add3A_776, %mul3A_821 : vector<16xf32>
            %mul3A_823 = vector.broadcast %squeeze3A_819 : f32 to vector<16xf32>
            %mul3A_824 = arith.mulf %mul3A_823, %get3A_809 : vector<16xf32>
            %add3A_825 = arith.addf %add3A_779, %mul3A_824 : vector<16xf32>
            %slice3A_826 = vector.extract_strided_slice %get3A_134 {offsets = [14], sizes = [1], strides = [1]} : vector<16xf32> to vector<1xf32>
            %squeeze3A_827 = vector.extract %slice3A_826[0] : f32 from vector<1xf32>
            %mul3A_828 = vector.broadcast %squeeze3A_827 : f32 to vector<16xf32>
            %mul3A_829 = arith.mulf %mul3A_828, %get3A_797 : vector<16xf32>
            %add3A_830 = arith.addf %add3A_784, %mul3A_829 : vector<16xf32>
            %mul3A_831 = vector.broadcast %squeeze3A_827 : f32 to vector<16xf32>
            %mul3A_832 = arith.mulf %mul3A_831, %get3A_809 : vector<16xf32>
            %add3A_833 = arith.addf %add3A_787, %mul3A_832 : vector<16xf32>
            %mul3A_834 = arith.constant 16 : i32
            %mul3A_835 = arith.muli %scan3A_107, %mul3A_834 : i32
            %add3A_836 = arith.constant 15 : i32
            %add3A_837 = arith.addi %mul3A_835, %add3A_836 : i32
            %mul3A_838 = arith.constant 32 : i32
            %mul3A_839 = arith.muli %scan3A_114, %mul3A_838 : i32
            %get3A_840 = arith.index_cast %add3A_837 : i32 to index
            %get3A_841 = arith.index_cast %mul3A_839 : i32 to index
            %get3A_842 = tpu.vector_load %arg8[%get3A_840, %get3A_841] {strides = array<i32>} : memref<64x384xf32, #tpu.memory_space<vmem>>, vector<1x16xf32>,
            %get3A_843 = vector.shape_cast %get3A_842 : vector<1x16xf32> to vector<16xf32>
            %mul3A_844 = arith.constant 16 : i32
            %mul3A_845 = arith.muli %scan3A_107, %mul3A_844 : i32
            %add3A_846 = arith.constant 15 : i32
            %add3A_847 = arith.addi %mul3A_845, %add3A_846 : i32
            %mul3A_848 = arith.constant 32 : i32
            %mul3A_849 = arith.muli %scan3A_114, %mul3A_848 : i32
            %add3A_850 = arith.constant 16 : i32
            %add3A_851 = arith.addi %mul3A_849, %add3A_850 : i32
            %get3A_852 = arith.index_cast %add3A_847 : i32 to index
            %get3A_853 = arith.index_cast %add3A_851 : i32 to index
            %get3A_854 = tpu.vector_load %arg8[%get3A_852, %get3A_853] {strides = array<i32>} : memref<64x384xf32, #tpu.memory_space<vmem>>, vector<1x16xf32>,
            %get3A_855 = vector.shape_cast %get3A_854 : vector<1x16xf32> to vector<16xf32>
            %slice3A_856 = vector.extract_strided_slice %get3A_120 {offsets = [15], sizes = [1], strides = [1]} : vector<16xf32> to vector<1xf32>
            %squeeze3A_857 = vector.extract %slice3A_856[0] : f32 from vector<1xf32>
            %mul3A_858 = vector.broadcast %squeeze3A_857 : f32 to vector<16xf32>
            %mul3A_859 = arith.mulf %mul3A_858, %get3A_843 : vector<16xf32>
            %add3A_860 = arith.addf %add3A_814, %mul3A_859 : vector<16xf32>
            %mul3A_861 = vector.broadcast %squeeze3A_857 : f32 to vector<16xf32>
            %mul3A_862 = arith.mulf %mul3A_861, %get3A_855 : vector<16xf32>
            %add3A_863 = arith.addf %add3A_817, %mul3A_862 : vector<16xf32>
            %slice3A_864 = vector.extract_strided_slice %get3A_127 {offsets = [15], sizes = [1], strides = [1]} : vector<16xf32> to vector<1xf32>
            %squeeze3A_865 = vector.extract %slice3A_864[0] : f32 from vector<1xf32>
            %mul3A_866 = vector.broadcast %squeeze3A_865 : f32 to vector<16xf32>
            %mul3A_867 = arith.mulf %mul3A_866, %get3A_843 : vector<16xf32>
            %add3A_868 = arith.addf %add3A_822, %mul3A_867 : vector<16xf32>
            %mul3A_869 = vector.broadcast %squeeze3A_865 : f32 to vector<16xf32>
            %mul3A_870 = arith.mulf %mul3A_869, %get3A_855 : vector<16xf32>
            %add3A_871 = arith.addf %add3A_825, %mul3A_870 : vector<16xf32>
            %slice3A_872 = vector.extract_strided_slice %get3A_134 {offsets = [15], sizes = [1], strides = [1]} : vector<16xf32> to vector<1xf32>
            %squeeze3A_873 = vector.extract %slice3A_872[0] : f32 from vector<1xf32>
            %mul3A_874 = vector.broadcast %squeeze3A_873 : f32 to vector<16xf32>
            %mul3A_875 = arith.mulf %mul3A_874, %get3A_843 : vector<16xf32>
            %add3A_876 = arith.addf %add3A_830, %mul3A_875 : vector<16xf32>
            %mul3A_877 = vector.broadcast %squeeze3A_873 : f32 to vector<16xf32>
            %mul3A_878 = arith.mulf %mul3A_877, %get3A_855 : vector<16xf32>
            %add3A_879 = arith.addf %add3A_833, %mul3A_878 : vector<16xf32>
            %mul3A_880 = arith.constant 12 : i32
            %mul3A_881 = arith.muli %scan3A_107, %mul3A_880 : i32
            %add3A_882 = arith.addi %mul3A_881, %scan3A_114 : i32
            %swap3A = arith.index_cast %add3A_882 : i32 to index
            %swap3A_883 = arith.constant 0 : index
            %swap3A_884 = tpu.vector_load %arg12[%swap3A, %swap3A_883] {strides = array<i32>} : memref<48x128xf32, #tpu.memory_space<vmem>>, vector<1x16xf32>,
            %swap3A_885 = vector.shape_cast %swap3A_884 : vector<1x16xf32> to vector<16xf32>
            %swap3A_886 = vector.shape_cast %add3A_860 : vector<16xf32> to vector<1x16xf32>
            tpu.vector_store %arg12[%swap3A, %swap3A_883], %swap3A_886 {strides = array<i32>} : memref<48x128xf32, #tpu.memory_space<vmem>>, vector<1x16xf32>,
            %mul3A_887 = arith.constant 12 : i32
            %mul3A_888 = arith.muli %scan3A_107, %mul3A_887 : i32
            %add3A_889 = arith.addi %mul3A_888, %scan3A_114 : i32
            %swap3A_890 = arith.index_cast %add3A_889 : i32 to index
            %swap3A_891 = arith.constant 16 : index
            %swap3A_892 = tpu.vector_load %arg12[%swap3A_890, %swap3A_891] {strides = array<i32>} : memref<48x128xf32, #tpu.memory_space<vmem>>, vector<1x16xf32>,
            %swap3A_893 = vector.shape_cast %swap3A_892 : vector<1x16xf32> to vector<16xf32>
            %swap3A_894 = vector.shape_cast %add3A_863 : vector<16xf32> to vector<1x16xf32>
            tpu.vector_store %arg12[%swap3A_890, %swap3A_891], %swap3A_894 {strides = array<i32>} : memref<48x128xf32, #tpu.memory_space<vmem>>, vector<1x16xf32>,
            %mul3A_895 = arith.constant 12 : i32
            %mul3A_896 = arith.muli %scan3A_107, %mul3A_895 : i32
            %add3A_897 = arith.addi %mul3A_896, %scan3A_114 : i32
            %swap3A_898 = arith.index_cast %add3A_897 : i32 to index
            %swap3A_899 = arith.constant 32 : index
            %swap3A_900 = tpu.vector_load %arg12[%swap3A_898, %swap3A_899] {strides = array<i32>} : memref<48x128xf32, #tpu.memory_space<vmem>>, vector<1x16xf32>,
            %swap3A_901 = vector.shape_cast %swap3A_900 : vector<1x16xf32> to vector<16xf32>
            %swap3A_902 = vector.shape_cast %add3A_868 : vector<16xf32> to vector<1x16xf32>
            tpu.vector_store %arg12[%swap3A_898, %swap3A_899], %swap3A_902 {strides = array<i32>} : memref<48x128xf32, #tpu.memory_space<vmem>>, vector<1x16xf32>,
            %mul3A_903 = arith.constant 12 : i32
            %mul3A_904 = arith.muli %scan3A_107, %mul3A_903 : i32
            %add3A_905 = arith.addi %mul3A_904, %scan3A_114 : i32
            %swap3A_906 = arith.index_cast %add3A_905 : i32 to index
            %swap3A_907 = arith.constant 48 : index
            %swap3A_908 = tpu.vector_load %arg12[%swap3A_906, %swap3A_907] {strides = array<i32>} : memref<48x128xf32, #tpu.memory_space<vmem>>, vector<1x16xf32>,
            %swap3A_909 = vector.shape_cast %swap3A_908 : vector<1x16xf32> to vector<16xf32>
            %swap3A_910 = vector.shape_cast %add3A_871 : vector<16xf32> to vector<1x16xf32>
            tpu.vector_store %arg12[%swap3A_906, %swap3A_907], %swap3A_910 {strides = array<i32>} : memref<48x128xf32, #tpu.memory_space<vmem>>, vector<1x16xf32>,
            %mul3A_911 = arith.constant 12 : i32
            %mul3A_912 = arith.muli %scan3A_107, %mul3A_911 : i32
            %add3A_913 = arith.addi %mul3A_912, %scan3A_114 : i32
            %swap3A_914 = arith.index_cast %add3A_913 : i32 to index
            %swap3A_915 = arith.constant 64 : index
            %swap3A_916 = tpu.vector_load %arg12[%swap3A_914, %swap3A_915] {strides = array<i32>} : memref<48x128xf32, #tpu.memory_space<vmem>>, vector<1x16xf32>,
            %swap3A_917 = vector.shape_cast %swap3A_916 : vector<1x16xf32> to vector<16xf32>
            %swap3A_918 = vector.shape_cast %add3A_876 : vector<16xf32> to vector<1x16xf32>
            tpu.vector_store %arg12[%swap3A_914, %swap3A_915], %swap3A_918 {strides = array<i32>} : memref<48x128xf32, #tpu.memory_space<vmem>>, vector<1x16xf32>,
            %mul3A_919 = arith.constant 12 : i32
            %mul3A_920 = arith.muli %scan3A_107, %mul3A_919 : i32
            %add3A_921 = arith.addi %mul3A_920, %scan3A_114 : i32
            %swap3A_922 = arith.index_cast %add3A_921 : i32 to index
            %swap3A_923 = arith.constant 80 : index
            %swap3A_924 = tpu.vector_load %arg12[%swap3A_922, %swap3A_923] {strides = array<i32>} : memref<48x128xf32, #tpu.memory_space<vmem>>, vector<1x16xf32>,
            %swap3A_925 = vector.shape_cast %swap3A_924 : vector<1x16xf32> to vector<16xf32>
            %swap3A_926 = vector.shape_cast %add3A_879 : vector<16xf32> to vector<1x16xf32>
            tpu.vector_store %arg12[%swap3A_922, %swap3A_923], %swap3A_926 {strides = array<i32>} : memref<48x128xf32, #tpu.memory_space<vmem>>, vector<1x16xf32>,
            %scan3A_927 = arith.constant 1 : i32
            %scan3A_928 = arith.addi %scan3A_114, %scan3A_927 : i32
            %get3A_929 = arith.constant 0 : i32
            %get3A_930 = arith.index_cast %scan3A_107 : i32 to index
            %get3A_931 = arith.index_cast %scan3A_928 : i32 to index
            %get3A_932 = arith.index_cast %get3A_929 : i32 to index
            %get3A_933 = arith.constant 0 : index
            %get3A_934 = tpu.vector_load %arg10[%get3A_930, %get3A_931, %get3A_932, %get3A_933] {strides = array<i32>} : memref<4x12x3x16xf32, #tpu.memory_space<vmem>>, vector<1x1x1x16xf32>,
            %get3A_935 = vector.shape_cast %get3A_934 : vector<1x1x1x16xf32> to vector<16xf32>
            %get3A_936 = arith.constant 1 : i32
            %get3A_937 = arith.index_cast %scan3A_107 : i32 to index
            %get3A_938 = arith.index_cast %scan3A_928 : i32 to index
            %get3A_939 = arith.index_cast %get3A_936 : i32 to index
            %get3A_940 = arith.constant 0 : index
            %get3A_941 = tpu.vector_load %arg10[%get3A_937, %get3A_938, %get3A_939, %get3A_940] {strides = array<i32>} : memref<4x12x3x16xf32, #tpu.memory_space<vmem>>, vector<1x1x1x16xf32>,
            %get3A_942 = vector.shape_cast %get3A_941 : vector<1x1x1x16xf32> to vector<16xf32>
            %get3A_943 = arith.constant 2 : i32
            %get3A_944 = arith.index_cast %scan3A_107 : i32 to index
            %get3A_945 = arith.index_cast %scan3A_928 : i32 to index
            %get3A_946 = arith.index_cast %get3A_943 : i32 to index
            %get3A_947 = arith.constant 0 : index
            %get3A_948 = tpu.vector_load %arg10[%get3A_944, %get3A_945, %get3A_946, %get3A_947] {strides = array<i32>} : memref<4x12x3x16xf32, #tpu.memory_space<vmem>>, vector<1x1x1x16xf32>,
            %get3A_949 = vector.shape_cast %get3A_948 : vector<1x1x1x16xf32> to vector<16xf32>
            %broadcast_in_dim3A_950 = arith.constant 0.000000e+00 : f32
            %broadcast_in_dim3A_951 = vector.broadcast %broadcast_in_dim3A_950 : f32 to vector<16xf32>
            %broadcast_in_dim3A_952 = arith.constant 0.000000e+00 : f32
            %broadcast_in_dim3A_953 = vector.broadcast %broadcast_in_dim3A_952 : f32 to vector<16xf32>
            %broadcast_in_dim3A_954 = arith.constant 0.000000e+00 : f32
            %broadcast_in_dim3A_955 = vector.broadcast %broadcast_in_dim3A_954 : f32 to vector<16xf32>
            %broadcast_in_dim3A_956 = arith.constant 0.000000e+00 : f32
            %broadcast_in_dim3A_957 = vector.broadcast %broadcast_in_dim3A_956 : f32 to vector<16xf32>
            %broadcast_in_dim3A_958 = arith.constant 0.000000e+00 : f32
            %broadcast_in_dim3A_959 = vector.broadcast %broadcast_in_dim3A_958 : f32 to vector<16xf32>
            %broadcast_in_dim3A_960 = arith.constant 0.000000e+00 : f32
            %broadcast_in_dim3A_961 = vector.broadcast %broadcast_in_dim3A_960 : f32 to vector<16xf32>
            %mul3A_962 = arith.constant 16 : i32
            %mul3A_963 = arith.muli %scan3A_107, %mul3A_962 : i32
            %add3A_964 = arith.constant 0 : i32
            %add3A_965 = arith.addi %mul3A_963, %add3A_964 : i32
            %mul3A_966 = arith.constant 32 : i32
            %mul3A_967 = arith.muli %scan3A_928, %mul3A_966 : i32
            %get3A_968 = arith.index_cast %add3A_965 : i32 to index
            %get3A_969 = arith.index_cast %mul3A_967 : i32 to index
            %get3A_970 = tpu.vector_load %arg8[%get3A_968, %get3A_969] {strides = array<i32>} : memref<64x384xf32, #tpu.memory_space<vmem>>, vector<1x16xf32>,
            %get3A_971 = vector.shape_cast %get3A_970 : vector<1x16xf32> to vector<16xf32>
            %mul3A_972 = arith.constant 16 : i32
            %mul3A_973 = arith.muli %scan3A_107, %mul3A_972 : i32
            %add3A_974 = arith.constant 0 : i32
            %add3A_975 = arith.addi %mul3A_973, %add3A_974 : i32
            %mul3A_976 = arith.constant 32 : i32
            %mul3A_977 = arith.muli %scan3A_928, %mul3A_976 : i32
            %add3A_978 = arith.constant 16 : i32
            %add3A_979 = arith.addi %mul3A_977, %add3A_978 : i32
            %get3A_980 = arith.index_cast %add3A_975 : i32 to index
            %get3A_981 = arith.index_cast %add3A_979 : i32 to index
            %get3A_982 = tpu.vector_load %arg8[%get3A_980, %get3A_981] {strides = array<i32>} : memref<64x384xf32, #tpu.memory_space<vmem>>, vector<1x16xf32>,
            %get3A_983 = vector.shape_cast %get3A_982 : vector<1x16xf32> to vector<16xf32>
            %slice3A_984 = vector.extract_strided_slice %get3A_935 {offsets = [0], sizes = [1], strides = [1]} : vector<16xf32> to vector<1xf32>
            %squeeze3A_985 = vector.extract %slice3A_984[0] : f32 from vector<1xf32>
            %mul3A_986 = vector.broadcast %squeeze3A_985 : f32 to vector<16xf32>
            %mul3A_987 = arith.mulf %mul3A_986, %get3A_971 : vector<16xf32>
            %add3A_988 = arith.addf %broadcast_in_dim3A_951, %mul3A_987 : vector<16xf32>
            %mul3A_989 = vector.broadcast %squeeze3A_985 : f32 to vector<16xf32>
            %mul3A_990 = arith.mulf %mul3A_989, %get3A_983 : vector<16xf32>
            %add3A_991 = arith.addf %broadcast_in_dim3A_953, %mul3A_990 : vector<16xf32>
            %slice3A_992 = vector.extract_strided_slice %get3A_942 {offsets = [0], sizes = [1], strides = [1]} : vector<16xf32> to vector<1xf32>
            %squeeze3A_993 = vector.extract %slice3A_992[0] : f32 from vector<1xf32>
            %mul3A_994 = vector.broadcast %squeeze3A_993 : f32 to vector<16xf32>
            %mul3A_995 = arith.mulf %mul3A_994, %get3A_971 : vector<16xf32>
            %add3A_996 = arith.addf %broadcast_in_dim3A_955, %mul3A_995 : vector<16xf32>
            %mul3A_997 = vector.broadcast %squeeze3A_993 : f32 to vector<16xf32>
            %mul3A_998 = arith.mulf %mul3A_997, %get3A_983 : vector<16xf32>
            %add3A_999 = arith.addf %broadcast_in_dim3A_957, %mul3A_998 : vector<16xf32>
            %slice3A_1000 = vector.extract_strided_slice %get3A_949 {offsets = [0], sizes = [1], strides = [1]} : vector<16xf32> to vector<1xf32>
            %squeeze3A_1001 = vector.extract %slice3A_1000[0] : f32 from vector<1xf32>
            %mul3A_1002 = vector.broadcast %squeeze3A_1001 : f32 to vector<16xf32>
            %mul3A_1003 = arith.mulf %mul3A_1002, %get3A_971 : vector<16xf32>
            %add3A_1004 = arith.addf %broadcast_in_dim3A_959, %mul3A_1003 : vector<16xf32>
            %mul3A_1005 = vector.broadcast %squeeze3A_1001 : f32 to vector<16xf32>
            %mul3A_1006 = arith.mulf %mul3A_1005, %get3A_983 : vector<16xf32>
            %add3A_1007 = arith.addf %broadcast_in_dim3A_961, %mul3A_1006 : vector<16xf32>
            %mul3A_1008 = arith.constant 16 : i32
            %mul3A_1009 = arith.muli %scan3A_107, %mul3A_1008 : i32
            %add3A_1010 = arith.constant 1 : i32
            %add3A_1011 = arith.addi %mul3A_1009, %add3A_1010 : i32
            %mul3A_1012 = arith.constant 32 : i32
            %mul3A_1013 = arith.muli %scan3A_928, %mul3A_1012 : i32
            %get3A_1014 = arith.index_cast %add3A_1011 : i32 to index
            %get3A_1015 = arith.index_cast %mul3A_1013 : i32 to index
            %get3A_1016 = tpu.vector_load %arg8[%get3A_1014, %get3A_1015] {strides = array<i32>} : memref<64x384xf32, #tpu.memory_space<vmem>>, vector<1x16xf32>,
            %get3A_1017 = vector.shape_cast %get3A_1016 : vector<1x16xf32> to vector<16xf32>
            %mul3A_1018 = arith.constant 16 : i32
            %mul3A_1019 = arith.muli %scan3A_107, %mul3A_1018 : i32
            %add3A_1020 = arith.constant 1 : i32
            %add3A_1021 = arith.addi %mul3A_1019, %add3A_1020 : i32
            %mul3A_1022 = arith.constant 32 : i32
            %mul3A_1023 = arith.muli %scan3A_928, %mul3A_1022 : i32
            %add3A_1024 = arith.constant 16 : i32
            %add3A_1025 = arith.addi %mul3A_1023, %add3A_1024 : i32
            %get3A_1026 = arith.index_cast %add3A_1021 : i32 to index
            %get3A_1027 = arith.index_cast %add3A_1025 : i32 to index
            %get3A_1028 = tpu.vector_load %arg8[%get3A_1026, %get3A_1027] {strides = array<i32>} : memref<64x384xf32, #tpu.memory_space<vmem>>, vector<1x16xf32>,
            %get3A_1029 = vector.shape_cast %get3A_1028 : vector<1x16xf32> to vector<16xf32>
            %slice3A_1030 = vector.extract_strided_slice %get3A_935 {offsets = [1], sizes = [1], strides = [1]} : vector<16xf32> to vector<1xf32>
            %squeeze3A_1031 = vector.extract %slice3A_1030[0] : f32 from vector<1xf32>
            %mul3A_1032 = vector.broadcast %squeeze3A_1031 : f32 to vector<16xf32>
            %mul3A_1033 = arith.mulf %mul3A_1032, %get3A_1017 : vector<16xf32>
            %add3A_1034 = arith.addf %add3A_988, %mul3A_1033 : vector<16xf32>
            %mul3A_1035 = vector.broadcast %squeeze3A_1031 : f32 to vector<16xf32>
            %mul3A_1036 = arith.mulf %mul3A_1035, %get3A_1029 : vector<16xf32>
            %add3A_1037 = arith.addf %add3A_991, %mul3A_1036 : vector<16xf32>
            %slice3A_1038 = vector.extract_strided_slice %get3A_942 {offsets = [1], sizes = [1], strides = [1]} : vector<16xf32> to vector<1xf32>
            %squeeze3A_1039 = vector.extract %slice3A_1038[0] : f32 from vector<1xf32>
            %mul3A_1040 = vector.broadcast %squeeze3A_1039 : f32 to vector<16xf32>
            %mul3A_1041 = arith.mulf %mul3A_1040, %get3A_1017 : vector<16xf32>
            %add3A_1042 = arith.addf %add3A_996, %mul3A_1041 : vector<16xf32>
            %mul3A_1043 = vector.broadcast %squeeze3A_1039 : f32 to vector<16xf32>
            %mul3A_1044 = arith.mulf %mul3A_1043, %get3A_1029 : vector<16xf32>
            %add3A_1045 = arith.addf %add3A_999, %mul3A_1044 : vector<16xf32>
            %slice3A_1046 = vector.extract_strided_slice %get3A_949 {offsets = [1], sizes = [1], strides = [1]} : vector<16xf32> to vector<1xf32>
            %squeeze3A_1047 = vector.extract %slice3A_1046[0] : f32 from vector<1xf32>
            %mul3A_1048 = vector.broadcast %squeeze3A_1047 : f32 to vector<16xf32>
            %mul3A_1049 = arith.mulf %mul3A_1048, %get3A_1017 : vector<16xf32>
            %add3A_1050 = arith.addf %add3A_1004, %mul3A_1049 : vector<16xf32>
            %mul3A_1051 = vector.broadcast %squeeze3A_1047 : f32 to vector<16xf32>
            %mul3A_1052 = arith.mulf %mul3A_1051, %get3A_1029 : vector<16xf32>
            %add3A_1053 = arith.addf %add3A_1007, %mul3A_1052 : vector<16xf32>
            %mul3A_1054 = arith.constant 16 : i32
            %mul3A_1055 = arith.muli %scan3A_107, %mul3A_1054 : i32
            %add3A_1056 = arith.constant 2 : i32
            %add3A_1057 = arith.addi %mul3A_1055, %add3A_1056 : i32
            %mul3A_1058 = arith.constant 32 : i32
            %mul3A_1059 = arith.muli %scan3A_928, %mul3A_1058 : i32
            %get3A_1060 = arith.index_cast %add3A_1057 : i32 to index
            %get3A_1061 = arith.index_cast %mul3A_1059 : i32 to index
            %get3A_1062 = tpu.vector_load %arg8[%get3A_1060, %get3A_1061] {strides = array<i32>} : memref<64x384xf32, #tpu.memory_space<vmem>>, vector<1x16xf32>,
            %get3A_1063 = vector.shape_cast %get3A_1062 : vector<1x16xf32> to vector<16xf32>
            %mul3A_1064 = arith.constant 16 : i32
            %mul3A_1065 = arith.muli %scan3A_107, %mul3A_1064 : i32
            %add3A_1066 = arith.constant 2 : i32
            %add3A_1067 = arith.addi %mul3A_1065, %add3A_1066 : i32
            %mul3A_1068 = arith.constant 32 : i32
            %mul3A_1069 = arith.muli %scan3A_928, %mul3A_1068 : i32
            %add3A_1070 = arith.constant 16 : i32
            %add3A_1071 = arith.addi %mul3A_1069, %add3A_1070 : i32
            %get3A_1072 = arith.index_cast %add3A_1067 : i32 to index
            %get3A_1073 = arith.index_cast %add3A_1071 : i32 to index
            %get3A_1074 = tpu.vector_load %arg8[%get3A_1072, %get3A_1073] {strides = array<i32>} : memref<64x384xf32, #tpu.memory_space<vmem>>, vector<1x16xf32>,
            %get3A_1075 = vector.shape_cast %get3A_1074 : vector<1x16xf32> to vector<16xf32>
            %slice3A_1076 = vector.extract_strided_slice %get3A_935 {offsets = [2], sizes = [1], strides = [1]} : vector<16xf32> to vector<1xf32>
            %squeeze3A_1077 = vector.extract %slice3A_1076[0] : f32 from vector<1xf32>
            %mul3A_1078 = vector.broadcast %squeeze3A_1077 : f32 to vector<16xf32>
            %mul3A_1079 = arith.mulf %mul3A_1078, %get3A_1063 : vector<16xf32>
            %add3A_1080 = arith.addf %add3A_1034, %mul3A_1079 : vector<16xf32>
            %mul3A_1081 = vector.broadcast %squeeze3A_1077 : f32 to vector<16xf32>
            %mul3A_1082 = arith.mulf %mul3A_1081, %get3A_1075 : vector<16xf32>
            %add3A_1083 = arith.addf %add3A_1037, %mul3A_1082 : vector<16xf32>
            %slice3A_1084 = vector.extract_strided_slice %get3A_942 {offsets = [2], sizes = [1], strides = [1]} : vector<16xf32> to vector<1xf32>
            %squeeze3A_1085 = vector.extract %slice3A_1084[0] : f32 from vector<1xf32>
            %mul3A_1086 = vector.broadcast %squeeze3A_1085 : f32 to vector<16xf32>
            %mul3A_1087 = arith.mulf %mul3A_1086, %get3A_1063 : vector<16xf32>
            %add3A_1088 = arith.addf %add3A_1042, %mul3A_1087 : vector<16xf32>
            %mul3A_1089 = vector.broadcast %squeeze3A_1085 : f32 to vector<16xf32>
            %mul3A_1090 = arith.mulf %mul3A_1089, %get3A_1075 : vector<16xf32>
            %add3A_1091 = arith.addf %add3A_1045, %mul3A_1090 : vector<16xf32>
            %slice3A_1092 = vector.extract_strided_slice %get3A_949 {offsets = [2], sizes = [1], strides = [1]} : vector<16xf32> to vector<1xf32>
            %squeeze3A_1093 = vector.extract %slice3A_1092[0] : f32 from vector<1xf32>
            %mul3A_1094 = vector.broadcast %squeeze3A_1093 : f32 to vector<16xf32>
            %mul3A_1095 = arith.mulf %mul3A_1094, %get3A_1063 : vector<16xf32>
            %add3A_1096 = arith.addf %add3A_1050, %mul3A_1095 : vector<16xf32>
            %mul3A_1097 = vector.broadcast %squeeze3A_1093 : f32 to vector<16xf32>
            %mul3A_1098 = arith.mulf %mul3A_1097, %get3A_1075 : vector<16xf32>
            %add3A_1099 = arith.addf %add3A_1053, %mul3A_1098 : vector<16xf32>
            %mul3A_1100 = arith.constant 16 : i32
            %mul3A_1101 = arith.muli %scan3A_107, %mul3A_1100 : i32
            %add3A_1102 = arith.constant 3 : i32
            %add3A_1103 = arith.addi %mul3A_1101, %add3A_1102 : i32
            %mul3A_1104 = arith.constant 32 : i32
            %mul3A_1105 = arith.muli %scan3A_928, %mul3A_1104 : i32
            %get3A_1106 = arith.index_cast %add3A_1103 : i32 to index
            %get3A_1107 = arith.index_cast %mul3A_1105 : i32 to index
            %get3A_1108 = tpu.vector_load %arg8[%get3A_1106, %get3A_1107] {strides = array<i32>} : memref<64x384xf32, #tpu.memory_space<vmem>>, vector<1x16xf32>,
            %get3A_1109 = vector.shape_cast %get3A_1108 : vector<1x16xf32> to vector<16xf32>
            %mul3A_1110 = arith.constant 16 : i32
            %mul3A_1111 = arith.muli %scan3A_107, %mul3A_1110 : i32
            %add3A_1112 = arith.constant 3 : i32
            %add3A_1113 = arith.addi %mul3A_1111, %add3A_1112 : i32
            %mul3A_1114 = arith.constant 32 : i32
            %mul3A_1115 = arith.muli %scan3A_928, %mul3A_1114 : i32
            %add3A_1116 = arith.constant 16 : i32
            %add3A_1117 = arith.addi %mul3A_1115, %add3A_1116 : i32
            %get3A_1118 = arith.index_cast %add3A_1113 : i32 to index
            %get3A_1119 = arith.index_cast %add3A_1117 : i32 to index
            %get3A_1120 = tpu.vector_load %arg8[%get3A_1118, %get3A_1119] {strides = array<i32>} : memref<64x384xf32, #tpu.memory_space<vmem>>, vector<1x16xf32>,
            %get3A_1121 = vector.shape_cast %get3A_1120 : vector<1x16xf32> to vector<16xf32>
            %slice3A_1122 = vector.extract_strided_slice %get3A_935 {offsets = [3], sizes = [1], strides = [1]} : vector<16xf32> to vector<1xf32>
            %squeeze3A_1123 = vector.extract %slice3A_1122[0] : f32 from vector<1xf32>
            %mul3A_1124 = vector.broadcast %squeeze3A_1123 : f32 to vector<16xf32>
            %mul3A_1125 = arith.mulf %mul3A_1124, %get3A_1109 : vector<16xf32>
            %add3A_1126 = arith.addf %add3A_1080, %mul3A_1125 : vector<16xf32>
            %mul3A_1127 = vector.broadcast %squeeze3A_1123 : f32 to vector<16xf32>
            %mul3A_1128 = arith.mulf %mul3A_1127, %get3A_1121 : vector<16xf32>
            %add3A_1129 = arith.addf %add3A_1083, %mul3A_1128 : vector<16xf32>
            %slice3A_1130 = vector.extract_strided_slice %get3A_942 {offsets = [3], sizes = [1], strides = [1]} : vector<16xf32> to vector<1xf32>
            %squeeze3A_1131 = vector.extract %slice3A_1130[0] : f32 from vector<1xf32>
            %mul3A_1132 = vector.broadcast %squeeze3A_1131 : f32 to vector<16xf32>
            %mul3A_1133 = arith.mulf %mul3A_1132, %get3A_1109 : vector<16xf32>
            %add3A_1134 = arith.addf %add3A_1088, %mul3A_1133 : vector<16xf32>
            %mul3A_1135 = vector.broadcast %squeeze3A_1131 : f32 to vector<16xf32>
            %mul3A_1136 = arith.mulf %mul3A_1135, %get3A_1121 : vector<16xf32>
            %add3A_1137 = arith.addf %add3A_1091, %mul3A_1136 : vector<16xf32>
            %slice3A_1138 = vector.extract_strided_slice %get3A_949 {offsets = [3], sizes = [1], strides = [1]} : vector<16xf32> to vector<1xf32>
            %squeeze3A_1139 = vector.extract %slice3A_1138[0] : f32 from vector<1xf32>
            %mul3A_1140 = vector.broadcast %squeeze3A_1139 : f32 to vector<16xf32>
            %mul3A_1141 = arith.mulf %mul3A_1140, %get3A_1109 : vector<16xf32>
            %add3A_1142 = arith.addf %add3A_1096, %mul3A_1141 : vector<16xf32>
            %mul3A_1143 = vector.broadcast %squeeze3A_1139 : f32 to vector<16xf32>
            %mul3A_1144 = arith.mulf %mul3A_1143, %get3A_1121 : vector<16xf32>
            %add3A_1145 = arith.addf %add3A_1099, %mul3A_1144 : vector<16xf32>
            %mul3A_1146 = arith.constant 16 : i32
            %mul3A_1147 = arith.muli %scan3A_107, %mul3A_1146 : i32
            %add3A_1148 = arith.constant 4 : i32
            %add3A_1149 = arith.addi %mul3A_1147, %add3A_1148 : i32
            %mul3A_1150 = arith.constant 32 : i32
            %mul3A_1151 = arith.muli %scan3A_928, %mul3A_1150 : i32
            %get3A_1152 = arith.index_cast %add3A_1149 : i32 to index
            %get3A_1153 = arith.index_cast %mul3A_1151 : i32 to index
            %get3A_1154 = tpu.vector_load %arg8[%get3A_1152, %get3A_1153] {strides = array<i32>} : memref<64x384xf32, #tpu.memory_space<vmem>>, vector<1x16xf32>,
            %get3A_1155 = vector.shape_cast %get3A_1154 : vector<1x16xf32> to vector<16xf32>
            %mul3A_1156 = arith.constant 16 : i32
            %mul3A_1157 = arith.muli %scan3A_107, %mul3A_1156 : i32
            %add3A_1158 = arith.constant 4 : i32
            %add3A_1159 = arith.addi %mul3A_1157, %add3A_1158 : i32
            %mul3A_1160 = arith.constant 32 : i32
            %mul3A_1161 = arith.muli %scan3A_928, %mul3A_1160 : i32
            %add3A_1162 = arith.constant 16 : i32
            %add3A_1163 = arith.addi %mul3A_1161, %add3A_1162 : i32
            %get3A_1164 = arith.index_cast %add3A_1159 : i32 to index
            %get3A_1165 = arith.index_cast %add3A_1163 : i32 to index
            %get3A_1166 = tpu.vector_load %arg8[%get3A_1164, %get3A_1165] {strides = array<i32>} : memref<64x384xf32, #tpu.memory_space<vmem>>, vector<1x16xf32>,
            %get3A_1167 = vector.shape_cast %get3A_1166 : vector<1x16xf32> to vector<16xf32>
            %slice3A_1168 = vector.extract_strided_slice %get3A_935 {offsets = [4], sizes = [1], strides = [1]} : vector<16xf32> to vector<1xf32>
            %squeeze3A_1169 = vector.extract %slice3A_1168[0] : f32 from vector<1xf32>
            %mul3A_1170 = vector.broadcast %squeeze3A_1169 : f32 to vector<16xf32>
            %mul3A_1171 = arith.mulf %mul3A_1170, %get3A_1155 : vector<16xf32>
            %add3A_1172 = arith.addf %add3A_1126, %mul3A_1171 : vector<16xf32>
            %mul3A_1173 = vector.broadcast %squeeze3A_1169 : f32 to vector<16xf32>
            %mul3A_1174 = arith.mulf %mul3A_1173, %get3A_1167 : vector<16xf32>
            %add3A_1175 = arith.addf %add3A_1129, %mul3A_1174 : vector<16xf32>
            %slice3A_1176 = vector.extract_strided_slice %get3A_942 {offsets = [4], sizes = [1], strides = [1]} : vector<16xf32> to vector<1xf32>
            %squeeze3A_1177 = vector.extract %slice3A_1176[0] : f32 from vector<1xf32>
            %mul3A_1178 = vector.broadcast %squeeze3A_1177 : f32 to vector<16xf32>
            %mul3A_1179 = arith.mulf %mul3A_1178, %get3A_1155 : vector<16xf32>
            %add3A_1180 = arith.addf %add3A_1134, %mul3A_1179 : vector<16xf32>
            %mul3A_1181 = vector.broadcast %squeeze3A_1177 : f32 to vector<16xf32>
            %mul3A_1182 = arith.mulf %mul3A_1181, %get3A_1167 : vector<16xf32>
            %add3A_1183 = arith.addf %add3A_1137, %mul3A_1182 : vector<16xf32>
            %slice3A_1184 = vector.extract_strided_slice %get3A_949 {offsets = [4], sizes = [1], strides = [1]} : vector<16xf32> to vector<1xf32>
            %squeeze3A_1185 = vector.extract %slice3A_1184[0] : f32 from vector<1xf32>
            %mul3A_1186 = vector.broadcast %squeeze3A_1185 : f32 to vector<16xf32>
            %mul3A_1187 = arith.mulf %mul3A_1186, %get3A_1155 : vector<16xf32>
            %add3A_1188 = arith.addf %add3A_1142, %mul3A_1187 : vector<16xf32>
            %mul3A_1189 = vector.broadcast %squeeze3A_1185 : f32 to vector<16xf32>
            %mul3A_1190 = arith.mulf %mul3A_1189, %get3A_1167 : vector<16xf32>
            %add3A_1191 = arith.addf %add3A_1145, %mul3A_1190 : vector<16xf32>
            %mul3A_1192 = arith.constant 16 : i32
            %mul3A_1193 = arith.muli %scan3A_107, %mul3A_1192 : i32
            %add3A_1194 = arith.constant 5 : i32
            %add3A_1195 = arith.addi %mul3A_1193, %add3A_1194 : i32
            %mul3A_1196 = arith.constant 32 : i32
            %mul3A_1197 = arith.muli %scan3A_928, %mul3A_1196 : i32
            %get3A_1198 = arith.index_cast %add3A_1195 : i32 to index
            %get3A_1199 = arith.index_cast %mul3A_1197 : i32 to index
            %get3A_1200 = tpu.vector_load %arg8[%get3A_1198, %get3A_1199] {strides = array<i32>} : memref<64x384xf32, #tpu.memory_space<vmem>>, vector<1x16xf32>,
            %get3A_1201 = vector.shape_cast %get3A_1200 : vector<1x16xf32> to vector<16xf32>
            %mul3A_1202 = arith.constant 16 : i32
            %mul3A_1203 = arith.muli %scan3A_107, %mul3A_1202 : i32
            %add3A_1204 = arith.constant 5 : i32
            %add3A_1205 = arith.addi %mul3A_1203, %add3A_1204 : i32
            %mul3A_1206 = arith.constant 32 : i32
            %mul3A_1207 = arith.muli %scan3A_928, %mul3A_1206 : i32
            %add3A_1208 = arith.constant 16 : i32
            %add3A_1209 = arith.addi %mul3A_1207, %add3A_1208 : i32
            %get3A_1210 = arith.index_cast %add3A_1205 : i32 to index
            %get3A_1211 = arith.index_cast %add3A_1209 : i32 to index
            %get3A_1212 = tpu.vector_load %arg8[%get3A_1210, %get3A_1211] {strides = array<i32>} : memref<64x384xf32, #tpu.memory_space<vmem>>, vector<1x16xf32>,
            %get3A_1213 = vector.shape_cast %get3A_1212 : vector<1x16xf32> to vector<16xf32>
            %slice3A_1214 = vector.extract_strided_slice %get3A_935 {offsets = [5], sizes = [1], strides = [1]} : vector<16xf32> to vector<1xf32>
            %squeeze3A_1215 = vector.extract %slice3A_1214[0] : f32 from vector<1xf32>
            %mul3A_1216 = vector.broadcast %squeeze3A_1215 : f32 to vector<16xf32>
            %mul3A_1217 = arith.mulf %mul3A_1216, %get3A_1201 : vector<16xf32>
            %add3A_1218 = arith.addf %add3A_1172, %mul3A_1217 : vector<16xf32>
            %mul3A_1219 = vector.broadcast %squeeze3A_1215 : f32 to vector<16xf32>
            %mul3A_1220 = arith.mulf %mul3A_1219, %get3A_1213 : vector<16xf32>
            %add3A_1221 = arith.addf %add3A_1175, %mul3A_1220 : vector<16xf32>
            %slice3A_1222 = vector.extract_strided_slice %get3A_942 {offsets = [5], sizes = [1], strides = [1]} : vector<16xf32> to vector<1xf32>
            %squeeze3A_1223 = vector.extract %slice3A_1222[0] : f32 from vector<1xf32>
            %mul3A_1224 = vector.broadcast %squeeze3A_1223 : f32 to vector<16xf32>
            %mul3A_1225 = arith.mulf %mul3A_1224, %get3A_1201 : vector<16xf32>
            %add3A_1226 = arith.addf %add3A_1180, %mul3A_1225 : vector<16xf32>
            %mul3A_1227 = vector.broadcast %squeeze3A_1223 : f32 to vector<16xf32>
            %mul3A_1228 = arith.mulf %mul3A_1227, %get3A_1213 : vector<16xf32>
            %add3A_1229 = arith.addf %add3A_1183, %mul3A_1228 : vector<16xf32>
            %slice3A_1230 = vector.extract_strided_slice %get3A_949 {offsets = [5], sizes = [1], strides = [1]} : vector<16xf32> to vector<1xf32>
            %squeeze3A_1231 = vector.extract %slice3A_1230[0] : f32 from vector<1xf32>
            %mul3A_1232 = vector.broadcast %squeeze3A_1231 : f32 to vector<16xf32>
            %mul3A_1233 = arith.mulf %mul3A_1232, %get3A_1201 : vector<16xf32>
            %add3A_1234 = arith.addf %add3A_1188, %mul3A_1233 : vector<16xf32>
            %mul3A_1235 = vector.broadcast %squeeze3A_1231 : f32 to vector<16xf32>
            %mul3A_1236 = arith.mulf %mul3A_1235, %get3A_1213 : vector<16xf32>
            %add3A_1237 = arith.addf %add3A_1191, %mul3A_1236 : vector<16xf32>
            %mul3A_1238 = arith.constant 16 : i32
            %mul3A_1239 = arith.muli %scan3A_107, %mul3A_1238 : i32
            %add3A_1240 = arith.constant 6 : i32
            %add3A_1241 = arith.addi %mul3A_1239, %add3A_1240 : i32
            %mul3A_1242 = arith.constant 32 : i32
            %mul3A_1243 = arith.muli %scan3A_928, %mul3A_1242 : i32
            %get3A_1244 = arith.index_cast %add3A_1241 : i32 to index
            %get3A_1245 = arith.index_cast %mul3A_1243 : i32 to index
            %get3A_1246 = tpu.vector_load %arg8[%get3A_1244, %get3A_1245] {strides = array<i32>} : memref<64x384xf32, #tpu.memory_space<vmem>>, vector<1x16xf32>,
            %get3A_1247 = vector.shape_cast %get3A_1246 : vector<1x16xf32> to vector<16xf32>
            %mul3A_1248 = arith.constant 16 : i32
            %mul3A_1249 = arith.muli %scan3A_107, %mul3A_1248 : i32
            %add3A_1250 = arith.constant 6 : i32
            %add3A_1251 = arith.addi %mul3A_1249, %add3A_1250 : i32
            %mul3A_1252 = arith.constant 32 : i32
            %mul3A_1253 = arith.muli %scan3A_928, %mul3A_1252 : i32
            %add3A_1254 = arith.constant 16 : i32
            %add3A_1255 = arith.addi %mul3A_1253, %add3A_1254 : i32
            %get3A_1256 = arith.index_cast %add3A_1251 : i32 to index
            %get3A_1257 = arith.index_cast %add3A_1255 : i32 to index
            %get3A_1258 = tpu.vector_load %arg8[%get3A_1256, %get3A_1257] {strides = array<i32>} : memref<64x384xf32, #tpu.memory_space<vmem>>, vector<1x16xf32>,
            %get3A_1259 = vector.shape_cast %get3A_1258 : vector<1x16xf32> to vector<16xf32>
            %slice3A_1260 = vector.extract_strided_slice %get3A_935 {offsets = [6], sizes = [1], strides = [1]} : vector<16xf32> to vector<1xf32>
            %squeeze3A_1261 = vector.extract %slice3A_1260[0] : f32 from vector<1xf32>
            %mul3A_1262 = vector.broadcast %squeeze3A_1261 : f32 to vector<16xf32>
            %mul3A_1263 = arith.mulf %mul3A_1262, %get3A_1247 : vector<16xf32>
            %add3A_1264 = arith.addf %add3A_1218, %mul3A_1263 : vector<16xf32>
            %mul3A_1265 = vector.broadcast %squeeze3A_1261 : f32 to vector<16xf32>
            %mul3A_1266 = arith.mulf %mul3A_1265, %get3A_1259 : vector<16xf32>
            %add3A_1267 = arith.addf %add3A_1221, %mul3A_1266 : vector<16xf32>
            %slice3A_1268 = vector.extract_strided_slice %get3A_942 {offsets = [6], sizes = [1], strides = [1]} : vector<16xf32> to vector<1xf32>
            %squeeze3A_1269 = vector.extract %slice3A_1268[0] : f32 from vector<1xf32>
            %mul3A_1270 = vector.broadcast %squeeze3A_1269 : f32 to vector<16xf32>
            %mul3A_1271 = arith.mulf %mul3A_1270, %get3A_1247 : vector<16xf32>
            %add3A_1272 = arith.addf %add3A_1226, %mul3A_1271 : vector<16xf32>
            %mul3A_1273 = vector.broadcast %squeeze3A_1269 : f32 to vector<16xf32>
            %mul3A_1274 = arith.mulf %mul3A_1273, %get3A_1259 : vector<16xf32>
            %add3A_1275 = arith.addf %add3A_1229, %mul3A_1274 : vector<16xf32>
            %slice3A_1276 = vector.extract_strided_slice %get3A_949 {offsets = [6], sizes = [1], strides = [1]} : vector<16xf32> to vector<1xf32>
            %squeeze3A_1277 = vector.extract %slice3A_1276[0] : f32 from vector<1xf32>
            %mul3A_1278 = vector.broadcast %squeeze3A_1277 : f32 to vector<16xf32>
            %mul3A_1279 = arith.mulf %mul3A_1278, %get3A_1247 : vector<16xf32>
            %add3A_1280 = arith.addf %add3A_1234, %mul3A_1279 : vector<16xf32>
            %mul3A_1281 = vector.broadcast %squeeze3A_1277 : f32 to vector<16xf32>
            %mul3A_1282 = arith.mulf %mul3A_1281, %get3A_1259 : vector<16xf32>
            %add3A_1283 = arith.addf %add3A_1237, %mul3A_1282 : vector<16xf32>
            %mul3A_1284 = arith.constant 16 : i32
            %mul3A_1285 = arith.muli %scan3A_107, %mul3A_1284 : i32
            %add3A_1286 = arith.constant 7 : i32
            %add3A_1287 = arith.addi %mul3A_1285, %add3A_1286 : i32
            %mul3A_1288 = arith.constant 32 : i32
            %mul3A_1289 = arith.muli %scan3A_928, %mul3A_1288 : i32
            %get3A_1290 = arith.index_cast %add3A_1287 : i32 to index
            %get3A_1291 = arith.index_cast %mul3A_1289 : i32 to index
            %get3A_1292 = tpu.vector_load %arg8[%get3A_1290, %get3A_1291] {strides = array<i32>} : memref<64x384xf32, #tpu.memory_space<vmem>>, vector<1x16xf32>,
            %get3A_1293 = vector.shape_cast %get3A_1292 : vector<1x16xf32> to vector<16xf32>
            %mul3A_1294 = arith.constant 16 : i32
            %mul3A_1295 = arith.muli %scan3A_107, %mul3A_1294 : i32
            %add3A_1296 = arith.constant 7 : i32
            %add3A_1297 = arith.addi %mul3A_1295, %add3A_1296 : i32
            %mul3A_1298 = arith.constant 32 : i32
            %mul3A_1299 = arith.muli %scan3A_928, %mul3A_1298 : i32
            %add3A_1300 = arith.constant 16 : i32
            %add3A_1301 = arith.addi %mul3A_1299, %add3A_1300 : i32
            %get3A_1302 = arith.index_cast %add3A_1297 : i32 to index
            %get3A_1303 = arith.index_cast %add3A_1301 : i32 to index
            %get3A_1304 = tpu.vector_load %arg8[%get3A_1302, %get3A_1303] {strides = array<i32>} : memref<64x384xf32, #tpu.memory_space<vmem>>, vector<1x16xf32>,
            %get3A_1305 = vector.shape_cast %get3A_1304 : vector<1x16xf32> to vector<16xf32>
            %slice3A_1306 = vector.extract_strided_slice %get3A_935 {offsets = [7], sizes = [1], strides = [1]} : vector<16xf32> to vector<1xf32>
            %squeeze3A_1307 = vector.extract %slice3A_1306[0] : f32 from vector<1xf32>
            %mul3A_1308 = vector.broadcast %squeeze3A_1307 : f32 to vector<16xf32>
            %mul3A_1309 = arith.mulf %mul3A_1308, %get3A_1293 : vector<16xf32>
            %add3A_1310 = arith.addf %add3A_1264, %mul3A_1309 : vector<16xf32>
            %mul3A_1311 = vector.broadcast %squeeze3A_1307 : f32 to vector<16xf32>
            %mul3A_1312 = arith.mulf %mul3A_1311, %get3A_1305 : vector<16xf32>
            %add3A_1313 = arith.addf %add3A_1267, %mul3A_1312 : vector<16xf32>
            %slice3A_1314 = vector.extract_strided_slice %get3A_942 {offsets = [7], sizes = [1], strides = [1]} : vector<16xf32> to vector<1xf32>
            %squeeze3A_1315 = vector.extract %slice3A_1314[0] : f32 from vector<1xf32>
            %mul3A_1316 = vector.broadcast %squeeze3A_1315 : f32 to vector<16xf32>
            %mul3A_1317 = arith.mulf %mul3A_1316, %get3A_1293 : vector<16xf32>
            %add3A_1318 = arith.addf %add3A_1272, %mul3A_1317 : vector<16xf32>
            %mul3A_1319 = vector.broadcast %squeeze3A_1315 : f32 to vector<16xf32>
            %mul3A_1320 = arith.mulf %mul3A_1319, %get3A_1305 : vector<16xf32>
            %add3A_1321 = arith.addf %add3A_1275, %mul3A_1320 : vector<16xf32>
            %slice3A_1322 = vector.extract_strided_slice %get3A_949 {offsets = [7], sizes = [1], strides = [1]} : vector<16xf32> to vector<1xf32>
            %squeeze3A_1323 = vector.extract %slice3A_1322[0] : f32 from vector<1xf32>
            %mul3A_1324 = vector.broadcast %squeeze3A_1323 : f32 to vector<16xf32>
            %mul3A_1325 = arith.mulf %mul3A_1324, %get3A_1293 : vector<16xf32>
            %add3A_1326 = arith.addf %add3A_1280, %mul3A_1325 : vector<16xf32>
            %mul3A_1327 = vector.broadcast %squeeze3A_1323 : f32 to vector<16xf32>
            %mul3A_1328 = arith.mulf %mul3A_1327, %get3A_1305 : vector<16xf32>
            %add3A_1329 = arith.addf %add3A_1283, %mul3A_1328 : vector<16xf32>
            %mul3A_1330 = arith.constant 16 : i32
            %mul3A_1331 = arith.muli %scan3A_107, %mul3A_1330 : i32
            %add3A_1332 = arith.constant 8 : i32
            %add3A_1333 = arith.addi %mul3A_1331, %add3A_1332 : i32
            %mul3A_1334 = arith.constant 32 : i32
            %mul3A_1335 = arith.muli %scan3A_928, %mul3A_1334 : i32
            %get3A_1336 = arith.index_cast %add3A_1333 : i32 to index
            %get3A_1337 = arith.index_cast %mul3A_1335 : i32 to index
            %get3A_1338 = tpu.vector_load %arg8[%get3A_1336, %get3A_1337] {strides = array<i32>} : memref<64x384xf32, #tpu.memory_space<vmem>>, vector<1x16xf32>,
            %get3A_1339 = vector.shape_cast %get3A_1338 : vector<1x16xf32> to vector<16xf32>
            %mul3A_1340 = arith.constant 16 : i32
            %mul3A_1341 = arith.muli %scan3A_107, %mul3A_1340 : i32
            %add3A_1342 = arith.constant 8 : i32
            %add3A_1343 = arith.addi %mul3A_1341, %add3A_1342 : i32
            %mul3A_1344 = arith.constant 32 : i32
            %mul3A_1345 = arith.muli %scan3A_928, %mul3A_1344 : i32
            %add3A_1346 = arith.constant 16 : i32
            %add3A_1347 = arith.addi %mul3A_1345, %add3A_1346 : i32
            %get3A_1348 = arith.index_cast %add3A_1343 : i32 to index
            %get3A_1349 = arith.index_cast %add3A_1347 : i32 to index
            %get3A_1350 = tpu.vector_load %arg8[%get3A_1348, %get3A_1349] {strides = array<i32>} : memref<64x384xf32, #tpu.memory_space<vmem>>, vector<1x16xf32>,
            %get3A_1351 = vector.shape_cast %get3A_1350 : vector<1x16xf32> to vector<16xf32>
            %slice3A_1352 = vector.extract_strided_slice %get3A_935 {offsets = [8], sizes = [1], strides = [1]} : vector<16xf32> to vector<1xf32>
            %squeeze3A_1353 = vector.extract %slice3A_1352[0] : f32 from vector<1xf32>
            %mul3A_1354 = vector.broadcast %squeeze3A_1353 : f32 to vector<16xf32>
            %mul3A_1355 = arith.mulf %mul3A_1354, %get3A_1339 : vector<16xf32>
            %add3A_1356 = arith.addf %add3A_1310, %mul3A_1355 : vector<16xf32>
            %mul3A_1357 = vector.broadcast %squeeze3A_1353 : f32 to vector<16xf32>
            %mul3A_1358 = arith.mulf %mul3A_1357, %get3A_1351 : vector<16xf32>
            %add3A_1359 = arith.addf %add3A_1313, %mul3A_1358 : vector<16xf32>
            %slice3A_1360 = vector.extract_strided_slice %get3A_942 {offsets = [8], sizes = [1], strides = [1]} : vector<16xf32> to vector<1xf32>
            %squeeze3A_1361 = vector.extract %slice3A_1360[0] : f32 from vector<1xf32>
            %mul3A_1362 = vector.broadcast %squeeze3A_1361 : f32 to vector<16xf32>
            %mul3A_1363 = arith.mulf %mul3A_1362, %get3A_1339 : vector<16xf32>
            %add3A_1364 = arith.addf %add3A_1318, %mul3A_1363 : vector<16xf32>
            %mul3A_1365 = vector.broadcast %squeeze3A_1361 : f32 to vector<16xf32>
            %mul3A_1366 = arith.mulf %mul3A_1365, %get3A_1351 : vector<16xf32>
            %add3A_1367 = arith.addf %add3A_1321, %mul3A_1366 : vector<16xf32>
            %slice3A_1368 = vector.extract_strided_slice %get3A_949 {offsets = [8], sizes = [1], strides = [1]} : vector<16xf32> to vector<1xf32>
            %squeeze3A_1369 = vector.extract %slice3A_1368[0] : f32 from vector<1xf32>
            %mul3A_1370 = vector.broadcast %squeeze3A_1369 : f32 to vector<16xf32>
            %mul3A_1371 = arith.mulf %mul3A_1370, %get3A_1339 : vector<16xf32>
            %add3A_1372 = arith.addf %add3A_1326, %mul3A_1371 : vector<16xf32>
            %mul3A_1373 = vector.broadcast %squeeze3A_1369 : f32 to vector<16xf32>
            %mul3A_1374 = arith.mulf %mul3A_1373, %get3A_1351 : vector<16xf32>
            %add3A_1375 = arith.addf %add3A_1329, %mul3A_1374 : vector<16xf32>
            %mul3A_1376 = arith.constant 16 : i32
            %mul3A_1377 = arith.muli %scan3A_107, %mul3A_1376 : i32
            %add3A_1378 = arith.constant 9 : i32
            %add3A_1379 = arith.addi %mul3A_1377, %add3A_1378 : i32
            %mul3A_1380 = arith.constant 32 : i32
            %mul3A_1381 = arith.muli %scan3A_928, %mul3A_1380 : i32
            %get3A_1382 = arith.index_cast %add3A_1379 : i32 to index
            %get3A_1383 = arith.index_cast %mul3A_1381 : i32 to index
            %get3A_1384 = tpu.vector_load %arg8[%get3A_1382, %get3A_1383] {strides = array<i32>} : memref<64x384xf32, #tpu.memory_space<vmem>>, vector<1x16xf32>,
            %get3A_1385 = vector.shape_cast %get3A_1384 : vector<1x16xf32> to vector<16xf32>
            %mul3A_1386 = arith.constant 16 : i32
            %mul3A_1387 = arith.muli %scan3A_107, %mul3A_1386 : i32
            %add3A_1388 = arith.constant 9 : i32
            %add3A_1389 = arith.addi %mul3A_1387, %add3A_1388 : i32
            %mul3A_1390 = arith.constant 32 : i32
            %mul3A_1391 = arith.muli %scan3A_928, %mul3A_1390 : i32
            %add3A_1392 = arith.constant 16 : i32
            %add3A_1393 = arith.addi %mul3A_1391, %add3A_1392 : i32
            %get3A_1394 = arith.index_cast %add3A_1389 : i32 to index
            %get3A_1395 = arith.index_cast %add3A_1393 : i32 to index
            %get3A_1396 = tpu.vector_load %arg8[%get3A_1394, %get3A_1395] {strides = array<i32>} : memref<64x384xf32, #tpu.memory_space<vmem>>, vector<1x16xf32>,
            %get3A_1397 = vector.shape_cast %get3A_1396 : vector<1x16xf32> to vector<16xf32>
            %slice3A_1398 = vector.extract_strided_slice %get3A_935 {offsets = [9], sizes = [1], strides = [1]} : vector<16xf32> to vector<1xf32>
            %squeeze3A_1399 = vector.extract %slice3A_1398[0] : f32 from vector<1xf32>
            %mul3A_1400 = vector.broadcast %squeeze3A_1399 : f32 to vector<16xf32>
            %mul3A_1401 = arith.mulf %mul3A_1400, %get3A_1385 : vector<16xf32>
            %add3A_1402 = arith.addf %add3A_1356, %mul3A_1401 : vector<16xf32>
            %mul3A_1403 = vector.broadcast %squeeze3A_1399 : f32 to vector<16xf32>
            %mul3A_1404 = arith.mulf %mul3A_1403, %get3A_1397 : vector<16xf32>
            %add3A_1405 = arith.addf %add3A_1359, %mul3A_1404 : vector<16xf32>
            %slice3A_1406 = vector.extract_strided_slice %get3A_942 {offsets = [9], sizes = [1], strides = [1]} : vector<16xf32> to vector<1xf32>
            %squeeze3A_1407 = vector.extract %slice3A_1406[0] : f32 from vector<1xf32>
            %mul3A_1408 = vector.broadcast %squeeze3A_1407 : f32 to vector<16xf32>
            %mul3A_1409 = arith.mulf %mul3A_1408, %get3A_1385 : vector<16xf32>
            %add3A_1410 = arith.addf %add3A_1364, %mul3A_1409 : vector<16xf32>
            %mul3A_1411 = vector.broadcast %squeeze3A_1407 : f32 to vector<16xf32>
            %mul3A_1412 = arith.mulf %mul3A_1411, %get3A_1397 : vector<16xf32>
            %add3A_1413 = arith.addf %add3A_1367, %mul3A_1412 : vector<16xf32>
            %slice3A_1414 = vector.extract_strided_slice %get3A_949 {offsets = [9], sizes = [1], strides = [1]} : vector<16xf32> to vector<1xf32>
            %squeeze3A_1415 = vector.extract %slice3A_1414[0] : f32 from vector<1xf32>
            %mul3A_1416 = vector.broadcast %squeeze3A_1415 : f32 to vector<16xf32>
            %mul3A_1417 = arith.mulf %mul3A_1416, %get3A_1385 : vector<16xf32>
            %add3A_1418 = arith.addf %add3A_1372, %mul3A_1417 : vector<16xf32>
            %mul3A_1419 = vector.broadcast %squeeze3A_1415 : f32 to vector<16xf32>
            %mul3A_1420 = arith.mulf %mul3A_1419, %get3A_1397 : vector<16xf32>
            %add3A_1421 = arith.addf %add3A_1375, %mul3A_1420 : vector<16xf32>
            %mul3A_1422 = arith.constant 16 : i32
            %mul3A_1423 = arith.muli %scan3A_107, %mul3A_1422 : i32
            %add3A_1424 = arith.constant 10 : i32
            %add3A_1425 = arith.addi %mul3A_1423, %add3A_1424 : i32
            %mul3A_1426 = arith.constant 32 : i32
            %mul3A_1427 = arith.muli %scan3A_928, %mul3A_1426 : i32
            %get3A_1428 = arith.index_cast %add3A_1425 : i32 to index
            %get3A_1429 = arith.index_cast %mul3A_1427 : i32 to index
            %get3A_1430 = tpu.vector_load %arg8[%get3A_1428, %get3A_1429] {strides = array<i32>} : memref<64x384xf32, #tpu.memory_space<vmem>>, vector<1x16xf32>,
            %get3A_1431 = vector.shape_cast %get3A_1430 : vector<1x16xf32> to vector<16xf32>
            %mul3A_1432 = arith.constant 16 : i32
            %mul3A_1433 = arith.muli %scan3A_107, %mul3A_1432 : i32
            %add3A_1434 = arith.constant 10 : i32
            %add3A_1435 = arith.addi %mul3A_1433, %add3A_1434 : i32
            %mul3A_1436 = arith.constant 32 : i32
            %mul3A_1437 = arith.muli %scan3A_928, %mul3A_1436 : i32
            %add3A_1438 = arith.constant 16 : i32
            %add3A_1439 = arith.addi %mul3A_1437, %add3A_1438 : i32
            %get3A_1440 = arith.index_cast %add3A_1435 : i32 to index
            %get3A_1441 = arith.index_cast %add3A_1439 : i32 to index
            %get3A_1442 = tpu.vector_load %arg8[%get3A_1440, %get3A_1441] {strides = array<i32>} : memref<64x384xf32, #tpu.memory_space<vmem>>, vector<1x16xf32>,
            %get3A_1443 = vector.shape_cast %get3A_1442 : vector<1x16xf32> to vector<16xf32>
            %slice3A_1444 = vector.extract_strided_slice %get3A_935 {offsets = [10], sizes = [1], strides = [1]} : vector<16xf32> to vector<1xf32>
            %squeeze3A_1445 = vector.extract %slice3A_1444[0] : f32 from vector<1xf32>
            %mul3A_1446 = vector.broadcast %squeeze3A_1445 : f32 to vector<16xf32>
            %mul3A_1447 = arith.mulf %mul3A_1446, %get3A_1431 : vector<16xf32>
            %add3A_1448 = arith.addf %add3A_1402, %mul3A_1447 : vector<16xf32>
            %mul3A_1449 = vector.broadcast %squeeze3A_1445 : f32 to vector<16xf32>
            %mul3A_1450 = arith.mulf %mul3A_1449, %get3A_1443 : vector<16xf32>
            %add3A_1451 = arith.addf %add3A_1405, %mul3A_1450 : vector<16xf32>
            %slice3A_1452 = vector.extract_strided_slice %get3A_942 {offsets = [10], sizes = [1], strides = [1]} : vector<16xf32> to vector<1xf32>
            %squeeze3A_1453 = vector.extract %slice3A_1452[0] : f32 from vector<1xf32>
            %mul3A_1454 = vector.broadcast %squeeze3A_1453 : f32 to vector<16xf32>
            %mul3A_1455 = arith.mulf %mul3A_1454, %get3A_1431 : vector<16xf32>
            %add3A_1456 = arith.addf %add3A_1410, %mul3A_1455 : vector<16xf32>
            %mul3A_1457 = vector.broadcast %squeeze3A_1453 : f32 to vector<16xf32>
            %mul3A_1458 = arith.mulf %mul3A_1457, %get3A_1443 : vector<16xf32>
            %add3A_1459 = arith.addf %add3A_1413, %mul3A_1458 : vector<16xf32>
            %slice3A_1460 = vector.extract_strided_slice %get3A_949 {offsets = [10], sizes = [1], strides = [1]} : vector<16xf32> to vector<1xf32>
            %squeeze3A_1461 = vector.extract %slice3A_1460[0] : f32 from vector<1xf32>
            %mul3A_1462 = vector.broadcast %squeeze3A_1461 : f32 to vector<16xf32>
            %mul3A_1463 = arith.mulf %mul3A_1462, %get3A_1431 : vector<16xf32>
            %add3A_1464 = arith.addf %add3A_1418, %mul3A_1463 : vector<16xf32>
            %mul3A_1465 = vector.broadcast %squeeze3A_1461 : f32 to vector<16xf32>
            %mul3A_1466 = arith.mulf %mul3A_1465, %get3A_1443 : vector<16xf32>
            %add3A_1467 = arith.addf %add3A_1421, %mul3A_1466 : vector<16xf32>
            %mul3A_1468 = arith.constant 16 : i32
            %mul3A_1469 = arith.muli %scan3A_107, %mul3A_1468 : i32
            %add3A_1470 = arith.constant 11 : i32
            %add3A_1471 = arith.addi %mul3A_1469, %add3A_1470 : i32
            %mul3A_1472 = arith.constant 32 : i32
            %mul3A_1473 = arith.muli %scan3A_928, %mul3A_1472 : i32
            %get3A_1474 = arith.index_cast %add3A_1471 : i32 to index
            %get3A_1475 = arith.index_cast %mul3A_1473 : i32 to index
            %get3A_1476 = tpu.vector_load %arg8[%get3A_1474, %get3A_1475] {strides = array<i32>} : memref<64x384xf32, #tpu.memory_space<vmem>>, vector<1x16xf32>,
            %get3A_1477 = vector.shape_cast %get3A_1476 : vector<1x16xf32> to vector<16xf32>
            %mul3A_1478 = arith.constant 16 : i32
            %mul3A_1479 = arith.muli %scan3A_107, %mul3A_1478 : i32
            %add3A_1480 = arith.constant 11 : i32
            %add3A_1481 = arith.addi %mul3A_1479, %add3A_1480 : i32
            %mul3A_1482 = arith.constant 32 : i32
            %mul3A_1483 = arith.muli %scan3A_928, %mul3A_1482 : i32
            %add3A_1484 = arith.constant 16 : i32
            %add3A_1485 = arith.addi %mul3A_1483, %add3A_1484 : i32
            %get3A_1486 = arith.index_cast %add3A_1481 : i32 to index
            %get3A_1487 = arith.index_cast %add3A_1485 : i32 to index
            %get3A_1488 = tpu.vector_load %arg8[%get3A_1486, %get3A_1487] {strides = array<i32>} : memref<64x384xf32, #tpu.memory_space<vmem>>, vector<1x16xf32>,
            %get3A_1489 = vector.shape_cast %get3A_1488 : vector<1x16xf32> to vector<16xf32>
            %slice3A_1490 = vector.extract_strided_slice %get3A_935 {offsets = [11], sizes = [1], strides = [1]} : vector<16xf32> to vector<1xf32>
            %squeeze3A_1491 = vector.extract %slice3A_1490[0] : f32 from vector<1xf32>
            %mul3A_1492 = vector.broadcast %squeeze3A_1491 : f32 to vector<16xf32>
            %mul3A_1493 = arith.mulf %mul3A_1492, %get3A_1477 : vector<16xf32>
            %add3A_1494 = arith.addf %add3A_1448, %mul3A_1493 : vector<16xf32>
            %mul3A_1495 = vector.broadcast %squeeze3A_1491 : f32 to vector<16xf32>
            %mul3A_1496 = arith.mulf %mul3A_1495, %get3A_1489 : vector<16xf32>
            %add3A_1497 = arith.addf %add3A_1451, %mul3A_1496 : vector<16xf32>
            %slice3A_1498 = vector.extract_strided_slice %get3A_942 {offsets = [11], sizes = [1], strides = [1]} : vector<16xf32> to vector<1xf32>
            %squeeze3A_1499 = vector.extract %slice3A_1498[0] : f32 from vector<1xf32>
            %mul3A_1500 = vector.broadcast %squeeze3A_1499 : f32 to vector<16xf32>
            %mul3A_1501 = arith.mulf %mul3A_1500, %get3A_1477 : vector<16xf32>
            %add3A_1502 = arith.addf %add3A_1456, %mul3A_1501 : vector<16xf32>
            %mul3A_1503 = vector.broadcast %squeeze3A_1499 : f32 to vector<16xf32>
            %mul3A_1504 = arith.mulf %mul3A_1503, %get3A_1489 : vector<16xf32>
            %add3A_1505 = arith.addf %add3A_1459, %mul3A_1504 : vector<16xf32>
            %slice3A_1506 = vector.extract_strided_slice %get3A_949 {offsets = [11], sizes = [1], strides = [1]} : vector<16xf32> to vector<1xf32>
            %squeeze3A_1507 = vector.extract %slice3A_1506[0] : f32 from vector<1xf32>
            %mul3A_1508 = vector.broadcast %squeeze3A_1507 : f32 to vector<16xf32>
            %mul3A_1509 = arith.mulf %mul3A_1508, %get3A_1477 : vector<16xf32>
            %add3A_1510 = arith.addf %add3A_1464, %mul3A_1509 : vector<16xf32>
            %mul3A_1511 = vector.broadcast %squeeze3A_1507 : f32 to vector<16xf32>
            %mul3A_1512 = arith.mulf %mul3A_1511, %get3A_1489 : vector<16xf32>
            %add3A_1513 = arith.addf %add3A_1467, %mul3A_1512 : vector<16xf32>
            %mul3A_1514 = arith.constant 16 : i32
            %mul3A_1515 = arith.muli %scan3A_107, %mul3A_1514 : i32
            %add3A_1516 = arith.constant 12 : i32
            %add3A_1517 = arith.addi %mul3A_1515, %add3A_1516 : i32
            %mul3A_1518 = arith.constant 32 : i32
            %mul3A_1519 = arith.muli %scan3A_928, %mul3A_1518 : i32
            %get3A_1520 = arith.index_cast %add3A_1517 : i32 to index
            %get3A_1521 = arith.index_cast %mul3A_1519 : i32 to index
            %get3A_1522 = tpu.vector_load %arg8[%get3A_1520, %get3A_1521] {strides = array<i32>} : memref<64x384xf32, #tpu.memory_space<vmem>>, vector<1x16xf32>,
            %get3A_1523 = vector.shape_cast %get3A_1522 : vector<1x16xf32> to vector<16xf32>
            %mul3A_1524 = arith.constant 16 : i32
            %mul3A_1525 = arith.muli %scan3A_107, %mul3A_1524 : i32
            %add3A_1526 = arith.constant 12 : i32
            %add3A_1527 = arith.addi %mul3A_1525, %add3A_1526 : i32
            %mul3A_1528 = arith.constant 32 : i32
            %mul3A_1529 = arith.muli %scan3A_928, %mul3A_1528 : i32
            %add3A_1530 = arith.constant 16 : i32
            %add3A_1531 = arith.addi %mul3A_1529, %add3A_1530 : i32
            %get3A_1532 = arith.index_cast %add3A_1527 : i32 to index
            %get3A_1533 = arith.index_cast %add3A_1531 : i32 to index
            %get3A_1534 = tpu.vector_load %arg8[%get3A_1532, %get3A_1533] {strides = array<i32>} : memref<64x384xf32, #tpu.memory_space<vmem>>, vector<1x16xf32>,
            %get3A_1535 = vector.shape_cast %get3A_1534 : vector<1x16xf32> to vector<16xf32>
            %slice3A_1536 = vector.extract_strided_slice %get3A_935 {offsets = [12], sizes = [1], strides = [1]} : vector<16xf32> to vector<1xf32>
            %squeeze3A_1537 = vector.extract %slice3A_1536[0] : f32 from vector<1xf32>
            %mul3A_1538 = vector.broadcast %squeeze3A_1537 : f32 to vector<16xf32>
            %mul3A_1539 = arith.mulf %mul3A_1538, %get3A_1523 : vector<16xf32>
            %add3A_1540 = arith.addf %add3A_1494, %mul3A_1539 : vector<16xf32>
            %mul3A_1541 = vector.broadcast %squeeze3A_1537 : f32 to vector<16xf32>
            %mul3A_1542 = arith.mulf %mul3A_1541, %get3A_1535 : vector<16xf32>
            %add3A_1543 = arith.addf %add3A_1497, %mul3A_1542 : vector<16xf32>
            %slice3A_1544 = vector.extract_strided_slice %get3A_942 {offsets = [12], sizes = [1], strides = [1]} : vector<16xf32> to vector<1xf32>
            %squeeze3A_1545 = vector.extract %slice3A_1544[0] : f32 from vector<1xf32>
            %mul3A_1546 = vector.broadcast %squeeze3A_1545 : f32 to vector<16xf32>
            %mul3A_1547 = arith.mulf %mul3A_1546, %get3A_1523 : vector<16xf32>
            %add3A_1548 = arith.addf %add3A_1502, %mul3A_1547 : vector<16xf32>
            %mul3A_1549 = vector.broadcast %squeeze3A_1545 : f32 to vector<16xf32>
            %mul3A_1550 = arith.mulf %mul3A_1549, %get3A_1535 : vector<16xf32>
            %add3A_1551 = arith.addf %add3A_1505, %mul3A_1550 : vector<16xf32>
            %slice3A_1552 = vector.extract_strided_slice %get3A_949 {offsets = [12], sizes = [1], strides = [1]} : vector<16xf32> to vector<1xf32>
            %squeeze3A_1553 = vector.extract %slice3A_1552[0] : f32 from vector<1xf32>
            %mul3A_1554 = vector.broadcast %squeeze3A_1553 : f32 to vector<16xf32>
            %mul3A_1555 = arith.mulf %mul3A_1554, %get3A_1523 : vector<16xf32>
            %add3A_1556 = arith.addf %add3A_1510, %mul3A_1555 : vector<16xf32>
            %mul3A_1557 = vector.broadcast %squeeze3A_1553 : f32 to vector<16xf32>
            %mul3A_1558 = arith.mulf %mul3A_1557, %get3A_1535 : vector<16xf32>
            %add3A_1559 = arith.addf %add3A_1513, %mul3A_1558 : vector<16xf32>
            %mul3A_1560 = arith.constant 16 : i32
            %mul3A_1561 = arith.muli %scan3A_107, %mul3A_1560 : i32
            %add3A_1562 = arith.constant 13 : i32
            %add3A_1563 = arith.addi %mul3A_1561, %add3A_1562 : i32
            %mul3A_1564 = arith.constant 32 : i32
            %mul3A_1565 = arith.muli %scan3A_928, %mul3A_1564 : i32
            %get3A_1566 = arith.index_cast %add3A_1563 : i32 to index
            %get3A_1567 = arith.index_cast %mul3A_1565 : i32 to index
            %get3A_1568 = tpu.vector_load %arg8[%get3A_1566, %get3A_1567] {strides = array<i32>} : memref<64x384xf32, #tpu.memory_space<vmem>>, vector<1x16xf32>,
            %get3A_1569 = vector.shape_cast %get3A_1568 : vector<1x16xf32> to vector<16xf32>
            %mul3A_1570 = arith.constant 16 : i32
            %mul3A_1571 = arith.muli %scan3A_107, %mul3A_1570 : i32
            %add3A_1572 = arith.constant 13 : i32
            %add3A_1573 = arith.addi %mul3A_1571, %add3A_1572 : i32
            %mul3A_1574 = arith.constant 32 : i32
            %mul3A_1575 = arith.muli %scan3A_928, %mul3A_1574 : i32
            %add3A_1576 = arith.constant 16 : i32
            %add3A_1577 = arith.addi %mul3A_1575, %add3A_1576 : i32
            %get3A_1578 = arith.index_cast %add3A_1573 : i32 to index
            %get3A_1579 = arith.index_cast %add3A_1577 : i32 to index
            %get3A_1580 = tpu.vector_load %arg8[%get3A_1578, %get3A_1579] {strides = array<i32>} : memref<64x384xf32, #tpu.memory_space<vmem>>, vector<1x16xf32>,
            %get3A_1581 = vector.shape_cast %get3A_1580 : vector<1x16xf32> to vector<16xf32>
            %slice3A_1582 = vector.extract_strided_slice %get3A_935 {offsets = [13], sizes = [1], strides = [1]} : vector<16xf32> to vector<1xf32>
            %squeeze3A_1583 = vector.extract %slice3A_1582[0] : f32 from vector<1xf32>
            %mul3A_1584 = vector.broadcast %squeeze3A_1583 : f32 to vector<16xf32>
            %mul3A_1585 = arith.mulf %mul3A_1584, %get3A_1569 : vector<16xf32>
            %add3A_1586 = arith.addf %add3A_1540, %mul3A_1585 : vector<16xf32>
            %mul3A_1587 = vector.broadcast %squeeze3A_1583 : f32 to vector<16xf32>
            %mul3A_1588 = arith.mulf %mul3A_1587, %get3A_1581 : vector<16xf32>
            %add3A_1589 = arith.addf %add3A_1543, %mul3A_1588 : vector<16xf32>
            %slice3A_1590 = vector.extract_strided_slice %get3A_942 {offsets = [13], sizes = [1], strides = [1]} : vector<16xf32> to vector<1xf32>
            %squeeze3A_1591 = vector.extract %slice3A_1590[0] : f32 from vector<1xf32>
            %mul3A_1592 = vector.broadcast %squeeze3A_1591 : f32 to vector<16xf32>
            %mul3A_1593 = arith.mulf %mul3A_1592, %get3A_1569 : vector<16xf32>
            %add3A_1594 = arith.addf %add3A_1548, %mul3A_1593 : vector<16xf32>
            %mul3A_1595 = vector.broadcast %squeeze3A_1591 : f32 to vector<16xf32>
            %mul3A_1596 = arith.mulf %mul3A_1595, %get3A_1581 : vector<16xf32>
            %add3A_1597 = arith.addf %add3A_1551, %mul3A_1596 : vector<16xf32>
            %slice3A_1598 = vector.extract_strided_slice %get3A_949 {offsets = [13], sizes = [1], strides = [1]} : vector<16xf32> to vector<1xf32>
            %squeeze3A_1599 = vector.extract %slice3A_1598[0] : f32 from vector<1xf32>
            %mul3A_1600 = vector.broadcast %squeeze3A_1599 : f32 to vector<16xf32>
            %mul3A_1601 = arith.mulf %mul3A_1600, %get3A_1569 : vector<16xf32>
            %add3A_1602 = arith.addf %add3A_1556, %mul3A_1601 : vector<16xf32>
            %mul3A_1603 = vector.broadcast %squeeze3A_1599 : f32 to vector<16xf32>
            %mul3A_1604 = arith.mulf %mul3A_1603, %get3A_1581 : vector<16xf32>
            %add3A_1605 = arith.addf %add3A_1559, %mul3A_1604 : vector<16xf32>
            %mul3A_1606 = arith.constant 16 : i32
            %mul3A_1607 = arith.muli %scan3A_107, %mul3A_1606 : i32
            %add3A_1608 = arith.constant 14 : i32
            %add3A_1609 = arith.addi %mul3A_1607, %add3A_1608 : i32
            %mul3A_1610 = arith.constant 32 : i32
            %mul3A_1611 = arith.muli %scan3A_928, %mul3A_1610 : i32
            %get3A_1612 = arith.index_cast %add3A_1609 : i32 to index
            %get3A_1613 = arith.index_cast %mul3A_1611 : i32 to index
            %get3A_1614 = tpu.vector_load %arg8[%get3A_1612, %get3A_1613] {strides = array<i32>} : memref<64x384xf32, #tpu.memory_space<vmem>>, vector<1x16xf32>,
            %get3A_1615 = vector.shape_cast %get3A_1614 : vector<1x16xf32> to vector<16xf32>
            %mul3A_1616 = arith.constant 16 : i32
            %mul3A_1617 = arith.muli %scan3A_107, %mul3A_1616 : i32
            %add3A_1618 = arith.constant 14 : i32
            %add3A_1619 = arith.addi %mul3A_1617, %add3A_1618 : i32
            %mul3A_1620 = arith.constant 32 : i32
            %mul3A_1621 = arith.muli %scan3A_928, %mul3A_1620 : i32
            %add3A_1622 = arith.constant 16 : i32
            %add3A_1623 = arith.addi %mul3A_1621, %add3A_1622 : i32
            %get3A_1624 = arith.index_cast %add3A_1619 : i32 to index
            %get3A_1625 = arith.index_cast %add3A_1623 : i32 to index
            %get3A_1626 = tpu.vector_load %arg8[%get3A_1624, %get3A_1625] {strides = array<i32>} : memref<64x384xf32, #tpu.memory_space<vmem>>, vector<1x16xf32>,
            %get3A_1627 = vector.shape_cast %get3A_1626 : vector<1x16xf32> to vector<16xf32>
            %slice3A_1628 = vector.extract_strided_slice %get3A_935 {offsets = [14], sizes = [1], strides = [1]} : vector<16xf32> to vector<1xf32>
            %squeeze3A_1629 = vector.extract %slice3A_1628[0] : f32 from vector<1xf32>
            %mul3A_1630 = vector.broadcast %squeeze3A_1629 : f32 to vector<16xf32>
            %mul3A_1631 = arith.mulf %mul3A_1630, %get3A_1615 : vector<16xf32>
            %add3A_1632 = arith.addf %add3A_1586, %mul3A_1631 : vector<16xf32>
            %mul3A_1633 = vector.broadcast %squeeze3A_1629 : f32 to vector<16xf32>
            %mul3A_1634 = arith.mulf %mul3A_1633, %get3A_1627 : vector<16xf32>
            %add3A_1635 = arith.addf %add3A_1589, %mul3A_1634 : vector<16xf32>
            %slice3A_1636 = vector.extract_strided_slice %get3A_942 {offsets = [14], sizes = [1], strides = [1]} : vector<16xf32> to vector<1xf32>
            %squeeze3A_1637 = vector.extract %slice3A_1636[0] : f32 from vector<1xf32>
            %mul3A_1638 = vector.broadcast %squeeze3A_1637 : f32 to vector<16xf32>
            %mul3A_1639 = arith.mulf %mul3A_1638, %get3A_1615 : vector<16xf32>
            %add3A_1640 = arith.addf %add3A_1594, %mul3A_1639 : vector<16xf32>
            %mul3A_1641 = vector.broadcast %squeeze3A_1637 : f32 to vector<16xf32>
            %mul3A_1642 = arith.mulf %mul3A_1641, %get3A_1627 : vector<16xf32>
            %add3A_1643 = arith.addf %add3A_1597, %mul3A_1642 : vector<16xf32>
            %slice3A_1644 = vector.extract_strided_slice %get3A_949 {offsets = [14], sizes = [1], strides = [1]} : vector<16xf32> to vector<1xf32>
            %squeeze3A_1645 = vector.extract %slice3A_1644[0] : f32 from vector<1xf32>
            %mul3A_1646 = vector.broadcast %squeeze3A_1645 : f32 to vector<16xf32>
            %mul3A_1647 = arith.mulf %mul3A_1646, %get3A_1615 : vector<16xf32>
            %add3A_1648 = arith.addf %add3A_1602, %mul3A_1647 : vector<16xf32>
            %mul3A_1649 = vector.broadcast %squeeze3A_1645 : f32 to vector<16xf32>
            %mul3A_1650 = arith.mulf %mul3A_1649, %get3A_1627 : vector<16xf32>
            %add3A_1651 = arith.addf %add3A_1605, %mul3A_1650 : vector<16xf32>
            %mul3A_1652 = arith.constant 16 : i32
            %mul3A_1653 = arith.muli %scan3A_107, %mul3A_1652 : i32
            %add3A_1654 = arith.constant 15 : i32
            %add3A_1655 = arith.addi %mul3A_1653, %add3A_1654 : i32
            %mul3A_1656 = arith.constant 32 : i32
            %mul3A_1657 = arith.muli %scan3A_928, %mul3A_1656 : i32
            %get3A_1658 = arith.index_cast %add3A_1655 : i32 to index
            %get3A_1659 = arith.index_cast %mul3A_1657 : i32 to index
            %get3A_1660 = tpu.vector_load %arg8[%get3A_1658, %get3A_1659] {strides = array<i32>} : memref<64x384xf32, #tpu.memory_space<vmem>>, vector<1x16xf32>,
            %get3A_1661 = vector.shape_cast %get3A_1660 : vector<1x16xf32> to vector<16xf32>
            %mul3A_1662 = arith.constant 16 : i32
            %mul3A_1663 = arith.muli %scan3A_107, %mul3A_1662 : i32
            %add3A_1664 = arith.constant 15 : i32
            %add3A_1665 = arith.addi %mul3A_1663, %add3A_1664 : i32
            %mul3A_1666 = arith.constant 32 : i32
            %mul3A_1667 = arith.muli %scan3A_928, %mul3A_1666 : i32
            %add3A_1668 = arith.constant 16 : i32
            %add3A_1669 = arith.addi %mul3A_1667, %add3A_1668 : i32
            %get3A_1670 = arith.index_cast %add3A_1665 : i32 to index
            %get3A_1671 = arith.index_cast %add3A_1669 : i32 to index
            %get3A_1672 = tpu.vector_load %arg8[%get3A_1670, %get3A_1671] {strides = array<i32>} : memref<64x384xf32, #tpu.memory_space<vmem>>, vector<1x16xf32>,
            %get3A_1673 = vector.shape_cast %get3A_1672 : vector<1x16xf32> to vector<16xf32>
            %slice3A_1674 = vector.extract_strided_slice %get3A_935 {offsets = [15], sizes = [1], strides = [1]} : vector<16xf32> to vector<1xf32>
            %squeeze3A_1675 = vector.extract %slice3A_1674[0] : f32 from vector<1xf32>
            %mul3A_1676 = vector.broadcast %squeeze3A_1675 : f32 to vector<16xf32>
            %mul3A_1677 = arith.mulf %mul3A_1676, %get3A_1661 : vector<16xf32>
            %add3A_1678 = arith.addf %add3A_1632, %mul3A_1677 : vector<16xf32>
            %mul3A_1679 = vector.broadcast %squeeze3A_1675 : f32 to vector<16xf32>
            %mul3A_1680 = arith.mulf %mul3A_1679, %get3A_1673 : vector<16xf32>
            %add3A_1681 = arith.addf %add3A_1635, %mul3A_1680 : vector<16xf32>
            %slice3A_1682 = vector.extract_strided_slice %get3A_942 {offsets = [15], sizes = [1], strides = [1]} : vector<16xf32> to vector<1xf32>
            %squeeze3A_1683 = vector.extract %slice3A_1682[0] : f32 from vector<1xf32>
            %mul3A_1684 = vector.broadcast %squeeze3A_1683 : f32 to vector<16xf32>
            %mul3A_1685 = arith.mulf %mul3A_1684, %get3A_1661 : vector<16xf32>
            %add3A_1686 = arith.addf %add3A_1640, %mul3A_1685 : vector<16xf32>
            %mul3A_1687 = vector.broadcast %squeeze3A_1683 : f32 to vector<16xf32>
            %mul3A_1688 = arith.mulf %mul3A_1687, %get3A_1673 : vector<16xf32>
            %add3A_1689 = arith.addf %add3A_1643, %mul3A_1688 : vector<16xf32>
            %slice3A_1690 = vector.extract_strided_slice %get3A_949 {offsets = [15], sizes = [1], strides = [1]} : vector<16xf32> to vector<1xf32>
            %squeeze3A_1691 = vector.extract %slice3A_1690[0] : f32 from vector<1xf32>
            %mul3A_1692 = vector.broadcast %squeeze3A_1691 : f32 to vector<16xf32>
            %mul3A_1693 = arith.mulf %mul3A_1692, %get3A_1661 : vector<16xf32>
            %add3A_1694 = arith.addf %add3A_1648, %mul3A_1693 : vector<16xf32>
            %mul3A_1695 = vector.broadcast %squeeze3A_1691 : f32 to vector<16xf32>
            %mul3A_1696 = arith.mulf %mul3A_1695, %get3A_1673 : vector<16xf32>
            %add3A_1697 = arith.addf %add3A_1651, %mul3A_1696 : vector<16xf32>
            %mul3A_1698 = arith.constant 12 : i32
            %mul3A_1699 = arith.muli %scan3A_107, %mul3A_1698 : i32
            %add3A_1700 = arith.addi %mul3A_1699, %scan3A_928 : i32
            %swap3A_1701 = arith.index_cast %add3A_1700 : i32 to index
            %swap3A_1702 = arith.constant 0 : index
            %swap3A_1703 = tpu.vector_load %arg12[%swap3A_1701, %swap3A_1702] {strides = array<i32>} : memref<48x128xf32, #tpu.memory_space<vmem>>, vector<1x16xf32>,
            %swap3A_1704 = vector.shape_cast %swap3A_1703 : vector<1x16xf32> to vector<16xf32>
            %swap3A_1705 = vector.shape_cast %add3A_1678 : vector<16xf32> to vector<1x16xf32>
            tpu.vector_store %arg12[%swap3A_1701, %swap3A_1702], %swap3A_1705 {strides = array<i32>} : memref<48x128xf32, #tpu.memory_space<vmem>>, vector<1x16xf32>,
            %mul3A_1706 = arith.constant 12 : i32
            %mul3A_1707 = arith.muli %scan3A_107, %mul3A_1706 : i32
            %add3A_1708 = arith.addi %mul3A_1707, %scan3A_928 : i32
            %swap3A_1709 = arith.index_cast %add3A_1708 : i32 to index
            %swap3A_1710 = arith.constant 16 : index
            %swap3A_1711 = tpu.vector_load %arg12[%swap3A_1709, %swap3A_1710] {strides = array<i32>} : memref<48x128xf32, #tpu.memory_space<vmem>>, vector<1x16xf32>,
            %swap3A_1712 = vector.shape_cast %swap3A_1711 : vector<1x16xf32> to vector<16xf32>
            %swap3A_1713 = vector.shape_cast %add3A_1681 : vector<16xf32> to vector<1x16xf32>
            tpu.vector_store %arg12[%swap3A_1709, %swap3A_1710], %swap3A_1713 {strides = array<i32>} : memref<48x128xf32, #tpu.memory_space<vmem>>, vector<1x16xf32>,
            %mul3A_1714 = arith.constant 12 : i32
            %mul3A_1715 = arith.muli %scan3A_107, %mul3A_1714 : i32
            %add3A_1716 = arith.addi %mul3A_1715, %scan3A_928 : i32
            %swap3A_1717 = arith.index_cast %add3A_1716 : i32 to index
            %swap3A_1718 = arith.constant 32 : index
            %swap3A_1719 = tpu.vector_load %arg12[%swap3A_1717, %swap3A_1718] {strides = array<i32>} : memref<48x128xf32, #tpu.memory_space<vmem>>, vector<1x16xf32>,
            %swap3A_1720 = vector.shape_cast %swap3A_1719 : vector<1x16xf32> to vector<16xf32>
            %swap3A_1721 = vector.shape_cast %add3A_1686 : vector<16xf32> to vector<1x16xf32>
            tpu.vector_store %arg12[%swap3A_1717, %swap3A_1718], %swap3A_1721 {strides = array<i32>} : memref<48x128xf32, #tpu.memory_space<vmem>>, vector<1x16xf32>,
            %mul3A_1722 = arith.constant 12 : i32
            %mul3A_1723 = arith.muli %scan3A_107, %mul3A_1722 : i32
            %add3A_1724 = arith.addi %mul3A_1723, %scan3A_928 : i32
            %swap3A_1725 = arith.index_cast %add3A_1724 : i32 to index
            %swap3A_1726 = arith.constant 48 : index
            %swap3A_1727 = tpu.vector_load %arg12[%swap3A_1725, %swap3A_1726] {strides = array<i32>} : memref<48x128xf32, #tpu.memory_space<vmem>>, vector<1x16xf32>,
            %swap3A_1728 = vector.shape_cast %swap3A_1727 : vector<1x16xf32> to vector<16xf32>
            %swap3A_1729 = vector.shape_cast %add3A_1689 : vector<16xf32> to vector<1x16xf32>
            tpu.vector_store %arg12[%swap3A_1725, %swap3A_1726], %swap3A_1729 {strides = array<i32>} : memref<48x128xf32, #tpu.memory_space<vmem>>, vector<1x16xf32>,
            %mul3A_1730 = arith.constant 12 : i32
            %mul3A_1731 = arith.muli %scan3A_107, %mul3A_1730 : i32
            %add3A_1732 = arith.addi %mul3A_1731, %scan3A_928 : i32
            %swap3A_1733 = arith.index_cast %add3A_1732 : i32 to index
            %swap3A_1734 = arith.constant 64 : index
            %swap3A_1735 = tpu.vector_load %arg12[%swap3A_1733, %swap3A_1734] {strides = array<i32>} : memref<48x128xf32, #tpu.memory_space<vmem>>, vector<1x16xf32>,
            %swap3A_1736 = vector.shape_cast %swap3A_1735 : vector<1x16xf32> to vector<16xf32>
            %swap3A_1737 = vector.shape_cast %add3A_1694 : vector<16xf32> to vector<1x16xf32>
            tpu.vector_store %arg12[%swap3A_1733, %swap3A_1734], %swap3A_1737 {strides = array<i32>} : memref<48x128xf32, #tpu.memory_space<vmem>>, vector<1x16xf32>,
            %mul3A_1738 = arith.constant 12 : i32
            %mul3A_1739 = arith.muli %scan3A_107, %mul3A_1738 : i32
            %add3A_1740 = arith.addi %mul3A_1739, %scan3A_928 : i32
            %swap3A_1741 = arith.index_cast %add3A_1740 : i32 to index
            %swap3A_1742 = arith.constant 80 : index
            %swap3A_1743 = tpu.vector_load %arg12[%swap3A_1741, %swap3A_1742] {strides = array<i32>} : memref<48x128xf32, #tpu.memory_space<vmem>>, vector<1x16xf32>,
            %swap3A_1744 = vector.shape_cast %swap3A_1743 : vector<1x16xf32> to vector<16xf32>
            %swap3A_1745 = vector.shape_cast %add3A_1697 : vector<16xf32> to vector<1x16xf32>
            tpu.vector_store %arg12[%swap3A_1741, %swap3A_1742], %swap3A_1745 {strides = array<i32>} : memref<48x128xf32, #tpu.memory_space<vmem>>, vector<1x16xf32>,
          }
          %scan3A_113 = arith.constant 12 : i32
        }
        %scan3A_94 = arith.constant 4 : i32
        %mul3A_95 = arith.constant 48 : i32
        %mul3A_96 = arith.muli %add3A_57, %mul3A_95 : i32
        %dma_start3A = arith.constant 0 : i32
        %dma_start3A_97 = tpu.memref_slice %arg5[%mul3A_96, %dma_start3A] : memref<120000x128xf32, #tpu.memory_space<hbm>> -> memref<48x128xf32, #tpu.memory_space<hbm>>
        %dma_start3A_98 = arith.constant 0 : i32
        %dma_start3A_99 = tpu.memref_slice %arg5[%mul3A_96, %dma_start3A_98] : memref<120000x128xf32, #tpu.memory_space<hbm>> -> memref<48x128xf32, #tpu.memory_space<hbm>>
        tpu.enqueue_dma source(%arg12 : memref<48x128xf32, #tpu.memory_space<vmem>>) target(%dma_start3A_99 : memref<48x128xf32, #tpu.memory_space<hbm>>) target_semaphore(%arg16 : memref<!tpu.dma_semaphore, #tpu.memory_space<semaphore_mem>>)
        %add3A_100 = arith.constant 64 : i32
        %add3A_101 = arith.addi %add3A_57, %add3A_100 : i32
        %lt3A_102 = arith.constant 2500 : i32
        %lt3A_103 = arith.cmpi slt, %add3A_101, %lt3A_102 : i32
        %convert_element_type3A_104 = arith.extui %lt3A_103 : i1 to i32
        %cond3A_105 = arith.constant 0 : i32
        %cond3A_106 = arith.cmpi ne, %convert_element_type3A_104, %cond3A_105 : i32
        scf.if %cond3A_106 {
          %add3A_107 = arith.constant 64 : i32
          %add3A_108 = arith.addi %add3A_57, %add3A_107 : i32
          %mul3A_109 = arith.constant 4 : i32
          %mul3A_110 = arith.muli %add3A_108, %mul3A_109 : i32
          %dma_start3A_111 = arith.constant 0 : i32
          %dma_start3A_112 = arith.constant 0 : i32
          %dma_start3A_113 = arith.constant 0 : i32
          %dma_start3A_114 = tpu.memref_slice %arg4[%mul3A_110, %dma_start3A_111, %dma_start3A_112, %dma_start3A_113] : memref<10000x12x3x16xf32, #tpu.memory_space<hbm>> -> memref<4x12x3x16xf32, #tpu.memory_space<hbm>>
          %dma_start3A_115 = arith.constant 0 : i32
          %dma_start3A_116 = arith.constant 0 : i32
          %dma_start3A_117 = arith.constant 0 : i32
          %dma_start3A_118 = tpu.memref_slice %arg4[%mul3A_110, %dma_start3A_115, %dma_start3A_116, %dma_start3A_117] : memref<10000x12x3x16xf32, #tpu.memory_space<hbm>> -> memref<4x12x3x16xf32, #tpu.memory_space<hbm>>
          tpu.enqueue_dma source(%dma_start3A_118 : memref<4x12x3x16xf32, #tpu.memory_space<hbm>>) target(%arg10 : memref<4x12x3x16xf32, #tpu.memory_space<vmem>>) target_semaphore(%arg20 : memref<!tpu.dma_semaphore, #tpu.memory_space<semaphore_mem>>)
        } else {
        }
      } else {
      }
      %lt3A_65 = arith.constant 2500 : i32
      %lt3A_66 = arith.cmpi slt, %add3A_59, %lt3A_65 : i32
      %convert_element_type3A_67 = arith.extui %lt3A_66 : i1 to i32
      %cond3A_68 = arith.constant 0 : i32
      %cond3A_69 = arith.cmpi ne, %convert_element_type3A_67, %cond3A_68 : i32
      scf.if %cond3A_69 {
        %dma_wait3A = arith.constant 0 : i32
        %dma_wait3A_70 = arith.constant 0 : i32
        %dma_wait3A_71 = tpu.memref_slice %arg2[%dma_wait3A, %dma_wait3A_70] : memref<10000x384xf32, #tpu.memory_space<hbm>> -> memref<10000x384xf32, #tpu.memory_space<hbm>>
        tpu.wait_indirect_dma semaphore(%arg15 : memref<!tpu.dma_semaphore, #tpu.memory_space<semaphore_mem>>) src(%dma_wait3A_71 : memref<10000x384xf32, #tpu.memory_space<hbm>>) dst(%arg9 : memref<64x384xf32, #tpu.memory_space<vmem>>)
        %add3A_72 = arith.constant 64 : i32
        %add3A_73 = arith.addi %add3A_59, %add3A_72 : i32
        %lt3A_74 = arith.constant 2500 : i32
        %lt3A_75 = arith.cmpi slt, %add3A_73, %lt3A_74 : i32
        %convert_element_type3A_76 = arith.extui %lt3A_75 : i1 to i32
        %cond3A_77 = arith.constant 0 : i32
        %cond3A_78 = arith.cmpi ne, %convert_element_type3A_76, %cond3A_77 : i32
        scf.if %cond3A_78 {
          %add3A_119 = arith.constant 64 : i32
          %add3A_120 = arith.addi %add3A_59, %add3A_119 : i32
          %mul3A_121 = arith.constant 4 : i32
          %mul3A_122 = arith.muli %add3A_120, %mul3A_121 : i32
          %mul3A_123 = arith.constant 16 : i32
          %mul3A_124 = arith.muli %mul3A_122, %mul3A_123 : i32
          %dma_start3A_125 = tpu.memref_slice %arg3[%mul3A_124] : memref<160000xi32, #tpu.memory_space<hbm>> -> memref<64xi32, #tpu.memory_space<hbm>>
          %dma_start3A_126 = tpu.memref_slice %arg3[%mul3A_124] : memref<160000xi32, #tpu.memory_space<hbm>> -> memref<64xi32, #tpu.memory_space<hbm>>
          tpu.enqueue_dma source(%dma_start3A_126 : memref<64xi32, #tpu.memory_space<hbm>>) target(%arg7 : memref<64xi32, #tpu.memory_space<vmem>>) target_semaphore(%arg19 : memref<!tpu.dma_semaphore, #tpu.memory_space<semaphore_mem>>)
        } else {
        }
        %add3A_79 = arith.constant 32 : i32
        %add3A_80 = arith.addi %add3A_59, %add3A_79 : i32
        %lt3A_81 = arith.constant 2500 : i32
        %lt3A_82 = arith.cmpi slt, %add3A_80, %lt3A_81 : i32
        %convert_element_type3A_83 = arith.extui %lt3A_82 : i1 to i32
        %cond3A_84 = arith.constant 0 : i32
        %cond3A_85 = arith.cmpi ne, %convert_element_type3A_83, %cond3A_84 : i32
        scf.if %cond3A_85 {
          %dma_wait3A_119 = arith.constant 0 : i32
          %dma_wait3A_120 = tpu.memref_slice %arg3[%dma_wait3A_119] : memref<160000xi32, #tpu.memory_space<hbm>> -> memref<64xi32, #tpu.memory_space<hbm>>
          %dma_wait3A_121 = arith.constant 0 : i32
          %dma_wait3A_122 = tpu.memref_slice %arg3[%dma_wait3A_121] : memref<160000xi32, #tpu.memory_space<hbm>> -> memref<64xi32, #tpu.memory_space<hbm>>
          tpu.wait_dma2 semaphore(%arg18 : memref<!tpu.dma_semaphore, #tpu.memory_space<semaphore_mem>>) src(%dma_wait3A_122 : memref<64xi32, #tpu.memory_space<hbm>>) dst(%arg6 : memref<64xi32, #tpu.memory_space<vmem>>)
          %dma_start3A_123 = arith.constant 0 : i32
          %dma_start3A_124 = arith.constant 0 : i32
          %dma_start3A_125 = tpu.memref_slice %arg2[%dma_start3A_123, %dma_start3A_124] : memref<10000x384xf32, #tpu.memory_space<hbm>> -> memref<10000x384xf32, #tpu.memory_space<hbm>>
          tpu.enqueue_indirect_dma source(%dma_start3A_125 : memref<10000x384xf32, #tpu.memory_space<hbm>>) target(%arg8 : memref<64x384xf32, #tpu.memory_space<vmem>>) offsets(%arg6 : memref<64xi32, #tpu.memory_space<vmem>>) semaphore(%arg14 : memref<!tpu.dma_semaphore, #tpu.memory_space<semaphore_mem>>)
        } else {
        }
        %dma_wait3A_86 = arith.constant 0 : i32
        %dma_wait3A_87 = arith.constant 0 : i32
        %dma_wait3A_88 = arith.constant 0 : i32
        %dma_wait3A_89 = arith.constant 0 : i32
        %dma_wait3A_90 = tpu.memref_slice %arg4[%dma_wait3A_86, %dma_wait3A_87, %dma_wait3A_88, %dma_wait3A_89] : memref<10000x12x3x16xf32, #tpu.memory_space<hbm>> -> memref<4x12x3x16xf32, #tpu.memory_space<hbm>>
        %dma_wait3A_91 = arith.constant 0 : i32
        %dma_wait3A_92 = arith.constant 0 : i32
        %dma_wait3A_93 = arith.constant 0 : i32
        %dma_wait3A_94 = arith.constant 0 : i32
        %dma_wait3A_95 = tpu.memref_slice %arg4[%dma_wait3A_91, %dma_wait3A_92, %dma_wait3A_93, %dma_wait3A_94] : memref<10000x12x3x16xf32, #tpu.memory_space<hbm>> -> memref<4x12x3x16xf32, #tpu.memory_space<hbm>>
        tpu.wait_dma2 semaphore(%arg21 : memref<!tpu.dma_semaphore, #tpu.memory_space<semaphore_mem>>) src(%dma_wait3A_95 : memref<4x12x3x16xf32, #tpu.memory_space<hbm>>) dst(%arg11 : memref<4x12x3x16xf32, #tpu.memory_space<vmem>>)
        %ge3A_96 = arith.constant 1 : i32
        %ge3A_97 = arith.cmpi sge, %scan3A_52, %ge3A_96 : i32
        %convert_element_type3A_98 = arith.extui %ge3A_97 : i1 to i32
        %cond3A_99 = arith.constant 0 : i32
        %cond3A_100 = arith.cmpi ne, %convert_element_type3A_98, %cond3A_99 : i32
        scf.if %cond3A_100 {
          %dma_wait3A_119 = arith.constant 0 : i32
          %dma_wait3A_120 = arith.constant 0 : i32
          %dma_wait3A_121 = tpu.memref_slice %arg5[%dma_wait3A_119, %dma_wait3A_120] : memref<120000x128xf32, #tpu.memory_space<hbm>> -> memref<48x128xf32, #tpu.memory_space<hbm>>
          %dma_wait3A_122 = arith.constant 0 : i32
          %dma_wait3A_123 = arith.constant 0 : i32
          %dma_wait3A_124 = tpu.memref_slice %arg5[%dma_wait3A_122, %dma_wait3A_123] : memref<120000x128xf32, #tpu.memory_space<hbm>> -> memref<48x128xf32, #tpu.memory_space<hbm>>
          tpu.wait_dma2 semaphore(%arg17 : memref<!tpu.dma_semaphore, #tpu.memory_space<semaphore_mem>>) src(%arg13 : memref<48x128xf32, #tpu.memory_space<vmem>>) dst(%dma_wait3A_124 : memref<48x128xf32, #tpu.memory_space<hbm>>)
        } else {
        }
        %scan3A_101 = arith.constant 0 : i32
        %scan3A_102 = arith.constant 0 : i32
        %scan3A_103 = arith.constant 4 : i32
        %scan3A_104 = arith.addi %scan3A_102, %scan3A_103 : i32
        %scan3A_105 = arith.constant 1 : i32
        scf.for %scan3A_119 = %scan3A_102 to %scan3A_104 step %scan3A_105  : i32 {
          %scan3A_120 = arith.constant 0 : i32
          %scan3A_121 = arith.constant 0 : i32
          %scan3A_122 = arith.constant 12 : i32
          %scan3A_123 = arith.addi %scan3A_121, %scan3A_122 : i32
          %scan3A_124 = arith.constant 2 : i32
          scf.for %scan3A_126 = %scan3A_121 to %scan3A_123 step %scan3A_124  : i32 {
            %get3A = arith.constant 0 : i32
            %get3A_127 = arith.index_cast %scan3A_119 : i32 to index
            %get3A_128 = arith.index_cast %scan3A_126 : i32 to index
            %get3A_129 = arith.index_cast %get3A : i32 to index
            %get3A_130 = arith.constant 0 : index
            %get3A_131 = tpu.vector_load %arg11[%get3A_127, %get3A_128, %get3A_129, %get3A_130] {strides = array<i32>} : memref<4x12x3x16xf32, #tpu.memory_space<vmem>>, vector<1x1x1x16xf32>,
            %get3A_132 = vector.shape_cast %get3A_131 : vector<1x1x1x16xf32> to vector<16xf32>
            %get3A_133 = arith.constant 1 : i32
            %get3A_134 = arith.index_cast %scan3A_119 : i32 to index
            %get3A_135 = arith.index_cast %scan3A_126 : i32 to index
            %get3A_136 = arith.index_cast %get3A_133 : i32 to index
            %get3A_137 = arith.constant 0 : index
            %get3A_138 = tpu.vector_load %arg11[%get3A_134, %get3A_135, %get3A_136, %get3A_137] {strides = array<i32>} : memref<4x12x3x16xf32, #tpu.memory_space<vmem>>, vector<1x1x1x16xf32>,
            %get3A_139 = vector.shape_cast %get3A_138 : vector<1x1x1x16xf32> to vector<16xf32>
            %get3A_140 = arith.constant 2 : i32
            %get3A_141 = arith.index_cast %scan3A_119 : i32 to index
            %get3A_142 = arith.index_cast %scan3A_126 : i32 to index
            %get3A_143 = arith.index_cast %get3A_140 : i32 to index
            %get3A_144 = arith.constant 0 : index
            %get3A_145 = tpu.vector_load %arg11[%get3A_141, %get3A_142, %get3A_143, %get3A_144] {strides = array<i32>} : memref<4x12x3x16xf32, #tpu.memory_space<vmem>>, vector<1x1x1x16xf32>,
            %get3A_146 = vector.shape_cast %get3A_145 : vector<1x1x1x16xf32> to vector<16xf32>
            %broadcast_in_dim3A = arith.constant 0.000000e+00 : f32
            %broadcast_in_dim3A_147 = vector.broadcast %broadcast_in_dim3A : f32 to vector<16xf32>
            %broadcast_in_dim3A_148 = arith.constant 0.000000e+00 : f32
            %broadcast_in_dim3A_149 = vector.broadcast %broadcast_in_dim3A_148 : f32 to vector<16xf32>
            %broadcast_in_dim3A_150 = arith.constant 0.000000e+00 : f32
            %broadcast_in_dim3A_151 = vector.broadcast %broadcast_in_dim3A_150 : f32 to vector<16xf32>
            %broadcast_in_dim3A_152 = arith.constant 0.000000e+00 : f32
            %broadcast_in_dim3A_153 = vector.broadcast %broadcast_in_dim3A_152 : f32 to vector<16xf32>
            %broadcast_in_dim3A_154 = arith.constant 0.000000e+00 : f32
            %broadcast_in_dim3A_155 = vector.broadcast %broadcast_in_dim3A_154 : f32 to vector<16xf32>
            %broadcast_in_dim3A_156 = arith.constant 0.000000e+00 : f32
            %broadcast_in_dim3A_157 = vector.broadcast %broadcast_in_dim3A_156 : f32 to vector<16xf32>
            %mul3A_158 = arith.constant 16 : i32
            %mul3A_159 = arith.muli %scan3A_119, %mul3A_158 : i32
            %add3A_160 = arith.constant 0 : i32
            %add3A_161 = arith.addi %mul3A_159, %add3A_160 : i32
            %mul3A_162 = arith.constant 32 : i32
            %mul3A_163 = arith.muli %scan3A_126, %mul3A_162 : i32
            %get3A_164 = arith.index_cast %add3A_161 : i32 to index
            %get3A_165 = arith.index_cast %mul3A_163 : i32 to index
            %get3A_166 = tpu.vector_load %arg9[%get3A_164, %get3A_165] {strides = array<i32>} : memref<64x384xf32, #tpu.memory_space<vmem>>, vector<1x16xf32>,
            %get3A_167 = vector.shape_cast %get3A_166 : vector<1x16xf32> to vector<16xf32>
            %mul3A_168 = arith.constant 16 : i32
            %mul3A_169 = arith.muli %scan3A_119, %mul3A_168 : i32
            %add3A_170 = arith.constant 0 : i32
            %add3A_171 = arith.addi %mul3A_169, %add3A_170 : i32
            %mul3A_172 = arith.constant 32 : i32
            %mul3A_173 = arith.muli %scan3A_126, %mul3A_172 : i32
            %add3A_174 = arith.constant 16 : i32
            %add3A_175 = arith.addi %mul3A_173, %add3A_174 : i32
            %get3A_176 = arith.index_cast %add3A_171 : i32 to index
            %get3A_177 = arith.index_cast %add3A_175 : i32 to index
            %get3A_178 = tpu.vector_load %arg9[%get3A_176, %get3A_177] {strides = array<i32>} : memref<64x384xf32, #tpu.memory_space<vmem>>, vector<1x16xf32>,
            %get3A_179 = vector.shape_cast %get3A_178 : vector<1x16xf32> to vector<16xf32>
            %slice3A = vector.extract_strided_slice %get3A_132 {offsets = [0], sizes = [1], strides = [1]} : vector<16xf32> to vector<1xf32>
            %squeeze3A = vector.extract %slice3A[0] : f32 from vector<1xf32>
            %mul3A_180 = vector.broadcast %squeeze3A : f32 to vector<16xf32>
            %mul3A_181 = arith.mulf %mul3A_180, %get3A_167 : vector<16xf32>
            %add3A_182 = arith.addf %broadcast_in_dim3A_147, %mul3A_181 : vector<16xf32>
            %mul3A_183 = vector.broadcast %squeeze3A : f32 to vector<16xf32>
            %mul3A_184 = arith.mulf %mul3A_183, %get3A_179 : vector<16xf32>
            %add3A_185 = arith.addf %broadcast_in_dim3A_149, %mul3A_184 : vector<16xf32>
            %slice3A_186 = vector.extract_strided_slice %get3A_139 {offsets = [0], sizes = [1], strides = [1]} : vector<16xf32> to vector<1xf32>
            %squeeze3A_187 = vector.extract %slice3A_186[0] : f32 from vector<1xf32>
            %mul3A_188 = vector.broadcast %squeeze3A_187 : f32 to vector<16xf32>
            %mul3A_189 = arith.mulf %mul3A_188, %get3A_167 : vector<16xf32>
            %add3A_190 = arith.addf %broadcast_in_dim3A_151, %mul3A_189 : vector<16xf32>
            %mul3A_191 = vector.broadcast %squeeze3A_187 : f32 to vector<16xf32>
            %mul3A_192 = arith.mulf %mul3A_191, %get3A_179 : vector<16xf32>
            %add3A_193 = arith.addf %broadcast_in_dim3A_153, %mul3A_192 : vector<16xf32>
            %slice3A_194 = vector.extract_strided_slice %get3A_146 {offsets = [0], sizes = [1], strides = [1]} : vector<16xf32> to vector<1xf32>
            %squeeze3A_195 = vector.extract %slice3A_194[0] : f32 from vector<1xf32>
            %mul3A_196 = vector.broadcast %squeeze3A_195 : f32 to vector<16xf32>
            %mul3A_197 = arith.mulf %mul3A_196, %get3A_167 : vector<16xf32>
            %add3A_198 = arith.addf %broadcast_in_dim3A_155, %mul3A_197 : vector<16xf32>
            %mul3A_199 = vector.broadcast %squeeze3A_195 : f32 to vector<16xf32>
            %mul3A_200 = arith.mulf %mul3A_199, %get3A_179 : vector<16xf32>
            %add3A_201 = arith.addf %broadcast_in_dim3A_157, %mul3A_200 : vector<16xf32>
            %mul3A_202 = arith.constant 16 : i32
            %mul3A_203 = arith.muli %scan3A_119, %mul3A_202 : i32
            %add3A_204 = arith.constant 1 : i32
            %add3A_205 = arith.addi %mul3A_203, %add3A_204 : i32
            %mul3A_206 = arith.constant 32 : i32
            %mul3A_207 = arith.muli %scan3A_126, %mul3A_206 : i32
            %get3A_208 = arith.index_cast %add3A_205 : i32 to index
            %get3A_209 = arith.index_cast %mul3A_207 : i32 to index
            %get3A_210 = tpu.vector_load %arg9[%get3A_208, %get3A_209] {strides = array<i32>} : memref<64x384xf32, #tpu.memory_space<vmem>>, vector<1x16xf32>,
            %get3A_211 = vector.shape_cast %get3A_210 : vector<1x16xf32> to vector<16xf32>
            %mul3A_212 = arith.constant 16 : i32
            %mul3A_213 = arith.muli %scan3A_119, %mul3A_212 : i32
            %add3A_214 = arith.constant 1 : i32
            %add3A_215 = arith.addi %mul3A_213, %add3A_214 : i32
            %mul3A_216 = arith.constant 32 : i32
            %mul3A_217 = arith.muli %scan3A_126, %mul3A_216 : i32
            %add3A_218 = arith.constant 16 : i32
            %add3A_219 = arith.addi %mul3A_217, %add3A_218 : i32
            %get3A_220 = arith.index_cast %add3A_215 : i32 to index
            %get3A_221 = arith.index_cast %add3A_219 : i32 to index
            %get3A_222 = tpu.vector_load %arg9[%get3A_220, %get3A_221] {strides = array<i32>} : memref<64x384xf32, #tpu.memory_space<vmem>>, vector<1x16xf32>,
            %get3A_223 = vector.shape_cast %get3A_222 : vector<1x16xf32> to vector<16xf32>
            %slice3A_224 = vector.extract_strided_slice %get3A_132 {offsets = [1], sizes = [1], strides = [1]} : vector<16xf32> to vector<1xf32>
            %squeeze3A_225 = vector.extract %slice3A_224[0] : f32 from vector<1xf32>
            %mul3A_226 = vector.broadcast %squeeze3A_225 : f32 to vector<16xf32>
            %mul3A_227 = arith.mulf %mul3A_226, %get3A_211 : vector<16xf32>
            %add3A_228 = arith.addf %add3A_182, %mul3A_227 : vector<16xf32>
            %mul3A_229 = vector.broadcast %squeeze3A_225 : f32 to vector<16xf32>
            %mul3A_230 = arith.mulf %mul3A_229, %get3A_223 : vector<16xf32>
            %add3A_231 = arith.addf %add3A_185, %mul3A_230 : vector<16xf32>
            %slice3A_232 = vector.extract_strided_slice %get3A_139 {offsets = [1], sizes = [1], strides = [1]} : vector<16xf32> to vector<1xf32>
            %squeeze3A_233 = vector.extract %slice3A_232[0] : f32 from vector<1xf32>
            %mul3A_234 = vector.broadcast %squeeze3A_233 : f32 to vector<16xf32>
            %mul3A_235 = arith.mulf %mul3A_234, %get3A_211 : vector<16xf32>
            %add3A_236 = arith.addf %add3A_190, %mul3A_235 : vector<16xf32>
            %mul3A_237 = vector.broadcast %squeeze3A_233 : f32 to vector<16xf32>
            %mul3A_238 = arith.mulf %mul3A_237, %get3A_223 : vector<16xf32>
            %add3A_239 = arith.addf %add3A_193, %mul3A_238 : vector<16xf32>
            %slice3A_240 = vector.extract_strided_slice %get3A_146 {offsets = [1], sizes = [1], strides = [1]} : vector<16xf32> to vector<1xf32>
            %squeeze3A_241 = vector.extract %slice3A_240[0] : f32 from vector<1xf32>
            %mul3A_242 = vector.broadcast %squeeze3A_241 : f32 to vector<16xf32>
            %mul3A_243 = arith.mulf %mul3A_242, %get3A_211 : vector<16xf32>
            %add3A_244 = arith.addf %add3A_198, %mul3A_243 : vector<16xf32>
            %mul3A_245 = vector.broadcast %squeeze3A_241 : f32 to vector<16xf32>
            %mul3A_246 = arith.mulf %mul3A_245, %get3A_223 : vector<16xf32>
            %add3A_247 = arith.addf %add3A_201, %mul3A_246 : vector<16xf32>
            %mul3A_248 = arith.constant 16 : i32
            %mul3A_249 = arith.muli %scan3A_119, %mul3A_248 : i32
            %add3A_250 = arith.constant 2 : i32
            %add3A_251 = arith.addi %mul3A_249, %add3A_250 : i32
            %mul3A_252 = arith.constant 32 : i32
            %mul3A_253 = arith.muli %scan3A_126, %mul3A_252 : i32
            %get3A_254 = arith.index_cast %add3A_251 : i32 to index
            %get3A_255 = arith.index_cast %mul3A_253 : i32 to index
            %get3A_256 = tpu.vector_load %arg9[%get3A_254, %get3A_255] {strides = array<i32>} : memref<64x384xf32, #tpu.memory_space<vmem>>, vector<1x16xf32>,
            %get3A_257 = vector.shape_cast %get3A_256 : vector<1x16xf32> to vector<16xf32>
            %mul3A_258 = arith.constant 16 : i32
            %mul3A_259 = arith.muli %scan3A_119, %mul3A_258 : i32
            %add3A_260 = arith.constant 2 : i32
            %add3A_261 = arith.addi %mul3A_259, %add3A_260 : i32
            %mul3A_262 = arith.constant 32 : i32
            %mul3A_263 = arith.muli %scan3A_126, %mul3A_262 : i32
            %add3A_264 = arith.constant 16 : i32
            %add3A_265 = arith.addi %mul3A_263, %add3A_264 : i32
            %get3A_266 = arith.index_cast %add3A_261 : i32 to index
            %get3A_267 = arith.index_cast %add3A_265 : i32 to index
            %get3A_268 = tpu.vector_load %arg9[%get3A_266, %get3A_267] {strides = array<i32>} : memref<64x384xf32, #tpu.memory_space<vmem>>, vector<1x16xf32>,
            %get3A_269 = vector.shape_cast %get3A_268 : vector<1x16xf32> to vector<16xf32>
            %slice3A_270 = vector.extract_strided_slice %get3A_132 {offsets = [2], sizes = [1], strides = [1]} : vector<16xf32> to vector<1xf32>
            %squeeze3A_271 = vector.extract %slice3A_270[0] : f32 from vector<1xf32>
            %mul3A_272 = vector.broadcast %squeeze3A_271 : f32 to vector<16xf32>
            %mul3A_273 = arith.mulf %mul3A_272, %get3A_257 : vector<16xf32>
            %add3A_274 = arith.addf %add3A_228, %mul3A_273 : vector<16xf32>
            %mul3A_275 = vector.broadcast %squeeze3A_271 : f32 to vector<16xf32>
            %mul3A_276 = arith.mulf %mul3A_275, %get3A_269 : vector<16xf32>
            %add3A_277 = arith.addf %add3A_231, %mul3A_276 : vector<16xf32>
            %slice3A_278 = vector.extract_strided_slice %get3A_139 {offsets = [2], sizes = [1], strides = [1]} : vector<16xf32> to vector<1xf32>
            %squeeze3A_279 = vector.extract %slice3A_278[0] : f32 from vector<1xf32>
            %mul3A_280 = vector.broadcast %squeeze3A_279 : f32 to vector<16xf32>
            %mul3A_281 = arith.mulf %mul3A_280, %get3A_257 : vector<16xf32>
            %add3A_282 = arith.addf %add3A_236, %mul3A_281 : vector<16xf32>
            %mul3A_283 = vector.broadcast %squeeze3A_279 : f32 to vector<16xf32>
            %mul3A_284 = arith.mulf %mul3A_283, %get3A_269 : vector<16xf32>
            %add3A_285 = arith.addf %add3A_239, %mul3A_284 : vector<16xf32>
            %slice3A_286 = vector.extract_strided_slice %get3A_146 {offsets = [2], sizes = [1], strides = [1]} : vector<16xf32> to vector<1xf32>
            %squeeze3A_287 = vector.extract %slice3A_286[0] : f32 from vector<1xf32>
            %mul3A_288 = vector.broadcast %squeeze3A_287 : f32 to vector<16xf32>
            %mul3A_289 = arith.mulf %mul3A_288, %get3A_257 : vector<16xf32>
            %add3A_290 = arith.addf %add3A_244, %mul3A_289 : vector<16xf32>
            %mul3A_291 = vector.broadcast %squeeze3A_287 : f32 to vector<16xf32>
            %mul3A_292 = arith.mulf %mul3A_291, %get3A_269 : vector<16xf32>
            %add3A_293 = arith.addf %add3A_247, %mul3A_292 : vector<16xf32>
            %mul3A_294 = arith.constant 16 : i32
            %mul3A_295 = arith.muli %scan3A_119, %mul3A_294 : i32
            %add3A_296 = arith.constant 3 : i32
            %add3A_297 = arith.addi %mul3A_295, %add3A_296 : i32
            %mul3A_298 = arith.constant 32 : i32
            %mul3A_299 = arith.muli %scan3A_126, %mul3A_298 : i32
            %get3A_300 = arith.index_cast %add3A_297 : i32 to index
            %get3A_301 = arith.index_cast %mul3A_299 : i32 to index
            %get3A_302 = tpu.vector_load %arg9[%get3A_300, %get3A_301] {strides = array<i32>} : memref<64x384xf32, #tpu.memory_space<vmem>>, vector<1x16xf32>,
            %get3A_303 = vector.shape_cast %get3A_302 : vector<1x16xf32> to vector<16xf32>
            %mul3A_304 = arith.constant 16 : i32
            %mul3A_305 = arith.muli %scan3A_119, %mul3A_304 : i32
            %add3A_306 = arith.constant 3 : i32
            %add3A_307 = arith.addi %mul3A_305, %add3A_306 : i32
            %mul3A_308 = arith.constant 32 : i32
            %mul3A_309 = arith.muli %scan3A_126, %mul3A_308 : i32
            %add3A_310 = arith.constant 16 : i32
            %add3A_311 = arith.addi %mul3A_309, %add3A_310 : i32
            %get3A_312 = arith.index_cast %add3A_307 : i32 to index
            %get3A_313 = arith.index_cast %add3A_311 : i32 to index
            %get3A_314 = tpu.vector_load %arg9[%get3A_312, %get3A_313] {strides = array<i32>} : memref<64x384xf32, #tpu.memory_space<vmem>>, vector<1x16xf32>,
            %get3A_315 = vector.shape_cast %get3A_314 : vector<1x16xf32> to vector<16xf32>
            %slice3A_316 = vector.extract_strided_slice %get3A_132 {offsets = [3], sizes = [1], strides = [1]} : vector<16xf32> to vector<1xf32>
            %squeeze3A_317 = vector.extract %slice3A_316[0] : f32 from vector<1xf32>
            %mul3A_318 = vector.broadcast %squeeze3A_317 : f32 to vector<16xf32>
            %mul3A_319 = arith.mulf %mul3A_318, %get3A_303 : vector<16xf32>
            %add3A_320 = arith.addf %add3A_274, %mul3A_319 : vector<16xf32>
            %mul3A_321 = vector.broadcast %squeeze3A_317 : f32 to vector<16xf32>
            %mul3A_322 = arith.mulf %mul3A_321, %get3A_315 : vector<16xf32>
            %add3A_323 = arith.addf %add3A_277, %mul3A_322 : vector<16xf32>
            %slice3A_324 = vector.extract_strided_slice %get3A_139 {offsets = [3], sizes = [1], strides = [1]} : vector<16xf32> to vector<1xf32>
            %squeeze3A_325 = vector.extract %slice3A_324[0] : f32 from vector<1xf32>
            %mul3A_326 = vector.broadcast %squeeze3A_325 : f32 to vector<16xf32>
            %mul3A_327 = arith.mulf %mul3A_326, %get3A_303 : vector<16xf32>
            %add3A_328 = arith.addf %add3A_282, %mul3A_327 : vector<16xf32>
            %mul3A_329 = vector.broadcast %squeeze3A_325 : f32 to vector<16xf32>
            %mul3A_330 = arith.mulf %mul3A_329, %get3A_315 : vector<16xf32>
            %add3A_331 = arith.addf %add3A_285, %mul3A_330 : vector<16xf32>
            %slice3A_332 = vector.extract_strided_slice %get3A_146 {offsets = [3], sizes = [1], strides = [1]} : vector<16xf32> to vector<1xf32>
            %squeeze3A_333 = vector.extract %slice3A_332[0] : f32 from vector<1xf32>
            %mul3A_334 = vector.broadcast %squeeze3A_333 : f32 to vector<16xf32>
            %mul3A_335 = arith.mulf %mul3A_334, %get3A_303 : vector<16xf32>
            %add3A_336 = arith.addf %add3A_290, %mul3A_335 : vector<16xf32>
            %mul3A_337 = vector.broadcast %squeeze3A_333 : f32 to vector<16xf32>
            %mul3A_338 = arith.mulf %mul3A_337, %get3A_315 : vector<16xf32>
            %add3A_339 = arith.addf %add3A_293, %mul3A_338 : vector<16xf32>
            %mul3A_340 = arith.constant 16 : i32
            %mul3A_341 = arith.muli %scan3A_119, %mul3A_340 : i32
            %add3A_342 = arith.constant 4 : i32
            %add3A_343 = arith.addi %mul3A_341, %add3A_342 : i32
            %mul3A_344 = arith.constant 32 : i32
            %mul3A_345 = arith.muli %scan3A_126, %mul3A_344 : i32
            %get3A_346 = arith.index_cast %add3A_343 : i32 to index
            %get3A_347 = arith.index_cast %mul3A_345 : i32 to index
            %get3A_348 = tpu.vector_load %arg9[%get3A_346, %get3A_347] {strides = array<i32>} : memref<64x384xf32, #tpu.memory_space<vmem>>, vector<1x16xf32>,
            %get3A_349 = vector.shape_cast %get3A_348 : vector<1x16xf32> to vector<16xf32>
            %mul3A_350 = arith.constant 16 : i32
            %mul3A_351 = arith.muli %scan3A_119, %mul3A_350 : i32
            %add3A_352 = arith.constant 4 : i32
            %add3A_353 = arith.addi %mul3A_351, %add3A_352 : i32
            %mul3A_354 = arith.constant 32 : i32
            %mul3A_355 = arith.muli %scan3A_126, %mul3A_354 : i32
            %add3A_356 = arith.constant 16 : i32
            %add3A_357 = arith.addi %mul3A_355, %add3A_356 : i32
            %get3A_358 = arith.index_cast %add3A_353 : i32 to index
            %get3A_359 = arith.index_cast %add3A_357 : i32 to index
            %get3A_360 = tpu.vector_load %arg9[%get3A_358, %get3A_359] {strides = array<i32>} : memref<64x384xf32, #tpu.memory_space<vmem>>, vector<1x16xf32>,
            %get3A_361 = vector.shape_cast %get3A_360 : vector<1x16xf32> to vector<16xf32>
            %slice3A_362 = vector.extract_strided_slice %get3A_132 {offsets = [4], sizes = [1], strides = [1]} : vector<16xf32> to vector<1xf32>
            %squeeze3A_363 = vector.extract %slice3A_362[0] : f32 from vector<1xf32>
            %mul3A_364 = vector.broadcast %squeeze3A_363 : f32 to vector<16xf32>
            %mul3A_365 = arith.mulf %mul3A_364, %get3A_349 : vector<16xf32>
            %add3A_366 = arith.addf %add3A_320, %mul3A_365 : vector<16xf32>
            %mul3A_367 = vector.broadcast %squeeze3A_363 : f32 to vector<16xf32>
            %mul3A_368 = arith.mulf %mul3A_367, %get3A_361 : vector<16xf32>
            %add3A_369 = arith.addf %add3A_323, %mul3A_368 : vector<16xf32>
            %slice3A_370 = vector.extract_strided_slice %get3A_139 {offsets = [4], sizes = [1], strides = [1]} : vector<16xf32> to vector<1xf32>
            %squeeze3A_371 = vector.extract %slice3A_370[0] : f32 from vector<1xf32>
            %mul3A_372 = vector.broadcast %squeeze3A_371 : f32 to vector<16xf32>
            %mul3A_373 = arith.mulf %mul3A_372, %get3A_349 : vector<16xf32>
            %add3A_374 = arith.addf %add3A_328, %mul3A_373 : vector<16xf32>
            %mul3A_375 = vector.broadcast %squeeze3A_371 : f32 to vector<16xf32>
            %mul3A_376 = arith.mulf %mul3A_375, %get3A_361 : vector<16xf32>
            %add3A_377 = arith.addf %add3A_331, %mul3A_376 : vector<16xf32>
            %slice3A_378 = vector.extract_strided_slice %get3A_146 {offsets = [4], sizes = [1], strides = [1]} : vector<16xf32> to vector<1xf32>
            %squeeze3A_379 = vector.extract %slice3A_378[0] : f32 from vector<1xf32>
            %mul3A_380 = vector.broadcast %squeeze3A_379 : f32 to vector<16xf32>
            %mul3A_381 = arith.mulf %mul3A_380, %get3A_349 : vector<16xf32>
            %add3A_382 = arith.addf %add3A_336, %mul3A_381 : vector<16xf32>
            %mul3A_383 = vector.broadcast %squeeze3A_379 : f32 to vector<16xf32>
            %mul3A_384 = arith.mulf %mul3A_383, %get3A_361 : vector<16xf32>
            %add3A_385 = arith.addf %add3A_339, %mul3A_384 : vector<16xf32>
            %mul3A_386 = arith.constant 16 : i32
            %mul3A_387 = arith.muli %scan3A_119, %mul3A_386 : i32
            %add3A_388 = arith.constant 5 : i32
            %add3A_389 = arith.addi %mul3A_387, %add3A_388 : i32
            %mul3A_390 = arith.constant 32 : i32
            %mul3A_391 = arith.muli %scan3A_126, %mul3A_390 : i32
            %get3A_392 = arith.index_cast %add3A_389 : i32 to index
            %get3A_393 = arith.index_cast %mul3A_391 : i32 to index
            %get3A_394 = tpu.vector_load %arg9[%get3A_392, %get3A_393] {strides = array<i32>} : memref<64x384xf32, #tpu.memory_space<vmem>>, vector<1x16xf32>,
            %get3A_395 = vector.shape_cast %get3A_394 : vector<1x16xf32> to vector<16xf32>
            %mul3A_396 = arith.constant 16 : i32
            %mul3A_397 = arith.muli %scan3A_119, %mul3A_396 : i32
            %add3A_398 = arith.constant 5 : i32
            %add3A_399 = arith.addi %mul3A_397, %add3A_398 : i32
            %mul3A_400 = arith.constant 32 : i32
            %mul3A_401 = arith.muli %scan3A_126, %mul3A_400 : i32
            %add3A_402 = arith.constant 16 : i32
            %add3A_403 = arith.addi %mul3A_401, %add3A_402 : i32
            %get3A_404 = arith.index_cast %add3A_399 : i32 to index
            %get3A_405 = arith.index_cast %add3A_403 : i32 to index
            %get3A_406 = tpu.vector_load %arg9[%get3A_404, %get3A_405] {strides = array<i32>} : memref<64x384xf32, #tpu.memory_space<vmem>>, vector<1x16xf32>,
            %get3A_407 = vector.shape_cast %get3A_406 : vector<1x16xf32> to vector<16xf32>
            %slice3A_408 = vector.extract_strided_slice %get3A_132 {offsets = [5], sizes = [1], strides = [1]} : vector<16xf32> to vector<1xf32>
            %squeeze3A_409 = vector.extract %slice3A_408[0] : f32 from vector<1xf32>
            %mul3A_410 = vector.broadcast %squeeze3A_409 : f32 to vector<16xf32>
            %mul3A_411 = arith.mulf %mul3A_410, %get3A_395 : vector<16xf32>
            %add3A_412 = arith.addf %add3A_366, %mul3A_411 : vector<16xf32>
            %mul3A_413 = vector.broadcast %squeeze3A_409 : f32 to vector<16xf32>
            %mul3A_414 = arith.mulf %mul3A_413, %get3A_407 : vector<16xf32>
            %add3A_415 = arith.addf %add3A_369, %mul3A_414 : vector<16xf32>
            %slice3A_416 = vector.extract_strided_slice %get3A_139 {offsets = [5], sizes = [1], strides = [1]} : vector<16xf32> to vector<1xf32>
            %squeeze3A_417 = vector.extract %slice3A_416[0] : f32 from vector<1xf32>
            %mul3A_418 = vector.broadcast %squeeze3A_417 : f32 to vector<16xf32>
            %mul3A_419 = arith.mulf %mul3A_418, %get3A_395 : vector<16xf32>
            %add3A_420 = arith.addf %add3A_374, %mul3A_419 : vector<16xf32>
            %mul3A_421 = vector.broadcast %squeeze3A_417 : f32 to vector<16xf32>
            %mul3A_422 = arith.mulf %mul3A_421, %get3A_407 : vector<16xf32>
            %add3A_423 = arith.addf %add3A_377, %mul3A_422 : vector<16xf32>
            %slice3A_424 = vector.extract_strided_slice %get3A_146 {offsets = [5], sizes = [1], strides = [1]} : vector<16xf32> to vector<1xf32>
            %squeeze3A_425 = vector.extract %slice3A_424[0] : f32 from vector<1xf32>
            %mul3A_426 = vector.broadcast %squeeze3A_425 : f32 to vector<16xf32>
            %mul3A_427 = arith.mulf %mul3A_426, %get3A_395 : vector<16xf32>
            %add3A_428 = arith.addf %add3A_382, %mul3A_427 : vector<16xf32>
            %mul3A_429 = vector.broadcast %squeeze3A_425 : f32 to vector<16xf32>
            %mul3A_430 = arith.mulf %mul3A_429, %get3A_407 : vector<16xf32>
            %add3A_431 = arith.addf %add3A_385, %mul3A_430 : vector<16xf32>
            %mul3A_432 = arith.constant 16 : i32
            %mul3A_433 = arith.muli %scan3A_119, %mul3A_432 : i32
            %add3A_434 = arith.constant 6 : i32
            %add3A_435 = arith.addi %mul3A_433, %add3A_434 : i32
            %mul3A_436 = arith.constant 32 : i32
            %mul3A_437 = arith.muli %scan3A_126, %mul3A_436 : i32
            %get3A_438 = arith.index_cast %add3A_435 : i32 to index
            %get3A_439 = arith.index_cast %mul3A_437 : i32 to index
            %get3A_440 = tpu.vector_load %arg9[%get3A_438, %get3A_439] {strides = array<i32>} : memref<64x384xf32, #tpu.memory_space<vmem>>, vector<1x16xf32>,
            %get3A_441 = vector.shape_cast %get3A_440 : vector<1x16xf32> to vector<16xf32>
            %mul3A_442 = arith.constant 16 : i32
            %mul3A_443 = arith.muli %scan3A_119, %mul3A_442 : i32
            %add3A_444 = arith.constant 6 : i32
            %add3A_445 = arith.addi %mul3A_443, %add3A_444 : i32
            %mul3A_446 = arith.constant 32 : i32
            %mul3A_447 = arith.muli %scan3A_126, %mul3A_446 : i32
            %add3A_448 = arith.constant 16 : i32
            %add3A_449 = arith.addi %mul3A_447, %add3A_448 : i32
            %get3A_450 = arith.index_cast %add3A_445 : i32 to index
            %get3A_451 = arith.index_cast %add3A_449 : i32 to index
            %get3A_452 = tpu.vector_load %arg9[%get3A_450, %get3A_451] {strides = array<i32>} : memref<64x384xf32, #tpu.memory_space<vmem>>, vector<1x16xf32>,
            %get3A_453 = vector.shape_cast %get3A_452 : vector<1x16xf32> to vector<16xf32>
            %slice3A_454 = vector.extract_strided_slice %get3A_132 {offsets = [6], sizes = [1], strides = [1]} : vector<16xf32> to vector<1xf32>
            %squeeze3A_455 = vector.extract %slice3A_454[0] : f32 from vector<1xf32>
            %mul3A_456 = vector.broadcast %squeeze3A_455 : f32 to vector<16xf32>
            %mul3A_457 = arith.mulf %mul3A_456, %get3A_441 : vector<16xf32>
            %add3A_458 = arith.addf %add3A_412, %mul3A_457 : vector<16xf32>
            %mul3A_459 = vector.broadcast %squeeze3A_455 : f32 to vector<16xf32>
            %mul3A_460 = arith.mulf %mul3A_459, %get3A_453 : vector<16xf32>
            %add3A_461 = arith.addf %add3A_415, %mul3A_460 : vector<16xf32>
            %slice3A_462 = vector.extract_strided_slice %get3A_139 {offsets = [6], sizes = [1], strides = [1]} : vector<16xf32> to vector<1xf32>
            %squeeze3A_463 = vector.extract %slice3A_462[0] : f32 from vector<1xf32>
            %mul3A_464 = vector.broadcast %squeeze3A_463 : f32 to vector<16xf32>
            %mul3A_465 = arith.mulf %mul3A_464, %get3A_441 : vector<16xf32>
            %add3A_466 = arith.addf %add3A_420, %mul3A_465 : vector<16xf32>
            %mul3A_467 = vector.broadcast %squeeze3A_463 : f32 to vector<16xf32>
            %mul3A_468 = arith.mulf %mul3A_467, %get3A_453 : vector<16xf32>
            %add3A_469 = arith.addf %add3A_423, %mul3A_468 : vector<16xf32>
            %slice3A_470 = vector.extract_strided_slice %get3A_146 {offsets = [6], sizes = [1], strides = [1]} : vector<16xf32> to vector<1xf32>
            %squeeze3A_471 = vector.extract %slice3A_470[0] : f32 from vector<1xf32>
            %mul3A_472 = vector.broadcast %squeeze3A_471 : f32 to vector<16xf32>
            %mul3A_473 = arith.mulf %mul3A_472, %get3A_441 : vector<16xf32>
            %add3A_474 = arith.addf %add3A_428, %mul3A_473 : vector<16xf32>
            %mul3A_475 = vector.broadcast %squeeze3A_471 : f32 to vector<16xf32>
            %mul3A_476 = arith.mulf %mul3A_475, %get3A_453 : vector<16xf32>
            %add3A_477 = arith.addf %add3A_431, %mul3A_476 : vector<16xf32>
            %mul3A_478 = arith.constant 16 : i32
            %mul3A_479 = arith.muli %scan3A_119, %mul3A_478 : i32
            %add3A_480 = arith.constant 7 : i32
            %add3A_481 = arith.addi %mul3A_479, %add3A_480 : i32
            %mul3A_482 = arith.constant 32 : i32
            %mul3A_483 = arith.muli %scan3A_126, %mul3A_482 : i32
            %get3A_484 = arith.index_cast %add3A_481 : i32 to index
            %get3A_485 = arith.index_cast %mul3A_483 : i32 to index
            %get3A_486 = tpu.vector_load %arg9[%get3A_484, %get3A_485] {strides = array<i32>} : memref<64x384xf32, #tpu.memory_space<vmem>>, vector<1x16xf32>,
            %get3A_487 = vector.shape_cast %get3A_486 : vector<1x16xf32> to vector<16xf32>
            %mul3A_488 = arith.constant 16 : i32
            %mul3A_489 = arith.muli %scan3A_119, %mul3A_488 : i32
            %add3A_490 = arith.constant 7 : i32
            %add3A_491 = arith.addi %mul3A_489, %add3A_490 : i32
            %mul3A_492 = arith.constant 32 : i32
            %mul3A_493 = arith.muli %scan3A_126, %mul3A_492 : i32
            %add3A_494 = arith.constant 16 : i32
            %add3A_495 = arith.addi %mul3A_493, %add3A_494 : i32
            %get3A_496 = arith.index_cast %add3A_491 : i32 to index
            %get3A_497 = arith.index_cast %add3A_495 : i32 to index
            %get3A_498 = tpu.vector_load %arg9[%get3A_496, %get3A_497] {strides = array<i32>} : memref<64x384xf32, #tpu.memory_space<vmem>>, vector<1x16xf32>,
            %get3A_499 = vector.shape_cast %get3A_498 : vector<1x16xf32> to vector<16xf32>
            %slice3A_500 = vector.extract_strided_slice %get3A_132 {offsets = [7], sizes = [1], strides = [1]} : vector<16xf32> to vector<1xf32>
            %squeeze3A_501 = vector.extract %slice3A_500[0] : f32 from vector<1xf32>
            %mul3A_502 = vector.broadcast %squeeze3A_501 : f32 to vector<16xf32>
            %mul3A_503 = arith.mulf %mul3A_502, %get3A_487 : vector<16xf32>
            %add3A_504 = arith.addf %add3A_458, %mul3A_503 : vector<16xf32>
            %mul3A_505 = vector.broadcast %squeeze3A_501 : f32 to vector<16xf32>
            %mul3A_506 = arith.mulf %mul3A_505, %get3A_499 : vector<16xf32>
            %add3A_507 = arith.addf %add3A_461, %mul3A_506 : vector<16xf32>
            %slice3A_508 = vector.extract_strided_slice %get3A_139 {offsets = [7], sizes = [1], strides = [1]} : vector<16xf32> to vector<1xf32>
            %squeeze3A_509 = vector.extract %slice3A_508[0] : f32 from vector<1xf32>
            %mul3A_510 = vector.broadcast %squeeze3A_509 : f32 to vector<16xf32>
            %mul3A_511 = arith.mulf %mul3A_510, %get3A_487 : vector<16xf32>
            %add3A_512 = arith.addf %add3A_466, %mul3A_511 : vector<16xf32>
            %mul3A_513 = vector.broadcast %squeeze3A_509 : f32 to vector<16xf32>
            %mul3A_514 = arith.mulf %mul3A_513, %get3A_499 : vector<16xf32>
            %add3A_515 = arith.addf %add3A_469, %mul3A_514 : vector<16xf32>
            %slice3A_516 = vector.extract_strided_slice %get3A_146 {offsets = [7], sizes = [1], strides = [1]} : vector<16xf32> to vector<1xf32>
            %squeeze3A_517 = vector.extract %slice3A_516[0] : f32 from vector<1xf32>
            %mul3A_518 = vector.broadcast %squeeze3A_517 : f32 to vector<16xf32>
            %mul3A_519 = arith.mulf %mul3A_518, %get3A_487 : vector<16xf32>
            %add3A_520 = arith.addf %add3A_474, %mul3A_519 : vector<16xf32>
            %mul3A_521 = vector.broadcast %squeeze3A_517 : f32 to vector<16xf32>
            %mul3A_522 = arith.mulf %mul3A_521, %get3A_499 : vector<16xf32>
            %add3A_523 = arith.addf %add3A_477, %mul3A_522 : vector<16xf32>
            %mul3A_524 = arith.constant 16 : i32
            %mul3A_525 = arith.muli %scan3A_119, %mul3A_524 : i32
            %add3A_526 = arith.constant 8 : i32
            %add3A_527 = arith.addi %mul3A_525, %add3A_526 : i32
            %mul3A_528 = arith.constant 32 : i32
            %mul3A_529 = arith.muli %scan3A_126, %mul3A_528 : i32
            %get3A_530 = arith.index_cast %add3A_527 : i32 to index
            %get3A_531 = arith.index_cast %mul3A_529 : i32 to index
            %get3A_532 = tpu.vector_load %arg9[%get3A_530, %get3A_531] {strides = array<i32>} : memref<64x384xf32, #tpu.memory_space<vmem>>, vector<1x16xf32>,
            %get3A_533 = vector.shape_cast %get3A_532 : vector<1x16xf32> to vector<16xf32>
            %mul3A_534 = arith.constant 16 : i32
            %mul3A_535 = arith.muli %scan3A_119, %mul3A_534 : i32
            %add3A_536 = arith.constant 8 : i32
            %add3A_537 = arith.addi %mul3A_535, %add3A_536 : i32
            %mul3A_538 = arith.constant 32 : i32
            %mul3A_539 = arith.muli %scan3A_126, %mul3A_538 : i32
            %add3A_540 = arith.constant 16 : i32
            %add3A_541 = arith.addi %mul3A_539, %add3A_540 : i32
            %get3A_542 = arith.index_cast %add3A_537 : i32 to index
            %get3A_543 = arith.index_cast %add3A_541 : i32 to index
            %get3A_544 = tpu.vector_load %arg9[%get3A_542, %get3A_543] {strides = array<i32>} : memref<64x384xf32, #tpu.memory_space<vmem>>, vector<1x16xf32>,
            %get3A_545 = vector.shape_cast %get3A_544 : vector<1x16xf32> to vector<16xf32>
            %slice3A_546 = vector.extract_strided_slice %get3A_132 {offsets = [8], sizes = [1], strides = [1]} : vector<16xf32> to vector<1xf32>
            %squeeze3A_547 = vector.extract %slice3A_546[0] : f32 from vector<1xf32>
            %mul3A_548 = vector.broadcast %squeeze3A_547 : f32 to vector<16xf32>
            %mul3A_549 = arith.mulf %mul3A_548, %get3A_533 : vector<16xf32>
            %add3A_550 = arith.addf %add3A_504, %mul3A_549 : vector<16xf32>
            %mul3A_551 = vector.broadcast %squeeze3A_547 : f32 to vector<16xf32>
            %mul3A_552 = arith.mulf %mul3A_551, %get3A_545 : vector<16xf32>
            %add3A_553 = arith.addf %add3A_507, %mul3A_552 : vector<16xf32>
            %slice3A_554 = vector.extract_strided_slice %get3A_139 {offsets = [8], sizes = [1], strides = [1]} : vector<16xf32> to vector<1xf32>
            %squeeze3A_555 = vector.extract %slice3A_554[0] : f32 from vector<1xf32>
            %mul3A_556 = vector.broadcast %squeeze3A_555 : f32 to vector<16xf32>
            %mul3A_557 = arith.mulf %mul3A_556, %get3A_533 : vector<16xf32>
            %add3A_558 = arith.addf %add3A_512, %mul3A_557 : vector<16xf32>
            %mul3A_559 = vector.broadcast %squeeze3A_555 : f32 to vector<16xf32>
            %mul3A_560 = arith.mulf %mul3A_559, %get3A_545 : vector<16xf32>
            %add3A_561 = arith.addf %add3A_515, %mul3A_560 : vector<16xf32>
            %slice3A_562 = vector.extract_strided_slice %get3A_146 {offsets = [8], sizes = [1], strides = [1]} : vector<16xf32> to vector<1xf32>
            %squeeze3A_563 = vector.extract %slice3A_562[0] : f32 from vector<1xf32>
            %mul3A_564 = vector.broadcast %squeeze3A_563 : f32 to vector<16xf32>
            %mul3A_565 = arith.mulf %mul3A_564, %get3A_533 : vector<16xf32>
            %add3A_566 = arith.addf %add3A_520, %mul3A_565 : vector<16xf32>
            %mul3A_567 = vector.broadcast %squeeze3A_563 : f32 to vector<16xf32>
            %mul3A_568 = arith.mulf %mul3A_567, %get3A_545 : vector<16xf32>
            %add3A_569 = arith.addf %add3A_523, %mul3A_568 : vector<16xf32>
            %mul3A_570 = arith.constant 16 : i32
            %mul3A_571 = arith.muli %scan3A_119, %mul3A_570 : i32
            %add3A_572 = arith.constant 9 : i32
            %add3A_573 = arith.addi %mul3A_571, %add3A_572 : i32
            %mul3A_574 = arith.constant 32 : i32
            %mul3A_575 = arith.muli %scan3A_126, %mul3A_574 : i32
            %get3A_576 = arith.index_cast %add3A_573 : i32 to index
            %get3A_577 = arith.index_cast %mul3A_575 : i32 to index
            %get3A_578 = tpu.vector_load %arg9[%get3A_576, %get3A_577] {strides = array<i32>} : memref<64x384xf32, #tpu.memory_space<vmem>>, vector<1x16xf32>,
            %get3A_579 = vector.shape_cast %get3A_578 : vector<1x16xf32> to vector<16xf32>
            %mul3A_580 = arith.constant 16 : i32
            %mul3A_581 = arith.muli %scan3A_119, %mul3A_580 : i32
            %add3A_582 = arith.constant 9 : i32
            %add3A_583 = arith.addi %mul3A_581, %add3A_582 : i32
            %mul3A_584 = arith.constant 32 : i32
            %mul3A_585 = arith.muli %scan3A_126, %mul3A_584 : i32
            %add3A_586 = arith.constant 16 : i32
            %add3A_587 = arith.addi %mul3A_585, %add3A_586 : i32
            %get3A_588 = arith.index_cast %add3A_583 : i32 to index
            %get3A_589 = arith.index_cast %add3A_587 : i32 to index
            %get3A_590 = tpu.vector_load %arg9[%get3A_588, %get3A_589] {strides = array<i32>} : memref<64x384xf32, #tpu.memory_space<vmem>>, vector<1x16xf32>,
            %get3A_591 = vector.shape_cast %get3A_590 : vector<1x16xf32> to vector<16xf32>
            %slice3A_592 = vector.extract_strided_slice %get3A_132 {offsets = [9], sizes = [1], strides = [1]} : vector<16xf32> to vector<1xf32>
            %squeeze3A_593 = vector.extract %slice3A_592[0] : f32 from vector<1xf32>
            %mul3A_594 = vector.broadcast %squeeze3A_593 : f32 to vector<16xf32>
            %mul3A_595 = arith.mulf %mul3A_594, %get3A_579 : vector<16xf32>
            %add3A_596 = arith.addf %add3A_550, %mul3A_595 : vector<16xf32>
            %mul3A_597 = vector.broadcast %squeeze3A_593 : f32 to vector<16xf32>
            %mul3A_598 = arith.mulf %mul3A_597, %get3A_591 : vector<16xf32>
            %add3A_599 = arith.addf %add3A_553, %mul3A_598 : vector<16xf32>
            %slice3A_600 = vector.extract_strided_slice %get3A_139 {offsets = [9], sizes = [1], strides = [1]} : vector<16xf32> to vector<1xf32>
            %squeeze3A_601 = vector.extract %slice3A_600[0] : f32 from vector<1xf32>
            %mul3A_602 = vector.broadcast %squeeze3A_601 : f32 to vector<16xf32>
            %mul3A_603 = arith.mulf %mul3A_602, %get3A_579 : vector<16xf32>
            %add3A_604 = arith.addf %add3A_558, %mul3A_603 : vector<16xf32>
            %mul3A_605 = vector.broadcast %squeeze3A_601 : f32 to vector<16xf32>
            %mul3A_606 = arith.mulf %mul3A_605, %get3A_591 : vector<16xf32>
            %add3A_607 = arith.addf %add3A_561, %mul3A_606 : vector<16xf32>
            %slice3A_608 = vector.extract_strided_slice %get3A_146 {offsets = [9], sizes = [1], strides = [1]} : vector<16xf32> to vector<1xf32>
            %squeeze3A_609 = vector.extract %slice3A_608[0] : f32 from vector<1xf32>
            %mul3A_610 = vector.broadcast %squeeze3A_609 : f32 to vector<16xf32>
            %mul3A_611 = arith.mulf %mul3A_610, %get3A_579 : vector<16xf32>
            %add3A_612 = arith.addf %add3A_566, %mul3A_611 : vector<16xf32>
            %mul3A_613 = vector.broadcast %squeeze3A_609 : f32 to vector<16xf32>
            %mul3A_614 = arith.mulf %mul3A_613, %get3A_591 : vector<16xf32>
            %add3A_615 = arith.addf %add3A_569, %mul3A_614 : vector<16xf32>
            %mul3A_616 = arith.constant 16 : i32
            %mul3A_617 = arith.muli %scan3A_119, %mul3A_616 : i32
            %add3A_618 = arith.constant 10 : i32
            %add3A_619 = arith.addi %mul3A_617, %add3A_618 : i32
            %mul3A_620 = arith.constant 32 : i32
            %mul3A_621 = arith.muli %scan3A_126, %mul3A_620 : i32
            %get3A_622 = arith.index_cast %add3A_619 : i32 to index
            %get3A_623 = arith.index_cast %mul3A_621 : i32 to index
            %get3A_624 = tpu.vector_load %arg9[%get3A_622, %get3A_623] {strides = array<i32>} : memref<64x384xf32, #tpu.memory_space<vmem>>, vector<1x16xf32>,
            %get3A_625 = vector.shape_cast %get3A_624 : vector<1x16xf32> to vector<16xf32>
            %mul3A_626 = arith.constant 16 : i32
            %mul3A_627 = arith.muli %scan3A_119, %mul3A_626 : i32
            %add3A_628 = arith.constant 10 : i32
            %add3A_629 = arith.addi %mul3A_627, %add3A_628 : i32
            %mul3A_630 = arith.constant 32 : i32
            %mul3A_631 = arith.muli %scan3A_126, %mul3A_630 : i32
            %add3A_632 = arith.constant 16 : i32
            %add3A_633 = arith.addi %mul3A_631, %add3A_632 : i32
            %get3A_634 = arith.index_cast %add3A_629 : i32 to index
            %get3A_635 = arith.index_cast %add3A_633 : i32 to index
            %get3A_636 = tpu.vector_load %arg9[%get3A_634, %get3A_635] {strides = array<i32>} : memref<64x384xf32, #tpu.memory_space<vmem>>, vector<1x16xf32>,
            %get3A_637 = vector.shape_cast %get3A_636 : vector<1x16xf32> to vector<16xf32>
            %slice3A_638 = vector.extract_strided_slice %get3A_132 {offsets = [10], sizes = [1], strides = [1]} : vector<16xf32> to vector<1xf32>
            %squeeze3A_639 = vector.extract %slice3A_638[0] : f32 from vector<1xf32>
            %mul3A_640 = vector.broadcast %squeeze3A_639 : f32 to vector<16xf32>
            %mul3A_641 = arith.mulf %mul3A_640, %get3A_625 : vector<16xf32>
            %add3A_642 = arith.addf %add3A_596, %mul3A_641 : vector<16xf32>
            %mul3A_643 = vector.broadcast %squeeze3A_639 : f32 to vector<16xf32>
            %mul3A_644 = arith.mulf %mul3A_643, %get3A_637 : vector<16xf32>
            %add3A_645 = arith.addf %add3A_599, %mul3A_644 : vector<16xf32>
            %slice3A_646 = vector.extract_strided_slice %get3A_139 {offsets = [10], sizes = [1], strides = [1]} : vector<16xf32> to vector<1xf32>
            %squeeze3A_647 = vector.extract %slice3A_646[0] : f32 from vector<1xf32>
            %mul3A_648 = vector.broadcast %squeeze3A_647 : f32 to vector<16xf32>
            %mul3A_649 = arith.mulf %mul3A_648, %get3A_625 : vector<16xf32>
            %add3A_650 = arith.addf %add3A_604, %mul3A_649 : vector<16xf32>
            %mul3A_651 = vector.broadcast %squeeze3A_647 : f32 to vector<16xf32>
            %mul3A_652 = arith.mulf %mul3A_651, %get3A_637 : vector<16xf32>
            %add3A_653 = arith.addf %add3A_607, %mul3A_652 : vector<16xf32>
            %slice3A_654 = vector.extract_strided_slice %get3A_146 {offsets = [10], sizes = [1], strides = [1]} : vector<16xf32> to vector<1xf32>
            %squeeze3A_655 = vector.extract %slice3A_654[0] : f32 from vector<1xf32>
            %mul3A_656 = vector.broadcast %squeeze3A_655 : f32 to vector<16xf32>
            %mul3A_657 = arith.mulf %mul3A_656, %get3A_625 : vector<16xf32>
            %add3A_658 = arith.addf %add3A_612, %mul3A_657 : vector<16xf32>
            %mul3A_659 = vector.broadcast %squeeze3A_655 : f32 to vector<16xf32>
            %mul3A_660 = arith.mulf %mul3A_659, %get3A_637 : vector<16xf32>
            %add3A_661 = arith.addf %add3A_615, %mul3A_660 : vector<16xf32>
            %mul3A_662 = arith.constant 16 : i32
            %mul3A_663 = arith.muli %scan3A_119, %mul3A_662 : i32
            %add3A_664 = arith.constant 11 : i32
            %add3A_665 = arith.addi %mul3A_663, %add3A_664 : i32
            %mul3A_666 = arith.constant 32 : i32
            %mul3A_667 = arith.muli %scan3A_126, %mul3A_666 : i32
            %get3A_668 = arith.index_cast %add3A_665 : i32 to index
            %get3A_669 = arith.index_cast %mul3A_667 : i32 to index
            %get3A_670 = tpu.vector_load %arg9[%get3A_668, %get3A_669] {strides = array<i32>} : memref<64x384xf32, #tpu.memory_space<vmem>>, vector<1x16xf32>,
            %get3A_671 = vector.shape_cast %get3A_670 : vector<1x16xf32> to vector<16xf32>
            %mul3A_672 = arith.constant 16 : i32
            %mul3A_673 = arith.muli %scan3A_119, %mul3A_672 : i32
            %add3A_674 = arith.constant 11 : i32
            %add3A_675 = arith.addi %mul3A_673, %add3A_674 : i32
            %mul3A_676 = arith.constant 32 : i32
            %mul3A_677 = arith.muli %scan3A_126, %mul3A_676 : i32
            %add3A_678 = arith.constant 16 : i32
            %add3A_679 = arith.addi %mul3A_677, %add3A_678 : i32
            %get3A_680 = arith.index_cast %add3A_675 : i32 to index
            %get3A_681 = arith.index_cast %add3A_679 : i32 to index
            %get3A_682 = tpu.vector_load %arg9[%get3A_680, %get3A_681] {strides = array<i32>} : memref<64x384xf32, #tpu.memory_space<vmem>>, vector<1x16xf32>,
            %get3A_683 = vector.shape_cast %get3A_682 : vector<1x16xf32> to vector<16xf32>
            %slice3A_684 = vector.extract_strided_slice %get3A_132 {offsets = [11], sizes = [1], strides = [1]} : vector<16xf32> to vector<1xf32>
            %squeeze3A_685 = vector.extract %slice3A_684[0] : f32 from vector<1xf32>
            %mul3A_686 = vector.broadcast %squeeze3A_685 : f32 to vector<16xf32>
            %mul3A_687 = arith.mulf %mul3A_686, %get3A_671 : vector<16xf32>
            %add3A_688 = arith.addf %add3A_642, %mul3A_687 : vector<16xf32>
            %mul3A_689 = vector.broadcast %squeeze3A_685 : f32 to vector<16xf32>
            %mul3A_690 = arith.mulf %mul3A_689, %get3A_683 : vector<16xf32>
            %add3A_691 = arith.addf %add3A_645, %mul3A_690 : vector<16xf32>
            %slice3A_692 = vector.extract_strided_slice %get3A_139 {offsets = [11], sizes = [1], strides = [1]} : vector<16xf32> to vector<1xf32>
            %squeeze3A_693 = vector.extract %slice3A_692[0] : f32 from vector<1xf32>
            %mul3A_694 = vector.broadcast %squeeze3A_693 : f32 to vector<16xf32>
            %mul3A_695 = arith.mulf %mul3A_694, %get3A_671 : vector<16xf32>
            %add3A_696 = arith.addf %add3A_650, %mul3A_695 : vector<16xf32>
            %mul3A_697 = vector.broadcast %squeeze3A_693 : f32 to vector<16xf32>
            %mul3A_698 = arith.mulf %mul3A_697, %get3A_683 : vector<16xf32>
            %add3A_699 = arith.addf %add3A_653, %mul3A_698 : vector<16xf32>
            %slice3A_700 = vector.extract_strided_slice %get3A_146 {offsets = [11], sizes = [1], strides = [1]} : vector<16xf32> to vector<1xf32>
            %squeeze3A_701 = vector.extract %slice3A_700[0] : f32 from vector<1xf32>
            %mul3A_702 = vector.broadcast %squeeze3A_701 : f32 to vector<16xf32>
            %mul3A_703 = arith.mulf %mul3A_702, %get3A_671 : vector<16xf32>
            %add3A_704 = arith.addf %add3A_658, %mul3A_703 : vector<16xf32>
            %mul3A_705 = vector.broadcast %squeeze3A_701 : f32 to vector<16xf32>
            %mul3A_706 = arith.mulf %mul3A_705, %get3A_683 : vector<16xf32>
            %add3A_707 = arith.addf %add3A_661, %mul3A_706 : vector<16xf32>
            %mul3A_708 = arith.constant 16 : i32
            %mul3A_709 = arith.muli %scan3A_119, %mul3A_708 : i32
            %add3A_710 = arith.constant 12 : i32
            %add3A_711 = arith.addi %mul3A_709, %add3A_710 : i32
            %mul3A_712 = arith.constant 32 : i32
            %mul3A_713 = arith.muli %scan3A_126, %mul3A_712 : i32
            %get3A_714 = arith.index_cast %add3A_711 : i32 to index
            %get3A_715 = arith.index_cast %mul3A_713 : i32 to index
            %get3A_716 = tpu.vector_load %arg9[%get3A_714, %get3A_715] {strides = array<i32>} : memref<64x384xf32, #tpu.memory_space<vmem>>, vector<1x16xf32>,
            %get3A_717 = vector.shape_cast %get3A_716 : vector<1x16xf32> to vector<16xf32>
            %mul3A_718 = arith.constant 16 : i32
            %mul3A_719 = arith.muli %scan3A_119, %mul3A_718 : i32
            %add3A_720 = arith.constant 12 : i32
            %add3A_721 = arith.addi %mul3A_719, %add3A_720 : i32
            %mul3A_722 = arith.constant 32 : i32
            %mul3A_723 = arith.muli %scan3A_126, %mul3A_722 : i32
            %add3A_724 = arith.constant 16 : i32
            %add3A_725 = arith.addi %mul3A_723, %add3A_724 : i32
            %get3A_726 = arith.index_cast %add3A_721 : i32 to index
            %get3A_727 = arith.index_cast %add3A_725 : i32 to index
            %get3A_728 = tpu.vector_load %arg9[%get3A_726, %get3A_727] {strides = array<i32>} : memref<64x384xf32, #tpu.memory_space<vmem>>, vector<1x16xf32>,
            %get3A_729 = vector.shape_cast %get3A_728 : vector<1x16xf32> to vector<16xf32>
            %slice3A_730 = vector.extract_strided_slice %get3A_132 {offsets = [12], sizes = [1], strides = [1]} : vector<16xf32> to vector<1xf32>
            %squeeze3A_731 = vector.extract %slice3A_730[0] : f32 from vector<1xf32>
            %mul3A_732 = vector.broadcast %squeeze3A_731 : f32 to vector<16xf32>
            %mul3A_733 = arith.mulf %mul3A_732, %get3A_717 : vector<16xf32>
            %add3A_734 = arith.addf %add3A_688, %mul3A_733 : vector<16xf32>
            %mul3A_735 = vector.broadcast %squeeze3A_731 : f32 to vector<16xf32>
            %mul3A_736 = arith.mulf %mul3A_735, %get3A_729 : vector<16xf32>
            %add3A_737 = arith.addf %add3A_691, %mul3A_736 : vector<16xf32>
            %slice3A_738 = vector.extract_strided_slice %get3A_139 {offsets = [12], sizes = [1], strides = [1]} : vector<16xf32> to vector<1xf32>
            %squeeze3A_739 = vector.extract %slice3A_738[0] : f32 from vector<1xf32>
            %mul3A_740 = vector.broadcast %squeeze3A_739 : f32 to vector<16xf32>
            %mul3A_741 = arith.mulf %mul3A_740, %get3A_717 : vector<16xf32>
            %add3A_742 = arith.addf %add3A_696, %mul3A_741 : vector<16xf32>
            %mul3A_743 = vector.broadcast %squeeze3A_739 : f32 to vector<16xf32>
            %mul3A_744 = arith.mulf %mul3A_743, %get3A_729 : vector<16xf32>
            %add3A_745 = arith.addf %add3A_699, %mul3A_744 : vector<16xf32>
            %slice3A_746 = vector.extract_strided_slice %get3A_146 {offsets = [12], sizes = [1], strides = [1]} : vector<16xf32> to vector<1xf32>
            %squeeze3A_747 = vector.extract %slice3A_746[0] : f32 from vector<1xf32>
            %mul3A_748 = vector.broadcast %squeeze3A_747 : f32 to vector<16xf32>
            %mul3A_749 = arith.mulf %mul3A_748, %get3A_717 : vector<16xf32>
            %add3A_750 = arith.addf %add3A_704, %mul3A_749 : vector<16xf32>
            %mul3A_751 = vector.broadcast %squeeze3A_747 : f32 to vector<16xf32>
            %mul3A_752 = arith.mulf %mul3A_751, %get3A_729 : vector<16xf32>
            %add3A_753 = arith.addf %add3A_707, %mul3A_752 : vector<16xf32>
            %mul3A_754 = arith.constant 16 : i32
            %mul3A_755 = arith.muli %scan3A_119, %mul3A_754 : i32
            %add3A_756 = arith.constant 13 : i32
            %add3A_757 = arith.addi %mul3A_755, %add3A_756 : i32
            %mul3A_758 = arith.constant 32 : i32
            %mul3A_759 = arith.muli %scan3A_126, %mul3A_758 : i32
            %get3A_760 = arith.index_cast %add3A_757 : i32 to index
            %get3A_761 = arith.index_cast %mul3A_759 : i32 to index
            %get3A_762 = tpu.vector_load %arg9[%get3A_760, %get3A_761] {strides = array<i32>} : memref<64x384xf32, #tpu.memory_space<vmem>>, vector<1x16xf32>,
            %get3A_763 = vector.shape_cast %get3A_762 : vector<1x16xf32> to vector<16xf32>
            %mul3A_764 = arith.constant 16 : i32
            %mul3A_765 = arith.muli %scan3A_119, %mul3A_764 : i32
            %add3A_766 = arith.constant 13 : i32
            %add3A_767 = arith.addi %mul3A_765, %add3A_766 : i32
            %mul3A_768 = arith.constant 32 : i32
            %mul3A_769 = arith.muli %scan3A_126, %mul3A_768 : i32
            %add3A_770 = arith.constant 16 : i32
            %add3A_771 = arith.addi %mul3A_769, %add3A_770 : i32
            %get3A_772 = arith.index_cast %add3A_767 : i32 to index
            %get3A_773 = arith.index_cast %add3A_771 : i32 to index
            %get3A_774 = tpu.vector_load %arg9[%get3A_772, %get3A_773] {strides = array<i32>} : memref<64x384xf32, #tpu.memory_space<vmem>>, vector<1x16xf32>,
            %get3A_775 = vector.shape_cast %get3A_774 : vector<1x16xf32> to vector<16xf32>
            %slice3A_776 = vector.extract_strided_slice %get3A_132 {offsets = [13], sizes = [1], strides = [1]} : vector<16xf32> to vector<1xf32>
            %squeeze3A_777 = vector.extract %slice3A_776[0] : f32 from vector<1xf32>
            %mul3A_778 = vector.broadcast %squeeze3A_777 : f32 to vector<16xf32>
            %mul3A_779 = arith.mulf %mul3A_778, %get3A_763 : vector<16xf32>
            %add3A_780 = arith.addf %add3A_734, %mul3A_779 : vector<16xf32>
            %mul3A_781 = vector.broadcast %squeeze3A_777 : f32 to vector<16xf32>
            %mul3A_782 = arith.mulf %mul3A_781, %get3A_775 : vector<16xf32>
            %add3A_783 = arith.addf %add3A_737, %mul3A_782 : vector<16xf32>
            %slice3A_784 = vector.extract_strided_slice %get3A_139 {offsets = [13], sizes = [1], strides = [1]} : vector<16xf32> to vector<1xf32>
            %squeeze3A_785 = vector.extract %slice3A_784[0] : f32 from vector<1xf32>
            %mul3A_786 = vector.broadcast %squeeze3A_785 : f32 to vector<16xf32>
            %mul3A_787 = arith.mulf %mul3A_786, %get3A_763 : vector<16xf32>
            %add3A_788 = arith.addf %add3A_742, %mul3A_787 : vector<16xf32>
            %mul3A_789 = vector.broadcast %squeeze3A_785 : f32 to vector<16xf32>
            %mul3A_790 = arith.mulf %mul3A_789, %get3A_775 : vector<16xf32>
            %add3A_791 = arith.addf %add3A_745, %mul3A_790 : vector<16xf32>
            %slice3A_792 = vector.extract_strided_slice %get3A_146 {offsets = [13], sizes = [1], strides = [1]} : vector<16xf32> to vector<1xf32>
            %squeeze3A_793 = vector.extract %slice3A_792[0] : f32 from vector<1xf32>
            %mul3A_794 = vector.broadcast %squeeze3A_793 : f32 to vector<16xf32>
            %mul3A_795 = arith.mulf %mul3A_794, %get3A_763 : vector<16xf32>
            %add3A_796 = arith.addf %add3A_750, %mul3A_795 : vector<16xf32>
            %mul3A_797 = vector.broadcast %squeeze3A_793 : f32 to vector<16xf32>
            %mul3A_798 = arith.mulf %mul3A_797, %get3A_775 : vector<16xf32>
            %add3A_799 = arith.addf %add3A_753, %mul3A_798 : vector<16xf32>
            %mul3A_800 = arith.constant 16 : i32
            %mul3A_801 = arith.muli %scan3A_119, %mul3A_800 : i32
            %add3A_802 = arith.constant 14 : i32
            %add3A_803 = arith.addi %mul3A_801, %add3A_802 : i32
            %mul3A_804 = arith.constant 32 : i32
            %mul3A_805 = arith.muli %scan3A_126, %mul3A_804 : i32
            %get3A_806 = arith.index_cast %add3A_803 : i32 to index
            %get3A_807 = arith.index_cast %mul3A_805 : i32 to index
            %get3A_808 = tpu.vector_load %arg9[%get3A_806, %get3A_807] {strides = array<i32>} : memref<64x384xf32, #tpu.memory_space<vmem>>, vector<1x16xf32>,
            %get3A_809 = vector.shape_cast %get3A_808 : vector<1x16xf32> to vector<16xf32>
            %mul3A_810 = arith.constant 16 : i32
            %mul3A_811 = arith.muli %scan3A_119, %mul3A_810 : i32
            %add3A_812 = arith.constant 14 : i32
            %add3A_813 = arith.addi %mul3A_811, %add3A_812 : i32
            %mul3A_814 = arith.constant 32 : i32
            %mul3A_815 = arith.muli %scan3A_126, %mul3A_814 : i32
            %add3A_816 = arith.constant 16 : i32
            %add3A_817 = arith.addi %mul3A_815, %add3A_816 : i32
            %get3A_818 = arith.index_cast %add3A_813 : i32 to index
            %get3A_819 = arith.index_cast %add3A_817 : i32 to index
            %get3A_820 = tpu.vector_load %arg9[%get3A_818, %get3A_819] {strides = array<i32>} : memref<64x384xf32, #tpu.memory_space<vmem>>, vector<1x16xf32>,
            %get3A_821 = vector.shape_cast %get3A_820 : vector<1x16xf32> to vector<16xf32>
            %slice3A_822 = vector.extract_strided_slice %get3A_132 {offsets = [14], sizes = [1], strides = [1]} : vector<16xf32> to vector<1xf32>
            %squeeze3A_823 = vector.extract %slice3A_822[0] : f32 from vector<1xf32>
            %mul3A_824 = vector.broadcast %squeeze3A_823 : f32 to vector<16xf32>
            %mul3A_825 = arith.mulf %mul3A_824, %get3A_809 : vector<16xf32>
            %add3A_826 = arith.addf %add3A_780, %mul3A_825 : vector<16xf32>
            %mul3A_827 = vector.broadcast %squeeze3A_823 : f32 to vector<16xf32>
            %mul3A_828 = arith.mulf %mul3A_827, %get3A_821 : vector<16xf32>
            %add3A_829 = arith.addf %add3A_783, %mul3A_828 : vector<16xf32>
            %slice3A_830 = vector.extract_strided_slice %get3A_139 {offsets = [14], sizes = [1], strides = [1]} : vector<16xf32> to vector<1xf32>
            %squeeze3A_831 = vector.extract %slice3A_830[0] : f32 from vector<1xf32>
            %mul3A_832 = vector.broadcast %squeeze3A_831 : f32 to vector<16xf32>
            %mul3A_833 = arith.mulf %mul3A_832, %get3A_809 : vector<16xf32>
            %add3A_834 = arith.addf %add3A_788, %mul3A_833 : vector<16xf32>
            %mul3A_835 = vector.broadcast %squeeze3A_831 : f32 to vector<16xf32>
            %mul3A_836 = arith.mulf %mul3A_835, %get3A_821 : vector<16xf32>
            %add3A_837 = arith.addf %add3A_791, %mul3A_836 : vector<16xf32>
            %slice3A_838 = vector.extract_strided_slice %get3A_146 {offsets = [14], sizes = [1], strides = [1]} : vector<16xf32> to vector<1xf32>
            %squeeze3A_839 = vector.extract %slice3A_838[0] : f32 from vector<1xf32>
            %mul3A_840 = vector.broadcast %squeeze3A_839 : f32 to vector<16xf32>
            %mul3A_841 = arith.mulf %mul3A_840, %get3A_809 : vector<16xf32>
            %add3A_842 = arith.addf %add3A_796, %mul3A_841 : vector<16xf32>
            %mul3A_843 = vector.broadcast %squeeze3A_839 : f32 to vector<16xf32>
            %mul3A_844 = arith.mulf %mul3A_843, %get3A_821 : vector<16xf32>
            %add3A_845 = arith.addf %add3A_799, %mul3A_844 : vector<16xf32>
            %mul3A_846 = arith.constant 16 : i32
            %mul3A_847 = arith.muli %scan3A_119, %mul3A_846 : i32
            %add3A_848 = arith.constant 15 : i32
            %add3A_849 = arith.addi %mul3A_847, %add3A_848 : i32
            %mul3A_850 = arith.constant 32 : i32
            %mul3A_851 = arith.muli %scan3A_126, %mul3A_850 : i32
            %get3A_852 = arith.index_cast %add3A_849 : i32 to index
            %get3A_853 = arith.index_cast %mul3A_851 : i32 to index
            %get3A_854 = tpu.vector_load %arg9[%get3A_852, %get3A_853] {strides = array<i32>} : memref<64x384xf32, #tpu.memory_space<vmem>>, vector<1x16xf32>,
            %get3A_855 = vector.shape_cast %get3A_854 : vector<1x16xf32> to vector<16xf32>
            %mul3A_856 = arith.constant 16 : i32
            %mul3A_857 = arith.muli %scan3A_119, %mul3A_856 : i32
            %add3A_858 = arith.constant 15 : i32
            %add3A_859 = arith.addi %mul3A_857, %add3A_858 : i32
            %mul3A_860 = arith.constant 32 : i32
            %mul3A_861 = arith.muli %scan3A_126, %mul3A_860 : i32
            %add3A_862 = arith.constant 16 : i32
            %add3A_863 = arith.addi %mul3A_861, %add3A_862 : i32
            %get3A_864 = arith.index_cast %add3A_859 : i32 to index
            %get3A_865 = arith.index_cast %add3A_863 : i32 to index
            %get3A_866 = tpu.vector_load %arg9[%get3A_864, %get3A_865] {strides = array<i32>} : memref<64x384xf32, #tpu.memory_space<vmem>>, vector<1x16xf32>,
            %get3A_867 = vector.shape_cast %get3A_866 : vector<1x16xf32> to vector<16xf32>
            %slice3A_868 = vector.extract_strided_slice %get3A_132 {offsets = [15], sizes = [1], strides = [1]} : vector<16xf32> to vector<1xf32>
            %squeeze3A_869 = vector.extract %slice3A_868[0] : f32 from vector<1xf32>
            %mul3A_870 = vector.broadcast %squeeze3A_869 : f32 to vector<16xf32>
            %mul3A_871 = arith.mulf %mul3A_870, %get3A_855 : vector<16xf32>
            %add3A_872 = arith.addf %add3A_826, %mul3A_871 : vector<16xf32>
            %mul3A_873 = vector.broadcast %squeeze3A_869 : f32 to vector<16xf32>
            %mul3A_874 = arith.mulf %mul3A_873, %get3A_867 : vector<16xf32>
            %add3A_875 = arith.addf %add3A_829, %mul3A_874 : vector<16xf32>
            %slice3A_876 = vector.extract_strided_slice %get3A_139 {offsets = [15], sizes = [1], strides = [1]} : vector<16xf32> to vector<1xf32>
            %squeeze3A_877 = vector.extract %slice3A_876[0] : f32 from vector<1xf32>
            %mul3A_878 = vector.broadcast %squeeze3A_877 : f32 to vector<16xf32>
            %mul3A_879 = arith.mulf %mul3A_878, %get3A_855 : vector<16xf32>
            %add3A_880 = arith.addf %add3A_834, %mul3A_879 : vector<16xf32>
            %mul3A_881 = vector.broadcast %squeeze3A_877 : f32 to vector<16xf32>
            %mul3A_882 = arith.mulf %mul3A_881, %get3A_867 : vector<16xf32>
            %add3A_883 = arith.addf %add3A_837, %mul3A_882 : vector<16xf32>
            %slice3A_884 = vector.extract_strided_slice %get3A_146 {offsets = [15], sizes = [1], strides = [1]} : vector<16xf32> to vector<1xf32>
            %squeeze3A_885 = vector.extract %slice3A_884[0] : f32 from vector<1xf32>
            %mul3A_886 = vector.broadcast %squeeze3A_885 : f32 to vector<16xf32>
            %mul3A_887 = arith.mulf %mul3A_886, %get3A_855 : vector<16xf32>
            %add3A_888 = arith.addf %add3A_842, %mul3A_887 : vector<16xf32>
            %mul3A_889 = vector.broadcast %squeeze3A_885 : f32 to vector<16xf32>
            %mul3A_890 = arith.mulf %mul3A_889, %get3A_867 : vector<16xf32>
            %add3A_891 = arith.addf %add3A_845, %mul3A_890 : vector<16xf32>
            %mul3A_892 = arith.constant 12 : i32
            %mul3A_893 = arith.muli %scan3A_119, %mul3A_892 : i32
            %add3A_894 = arith.addi %mul3A_893, %scan3A_126 : i32
            %swap3A = arith.index_cast %add3A_894 : i32 to index
            %swap3A_895 = arith.constant 0 : index
            %swap3A_896 = tpu.vector_load %arg13[%swap3A, %swap3A_895] {strides = array<i32>} : memref<48x128xf32, #tpu.memory_space<vmem>>, vector<1x16xf32>,
            %swap3A_897 = vector.shape_cast %swap3A_896 : vector<1x16xf32> to vector<16xf32>
            %swap3A_898 = vector.shape_cast %add3A_872 : vector<16xf32> to vector<1x16xf32>
            tpu.vector_store %arg13[%swap3A, %swap3A_895], %swap3A_898 {strides = array<i32>} : memref<48x128xf32, #tpu.memory_space<vmem>>, vector<1x16xf32>,
            %mul3A_899 = arith.constant 12 : i32
            %mul3A_900 = arith.muli %scan3A_119, %mul3A_899 : i32
            %add3A_901 = arith.addi %mul3A_900, %scan3A_126 : i32
            %swap3A_902 = arith.index_cast %add3A_901 : i32 to index
            %swap3A_903 = arith.constant 16 : index
            %swap3A_904 = tpu.vector_load %arg13[%swap3A_902, %swap3A_903] {strides = array<i32>} : memref<48x128xf32, #tpu.memory_space<vmem>>, vector<1x16xf32>,
            %swap3A_905 = vector.shape_cast %swap3A_904 : vector<1x16xf32> to vector<16xf32>
            %swap3A_906 = vector.shape_cast %add3A_875 : vector<16xf32> to vector<1x16xf32>
            tpu.vector_store %arg13[%swap3A_902, %swap3A_903], %swap3A_906 {strides = array<i32>} : memref<48x128xf32, #tpu.memory_space<vmem>>, vector<1x16xf32>,
            %mul3A_907 = arith.constant 12 : i32
            %mul3A_908 = arith.muli %scan3A_119, %mul3A_907 : i32
            %add3A_909 = arith.addi %mul3A_908, %scan3A_126 : i32
            %swap3A_910 = arith.index_cast %add3A_909 : i32 to index
            %swap3A_911 = arith.constant 32 : index
            %swap3A_912 = tpu.vector_load %arg13[%swap3A_910, %swap3A_911] {strides = array<i32>} : memref<48x128xf32, #tpu.memory_space<vmem>>, vector<1x16xf32>,
            %swap3A_913 = vector.shape_cast %swap3A_912 : vector<1x16xf32> to vector<16xf32>
            %swap3A_914 = vector.shape_cast %add3A_880 : vector<16xf32> to vector<1x16xf32>
            tpu.vector_store %arg13[%swap3A_910, %swap3A_911], %swap3A_914 {strides = array<i32>} : memref<48x128xf32, #tpu.memory_space<vmem>>, vector<1x16xf32>,
            %mul3A_915 = arith.constant 12 : i32
            %mul3A_916 = arith.muli %scan3A_119, %mul3A_915 : i32
            %add3A_917 = arith.addi %mul3A_916, %scan3A_126 : i32
            %swap3A_918 = arith.index_cast %add3A_917 : i32 to index
            %swap3A_919 = arith.constant 48 : index
            %swap3A_920 = tpu.vector_load %arg13[%swap3A_918, %swap3A_919] {strides = array<i32>} : memref<48x128xf32, #tpu.memory_space<vmem>>, vector<1x16xf32>,
            %swap3A_921 = vector.shape_cast %swap3A_920 : vector<1x16xf32> to vector<16xf32>
            %swap3A_922 = vector.shape_cast %add3A_883 : vector<16xf32> to vector<1x16xf32>
            tpu.vector_store %arg13[%swap3A_918, %swap3A_919], %swap3A_922 {strides = array<i32>} : memref<48x128xf32, #tpu.memory_space<vmem>>, vector<1x16xf32>,
            %mul3A_923 = arith.constant 12 : i32
            %mul3A_924 = arith.muli %scan3A_119, %mul3A_923 : i32
            %add3A_925 = arith.addi %mul3A_924, %scan3A_126 : i32
            %swap3A_926 = arith.index_cast %add3A_925 : i32 to index
            %swap3A_927 = arith.constant 64 : index
            %swap3A_928 = tpu.vector_load %arg13[%swap3A_926, %swap3A_927] {strides = array<i32>} : memref<48x128xf32, #tpu.memory_space<vmem>>, vector<1x16xf32>,
            %swap3A_929 = vector.shape_cast %swap3A_928 : vector<1x16xf32> to vector<16xf32>
            %swap3A_930 = vector.shape_cast %add3A_888 : vector<16xf32> to vector<1x16xf32>
            tpu.vector_store %arg13[%swap3A_926, %swap3A_927], %swap3A_930 {strides = array<i32>} : memref<48x128xf32, #tpu.memory_space<vmem>>, vector<1x16xf32>,
            %mul3A_931 = arith.constant 12 : i32
            %mul3A_932 = arith.muli %scan3A_119, %mul3A_931 : i32
            %add3A_933 = arith.addi %mul3A_932, %scan3A_126 : i32
            %swap3A_934 = arith.index_cast %add3A_933 : i32 to index
            %swap3A_935 = arith.constant 80 : index
            %swap3A_936 = tpu.vector_load %arg13[%swap3A_934, %swap3A_935] {strides = array<i32>} : memref<48x128xf32, #tpu.memory_space<vmem>>, vector<1x16xf32>,
            %swap3A_937 = vector.shape_cast %swap3A_936 : vector<1x16xf32> to vector<16xf32>
            %swap3A_938 = vector.shape_cast %add3A_891 : vector<16xf32> to vector<1x16xf32>
            tpu.vector_store %arg13[%swap3A_934, %swap3A_935], %swap3A_938 {strides = array<i32>} : memref<48x128xf32, #tpu.memory_space<vmem>>, vector<1x16xf32>,
            %scan3A_939 = arith.constant 1 : i32
            %scan3A_940 = arith.addi %scan3A_126, %scan3A_939 : i32
            %get3A_941 = arith.constant 0 : i32
            %get3A_942 = arith.index_cast %scan3A_119 : i32 to index
            %get3A_943 = arith.index_cast %scan3A_940 : i32 to index
            %get3A_944 = arith.index_cast %get3A_941 : i32 to index
            %get3A_945 = arith.constant 0 : index
            %get3A_946 = tpu.vector_load %arg11[%get3A_942, %get3A_943, %get3A_944, %get3A_945] {strides = array<i32>} : memref<4x12x3x16xf32, #tpu.memory_space<vmem>>, vector<1x1x1x16xf32>,
            %get3A_947 = vector.shape_cast %get3A_946 : vector<1x1x1x16xf32> to vector<16xf32>
            %get3A_948 = arith.constant 1 : i32
            %get3A_949 = arith.index_cast %scan3A_119 : i32 to index
            %get3A_950 = arith.index_cast %scan3A_940 : i32 to index
            %get3A_951 = arith.index_cast %get3A_948 : i32 to index
            %get3A_952 = arith.constant 0 : index
            %get3A_953 = tpu.vector_load %arg11[%get3A_949, %get3A_950, %get3A_951, %get3A_952] {strides = array<i32>} : memref<4x12x3x16xf32, #tpu.memory_space<vmem>>, vector<1x1x1x16xf32>,
            %get3A_954 = vector.shape_cast %get3A_953 : vector<1x1x1x16xf32> to vector<16xf32>
            %get3A_955 = arith.constant 2 : i32
            %get3A_956 = arith.index_cast %scan3A_119 : i32 to index
            %get3A_957 = arith.index_cast %scan3A_940 : i32 to index
            %get3A_958 = arith.index_cast %get3A_955 : i32 to index
            %get3A_959 = arith.constant 0 : index
            %get3A_960 = tpu.vector_load %arg11[%get3A_956, %get3A_957, %get3A_958, %get3A_959] {strides = array<i32>} : memref<4x12x3x16xf32, #tpu.memory_space<vmem>>, vector<1x1x1x16xf32>,
            %get3A_961 = vector.shape_cast %get3A_960 : vector<1x1x1x16xf32> to vector<16xf32>
            %broadcast_in_dim3A_962 = arith.constant 0.000000e+00 : f32
            %broadcast_in_dim3A_963 = vector.broadcast %broadcast_in_dim3A_962 : f32 to vector<16xf32>
            %broadcast_in_dim3A_964 = arith.constant 0.000000e+00 : f32
            %broadcast_in_dim3A_965 = vector.broadcast %broadcast_in_dim3A_964 : f32 to vector<16xf32>
            %broadcast_in_dim3A_966 = arith.constant 0.000000e+00 : f32
            %broadcast_in_dim3A_967 = vector.broadcast %broadcast_in_dim3A_966 : f32 to vector<16xf32>
            %broadcast_in_dim3A_968 = arith.constant 0.000000e+00 : f32
            %broadcast_in_dim3A_969 = vector.broadcast %broadcast_in_dim3A_968 : f32 to vector<16xf32>
            %broadcast_in_dim3A_970 = arith.constant 0.000000e+00 : f32
            %broadcast_in_dim3A_971 = vector.broadcast %broadcast_in_dim3A_970 : f32 to vector<16xf32>
            %broadcast_in_dim3A_972 = arith.constant 0.000000e+00 : f32
            %broadcast_in_dim3A_973 = vector.broadcast %broadcast_in_dim3A_972 : f32 to vector<16xf32>
            %mul3A_974 = arith.constant 16 : i32
            %mul3A_975 = arith.muli %scan3A_119, %mul3A_974 : i32
            %add3A_976 = arith.constant 0 : i32
            %add3A_977 = arith.addi %mul3A_975, %add3A_976 : i32
            %mul3A_978 = arith.constant 32 : i32
            %mul3A_979 = arith.muli %scan3A_940, %mul3A_978 : i32
            %get3A_980 = arith.index_cast %add3A_977 : i32 to index
            %get3A_981 = arith.index_cast %mul3A_979 : i32 to index
            %get3A_982 = tpu.vector_load %arg9[%get3A_980, %get3A_981] {strides = array<i32>} : memref<64x384xf32, #tpu.memory_space<vmem>>, vector<1x16xf32>,
            %get3A_983 = vector.shape_cast %get3A_982 : vector<1x16xf32> to vector<16xf32>
            %mul3A_984 = arith.constant 16 : i32
            %mul3A_985 = arith.muli %scan3A_119, %mul3A_984 : i32
            %add3A_986 = arith.constant 0 : i32
            %add3A_987 = arith.addi %mul3A_985, %add3A_986 : i32
            %mul3A_988 = arith.constant 32 : i32
            %mul3A_989 = arith.muli %scan3A_940, %mul3A_988 : i32
            %add3A_990 = arith.constant 16 : i32
            %add3A_991 = arith.addi %mul3A_989, %add3A_990 : i32
            %get3A_992 = arith.index_cast %add3A_987 : i32 to index
            %get3A_993 = arith.index_cast %add3A_991 : i32 to index
            %get3A_994 = tpu.vector_load %arg9[%get3A_992, %get3A_993] {strides = array<i32>} : memref<64x384xf32, #tpu.memory_space<vmem>>, vector<1x16xf32>,
            %get3A_995 = vector.shape_cast %get3A_994 : vector<1x16xf32> to vector<16xf32>
            %slice3A_996 = vector.extract_strided_slice %get3A_947 {offsets = [0], sizes = [1], strides = [1]} : vector<16xf32> to vector<1xf32>
            %squeeze3A_997 = vector.extract %slice3A_996[0] : f32 from vector<1xf32>
            %mul3A_998 = vector.broadcast %squeeze3A_997 : f32 to vector<16xf32>
            %mul3A_999 = arith.mulf %mul3A_998, %get3A_983 : vector<16xf32>
            %add3A_1000 = arith.addf %broadcast_in_dim3A_963, %mul3A_999 : vector<16xf32>
            %mul3A_1001 = vector.broadcast %squeeze3A_997 : f32 to vector<16xf32>
            %mul3A_1002 = arith.mulf %mul3A_1001, %get3A_995 : vector<16xf32>
            %add3A_1003 = arith.addf %broadcast_in_dim3A_965, %mul3A_1002 : vector<16xf32>
            %slice3A_1004 = vector.extract_strided_slice %get3A_954 {offsets = [0], sizes = [1], strides = [1]} : vector<16xf32> to vector<1xf32>
            %squeeze3A_1005 = vector.extract %slice3A_1004[0] : f32 from vector<1xf32>
            %mul3A_1006 = vector.broadcast %squeeze3A_1005 : f32 to vector<16xf32>
            %mul3A_1007 = arith.mulf %mul3A_1006, %get3A_983 : vector<16xf32>
            %add3A_1008 = arith.addf %broadcast_in_dim3A_967, %mul3A_1007 : vector<16xf32>
            %mul3A_1009 = vector.broadcast %squeeze3A_1005 : f32 to vector<16xf32>
            %mul3A_1010 = arith.mulf %mul3A_1009, %get3A_995 : vector<16xf32>
            %add3A_1011 = arith.addf %broadcast_in_dim3A_969, %mul3A_1010 : vector<16xf32>
            %slice3A_1012 = vector.extract_strided_slice %get3A_961 {offsets = [0], sizes = [1], strides = [1]} : vector<16xf32> to vector<1xf32>
            %squeeze3A_1013 = vector.extract %slice3A_1012[0] : f32 from vector<1xf32>
            %mul3A_1014 = vector.broadcast %squeeze3A_1013 : f32 to vector<16xf32>
            %mul3A_1015 = arith.mulf %mul3A_1014, %get3A_983 : vector<16xf32>
            %add3A_1016 = arith.addf %broadcast_in_dim3A_971, %mul3A_1015 : vector<16xf32>
            %mul3A_1017 = vector.broadcast %squeeze3A_1013 : f32 to vector<16xf32>
            %mul3A_1018 = arith.mulf %mul3A_1017, %get3A_995 : vector<16xf32>
            %add3A_1019 = arith.addf %broadcast_in_dim3A_973, %mul3A_1018 : vector<16xf32>
            %mul3A_1020 = arith.constant 16 : i32
            %mul3A_1021 = arith.muli %scan3A_119, %mul3A_1020 : i32
            %add3A_1022 = arith.constant 1 : i32
            %add3A_1023 = arith.addi %mul3A_1021, %add3A_1022 : i32
            %mul3A_1024 = arith.constant 32 : i32
            %mul3A_1025 = arith.muli %scan3A_940, %mul3A_1024 : i32
            %get3A_1026 = arith.index_cast %add3A_1023 : i32 to index
            %get3A_1027 = arith.index_cast %mul3A_1025 : i32 to index
            %get3A_1028 = tpu.vector_load %arg9[%get3A_1026, %get3A_1027] {strides = array<i32>} : memref<64x384xf32, #tpu.memory_space<vmem>>, vector<1x16xf32>,
            %get3A_1029 = vector.shape_cast %get3A_1028 : vector<1x16xf32> to vector<16xf32>
            %mul3A_1030 = arith.constant 16 : i32
            %mul3A_1031 = arith.muli %scan3A_119, %mul3A_1030 : i32
            %add3A_1032 = arith.constant 1 : i32
            %add3A_1033 = arith.addi %mul3A_1031, %add3A_1032 : i32
            %mul3A_1034 = arith.constant 32 : i32
            %mul3A_1035 = arith.muli %scan3A_940, %mul3A_1034 : i32
            %add3A_1036 = arith.constant 16 : i32
            %add3A_1037 = arith.addi %mul3A_1035, %add3A_1036 : i32
            %get3A_1038 = arith.index_cast %add3A_1033 : i32 to index
            %get3A_1039 = arith.index_cast %add3A_1037 : i32 to index
            %get3A_1040 = tpu.vector_load %arg9[%get3A_1038, %get3A_1039] {strides = array<i32>} : memref<64x384xf32, #tpu.memory_space<vmem>>, vector<1x16xf32>,
            %get3A_1041 = vector.shape_cast %get3A_1040 : vector<1x16xf32> to vector<16xf32>
            %slice3A_1042 = vector.extract_strided_slice %get3A_947 {offsets = [1], sizes = [1], strides = [1]} : vector<16xf32> to vector<1xf32>
            %squeeze3A_1043 = vector.extract %slice3A_1042[0] : f32 from vector<1xf32>
            %mul3A_1044 = vector.broadcast %squeeze3A_1043 : f32 to vector<16xf32>
            %mul3A_1045 = arith.mulf %mul3A_1044, %get3A_1029 : vector<16xf32>
            %add3A_1046 = arith.addf %add3A_1000, %mul3A_1045 : vector<16xf32>
            %mul3A_1047 = vector.broadcast %squeeze3A_1043 : f32 to vector<16xf32>
            %mul3A_1048 = arith.mulf %mul3A_1047, %get3A_1041 : vector<16xf32>
            %add3A_1049 = arith.addf %add3A_1003, %mul3A_1048 : vector<16xf32>
            %slice3A_1050 = vector.extract_strided_slice %get3A_954 {offsets = [1], sizes = [1], strides = [1]} : vector<16xf32> to vector<1xf32>
            %squeeze3A_1051 = vector.extract %slice3A_1050[0] : f32 from vector<1xf32>
            %mul3A_1052 = vector.broadcast %squeeze3A_1051 : f32 to vector<16xf32>
            %mul3A_1053 = arith.mulf %mul3A_1052, %get3A_1029 : vector<16xf32>
            %add3A_1054 = arith.addf %add3A_1008, %mul3A_1053 : vector<16xf32>
            %mul3A_1055 = vector.broadcast %squeeze3A_1051 : f32 to vector<16xf32>
            %mul3A_1056 = arith.mulf %mul3A_1055, %get3A_1041 : vector<16xf32>
            %add3A_1057 = arith.addf %add3A_1011, %mul3A_1056 : vector<16xf32>
            %slice3A_1058 = vector.extract_strided_slice %get3A_961 {offsets = [1], sizes = [1], strides = [1]} : vector<16xf32> to vector<1xf32>
            %squeeze3A_1059 = vector.extract %slice3A_1058[0] : f32 from vector<1xf32>
            %mul3A_1060 = vector.broadcast %squeeze3A_1059 : f32 to vector<16xf32>
            %mul3A_1061 = arith.mulf %mul3A_1060, %get3A_1029 : vector<16xf32>
            %add3A_1062 = arith.addf %add3A_1016, %mul3A_1061 : vector<16xf32>
            %mul3A_1063 = vector.broadcast %squeeze3A_1059 : f32 to vector<16xf32>
            %mul3A_1064 = arith.mulf %mul3A_1063, %get3A_1041 : vector<16xf32>
            %add3A_1065 = arith.addf %add3A_1019, %mul3A_1064 : vector<16xf32>
            %mul3A_1066 = arith.constant 16 : i32
            %mul3A_1067 = arith.muli %scan3A_119, %mul3A_1066 : i32
            %add3A_1068 = arith.constant 2 : i32
            %add3A_1069 = arith.addi %mul3A_1067, %add3A_1068 : i32
            %mul3A_1070 = arith.constant 32 : i32
            %mul3A_1071 = arith.muli %scan3A_940, %mul3A_1070 : i32
            %get3A_1072 = arith.index_cast %add3A_1069 : i32 to index
            %get3A_1073 = arith.index_cast %mul3A_1071 : i32 to index
            %get3A_1074 = tpu.vector_load %arg9[%get3A_1072, %get3A_1073] {strides = array<i32>} : memref<64x384xf32, #tpu.memory_space<vmem>>, vector<1x16xf32>,
            %get3A_1075 = vector.shape_cast %get3A_1074 : vector<1x16xf32> to vector<16xf32>
            %mul3A_1076 = arith.constant 16 : i32
            %mul3A_1077 = arith.muli %scan3A_119, %mul3A_1076 : i32
            %add3A_1078 = arith.constant 2 : i32
            %add3A_1079 = arith.addi %mul3A_1077, %add3A_1078 : i32
            %mul3A_1080 = arith.constant 32 : i32
            %mul3A_1081 = arith.muli %scan3A_940, %mul3A_1080 : i32
            %add3A_1082 = arith.constant 16 : i32
            %add3A_1083 = arith.addi %mul3A_1081, %add3A_1082 : i32
            %get3A_1084 = arith.index_cast %add3A_1079 : i32 to index
            %get3A_1085 = arith.index_cast %add3A_1083 : i32 to index
            %get3A_1086 = tpu.vector_load %arg9[%get3A_1084, %get3A_1085] {strides = array<i32>} : memref<64x384xf32, #tpu.memory_space<vmem>>, vector<1x16xf32>,
            %get3A_1087 = vector.shape_cast %get3A_1086 : vector<1x16xf32> to vector<16xf32>
            %slice3A_1088 = vector.extract_strided_slice %get3A_947 {offsets = [2], sizes = [1], strides = [1]} : vector<16xf32> to vector<1xf32>
            %squeeze3A_1089 = vector.extract %slice3A_1088[0] : f32 from vector<1xf32>
            %mul3A_1090 = vector.broadcast %squeeze3A_1089 : f32 to vector<16xf32>
            %mul3A_1091 = arith.mulf %mul3A_1090, %get3A_1075 : vector<16xf32>
            %add3A_1092 = arith.addf %add3A_1046, %mul3A_1091 : vector<16xf32>
            %mul3A_1093 = vector.broadcast %squeeze3A_1089 : f32 to vector<16xf32>
            %mul3A_1094 = arith.mulf %mul3A_1093, %get3A_1087 : vector<16xf32>
            %add3A_1095 = arith.addf %add3A_1049, %mul3A_1094 : vector<16xf32>
            %slice3A_1096 = vector.extract_strided_slice %get3A_954 {offsets = [2], sizes = [1], strides = [1]} : vector<16xf32> to vector<1xf32>
            %squeeze3A_1097 = vector.extract %slice3A_1096[0] : f32 from vector<1xf32>
            %mul3A_1098 = vector.broadcast %squeeze3A_1097 : f32 to vector<16xf32>
            %mul3A_1099 = arith.mulf %mul3A_1098, %get3A_1075 : vector<16xf32>
            %add3A_1100 = arith.addf %add3A_1054, %mul3A_1099 : vector<16xf32>
            %mul3A_1101 = vector.broadcast %squeeze3A_1097 : f32 to vector<16xf32>
            %mul3A_1102 = arith.mulf %mul3A_1101, %get3A_1087 : vector<16xf32>
            %add3A_1103 = arith.addf %add3A_1057, %mul3A_1102 : vector<16xf32>
            %slice3A_1104 = vector.extract_strided_slice %get3A_961 {offsets = [2], sizes = [1], strides = [1]} : vector<16xf32> to vector<1xf32>
            %squeeze3A_1105 = vector.extract %slice3A_1104[0] : f32 from vector<1xf32>
            %mul3A_1106 = vector.broadcast %squeeze3A_1105 : f32 to vector<16xf32>
            %mul3A_1107 = arith.mulf %mul3A_1106, %get3A_1075 : vector<16xf32>
            %add3A_1108 = arith.addf %add3A_1062, %mul3A_1107 : vector<16xf32>
            %mul3A_1109 = vector.broadcast %squeeze3A_1105 : f32 to vector<16xf32>
            %mul3A_1110 = arith.mulf %mul3A_1109, %get3A_1087 : vector<16xf32>
            %add3A_1111 = arith.addf %add3A_1065, %mul3A_1110 : vector<16xf32>
            %mul3A_1112 = arith.constant 16 : i32
            %mul3A_1113 = arith.muli %scan3A_119, %mul3A_1112 : i32
            %add3A_1114 = arith.constant 3 : i32
            %add3A_1115 = arith.addi %mul3A_1113, %add3A_1114 : i32
            %mul3A_1116 = arith.constant 32 : i32
            %mul3A_1117 = arith.muli %scan3A_940, %mul3A_1116 : i32
            %get3A_1118 = arith.index_cast %add3A_1115 : i32 to index
            %get3A_1119 = arith.index_cast %mul3A_1117 : i32 to index
            %get3A_1120 = tpu.vector_load %arg9[%get3A_1118, %get3A_1119] {strides = array<i32>} : memref<64x384xf32, #tpu.memory_space<vmem>>, vector<1x16xf32>,
            %get3A_1121 = vector.shape_cast %get3A_1120 : vector<1x16xf32> to vector<16xf32>
            %mul3A_1122 = arith.constant 16 : i32
            %mul3A_1123 = arith.muli %scan3A_119, %mul3A_1122 : i32
            %add3A_1124 = arith.constant 3 : i32
            %add3A_1125 = arith.addi %mul3A_1123, %add3A_1124 : i32
            %mul3A_1126 = arith.constant 32 : i32
            %mul3A_1127 = arith.muli %scan3A_940, %mul3A_1126 : i32
            %add3A_1128 = arith.constant 16 : i32
            %add3A_1129 = arith.addi %mul3A_1127, %add3A_1128 : i32
            %get3A_1130 = arith.index_cast %add3A_1125 : i32 to index
            %get3A_1131 = arith.index_cast %add3A_1129 : i32 to index
            %get3A_1132 = tpu.vector_load %arg9[%get3A_1130, %get3A_1131] {strides = array<i32>} : memref<64x384xf32, #tpu.memory_space<vmem>>, vector<1x16xf32>,
            %get3A_1133 = vector.shape_cast %get3A_1132 : vector<1x16xf32> to vector<16xf32>
            %slice3A_1134 = vector.extract_strided_slice %get3A_947 {offsets = [3], sizes = [1], strides = [1]} : vector<16xf32> to vector<1xf32>
            %squeeze3A_1135 = vector.extract %slice3A_1134[0] : f32 from vector<1xf32>
            %mul3A_1136 = vector.broadcast %squeeze3A_1135 : f32 to vector<16xf32>
            %mul3A_1137 = arith.mulf %mul3A_1136, %get3A_1121 : vector<16xf32>
            %add3A_1138 = arith.addf %add3A_1092, %mul3A_1137 : vector<16xf32>
            %mul3A_1139 = vector.broadcast %squeeze3A_1135 : f32 to vector<16xf32>
            %mul3A_1140 = arith.mulf %mul3A_1139, %get3A_1133 : vector<16xf32>
            %add3A_1141 = arith.addf %add3A_1095, %mul3A_1140 : vector<16xf32>
            %slice3A_1142 = vector.extract_strided_slice %get3A_954 {offsets = [3], sizes = [1], strides = [1]} : vector<16xf32> to vector<1xf32>
            %squeeze3A_1143 = vector.extract %slice3A_1142[0] : f32 from vector<1xf32>
            %mul3A_1144 = vector.broadcast %squeeze3A_1143 : f32 to vector<16xf32>
            %mul3A_1145 = arith.mulf %mul3A_1144, %get3A_1121 : vector<16xf32>
            %add3A_1146 = arith.addf %add3A_1100, %mul3A_1145 : vector<16xf32>
            %mul3A_1147 = vector.broadcast %squeeze3A_1143 : f32 to vector<16xf32>
            %mul3A_1148 = arith.mulf %mul3A_1147, %get3A_1133 : vector<16xf32>
            %add3A_1149 = arith.addf %add3A_1103, %mul3A_1148 : vector<16xf32>
            %slice3A_1150 = vector.extract_strided_slice %get3A_961 {offsets = [3], sizes = [1], strides = [1]} : vector<16xf32> to vector<1xf32>
            %squeeze3A_1151 = vector.extract %slice3A_1150[0] : f32 from vector<1xf32>
            %mul3A_1152 = vector.broadcast %squeeze3A_1151 : f32 to vector<16xf32>
            %mul3A_1153 = arith.mulf %mul3A_1152, %get3A_1121 : vector<16xf32>
            %add3A_1154 = arith.addf %add3A_1108, %mul3A_1153 : vector<16xf32>
            %mul3A_1155 = vector.broadcast %squeeze3A_1151 : f32 to vector<16xf32>
            %mul3A_1156 = arith.mulf %mul3A_1155, %get3A_1133 : vector<16xf32>
            %add3A_1157 = arith.addf %add3A_1111, %mul3A_1156 : vector<16xf32>
            %mul3A_1158 = arith.constant 16 : i32
            %mul3A_1159 = arith.muli %scan3A_119, %mul3A_1158 : i32
            %add3A_1160 = arith.constant 4 : i32
            %add3A_1161 = arith.addi %mul3A_1159, %add3A_1160 : i32
            %mul3A_1162 = arith.constant 32 : i32
            %mul3A_1163 = arith.muli %scan3A_940, %mul3A_1162 : i32
            %get3A_1164 = arith.index_cast %add3A_1161 : i32 to index
            %get3A_1165 = arith.index_cast %mul3A_1163 : i32 to index
            %get3A_1166 = tpu.vector_load %arg9[%get3A_1164, %get3A_1165] {strides = array<i32>} : memref<64x384xf32, #tpu.memory_space<vmem>>, vector<1x16xf32>,
            %get3A_1167 = vector.shape_cast %get3A_1166 : vector<1x16xf32> to vector<16xf32>
            %mul3A_1168 = arith.constant 16 : i32
            %mul3A_1169 = arith.muli %scan3A_119, %mul3A_1168 : i32
            %add3A_1170 = arith.constant 4 : i32
            %add3A_1171 = arith.addi %mul3A_1169, %add3A_1170 : i32
            %mul3A_1172 = arith.constant 32 : i32
            %mul3A_1173 = arith.muli %scan3A_940, %mul3A_1172 : i32
            %add3A_1174 = arith.constant 16 : i32
            %add3A_1175 = arith.addi %mul3A_1173, %add3A_1174 : i32
            %get3A_1176 = arith.index_cast %add3A_1171 : i32 to index
            %get3A_1177 = arith.index_cast %add3A_1175 : i32 to index
            %get3A_1178 = tpu.vector_load %arg9[%get3A_1176, %get3A_1177] {strides = array<i32>} : memref<64x384xf32, #tpu.memory_space<vmem>>, vector<1x16xf32>,
            %get3A_1179 = vector.shape_cast %get3A_1178 : vector<1x16xf32> to vector<16xf32>
            %slice3A_1180 = vector.extract_strided_slice %get3A_947 {offsets = [4], sizes = [1], strides = [1]} : vector<16xf32> to vector<1xf32>
            %squeeze3A_1181 = vector.extract %slice3A_1180[0] : f32 from vector<1xf32>
            %mul3A_1182 = vector.broadcast %squeeze3A_1181 : f32 to vector<16xf32>
            %mul3A_1183 = arith.mulf %mul3A_1182, %get3A_1167 : vector<16xf32>
            %add3A_1184 = arith.addf %add3A_1138, %mul3A_1183 : vector<16xf32>
            %mul3A_1185 = vector.broadcast %squeeze3A_1181 : f32 to vector<16xf32>
            %mul3A_1186 = arith.mulf %mul3A_1185, %get3A_1179 : vector<16xf32>
            %add3A_1187 = arith.addf %add3A_1141, %mul3A_1186 : vector<16xf32>
            %slice3A_1188 = vector.extract_strided_slice %get3A_954 {offsets = [4], sizes = [1], strides = [1]} : vector<16xf32> to vector<1xf32>
            %squeeze3A_1189 = vector.extract %slice3A_1188[0] : f32 from vector<1xf32>
            %mul3A_1190 = vector.broadcast %squeeze3A_1189 : f32 to vector<16xf32>
            %mul3A_1191 = arith.mulf %mul3A_1190, %get3A_1167 : vector<16xf32>
            %add3A_1192 = arith.addf %add3A_1146, %mul3A_1191 : vector<16xf32>
            %mul3A_1193 = vector.broadcast %squeeze3A_1189 : f32 to vector<16xf32>
            %mul3A_1194 = arith.mulf %mul3A_1193, %get3A_1179 : vector<16xf32>
            %add3A_1195 = arith.addf %add3A_1149, %mul3A_1194 : vector<16xf32>
            %slice3A_1196 = vector.extract_strided_slice %get3A_961 {offsets = [4], sizes = [1], strides = [1]} : vector<16xf32> to vector<1xf32>
            %squeeze3A_1197 = vector.extract %slice3A_1196[0] : f32 from vector<1xf32>
            %mul3A_1198 = vector.broadcast %squeeze3A_1197 : f32 to vector<16xf32>
            %mul3A_1199 = arith.mulf %mul3A_1198, %get3A_1167 : vector<16xf32>
            %add3A_1200 = arith.addf %add3A_1154, %mul3A_1199 : vector<16xf32>
            %mul3A_1201 = vector.broadcast %squeeze3A_1197 : f32 to vector<16xf32>
            %mul3A_1202 = arith.mulf %mul3A_1201, %get3A_1179 : vector<16xf32>
            %add3A_1203 = arith.addf %add3A_1157, %mul3A_1202 : vector<16xf32>
            %mul3A_1204 = arith.constant 16 : i32
            %mul3A_1205 = arith.muli %scan3A_119, %mul3A_1204 : i32
            %add3A_1206 = arith.constant 5 : i32
            %add3A_1207 = arith.addi %mul3A_1205, %add3A_1206 : i32
            %mul3A_1208 = arith.constant 32 : i32
            %mul3A_1209 = arith.muli %scan3A_940, %mul3A_1208 : i32
            %get3A_1210 = arith.index_cast %add3A_1207 : i32 to index
            %get3A_1211 = arith.index_cast %mul3A_1209 : i32 to index
            %get3A_1212 = tpu.vector_load %arg9[%get3A_1210, %get3A_1211] {strides = array<i32>} : memref<64x384xf32, #tpu.memory_space<vmem>>, vector<1x16xf32>,
            %get3A_1213 = vector.shape_cast %get3A_1212 : vector<1x16xf32> to vector<16xf32>
            %mul3A_1214 = arith.constant 16 : i32
            %mul3A_1215 = arith.muli %scan3A_119, %mul3A_1214 : i32
            %add3A_1216 = arith.constant 5 : i32
            %add3A_1217 = arith.addi %mul3A_1215, %add3A_1216 : i32
            %mul3A_1218 = arith.constant 32 : i32
            %mul3A_1219 = arith.muli %scan3A_940, %mul3A_1218 : i32
            %add3A_1220 = arith.constant 16 : i32
            %add3A_1221 = arith.addi %mul3A_1219, %add3A_1220 : i32
            %get3A_1222 = arith.index_cast %add3A_1217 : i32 to index
            %get3A_1223 = arith.index_cast %add3A_1221 : i32 to index
            %get3A_1224 = tpu.vector_load %arg9[%get3A_1222, %get3A_1223] {strides = array<i32>} : memref<64x384xf32, #tpu.memory_space<vmem>>, vector<1x16xf32>,
            %get3A_1225 = vector.shape_cast %get3A_1224 : vector<1x16xf32> to vector<16xf32>
            %slice3A_1226 = vector.extract_strided_slice %get3A_947 {offsets = [5], sizes = [1], strides = [1]} : vector<16xf32> to vector<1xf32>
            %squeeze3A_1227 = vector.extract %slice3A_1226[0] : f32 from vector<1xf32>
            %mul3A_1228 = vector.broadcast %squeeze3A_1227 : f32 to vector<16xf32>
            %mul3A_1229 = arith.mulf %mul3A_1228, %get3A_1213 : vector<16xf32>
            %add3A_1230 = arith.addf %add3A_1184, %mul3A_1229 : vector<16xf32>
            %mul3A_1231 = vector.broadcast %squeeze3A_1227 : f32 to vector<16xf32>
            %mul3A_1232 = arith.mulf %mul3A_1231, %get3A_1225 : vector<16xf32>
            %add3A_1233 = arith.addf %add3A_1187, %mul3A_1232 : vector<16xf32>
            %slice3A_1234 = vector.extract_strided_slice %get3A_954 {offsets = [5], sizes = [1], strides = [1]} : vector<16xf32> to vector<1xf32>
            %squeeze3A_1235 = vector.extract %slice3A_1234[0] : f32 from vector<1xf32>
            %mul3A_1236 = vector.broadcast %squeeze3A_1235 : f32 to vector<16xf32>
            %mul3A_1237 = arith.mulf %mul3A_1236, %get3A_1213 : vector<16xf32>
            %add3A_1238 = arith.addf %add3A_1192, %mul3A_1237 : vector<16xf32>
            %mul3A_1239 = vector.broadcast %squeeze3A_1235 : f32 to vector<16xf32>
            %mul3A_1240 = arith.mulf %mul3A_1239, %get3A_1225 : vector<16xf32>
            %add3A_1241 = arith.addf %add3A_1195, %mul3A_1240 : vector<16xf32>
            %slice3A_1242 = vector.extract_strided_slice %get3A_961 {offsets = [5], sizes = [1], strides = [1]} : vector<16xf32> to vector<1xf32>
            %squeeze3A_1243 = vector.extract %slice3A_1242[0] : f32 from vector<1xf32>
            %mul3A_1244 = vector.broadcast %squeeze3A_1243 : f32 to vector<16xf32>
            %mul3A_1245 = arith.mulf %mul3A_1244, %get3A_1213 : vector<16xf32>
            %add3A_1246 = arith.addf %add3A_1200, %mul3A_1245 : vector<16xf32>
            %mul3A_1247 = vector.broadcast %squeeze3A_1243 : f32 to vector<16xf32>
            %mul3A_1248 = arith.mulf %mul3A_1247, %get3A_1225 : vector<16xf32>
            %add3A_1249 = arith.addf %add3A_1203, %mul3A_1248 : vector<16xf32>
            %mul3A_1250 = arith.constant 16 : i32
            %mul3A_1251 = arith.muli %scan3A_119, %mul3A_1250 : i32
            %add3A_1252 = arith.constant 6 : i32
            %add3A_1253 = arith.addi %mul3A_1251, %add3A_1252 : i32
            %mul3A_1254 = arith.constant 32 : i32
            %mul3A_1255 = arith.muli %scan3A_940, %mul3A_1254 : i32
            %get3A_1256 = arith.index_cast %add3A_1253 : i32 to index
            %get3A_1257 = arith.index_cast %mul3A_1255 : i32 to index
            %get3A_1258 = tpu.vector_load %arg9[%get3A_1256, %get3A_1257] {strides = array<i32>} : memref<64x384xf32, #tpu.memory_space<vmem>>, vector<1x16xf32>,
            %get3A_1259 = vector.shape_cast %get3A_1258 : vector<1x16xf32> to vector<16xf32>
            %mul3A_1260 = arith.constant 16 : i32
            %mul3A_1261 = arith.muli %scan3A_119, %mul3A_1260 : i32
            %add3A_1262 = arith.constant 6 : i32
            %add3A_1263 = arith.addi %mul3A_1261, %add3A_1262 : i32
            %mul3A_1264 = arith.constant 32 : i32
            %mul3A_1265 = arith.muli %scan3A_940, %mul3A_1264 : i32
            %add3A_1266 = arith.constant 16 : i32
            %add3A_1267 = arith.addi %mul3A_1265, %add3A_1266 : i32
            %get3A_1268 = arith.index_cast %add3A_1263 : i32 to index
            %get3A_1269 = arith.index_cast %add3A_1267 : i32 to index
            %get3A_1270 = tpu.vector_load %arg9[%get3A_1268, %get3A_1269] {strides = array<i32>} : memref<64x384xf32, #tpu.memory_space<vmem>>, vector<1x16xf32>,
            %get3A_1271 = vector.shape_cast %get3A_1270 : vector<1x16xf32> to vector<16xf32>
            %slice3A_1272 = vector.extract_strided_slice %get3A_947 {offsets = [6], sizes = [1], strides = [1]} : vector<16xf32> to vector<1xf32>
            %squeeze3A_1273 = vector.extract %slice3A_1272[0] : f32 from vector<1xf32>
            %mul3A_1274 = vector.broadcast %squeeze3A_1273 : f32 to vector<16xf32>
            %mul3A_1275 = arith.mulf %mul3A_1274, %get3A_1259 : vector<16xf32>
            %add3A_1276 = arith.addf %add3A_1230, %mul3A_1275 : vector<16xf32>
            %mul3A_1277 = vector.broadcast %squeeze3A_1273 : f32 to vector<16xf32>
            %mul3A_1278 = arith.mulf %mul3A_1277, %get3A_1271 : vector<16xf32>
            %add3A_1279 = arith.addf %add3A_1233, %mul3A_1278 : vector<16xf32>
            %slice3A_1280 = vector.extract_strided_slice %get3A_954 {offsets = [6], sizes = [1], strides = [1]} : vector<16xf32> to vector<1xf32>
            %squeeze3A_1281 = vector.extract %slice3A_1280[0] : f32 from vector<1xf32>
            %mul3A_1282 = vector.broadcast %squeeze3A_1281 : f32 to vector<16xf32>
            %mul3A_1283 = arith.mulf %mul3A_1282, %get3A_1259 : vector<16xf32>
            %add3A_1284 = arith.addf %add3A_1238, %mul3A_1283 : vector<16xf32>
            %mul3A_1285 = vector.broadcast %squeeze3A_1281 : f32 to vector<16xf32>
            %mul3A_1286 = arith.mulf %mul3A_1285, %get3A_1271 : vector<16xf32>
            %add3A_1287 = arith.addf %add3A_1241, %mul3A_1286 : vector<16xf32>
            %slice3A_1288 = vector.extract_strided_slice %get3A_961 {offsets = [6], sizes = [1], strides = [1]} : vector<16xf32> to vector<1xf32>
            %squeeze3A_1289 = vector.extract %slice3A_1288[0] : f32 from vector<1xf32>
            %mul3A_1290 = vector.broadcast %squeeze3A_1289 : f32 to vector<16xf32>
            %mul3A_1291 = arith.mulf %mul3A_1290, %get3A_1259 : vector<16xf32>
            %add3A_1292 = arith.addf %add3A_1246, %mul3A_1291 : vector<16xf32>
            %mul3A_1293 = vector.broadcast %squeeze3A_1289 : f32 to vector<16xf32>
            %mul3A_1294 = arith.mulf %mul3A_1293, %get3A_1271 : vector<16xf32>
            %add3A_1295 = arith.addf %add3A_1249, %mul3A_1294 : vector<16xf32>
            %mul3A_1296 = arith.constant 16 : i32
            %mul3A_1297 = arith.muli %scan3A_119, %mul3A_1296 : i32
            %add3A_1298 = arith.constant 7 : i32
            %add3A_1299 = arith.addi %mul3A_1297, %add3A_1298 : i32
            %mul3A_1300 = arith.constant 32 : i32
            %mul3A_1301 = arith.muli %scan3A_940, %mul3A_1300 : i32
            %get3A_1302 = arith.index_cast %add3A_1299 : i32 to index
            %get3A_1303 = arith.index_cast %mul3A_1301 : i32 to index
            %get3A_1304 = tpu.vector_load %arg9[%get3A_1302, %get3A_1303] {strides = array<i32>} : memref<64x384xf32, #tpu.memory_space<vmem>>, vector<1x16xf32>,
            %get3A_1305 = vector.shape_cast %get3A_1304 : vector<1x16xf32> to vector<16xf32>
            %mul3A_1306 = arith.constant 16 : i32
            %mul3A_1307 = arith.muli %scan3A_119, %mul3A_1306 : i32
            %add3A_1308 = arith.constant 7 : i32
            %add3A_1309 = arith.addi %mul3A_1307, %add3A_1308 : i32
            %mul3A_1310 = arith.constant 32 : i32
            %mul3A_1311 = arith.muli %scan3A_940, %mul3A_1310 : i32
            %add3A_1312 = arith.constant 16 : i32
            %add3A_1313 = arith.addi %mul3A_1311, %add3A_1312 : i32
            %get3A_1314 = arith.index_cast %add3A_1309 : i32 to index
            %get3A_1315 = arith.index_cast %add3A_1313 : i32 to index
            %get3A_1316 = tpu.vector_load %arg9[%get3A_1314, %get3A_1315] {strides = array<i32>} : memref<64x384xf32, #tpu.memory_space<vmem>>, vector<1x16xf32>,
            %get3A_1317 = vector.shape_cast %get3A_1316 : vector<1x16xf32> to vector<16xf32>
            %slice3A_1318 = vector.extract_strided_slice %get3A_947 {offsets = [7], sizes = [1], strides = [1]} : vector<16xf32> to vector<1xf32>
            %squeeze3A_1319 = vector.extract %slice3A_1318[0] : f32 from vector<1xf32>
            %mul3A_1320 = vector.broadcast %squeeze3A_1319 : f32 to vector<16xf32>
            %mul3A_1321 = arith.mulf %mul3A_1320, %get3A_1305 : vector<16xf32>
            %add3A_1322 = arith.addf %add3A_1276, %mul3A_1321 : vector<16xf32>
            %mul3A_1323 = vector.broadcast %squeeze3A_1319 : f32 to vector<16xf32>
            %mul3A_1324 = arith.mulf %mul3A_1323, %get3A_1317 : vector<16xf32>
            %add3A_1325 = arith.addf %add3A_1279, %mul3A_1324 : vector<16xf32>
            %slice3A_1326 = vector.extract_strided_slice %get3A_954 {offsets = [7], sizes = [1], strides = [1]} : vector<16xf32> to vector<1xf32>
            %squeeze3A_1327 = vector.extract %slice3A_1326[0] : f32 from vector<1xf32>
            %mul3A_1328 = vector.broadcast %squeeze3A_1327 : f32 to vector<16xf32>
            %mul3A_1329 = arith.mulf %mul3A_1328, %get3A_1305 : vector<16xf32>
            %add3A_1330 = arith.addf %add3A_1284, %mul3A_1329 : vector<16xf32>
            %mul3A_1331 = vector.broadcast %squeeze3A_1327 : f32 to vector<16xf32>
            %mul3A_1332 = arith.mulf %mul3A_1331, %get3A_1317 : vector<16xf32>
            %add3A_1333 = arith.addf %add3A_1287, %mul3A_1332 : vector<16xf32>
            %slice3A_1334 = vector.extract_strided_slice %get3A_961 {offsets = [7], sizes = [1], strides = [1]} : vector<16xf32> to vector<1xf32>
            %squeeze3A_1335 = vector.extract %slice3A_1334[0] : f32 from vector<1xf32>
            %mul3A_1336 = vector.broadcast %squeeze3A_1335 : f32 to vector<16xf32>
            %mul3A_1337 = arith.mulf %mul3A_1336, %get3A_1305 : vector<16xf32>
            %add3A_1338 = arith.addf %add3A_1292, %mul3A_1337 : vector<16xf32>
            %mul3A_1339 = vector.broadcast %squeeze3A_1335 : f32 to vector<16xf32>
            %mul3A_1340 = arith.mulf %mul3A_1339, %get3A_1317 : vector<16xf32>
            %add3A_1341 = arith.addf %add3A_1295, %mul3A_1340 : vector<16xf32>
            %mul3A_1342 = arith.constant 16 : i32
            %mul3A_1343 = arith.muli %scan3A_119, %mul3A_1342 : i32
            %add3A_1344 = arith.constant 8 : i32
            %add3A_1345 = arith.addi %mul3A_1343, %add3A_1344 : i32
            %mul3A_1346 = arith.constant 32 : i32
            %mul3A_1347 = arith.muli %scan3A_940, %mul3A_1346 : i32
            %get3A_1348 = arith.index_cast %add3A_1345 : i32 to index
            %get3A_1349 = arith.index_cast %mul3A_1347 : i32 to index
            %get3A_1350 = tpu.vector_load %arg9[%get3A_1348, %get3A_1349] {strides = array<i32>} : memref<64x384xf32, #tpu.memory_space<vmem>>, vector<1x16xf32>,
            %get3A_1351 = vector.shape_cast %get3A_1350 : vector<1x16xf32> to vector<16xf32>
            %mul3A_1352 = arith.constant 16 : i32
            %mul3A_1353 = arith.muli %scan3A_119, %mul3A_1352 : i32
            %add3A_1354 = arith.constant 8 : i32
            %add3A_1355 = arith.addi %mul3A_1353, %add3A_1354 : i32
            %mul3A_1356 = arith.constant 32 : i32
            %mul3A_1357 = arith.muli %scan3A_940, %mul3A_1356 : i32
            %add3A_1358 = arith.constant 16 : i32
            %add3A_1359 = arith.addi %mul3A_1357, %add3A_1358 : i32
            %get3A_1360 = arith.index_cast %add3A_1355 : i32 to index
            %get3A_1361 = arith.index_cast %add3A_1359 : i32 to index
            %get3A_1362 = tpu.vector_load %arg9[%get3A_1360, %get3A_1361] {strides = array<i32>} : memref<64x384xf32, #tpu.memory_space<vmem>>, vector<1x16xf32>,
            %get3A_1363 = vector.shape_cast %get3A_1362 : vector<1x16xf32> to vector<16xf32>
            %slice3A_1364 = vector.extract_strided_slice %get3A_947 {offsets = [8], sizes = [1], strides = [1]} : vector<16xf32> to vector<1xf32>
            %squeeze3A_1365 = vector.extract %slice3A_1364[0] : f32 from vector<1xf32>
            %mul3A_1366 = vector.broadcast %squeeze3A_1365 : f32 to vector<16xf32>
            %mul3A_1367 = arith.mulf %mul3A_1366, %get3A_1351 : vector<16xf32>
            %add3A_1368 = arith.addf %add3A_1322, %mul3A_1367 : vector<16xf32>
            %mul3A_1369 = vector.broadcast %squeeze3A_1365 : f32 to vector<16xf32>
            %mul3A_1370 = arith.mulf %mul3A_1369, %get3A_1363 : vector<16xf32>
            %add3A_1371 = arith.addf %add3A_1325, %mul3A_1370 : vector<16xf32>
            %slice3A_1372 = vector.extract_strided_slice %get3A_954 {offsets = [8], sizes = [1], strides = [1]} : vector<16xf32> to vector<1xf32>
            %squeeze3A_1373 = vector.extract %slice3A_1372[0] : f32 from vector<1xf32>
            %mul3A_1374 = vector.broadcast %squeeze3A_1373 : f32 to vector<16xf32>
            %mul3A_1375 = arith.mulf %mul3A_1374, %get3A_1351 : vector<16xf32>
            %add3A_1376 = arith.addf %add3A_1330, %mul3A_1375 : vector<16xf32>
            %mul3A_1377 = vector.broadcast %squeeze3A_1373 : f32 to vector<16xf32>
            %mul3A_1378 = arith.mulf %mul3A_1377, %get3A_1363 : vector<16xf32>
            %add3A_1379 = arith.addf %add3A_1333, %mul3A_1378 : vector<16xf32>
            %slice3A_1380 = vector.extract_strided_slice %get3A_961 {offsets = [8], sizes = [1], strides = [1]} : vector<16xf32> to vector<1xf32>
            %squeeze3A_1381 = vector.extract %slice3A_1380[0] : f32 from vector<1xf32>
            %mul3A_1382 = vector.broadcast %squeeze3A_1381 : f32 to vector<16xf32>
            %mul3A_1383 = arith.mulf %mul3A_1382, %get3A_1351 : vector<16xf32>
            %add3A_1384 = arith.addf %add3A_1338, %mul3A_1383 : vector<16xf32>
            %mul3A_1385 = vector.broadcast %squeeze3A_1381 : f32 to vector<16xf32>
            %mul3A_1386 = arith.mulf %mul3A_1385, %get3A_1363 : vector<16xf32>
            %add3A_1387 = arith.addf %add3A_1341, %mul3A_1386 : vector<16xf32>
            %mul3A_1388 = arith.constant 16 : i32
            %mul3A_1389 = arith.muli %scan3A_119, %mul3A_1388 : i32
            %add3A_1390 = arith.constant 9 : i32
            %add3A_1391 = arith.addi %mul3A_1389, %add3A_1390 : i32
            %mul3A_1392 = arith.constant 32 : i32
            %mul3A_1393 = arith.muli %scan3A_940, %mul3A_1392 : i32
            %get3A_1394 = arith.index_cast %add3A_1391 : i32 to index
            %get3A_1395 = arith.index_cast %mul3A_1393 : i32 to index
            %get3A_1396 = tpu.vector_load %arg9[%get3A_1394, %get3A_1395] {strides = array<i32>} : memref<64x384xf32, #tpu.memory_space<vmem>>, vector<1x16xf32>,
            %get3A_1397 = vector.shape_cast %get3A_1396 : vector<1x16xf32> to vector<16xf32>
            %mul3A_1398 = arith.constant 16 : i32
            %mul3A_1399 = arith.muli %scan3A_119, %mul3A_1398 : i32
            %add3A_1400 = arith.constant 9 : i32
            %add3A_1401 = arith.addi %mul3A_1399, %add3A_1400 : i32
            %mul3A_1402 = arith.constant 32 : i32
            %mul3A_1403 = arith.muli %scan3A_940, %mul3A_1402 : i32
            %add3A_1404 = arith.constant 16 : i32
            %add3A_1405 = arith.addi %mul3A_1403, %add3A_1404 : i32
            %get3A_1406 = arith.index_cast %add3A_1401 : i32 to index
            %get3A_1407 = arith.index_cast %add3A_1405 : i32 to index
            %get3A_1408 = tpu.vector_load %arg9[%get3A_1406, %get3A_1407] {strides = array<i32>} : memref<64x384xf32, #tpu.memory_space<vmem>>, vector<1x16xf32>,
            %get3A_1409 = vector.shape_cast %get3A_1408 : vector<1x16xf32> to vector<16xf32>
            %slice3A_1410 = vector.extract_strided_slice %get3A_947 {offsets = [9], sizes = [1], strides = [1]} : vector<16xf32> to vector<1xf32>
            %squeeze3A_1411 = vector.extract %slice3A_1410[0] : f32 from vector<1xf32>
            %mul3A_1412 = vector.broadcast %squeeze3A_1411 : f32 to vector<16xf32>
            %mul3A_1413 = arith.mulf %mul3A_1412, %get3A_1397 : vector<16xf32>
            %add3A_1414 = arith.addf %add3A_1368, %mul3A_1413 : vector<16xf32>
            %mul3A_1415 = vector.broadcast %squeeze3A_1411 : f32 to vector<16xf32>
            %mul3A_1416 = arith.mulf %mul3A_1415, %get3A_1409 : vector<16xf32>
            %add3A_1417 = arith.addf %add3A_1371, %mul3A_1416 : vector<16xf32>
            %slice3A_1418 = vector.extract_strided_slice %get3A_954 {offsets = [9], sizes = [1], strides = [1]} : vector<16xf32> to vector<1xf32>
            %squeeze3A_1419 = vector.extract %slice3A_1418[0] : f32 from vector<1xf32>
            %mul3A_1420 = vector.broadcast %squeeze3A_1419 : f32 to vector<16xf32>
            %mul3A_1421 = arith.mulf %mul3A_1420, %get3A_1397 : vector<16xf32>
            %add3A_1422 = arith.addf %add3A_1376, %mul3A_1421 : vector<16xf32>
            %mul3A_1423 = vector.broadcast %squeeze3A_1419 : f32 to vector<16xf32>
            %mul3A_1424 = arith.mulf %mul3A_1423, %get3A_1409 : vector<16xf32>
            %add3A_1425 = arith.addf %add3A_1379, %mul3A_1424 : vector<16xf32>
            %slice3A_1426 = vector.extract_strided_slice %get3A_961 {offsets = [9], sizes = [1], strides = [1]} : vector<16xf32> to vector<1xf32>
            %squeeze3A_1427 = vector.extract %slice3A_1426[0] : f32 from vector<1xf32>
            %mul3A_1428 = vector.broadcast %squeeze3A_1427 : f32 to vector<16xf32>
            %mul3A_1429 = arith.mulf %mul3A_1428, %get3A_1397 : vector<16xf32>
            %add3A_1430 = arith.addf %add3A_1384, %mul3A_1429 : vector<16xf32>
            %mul3A_1431 = vector.broadcast %squeeze3A_1427 : f32 to vector<16xf32>
            %mul3A_1432 = arith.mulf %mul3A_1431, %get3A_1409 : vector<16xf32>
            %add3A_1433 = arith.addf %add3A_1387, %mul3A_1432 : vector<16xf32>
            %mul3A_1434 = arith.constant 16 : i32
            %mul3A_1435 = arith.muli %scan3A_119, %mul3A_1434 : i32
            %add3A_1436 = arith.constant 10 : i32
            %add3A_1437 = arith.addi %mul3A_1435, %add3A_1436 : i32
            %mul3A_1438 = arith.constant 32 : i32
            %mul3A_1439 = arith.muli %scan3A_940, %mul3A_1438 : i32
            %get3A_1440 = arith.index_cast %add3A_1437 : i32 to index
            %get3A_1441 = arith.index_cast %mul3A_1439 : i32 to index
            %get3A_1442 = tpu.vector_load %arg9[%get3A_1440, %get3A_1441] {strides = array<i32>} : memref<64x384xf32, #tpu.memory_space<vmem>>, vector<1x16xf32>,
            %get3A_1443 = vector.shape_cast %get3A_1442 : vector<1x16xf32> to vector<16xf32>
            %mul3A_1444 = arith.constant 16 : i32
            %mul3A_1445 = arith.muli %scan3A_119, %mul3A_1444 : i32
            %add3A_1446 = arith.constant 10 : i32
            %add3A_1447 = arith.addi %mul3A_1445, %add3A_1446 : i32
            %mul3A_1448 = arith.constant 32 : i32
            %mul3A_1449 = arith.muli %scan3A_940, %mul3A_1448 : i32
            %add3A_1450 = arith.constant 16 : i32
            %add3A_1451 = arith.addi %mul3A_1449, %add3A_1450 : i32
            %get3A_1452 = arith.index_cast %add3A_1447 : i32 to index
            %get3A_1453 = arith.index_cast %add3A_1451 : i32 to index
            %get3A_1454 = tpu.vector_load %arg9[%get3A_1452, %get3A_1453] {strides = array<i32>} : memref<64x384xf32, #tpu.memory_space<vmem>>, vector<1x16xf32>,
            %get3A_1455 = vector.shape_cast %get3A_1454 : vector<1x16xf32> to vector<16xf32>
            %slice3A_1456 = vector.extract_strided_slice %get3A_947 {offsets = [10], sizes = [1], strides = [1]} : vector<16xf32> to vector<1xf32>
            %squeeze3A_1457 = vector.extract %slice3A_1456[0] : f32 from vector<1xf32>
            %mul3A_1458 = vector.broadcast %squeeze3A_1457 : f32 to vector<16xf32>
            %mul3A_1459 = arith.mulf %mul3A_1458, %get3A_1443 : vector<16xf32>
            %add3A_1460 = arith.addf %add3A_1414, %mul3A_1459 : vector<16xf32>
            %mul3A_1461 = vector.broadcast %squeeze3A_1457 : f32 to vector<16xf32>
            %mul3A_1462 = arith.mulf %mul3A_1461, %get3A_1455 : vector<16xf32>
            %add3A_1463 = arith.addf %add3A_1417, %mul3A_1462 : vector<16xf32>
            %slice3A_1464 = vector.extract_strided_slice %get3A_954 {offsets = [10], sizes = [1], strides = [1]} : vector<16xf32> to vector<1xf32>
            %squeeze3A_1465 = vector.extract %slice3A_1464[0] : f32 from vector<1xf32>
            %mul3A_1466 = vector.broadcast %squeeze3A_1465 : f32 to vector<16xf32>
            %mul3A_1467 = arith.mulf %mul3A_1466, %get3A_1443 : vector<16xf32>
            %add3A_1468 = arith.addf %add3A_1422, %mul3A_1467 : vector<16xf32>
            %mul3A_1469 = vector.broadcast %squeeze3A_1465 : f32 to vector<16xf32>
            %mul3A_1470 = arith.mulf %mul3A_1469, %get3A_1455 : vector<16xf32>
            %add3A_1471 = arith.addf %add3A_1425, %mul3A_1470 : vector<16xf32>
            %slice3A_1472 = vector.extract_strided_slice %get3A_961 {offsets = [10], sizes = [1], strides = [1]} : vector<16xf32> to vector<1xf32>
            %squeeze3A_1473 = vector.extract %slice3A_1472[0] : f32 from vector<1xf32>
            %mul3A_1474 = vector.broadcast %squeeze3A_1473 : f32 to vector<16xf32>
            %mul3A_1475 = arith.mulf %mul3A_1474, %get3A_1443 : vector<16xf32>
            %add3A_1476 = arith.addf %add3A_1430, %mul3A_1475 : vector<16xf32>
            %mul3A_1477 = vector.broadcast %squeeze3A_1473 : f32 to vector<16xf32>
            %mul3A_1478 = arith.mulf %mul3A_1477, %get3A_1455 : vector<16xf32>
            %add3A_1479 = arith.addf %add3A_1433, %mul3A_1478 : vector<16xf32>
            %mul3A_1480 = arith.constant 16 : i32
            %mul3A_1481 = arith.muli %scan3A_119, %mul3A_1480 : i32
            %add3A_1482 = arith.constant 11 : i32
            %add3A_1483 = arith.addi %mul3A_1481, %add3A_1482 : i32
            %mul3A_1484 = arith.constant 32 : i32
            %mul3A_1485 = arith.muli %scan3A_940, %mul3A_1484 : i32
            %get3A_1486 = arith.index_cast %add3A_1483 : i32 to index
            %get3A_1487 = arith.index_cast %mul3A_1485 : i32 to index
            %get3A_1488 = tpu.vector_load %arg9[%get3A_1486, %get3A_1487] {strides = array<i32>} : memref<64x384xf32, #tpu.memory_space<vmem>>, vector<1x16xf32>,
            %get3A_1489 = vector.shape_cast %get3A_1488 : vector<1x16xf32> to vector<16xf32>
            %mul3A_1490 = arith.constant 16 : i32
            %mul3A_1491 = arith.muli %scan3A_119, %mul3A_1490 : i32
            %add3A_1492 = arith.constant 11 : i32
            %add3A_1493 = arith.addi %mul3A_1491, %add3A_1492 : i32
            %mul3A_1494 = arith.constant 32 : i32
            %mul3A_1495 = arith.muli %scan3A_940, %mul3A_1494 : i32
            %add3A_1496 = arith.constant 16 : i32
            %add3A_1497 = arith.addi %mul3A_1495, %add3A_1496 : i32
            %get3A_1498 = arith.index_cast %add3A_1493 : i32 to index
            %get3A_1499 = arith.index_cast %add3A_1497 : i32 to index
            %get3A_1500 = tpu.vector_load %arg9[%get3A_1498, %get3A_1499] {strides = array<i32>} : memref<64x384xf32, #tpu.memory_space<vmem>>, vector<1x16xf32>,
            %get3A_1501 = vector.shape_cast %get3A_1500 : vector<1x16xf32> to vector<16xf32>
            %slice3A_1502 = vector.extract_strided_slice %get3A_947 {offsets = [11], sizes = [1], strides = [1]} : vector<16xf32> to vector<1xf32>
            %squeeze3A_1503 = vector.extract %slice3A_1502[0] : f32 from vector<1xf32>
            %mul3A_1504 = vector.broadcast %squeeze3A_1503 : f32 to vector<16xf32>
            %mul3A_1505 = arith.mulf %mul3A_1504, %get3A_1489 : vector<16xf32>
            %add3A_1506 = arith.addf %add3A_1460, %mul3A_1505 : vector<16xf32>
            %mul3A_1507 = vector.broadcast %squeeze3A_1503 : f32 to vector<16xf32>
            %mul3A_1508 = arith.mulf %mul3A_1507, %get3A_1501 : vector<16xf32>
            %add3A_1509 = arith.addf %add3A_1463, %mul3A_1508 : vector<16xf32>
            %slice3A_1510 = vector.extract_strided_slice %get3A_954 {offsets = [11], sizes = [1], strides = [1]} : vector<16xf32> to vector<1xf32>
            %squeeze3A_1511 = vector.extract %slice3A_1510[0] : f32 from vector<1xf32>
            %mul3A_1512 = vector.broadcast %squeeze3A_1511 : f32 to vector<16xf32>
            %mul3A_1513 = arith.mulf %mul3A_1512, %get3A_1489 : vector<16xf32>
            %add3A_1514 = arith.addf %add3A_1468, %mul3A_1513 : vector<16xf32>
            %mul3A_1515 = vector.broadcast %squeeze3A_1511 : f32 to vector<16xf32>
            %mul3A_1516 = arith.mulf %mul3A_1515, %get3A_1501 : vector<16xf32>
            %add3A_1517 = arith.addf %add3A_1471, %mul3A_1516 : vector<16xf32>
            %slice3A_1518 = vector.extract_strided_slice %get3A_961 {offsets = [11], sizes = [1], strides = [1]} : vector<16xf32> to vector<1xf32>
            %squeeze3A_1519 = vector.extract %slice3A_1518[0] : f32 from vector<1xf32>
            %mul3A_1520 = vector.broadcast %squeeze3A_1519 : f32 to vector<16xf32>
            %mul3A_1521 = arith.mulf %mul3A_1520, %get3A_1489 : vector<16xf32>
            %add3A_1522 = arith.addf %add3A_1476, %mul3A_1521 : vector<16xf32>
            %mul3A_1523 = vector.broadcast %squeeze3A_1519 : f32 to vector<16xf32>
            %mul3A_1524 = arith.mulf %mul3A_1523, %get3A_1501 : vector<16xf32>
            %add3A_1525 = arith.addf %add3A_1479, %mul3A_1524 : vector<16xf32>
            %mul3A_1526 = arith.constant 16 : i32
            %mul3A_1527 = arith.muli %scan3A_119, %mul3A_1526 : i32
            %add3A_1528 = arith.constant 12 : i32
            %add3A_1529 = arith.addi %mul3A_1527, %add3A_1528 : i32
            %mul3A_1530 = arith.constant 32 : i32
            %mul3A_1531 = arith.muli %scan3A_940, %mul3A_1530 : i32
            %get3A_1532 = arith.index_cast %add3A_1529 : i32 to index
            %get3A_1533 = arith.index_cast %mul3A_1531 : i32 to index
            %get3A_1534 = tpu.vector_load %arg9[%get3A_1532, %get3A_1533] {strides = array<i32>} : memref<64x384xf32, #tpu.memory_space<vmem>>, vector<1x16xf32>,
            %get3A_1535 = vector.shape_cast %get3A_1534 : vector<1x16xf32> to vector<16xf32>
            %mul3A_1536 = arith.constant 16 : i32
            %mul3A_1537 = arith.muli %scan3A_119, %mul3A_1536 : i32
            %add3A_1538 = arith.constant 12 : i32
            %add3A_1539 = arith.addi %mul3A_1537, %add3A_1538 : i32
            %mul3A_1540 = arith.constant 32 : i32
            %mul3A_1541 = arith.muli %scan3A_940, %mul3A_1540 : i32
            %add3A_1542 = arith.constant 16 : i32
            %add3A_1543 = arith.addi %mul3A_1541, %add3A_1542 : i32
            %get3A_1544 = arith.index_cast %add3A_1539 : i32 to index
            %get3A_1545 = arith.index_cast %add3A_1543 : i32 to index
            %get3A_1546 = tpu.vector_load %arg9[%get3A_1544, %get3A_1545] {strides = array<i32>} : memref<64x384xf32, #tpu.memory_space<vmem>>, vector<1x16xf32>,
            %get3A_1547 = vector.shape_cast %get3A_1546 : vector<1x16xf32> to vector<16xf32>
            %slice3A_1548 = vector.extract_strided_slice %get3A_947 {offsets = [12], sizes = [1], strides = [1]} : vector<16xf32> to vector<1xf32>
            %squeeze3A_1549 = vector.extract %slice3A_1548[0] : f32 from vector<1xf32>
            %mul3A_1550 = vector.broadcast %squeeze3A_1549 : f32 to vector<16xf32>
            %mul3A_1551 = arith.mulf %mul3A_1550, %get3A_1535 : vector<16xf32>
            %add3A_1552 = arith.addf %add3A_1506, %mul3A_1551 : vector<16xf32>
            %mul3A_1553 = vector.broadcast %squeeze3A_1549 : f32 to vector<16xf32>
            %mul3A_1554 = arith.mulf %mul3A_1553, %get3A_1547 : vector<16xf32>
            %add3A_1555 = arith.addf %add3A_1509, %mul3A_1554 : vector<16xf32>
            %slice3A_1556 = vector.extract_strided_slice %get3A_954 {offsets = [12], sizes = [1], strides = [1]} : vector<16xf32> to vector<1xf32>
            %squeeze3A_1557 = vector.extract %slice3A_1556[0] : f32 from vector<1xf32>
            %mul3A_1558 = vector.broadcast %squeeze3A_1557 : f32 to vector<16xf32>
            %mul3A_1559 = arith.mulf %mul3A_1558, %get3A_1535 : vector<16xf32>
            %add3A_1560 = arith.addf %add3A_1514, %mul3A_1559 : vector<16xf32>
            %mul3A_1561 = vector.broadcast %squeeze3A_1557 : f32 to vector<16xf32>
            %mul3A_1562 = arith.mulf %mul3A_1561, %get3A_1547 : vector<16xf32>
            %add3A_1563 = arith.addf %add3A_1517, %mul3A_1562 : vector<16xf32>
            %slice3A_1564 = vector.extract_strided_slice %get3A_961 {offsets = [12], sizes = [1], strides = [1]} : vector<16xf32> to vector<1xf32>
            %squeeze3A_1565 = vector.extract %slice3A_1564[0] : f32 from vector<1xf32>
            %mul3A_1566 = vector.broadcast %squeeze3A_1565 : f32 to vector<16xf32>
            %mul3A_1567 = arith.mulf %mul3A_1566, %get3A_1535 : vector<16xf32>
            %add3A_1568 = arith.addf %add3A_1522, %mul3A_1567 : vector<16xf32>
            %mul3A_1569 = vector.broadcast %squeeze3A_1565 : f32 to vector<16xf32>
            %mul3A_1570 = arith.mulf %mul3A_1569, %get3A_1547 : vector<16xf32>
            %add3A_1571 = arith.addf %add3A_1525, %mul3A_1570 : vector<16xf32>
            %mul3A_1572 = arith.constant 16 : i32
            %mul3A_1573 = arith.muli %scan3A_119, %mul3A_1572 : i32
            %add3A_1574 = arith.constant 13 : i32
            %add3A_1575 = arith.addi %mul3A_1573, %add3A_1574 : i32
            %mul3A_1576 = arith.constant 32 : i32
            %mul3A_1577 = arith.muli %scan3A_940, %mul3A_1576 : i32
            %get3A_1578 = arith.index_cast %add3A_1575 : i32 to index
            %get3A_1579 = arith.index_cast %mul3A_1577 : i32 to index
            %get3A_1580 = tpu.vector_load %arg9[%get3A_1578, %get3A_1579] {strides = array<i32>} : memref<64x384xf32, #tpu.memory_space<vmem>>, vector<1x16xf32>,
            %get3A_1581 = vector.shape_cast %get3A_1580 : vector<1x16xf32> to vector<16xf32>
            %mul3A_1582 = arith.constant 16 : i32
            %mul3A_1583 = arith.muli %scan3A_119, %mul3A_1582 : i32
            %add3A_1584 = arith.constant 13 : i32
            %add3A_1585 = arith.addi %mul3A_1583, %add3A_1584 : i32
            %mul3A_1586 = arith.constant 32 : i32
            %mul3A_1587 = arith.muli %scan3A_940, %mul3A_1586 : i32
            %add3A_1588 = arith.constant 16 : i32
            %add3A_1589 = arith.addi %mul3A_1587, %add3A_1588 : i32
            %get3A_1590 = arith.index_cast %add3A_1585 : i32 to index
            %get3A_1591 = arith.index_cast %add3A_1589 : i32 to index
            %get3A_1592 = tpu.vector_load %arg9[%get3A_1590, %get3A_1591] {strides = array<i32>} : memref<64x384xf32, #tpu.memory_space<vmem>>, vector<1x16xf32>,
            %get3A_1593 = vector.shape_cast %get3A_1592 : vector<1x16xf32> to vector<16xf32>
            %slice3A_1594 = vector.extract_strided_slice %get3A_947 {offsets = [13], sizes = [1], strides = [1]} : vector<16xf32> to vector<1xf32>
            %squeeze3A_1595 = vector.extract %slice3A_1594[0] : f32 from vector<1xf32>
            %mul3A_1596 = vector.broadcast %squeeze3A_1595 : f32 to vector<16xf32>
            %mul3A_1597 = arith.mulf %mul3A_1596, %get3A_1581 : vector<16xf32>
            %add3A_1598 = arith.addf %add3A_1552, %mul3A_1597 : vector<16xf32>
            %mul3A_1599 = vector.broadcast %squeeze3A_1595 : f32 to vector<16xf32>
            %mul3A_1600 = arith.mulf %mul3A_1599, %get3A_1593 : vector<16xf32>
            %add3A_1601 = arith.addf %add3A_1555, %mul3A_1600 : vector<16xf32>
            %slice3A_1602 = vector.extract_strided_slice %get3A_954 {offsets = [13], sizes = [1], strides = [1]} : vector<16xf32> to vector<1xf32>
            %squeeze3A_1603 = vector.extract %slice3A_1602[0] : f32 from vector<1xf32>
            %mul3A_1604 = vector.broadcast %squeeze3A_1603 : f32 to vector<16xf32>
            %mul3A_1605 = arith.mulf %mul3A_1604, %get3A_1581 : vector<16xf32>
            %add3A_1606 = arith.addf %add3A_1560, %mul3A_1605 : vector<16xf32>
            %mul3A_1607 = vector.broadcast %squeeze3A_1603 : f32 to vector<16xf32>
            %mul3A_1608 = arith.mulf %mul3A_1607, %get3A_1593 : vector<16xf32>
            %add3A_1609 = arith.addf %add3A_1563, %mul3A_1608 : vector<16xf32>
            %slice3A_1610 = vector.extract_strided_slice %get3A_961 {offsets = [13], sizes = [1], strides = [1]} : vector<16xf32> to vector<1xf32>
            %squeeze3A_1611 = vector.extract %slice3A_1610[0] : f32 from vector<1xf32>
            %mul3A_1612 = vector.broadcast %squeeze3A_1611 : f32 to vector<16xf32>
            %mul3A_1613 = arith.mulf %mul3A_1612, %get3A_1581 : vector<16xf32>
            %add3A_1614 = arith.addf %add3A_1568, %mul3A_1613 : vector<16xf32>
            %mul3A_1615 = vector.broadcast %squeeze3A_1611 : f32 to vector<16xf32>
            %mul3A_1616 = arith.mulf %mul3A_1615, %get3A_1593 : vector<16xf32>
            %add3A_1617 = arith.addf %add3A_1571, %mul3A_1616 : vector<16xf32>
            %mul3A_1618 = arith.constant 16 : i32
            %mul3A_1619 = arith.muli %scan3A_119, %mul3A_1618 : i32
            %add3A_1620 = arith.constant 14 : i32
            %add3A_1621 = arith.addi %mul3A_1619, %add3A_1620 : i32
            %mul3A_1622 = arith.constant 32 : i32
            %mul3A_1623 = arith.muli %scan3A_940, %mul3A_1622 : i32
            %get3A_1624 = arith.index_cast %add3A_1621 : i32 to index
            %get3A_1625 = arith.index_cast %mul3A_1623 : i32 to index
            %get3A_1626 = tpu.vector_load %arg9[%get3A_1624, %get3A_1625] {strides = array<i32>} : memref<64x384xf32, #tpu.memory_space<vmem>>, vector<1x16xf32>,
            %get3A_1627 = vector.shape_cast %get3A_1626 : vector<1x16xf32> to vector<16xf32>
            %mul3A_1628 = arith.constant 16 : i32
            %mul3A_1629 = arith.muli %scan3A_119, %mul3A_1628 : i32
            %add3A_1630 = arith.constant 14 : i32
            %add3A_1631 = arith.addi %mul3A_1629, %add3A_1630 : i32
            %mul3A_1632 = arith.constant 32 : i32
            %mul3A_1633 = arith.muli %scan3A_940, %mul3A_1632 : i32
            %add3A_1634 = arith.constant 16 : i32
            %add3A_1635 = arith.addi %mul3A_1633, %add3A_1634 : i32
            %get3A_1636 = arith.index_cast %add3A_1631 : i32 to index
            %get3A_1637 = arith.index_cast %add3A_1635 : i32 to index
            %get3A_1638 = tpu.vector_load %arg9[%get3A_1636, %get3A_1637] {strides = array<i32>} : memref<64x384xf32, #tpu.memory_space<vmem>>, vector<1x16xf32>,
            %get3A_1639 = vector.shape_cast %get3A_1638 : vector<1x16xf32> to vector<16xf32>
            %slice3A_1640 = vector.extract_strided_slice %get3A_947 {offsets = [14], sizes = [1], strides = [1]} : vector<16xf32> to vector<1xf32>
            %squeeze3A_1641 = vector.extract %slice3A_1640[0] : f32 from vector<1xf32>
            %mul3A_1642 = vector.broadcast %squeeze3A_1641 : f32 to vector<16xf32>
            %mul3A_1643 = arith.mulf %mul3A_1642, %get3A_1627 : vector<16xf32>
            %add3A_1644 = arith.addf %add3A_1598, %mul3A_1643 : vector<16xf32>
            %mul3A_1645 = vector.broadcast %squeeze3A_1641 : f32 to vector<16xf32>
            %mul3A_1646 = arith.mulf %mul3A_1645, %get3A_1639 : vector<16xf32>
            %add3A_1647 = arith.addf %add3A_1601, %mul3A_1646 : vector<16xf32>
            %slice3A_1648 = vector.extract_strided_slice %get3A_954 {offsets = [14], sizes = [1], strides = [1]} : vector<16xf32> to vector<1xf32>
            %squeeze3A_1649 = vector.extract %slice3A_1648[0] : f32 from vector<1xf32>
            %mul3A_1650 = vector.broadcast %squeeze3A_1649 : f32 to vector<16xf32>
            %mul3A_1651 = arith.mulf %mul3A_1650, %get3A_1627 : vector<16xf32>
            %add3A_1652 = arith.addf %add3A_1606, %mul3A_1651 : vector<16xf32>
            %mul3A_1653 = vector.broadcast %squeeze3A_1649 : f32 to vector<16xf32>
            %mul3A_1654 = arith.mulf %mul3A_1653, %get3A_1639 : vector<16xf32>
            %add3A_1655 = arith.addf %add3A_1609, %mul3A_1654 : vector<16xf32>
            %slice3A_1656 = vector.extract_strided_slice %get3A_961 {offsets = [14], sizes = [1], strides = [1]} : vector<16xf32> to vector<1xf32>
            %squeeze3A_1657 = vector.extract %slice3A_1656[0] : f32 from vector<1xf32>
            %mul3A_1658 = vector.broadcast %squeeze3A_1657 : f32 to vector<16xf32>
            %mul3A_1659 = arith.mulf %mul3A_1658, %get3A_1627 : vector<16xf32>
            %add3A_1660 = arith.addf %add3A_1614, %mul3A_1659 : vector<16xf32>
            %mul3A_1661 = vector.broadcast %squeeze3A_1657 : f32 to vector<16xf32>
            %mul3A_1662 = arith.mulf %mul3A_1661, %get3A_1639 : vector<16xf32>
            %add3A_1663 = arith.addf %add3A_1617, %mul3A_1662 : vector<16xf32>
            %mul3A_1664 = arith.constant 16 : i32
            %mul3A_1665 = arith.muli %scan3A_119, %mul3A_1664 : i32
            %add3A_1666 = arith.constant 15 : i32
            %add3A_1667 = arith.addi %mul3A_1665, %add3A_1666 : i32
            %mul3A_1668 = arith.constant 32 : i32
            %mul3A_1669 = arith.muli %scan3A_940, %mul3A_1668 : i32
            %get3A_1670 = arith.index_cast %add3A_1667 : i32 to index
            %get3A_1671 = arith.index_cast %mul3A_1669 : i32 to index
            %get3A_1672 = tpu.vector_load %arg9[%get3A_1670, %get3A_1671] {strides = array<i32>} : memref<64x384xf32, #tpu.memory_space<vmem>>, vector<1x16xf32>,
            %get3A_1673 = vector.shape_cast %get3A_1672 : vector<1x16xf32> to vector<16xf32>
            %mul3A_1674 = arith.constant 16 : i32
            %mul3A_1675 = arith.muli %scan3A_119, %mul3A_1674 : i32
            %add3A_1676 = arith.constant 15 : i32
            %add3A_1677 = arith.addi %mul3A_1675, %add3A_1676 : i32
            %mul3A_1678 = arith.constant 32 : i32
            %mul3A_1679 = arith.muli %scan3A_940, %mul3A_1678 : i32
            %add3A_1680 = arith.constant 16 : i32
            %add3A_1681 = arith.addi %mul3A_1679, %add3A_1680 : i32
            %get3A_1682 = arith.index_cast %add3A_1677 : i32 to index
            %get3A_1683 = arith.index_cast %add3A_1681 : i32 to index
            %get3A_1684 = tpu.vector_load %arg9[%get3A_1682, %get3A_1683] {strides = array<i32>} : memref<64x384xf32, #tpu.memory_space<vmem>>, vector<1x16xf32>,
            %get3A_1685 = vector.shape_cast %get3A_1684 : vector<1x16xf32> to vector<16xf32>
            %slice3A_1686 = vector.extract_strided_slice %get3A_947 {offsets = [15], sizes = [1], strides = [1]} : vector<16xf32> to vector<1xf32>
            %squeeze3A_1687 = vector.extract %slice3A_1686[0] : f32 from vector<1xf32>
            %mul3A_1688 = vector.broadcast %squeeze3A_1687 : f32 to vector<16xf32>
            %mul3A_1689 = arith.mulf %mul3A_1688, %get3A_1673 : vector<16xf32>
            %add3A_1690 = arith.addf %add3A_1644, %mul3A_1689 : vector<16xf32>
            %mul3A_1691 = vector.broadcast %squeeze3A_1687 : f32 to vector<16xf32>
            %mul3A_1692 = arith.mulf %mul3A_1691, %get3A_1685 : vector<16xf32>
            %add3A_1693 = arith.addf %add3A_1647, %mul3A_1692 : vector<16xf32>
            %slice3A_1694 = vector.extract_strided_slice %get3A_954 {offsets = [15], sizes = [1], strides = [1]} : vector<16xf32> to vector<1xf32>
            %squeeze3A_1695 = vector.extract %slice3A_1694[0] : f32 from vector<1xf32>
            %mul3A_1696 = vector.broadcast %squeeze3A_1695 : f32 to vector<16xf32>
            %mul3A_1697 = arith.mulf %mul3A_1696, %get3A_1673 : vector<16xf32>
            %add3A_1698 = arith.addf %add3A_1652, %mul3A_1697 : vector<16xf32>
            %mul3A_1699 = vector.broadcast %squeeze3A_1695 : f32 to vector<16xf32>
            %mul3A_1700 = arith.mulf %mul3A_1699, %get3A_1685 : vector<16xf32>
            %add3A_1701 = arith.addf %add3A_1655, %mul3A_1700 : vector<16xf32>
            %slice3A_1702 = vector.extract_strided_slice %get3A_961 {offsets = [15], sizes = [1], strides = [1]} : vector<16xf32> to vector<1xf32>
            %squeeze3A_1703 = vector.extract %slice3A_1702[0] : f32 from vector<1xf32>
            %mul3A_1704 = vector.broadcast %squeeze3A_1703 : f32 to vector<16xf32>
            %mul3A_1705 = arith.mulf %mul3A_1704, %get3A_1673 : vector<16xf32>
            %add3A_1706 = arith.addf %add3A_1660, %mul3A_1705 : vector<16xf32>
            %mul3A_1707 = vector.broadcast %squeeze3A_1703 : f32 to vector<16xf32>
            %mul3A_1708 = arith.mulf %mul3A_1707, %get3A_1685 : vector<16xf32>
            %add3A_1709 = arith.addf %add3A_1663, %mul3A_1708 : vector<16xf32>
            %mul3A_1710 = arith.constant 12 : i32
            %mul3A_1711 = arith.muli %scan3A_119, %mul3A_1710 : i32
            %add3A_1712 = arith.addi %mul3A_1711, %scan3A_940 : i32
            %swap3A_1713 = arith.index_cast %add3A_1712 : i32 to index
            %swap3A_1714 = arith.constant 0 : index
            %swap3A_1715 = tpu.vector_load %arg13[%swap3A_1713, %swap3A_1714] {strides = array<i32>} : memref<48x128xf32, #tpu.memory_space<vmem>>, vector<1x16xf32>,
            %swap3A_1716 = vector.shape_cast %swap3A_1715 : vector<1x16xf32> to vector<16xf32>
            %swap3A_1717 = vector.shape_cast %add3A_1690 : vector<16xf32> to vector<1x16xf32>
            tpu.vector_store %arg13[%swap3A_1713, %swap3A_1714], %swap3A_1717 {strides = array<i32>} : memref<48x128xf32, #tpu.memory_space<vmem>>, vector<1x16xf32>,
            %mul3A_1718 = arith.constant 12 : i32
            %mul3A_1719 = arith.muli %scan3A_119, %mul3A_1718 : i32
            %add3A_1720 = arith.addi %mul3A_1719, %scan3A_940 : i32
            %swap3A_1721 = arith.index_cast %add3A_1720 : i32 to index
            %swap3A_1722 = arith.constant 16 : index
            %swap3A_1723 = tpu.vector_load %arg13[%swap3A_1721, %swap3A_1722] {strides = array<i32>} : memref<48x128xf32, #tpu.memory_space<vmem>>, vector<1x16xf32>,
            %swap3A_1724 = vector.shape_cast %swap3A_1723 : vector<1x16xf32> to vector<16xf32>
            %swap3A_1725 = vector.shape_cast %add3A_1693 : vector<16xf32> to vector<1x16xf32>
            tpu.vector_store %arg13[%swap3A_1721, %swap3A_1722], %swap3A_1725 {strides = array<i32>} : memref<48x128xf32, #tpu.memory_space<vmem>>, vector<1x16xf32>,
            %mul3A_1726 = arith.constant 12 : i32
            %mul3A_1727 = arith.muli %scan3A_119, %mul3A_1726 : i32
            %add3A_1728 = arith.addi %mul3A_1727, %scan3A_940 : i32
            %swap3A_1729 = arith.index_cast %add3A_1728 : i32 to index
            %swap3A_1730 = arith.constant 32 : index
            %swap3A_1731 = tpu.vector_load %arg13[%swap3A_1729, %swap3A_1730] {strides = array<i32>} : memref<48x128xf32, #tpu.memory_space<vmem>>, vector<1x16xf32>,
            %swap3A_1732 = vector.shape_cast %swap3A_1731 : vector<1x16xf32> to vector<16xf32>
            %swap3A_1733 = vector.shape_cast %add3A_1698 : vector<16xf32> to vector<1x16xf32>
            tpu.vector_store %arg13[%swap3A_1729, %swap3A_1730], %swap3A_1733 {strides = array<i32>} : memref<48x128xf32, #tpu.memory_space<vmem>>, vector<1x16xf32>,
            %mul3A_1734 = arith.constant 12 : i32
            %mul3A_1735 = arith.muli %scan3A_119, %mul3A_1734 : i32
            %add3A_1736 = arith.addi %mul3A_1735, %scan3A_940 : i32
            %swap3A_1737 = arith.index_cast %add3A_1736 : i32 to index
            %swap3A_1738 = arith.constant 48 : index
            %swap3A_1739 = tpu.vector_load %arg13[%swap3A_1737, %swap3A_1738] {strides = array<i32>} : memref<48x128xf32, #tpu.memory_space<vmem>>, vector<1x16xf32>,
            %swap3A_1740 = vector.shape_cast %swap3A_1739 : vector<1x16xf32> to vector<16xf32>
            %swap3A_1741 = vector.shape_cast %add3A_1701 : vector<16xf32> to vector<1x16xf32>
            tpu.vector_store %arg13[%swap3A_1737, %swap3A_1738], %swap3A_1741 {strides = array<i32>} : memref<48x128xf32, #tpu.memory_space<vmem>>, vector<1x16xf32>,
            %mul3A_1742 = arith.constant 12 : i32
            %mul3A_1743 = arith.muli %scan3A_119, %mul3A_1742 : i32
            %add3A_1744 = arith.addi %mul3A_1743, %scan3A_940 : i32
            %swap3A_1745 = arith.index_cast %add3A_1744 : i32 to index
            %swap3A_1746 = arith.constant 64 : index
            %swap3A_1747 = tpu.vector_load %arg13[%swap3A_1745, %swap3A_1746] {strides = array<i32>} : memref<48x128xf32, #tpu.memory_space<vmem>>, vector<1x16xf32>,
            %swap3A_1748 = vector.shape_cast %swap3A_1747 : vector<1x16xf32> to vector<16xf32>
            %swap3A_1749 = vector.shape_cast %add3A_1706 : vector<16xf32> to vector<1x16xf32>
            tpu.vector_store %arg13[%swap3A_1745, %swap3A_1746], %swap3A_1749 {strides = array<i32>} : memref<48x128xf32, #tpu.memory_space<vmem>>, vector<1x16xf32>,
            %mul3A_1750 = arith.constant 12 : i32
            %mul3A_1751 = arith.muli %scan3A_119, %mul3A_1750 : i32
            %add3A_1752 = arith.addi %mul3A_1751, %scan3A_940 : i32
            %swap3A_1753 = arith.index_cast %add3A_1752 : i32 to index
            %swap3A_1754 = arith.constant 80 : index
            %swap3A_1755 = tpu.vector_load %arg13[%swap3A_1753, %swap3A_1754] {strides = array<i32>} : memref<48x128xf32, #tpu.memory_space<vmem>>, vector<1x16xf32>,
            %swap3A_1756 = vector.shape_cast %swap3A_1755 : vector<1x16xf32> to vector<16xf32>
            %swap3A_1757 = vector.shape_cast %add3A_1709 : vector<16xf32> to vector<1x16xf32>
            tpu.vector_store %arg13[%swap3A_1753, %swap3A_1754], %swap3A_1757 {strides = array<i32>} : memref<48x128xf32, #tpu.memory_space<vmem>>, vector<1x16xf32>,
          }
          %scan3A_125 = arith.constant 12 : i32
        }
        %scan3A_106 = arith.constant 4 : i32
        %mul3A_107 = arith.constant 48 : i32
        %mul3A_108 = arith.muli %add3A_59, %mul3A_107 : i32
        %dma_start3A = arith.constant 0 : i32
        %dma_start3A_109 = tpu.memref_slice %arg5[%mul3A_108, %dma_start3A] : memref<120000x128xf32, #tpu.memory_space<hbm>> -> memref<48x128xf32, #tpu.memory_space<hbm>>
        %dma_start3A_110 = arith.constant 0 : i32
        %dma_start3A_111 = tpu.memref_slice %arg5[%mul3A_108, %dma_start3A_110] : memref<120000x128xf32, #tpu.memory_space<hbm>> -> memref<48x128xf32, #tpu.memory_space<hbm>>
        tpu.enqueue_dma source(%arg13 : memref<48x128xf32, #tpu.memory_space<vmem>>) target(%dma_start3A_111 : memref<48x128xf32, #tpu.memory_space<hbm>>) target_semaphore(%arg17 : memref<!tpu.dma_semaphore, #tpu.memory_space<semaphore_mem>>)
        %add3A_112 = arith.constant 64 : i32
        %add3A_113 = arith.addi %add3A_59, %add3A_112 : i32
        %lt3A_114 = arith.constant 2500 : i32
        %lt3A_115 = arith.cmpi slt, %add3A_113, %lt3A_114 : i32
        %convert_element_type3A_116 = arith.extui %lt3A_115 : i1 to i32
        %cond3A_117 = arith.constant 0 : i32
        %cond3A_118 = arith.cmpi ne, %convert_element_type3A_116, %cond3A_117 : i32
        scf.if %cond3A_118 {
          %add3A_119 = arith.constant 64 : i32
          %add3A_120 = arith.addi %add3A_59, %add3A_119 : i32
          %mul3A_121 = arith.constant 4 : i32
          %mul3A_122 = arith.muli %add3A_120, %mul3A_121 : i32
          %dma_start3A_123 = arith.constant 0 : i32
          %dma_start3A_124 = arith.constant 0 : i32
          %dma_start3A_125 = arith.constant 0 : i32
          %dma_start3A_126 = tpu.memref_slice %arg4[%mul3A_122, %dma_start3A_123, %dma_start3A_124, %dma_start3A_125] : memref<10000x12x3x16xf32, #tpu.memory_space<hbm>> -> memref<4x12x3x16xf32, #tpu.memory_space<hbm>>
          %dma_start3A_127 = arith.constant 0 : i32
          %dma_start3A_128 = arith.constant 0 : i32
          %dma_start3A_129 = arith.constant 0 : i32
          %dma_start3A_130 = tpu.memref_slice %arg4[%mul3A_122, %dma_start3A_127, %dma_start3A_128, %dma_start3A_129] : memref<10000x12x3x16xf32, #tpu.memory_space<hbm>> -> memref<4x12x3x16xf32, #tpu.memory_space<hbm>>
          tpu.enqueue_dma source(%dma_start3A_130 : memref<4x12x3x16xf32, #tpu.memory_space<hbm>>) target(%arg11 : memref<4x12x3x16xf32, #tpu.memory_space<vmem>>) target_semaphore(%arg21 : memref<!tpu.dma_semaphore, #tpu.memory_space<semaphore_mem>>)
        } else {
        }
      } else {
      }
    }
    %scan3A_42 = arith.constant 40 : i32
    %ge3A = arith.constant 1 : i32
    %ge3A_43 = arith.cmpi sge, %select_n3A, %ge3A : i32
    %convert_element_type3A_44 = arith.extui %ge3A_43 : i1 to i32
    %cond3A_45 = arith.constant 0 : i32
    %cond3A_46 = arith.cmpi ne, %convert_element_type3A_44, %cond3A_45 : i32
    scf.if %cond3A_46 {
      %dma_wait3A = arith.constant 0 : i32
      %dma_wait3A_52 = arith.constant 0 : i32
      %dma_wait3A_53 = tpu.memref_slice %arg5[%dma_wait3A, %dma_wait3A_52] : memref<120000x128xf32, #tpu.memory_space<hbm>> -> memref<48x128xf32, #tpu.memory_space<hbm>>
      %dma_wait3A_54 = arith.constant 0 : i32
      %dma_wait3A_55 = arith.constant 0 : i32
      %dma_wait3A_56 = tpu.memref_slice %arg5[%dma_wait3A_54, %dma_wait3A_55] : memref<120000x128xf32, #tpu.memory_space<hbm>> -> memref<48x128xf32, #tpu.memory_space<hbm>>
      tpu.wait_dma2 semaphore(%arg16 : memref<!tpu.dma_semaphore, #tpu.memory_space<semaphore_mem>>) src(%arg12 : memref<48x128xf32, #tpu.memory_space<vmem>>) dst(%dma_wait3A_56 : memref<48x128xf32, #tpu.memory_space<hbm>>)
    } else {
    }
    %ge3A_47 = arith.constant 2 : i32
    %ge3A_48 = arith.cmpi sge, %select_n3A, %ge3A_47 : i32
    %convert_element_type3A_49 = arith.extui %ge3A_48 : i1 to i32
    %cond3A_50 = arith.constant 0 : i32
    %cond3A_51 = arith.cmpi ne, %convert_element_type3A_49, %cond3A_50 : i32
    scf.if %cond3A_51 {
      %dma_wait3A = arith.constant 0 : i32
      %dma_wait3A_52 = arith.constant 0 : i32
      %dma_wait3A_53 = tpu.memref_slice %arg5[%dma_wait3A, %dma_wait3A_52] : memref<120000x128xf32, #tpu.memory_space<hbm>> -> memref<48x128xf32, #tpu.memory_space<hbm>>
      %dma_wait3A_54 = arith.constant 0 : i32
      %dma_wait3A_55 = arith.constant 0 : i32
      %dma_wait3A_56 = tpu.memref_slice %arg5[%dma_wait3A_54, %dma_wait3A_55] : memref<120000x128xf32, #tpu.memory_space<hbm>> -> memref<48x128xf32, #tpu.memory_space<hbm>>
      tpu.wait_dma2 semaphore(%arg17 : memref<!tpu.dma_semaphore, #tpu.memory_space<semaphore_mem>>) src(%arg13 : memref<48x128xf32, #tpu.memory_space<vmem>>) dst(%dma_wait3A_56 : memref<48x128xf32, #tpu.memory_space<hbm>>)
    } else {
    }
    return
  }
}

module attributes {stable_mosaic.version = 14 : i64} {
  func.func @_tc_body(%arg0: i32, %arg1: i32, %arg2: memref<128x64xf32, #tpu.memory_space<vmem>>, %arg3: memref<2000x128xf32, #tpu.memory_space<vmem>>, %arg4: memref<120000x64xf32, #tpu.memory_space<vmem>>, %arg5: memref<2x64xf32, #tpu.memory_space<vmem>>) attributes {dimension_semantics = [#tpu.dimension_semantics<arbitrary>, #tpu.dimension_semantics<arbitrary>], iteration_bounds = array<i64: 2, 60>, scalar_prefetch = 0 : i64, scratch_operands = 1 : i64, tpu.core_type = #tpu.core_type<tc>, window_params = [{pipeline_mode = #tpu.pipeline_mode<synchronous>, transform_indices = @transform_0, window_bounds = array<i64: 128, 64>}, {transform_indices = @transform_1, window_bounds = array<i64: 2000, 128>}, {pipeline_mode = #tpu.pipeline_mode<synchronous>, transform_indices = @transform_2, window_bounds = array<i64: 120000, 64>}]} {
    %eq3A = arith.constant 0 : i32
    %eq3A_0 = arith.cmpi eq, %arg0, %eq3A : i32
    %convert_element_type3A = arith.extui %eq3A_0 : i1 to i32
    %cond3A = arith.constant 0 : i32
    %cond3A_1 = arith.cmpi ne, %convert_element_type3A, %cond3A : i32
    scf.if %cond3A_1 {
      %get3A = arith.constant 0 : index
      %get3A_7 = arith.constant 0 : index
      %get3A_8 = vector.load %arg3[%get3A, %get3A_7] : memref<2000x128xf32, #tpu.memory_space<vmem>>, vector<2000x128xf32>
      %convert_element_type3A_9 = arith.truncf %get3A_8 : vector<2000x128xf32> to vector<2000x128xbf16>
      %get3A_10 = arith.constant 0 : index
      %get3A_11 = arith.constant 0 : index
      %get3A_12 = vector.load %arg2[%get3A_10, %get3A_11] : memref<128x64xf32, #tpu.memory_space<vmem>>, vector<128x64xf32>
      %convert_element_type3A_13 = arith.truncf %get3A_12 : vector<128x64xf32> to vector<128x64xbf16>
      %dot_general3A = arith.constant dense<0.000000e+00> : vector<2000x64xf32>
      %dot_general3A_14 = tpu.matmul %convert_element_type3A_9, %convert_element_type3A_13, %dot_general3A {dimension_numbers = #tpu.dot_dimension_numbers<[1], [0], [0], [1], [0, 0, 1, 1], [], []>, transpose_lhs_hint = false} : vector<2000x128xbf16>, vector<128x64xbf16>, vector<2000x64xf32> -> vector<2000x64xf32>
      %mul3A = arith.constant 2000 : i32
      %mul3A_15 = arith.muli %arg1, %mul3A : i32
      %swap3A = arith.index_cast %mul3A_15 : i32 to index
      %swap3A_16 = arith.constant 0 : index
      %swap3A_17 = vector.load %arg4[%swap3A, %swap3A_16] : memref<120000x64xf32, #tpu.memory_space<vmem>>, vector<2000x64xf32>
      tpu.vector_store %arg4[%swap3A, %swap3A_16], %dot_general3A_14 {strides = array<i32>} : memref<120000x64xf32, #tpu.memory_space<vmem>>, vector<2000x64xf32>,
      %eq3A_18 = arith.constant 0 : i32
      %eq3A_19 = arith.cmpi eq, %arg1, %eq3A_18 : i32
      %convert_element_type3A_20 = arith.extui %eq3A_19 : i1 to i32
      %cond3A_21 = arith.constant 0 : i32
      %cond3A_22 = arith.cmpi ne, %convert_element_type3A_20, %cond3A_21 : i32
      scf.if %cond3A_22 {
        %broadcast_in_dim3A = arith.constant 0.000000e+00 : f32
        %broadcast_in_dim3A_46 = vector.broadcast %broadcast_in_dim3A : f32 to vector<2x64xf32>
        %swap3A_47 = arith.constant 0 : index
        %swap3A_48 = arith.constant 0 : index
        %swap3A_49 = vector.load %arg5[%swap3A_47, %swap3A_48] : memref<2x64xf32, #tpu.memory_space<vmem>>, vector<2x64xf32>
        tpu.vector_store %arg5[%swap3A_47, %swap3A_48], %broadcast_in_dim3A_46 {strides = array<i32>} : memref<2x64xf32, #tpu.memory_space<vmem>>, vector<2x64xf32>,
      } else {
      }
      %get3A_23 = arith.constant 0 : index
      %get3A_24 = arith.constant 0 : index
      %get3A_25 = vector.load %arg5[%get3A_23, %get3A_24] : memref<2x64xf32, #tpu.memory_space<vmem>>, vector<1x64xf32>
      %get3A_26 = vector.shape_cast %get3A_25 : vector<1x64xf32> to vector<64xf32>
      %reduce_sum3A = arith.constant dense<0.000000e+00> : vector<64xf32>
      %reduce_sum3A_27 = vector.multi_reduction <add>, %dot_general3A_14, %reduce_sum3A [0] : vector<2000x64xf32> to vector<64xf32>
      %add3A = arith.addf %get3A_26, %reduce_sum3A_27 : vector<64xf32>
      %swap3A_28 = arith.constant 0 : index
      %swap3A_29 = arith.constant 0 : index
      %swap3A_30 = vector.load %arg5[%swap3A_28, %swap3A_29] : memref<2x64xf32, #tpu.memory_space<vmem>>, vector<1x64xf32>
      %swap3A_31 = vector.shape_cast %swap3A_30 : vector<1x64xf32> to vector<64xf32>
      %swap3A_32 = vector.shape_cast %add3A : vector<64xf32> to vector<1x64xf32>
      tpu.vector_store %arg5[%swap3A_28, %swap3A_29], %swap3A_32 {strides = array<i32>} : memref<2x64xf32, #tpu.memory_space<vmem>>, vector<1x64xf32>,
      %get3A_33 = arith.constant 1 : index
      %get3A_34 = arith.constant 0 : index
      %get3A_35 = vector.load %arg5[%get3A_33, %get3A_34] : memref<2x64xf32, #tpu.memory_space<vmem>>, vector<1x64xf32>
      %get3A_36 = vector.shape_cast %get3A_35 : vector<1x64xf32> to vector<64xf32>
      %mul3A_37 = arith.mulf %dot_general3A_14, %dot_general3A_14 : vector<2000x64xf32>
      %reduce_sum3A_38 = arith.constant dense<0.000000e+00> : vector<64xf32>
      %reduce_sum3A_39 = vector.multi_reduction <add>, %mul3A_37, %reduce_sum3A_38 [0] : vector<2000x64xf32> to vector<64xf32>
      %add3A_40 = arith.addf %get3A_36, %reduce_sum3A_39 : vector<64xf32>
      %swap3A_41 = arith.constant 1 : index
      %swap3A_42 = arith.constant 0 : index
      %swap3A_43 = vector.load %arg5[%swap3A_41, %swap3A_42] : memref<2x64xf32, #tpu.memory_space<vmem>>, vector<1x64xf32>
      %swap3A_44 = vector.shape_cast %swap3A_43 : vector<1x64xf32> to vector<64xf32>
      %swap3A_45 = vector.shape_cast %add3A_40 : vector<64xf32> to vector<1x64xf32>
      tpu.vector_store %arg5[%swap3A_41, %swap3A_42], %swap3A_45 {strides = array<i32>} : memref<2x64xf32, #tpu.memory_space<vmem>>, vector<1x64xf32>,
    } else {
    }
    %eq3A_2 = arith.constant 1 : i32
    %eq3A_3 = arith.cmpi eq, %arg0, %eq3A_2 : i32
    %convert_element_type3A_4 = arith.extui %eq3A_3 : i1 to i32
    %cond3A_5 = arith.constant 0 : i32
    %cond3A_6 = arith.cmpi ne, %convert_element_type3A_4, %cond3A_5 : i32
    scf.if %cond3A_6 {
      %get3A = arith.constant 0 : index
      %get3A_7 = arith.constant 0 : index
      %get3A_8 = vector.load %arg5[%get3A, %get3A_7] : memref<2x64xf32, #tpu.memory_space<vmem>>, vector<1x64xf32>
      %get3A_9 = vector.shape_cast %get3A_8 : vector<1x64xf32> to vector<64xf32>
      %div3A = arith.constant 1.200000e+05 : f32
      %div3A_10 = vector.broadcast %div3A : f32 to vector<64xf32>
      %div3A_11 = arith.divf %get3A_9, %div3A_10 : vector<64xf32>
      %get3A_12 = arith.constant 1 : index
      %get3A_13 = arith.constant 0 : index
      %get3A_14 = vector.load %arg5[%get3A_12, %get3A_13] : memref<2x64xf32, #tpu.memory_space<vmem>>, vector<1x64xf32>
      %get3A_15 = vector.shape_cast %get3A_14 : vector<1x64xf32> to vector<64xf32>
      %div3A_16 = arith.constant 1.200000e+05 : f32
      %div3A_17 = vector.broadcast %div3A_16 : f32 to vector<64xf32>
      %div3A_18 = arith.divf %get3A_15, %div3A_17 : vector<64xf32>
      %mul3A = arith.mulf %div3A_11, %div3A_11 : vector<64xf32>
      %sub3A = arith.subf %div3A_18, %mul3A : vector<64xf32>
      %add3A = arith.constant 9.99999974E-6 : f32
      %add3A_19 = vector.broadcast %add3A : f32 to vector<64xf32>
      %add3A_20 = arith.addf %sub3A, %add3A_19 : vector<64xf32>
      %rsqrt3A = math.rsqrt %add3A_20 : vector<64xf32>
      %mul3A_21 = arith.constant 2000 : i32
      %mul3A_22 = arith.muli %arg1, %mul3A_21 : i32
      %get3A_23 = arith.index_cast %mul3A_22 : i32 to index
      %get3A_24 = arith.constant 0 : index
      %get3A_25 = vector.load %arg4[%get3A_23, %get3A_24] : memref<120000x64xf32, #tpu.memory_space<vmem>>, vector<2000x64xf32>
      %broadcast_in_dim3A = vector.shape_cast %div3A_11 : vector<64xf32> to vector<1x64xf32>
      %sub3A_26 = vector.broadcast %broadcast_in_dim3A : vector<1x64xf32> to vector<2000x64xf32>
      %sub3A_27 = arith.subf %get3A_25, %sub3A_26 : vector<2000x64xf32>
      %broadcast_in_dim3A_28 = vector.shape_cast %rsqrt3A : vector<64xf32> to vector<1x64xf32>
      %mul3A_29 = vector.broadcast %broadcast_in_dim3A_28 : vector<1x64xf32> to vector<2000x64xf32>
      %mul3A_30 = arith.mulf %sub3A_27, %mul3A_29 : vector<2000x64xf32>
      %max3A = arith.constant 0.000000e+00 : f32
      %max3A_31 = vector.broadcast %max3A : f32 to vector<2000x64xf32>
      %max3A_32 = arith.maximumf %mul3A_30, %max3A_31 : vector<2000x64xf32>
      %mul3A_33 = arith.constant 2000 : i32
      %mul3A_34 = arith.muli %arg1, %mul3A_33 : i32
      %swap3A = arith.index_cast %mul3A_34 : i32 to index
      %swap3A_35 = arith.constant 0 : index
      %swap3A_36 = vector.load %arg4[%swap3A, %swap3A_35] : memref<120000x64xf32, #tpu.memory_space<vmem>>, vector<2000x64xf32>
      tpu.vector_store %arg4[%swap3A, %swap3A_35], %max3A_32 {strides = array<i32>} : memref<120000x64xf32, #tpu.memory_space<vmem>>, vector<2000x64xf32>,
    } else {
    }
    return
  }
  func.func @transform_0(%arg0: i32, %arg1: i32) -> (i32, i32) {
    %c0_i32 = arith.constant 0 : i32
    %c0_i32_0 = arith.constant 0 : i32
    %c0_i32_1 = arith.constant 0 : i32
    return %c0_i32, %c0_i32_0 : i32, i32
  }
  func.func @transform_1(%arg0: i32, %arg1: i32) -> (i32, i32) {
    %sub3A = arith.constant 1 : i32
    %sub3A_0 = arith.subi %sub3A, %arg0 : i32
    %mul3A = arith.muli %arg1, %sub3A_0 : i32
    %c0_i32 = arith.constant 0 : i32
    %c0_i32_1 = arith.constant 0 : i32
    return %mul3A, %c0_i32 : i32, i32
  }
  func.func @transform_2(%arg0: i32, %arg1: i32) -> (i32, i32) {
    %c0_i32 = arith.constant 0 : i32
    %c0_i32_0 = arith.constant 0 : i32
    %c0_i32_1 = arith.constant 0 : i32
    return %c0_i32, %c0_i32_0 : i32, i32
  }
}

</mosaic_0001>

<sc_bundles>
// kernel: kernel.4.cloned.1.call-start
scs
__scs_entry_jumppad:
0x0: {  	(pc) =	sbr.rel $0x88, $3  }
0x1: {  	(tag) =	ssettag $0x0;
	lr =	simm.s32 $0x1  }
0x2: {  	[smem:$0x3F9D] =	sst lr;
	_ =	strace $0xD0000000  }
0x3: {  	_ = 	snop  }
0x4: {  	_ = 	snop  }
0x5: {  	_ = 	snop  }
0x6: {  	_ = 	snop  }
0x7: {  	_ = 	snop  }
__scs_overlays_trampoline_lowered:
0x8: {  	[smem:$0x3FAC] =	sst s0  }
0x9: {  	[smem:$0x3FAD] =	sst s1  }
0xa: {  	[smem:$0x3FAE] =	sst s2  }
0xb: {  	[smem:$0x3FAF] =	sst s3  }
0xc: {  	[smem:$0x3FB0] =	sst s4  }
0xd: {  	[smem:$0x3FB1] =	sst s5  }
0xe: {  	[smem:$0x3FB2] =	sst s6  }
0xf: {  	[smem:$0x3FB3] =	sst s7  }
0x10: {  	[smem:$0x3FB4] =	sst s8  }
0x11: {  	[smem:$0x3FB5] =	sst s9;
	s0 =	simm.s32 @!p0 $0x0  }
0x12: {  	s1 =	sld [smem:$0x3F9B];
	s0 =	simm.s32 @p0 $0x1  }
0x13: {  	[smem:$0x3FB6] =	sst s0;
	s0 =	simm.s32 @!p1 $0x0  }
0x14: {  	s2 =	sld [smem:$0x3F9A];
	s0 =	simm.s32 @p1 $0x1  }
0x15: {  	[smem:$0x3FB7] =	sst s0;
	s0 =	simm.s32 @!p2 $0x0  }
0x16: {  	s3 =	sld [smem:$0x3FDB];
	s0 =	simm.s32 @p2 $0x1  }
0x17: {  	s4 =	simm.s32 $0x1BF5;
	[smem:$0x3FB9] =	sst s0  }
0x18: {  	s0 =	sld [smem:$0x3F9C];
	_ =	swait.ge [sflag:s4], $0x0  }
0x19: {  	s7 =	sld [smem:$0x3F9D]  }
0x1a: {  	s8 =	sadd.s32 $0xFFFFE003, lr  }
0x1b: {  	s9 =	sadd.s32 $0xFFFFFEF7, lr;
	s5 =	simm.s32 $0xFFFFFFFF;
	p2 =	slt.u32 s8, $0xFFFFF086  }
0x1c: {  	p1 =	slt.u32 s9, $0xF7A;
	s5 =	simm.s32 @!p2 $0x0  }
0x1d: {  	s5 =	simm.s32 @p1 $0x1;
	p0 =	seq.s32 s7, s2  }
0x1e: {  	s7 =	smul.u32 @!p0 $0xF7A, s2;
	p2 =	seq.s32 @!p0 s5, $0x0  }
0x1f: {  	s9 =	smul.u32 $0xF7A, s1;
	s8 =	simm.s32 @!p0 $0x1BF5;
	p2 =	por !p2, p0  }
0x20: {  	[sflag:s8] =	ssyncset.s32 @!p0 $0xFFFFF086;
	s6 =	sadd.s32 @!p0 s3, s7;
	s7 =	simm.s32 @!p0 $0x108  }
0x21: {  	s3 =	sadd.s32 s3, s9;
	s6 =	sadd.s32 @!p0 $0x88, s6;
	s7 =	simm.s32 @p2 $0x1082  }
0x22: {  	[simem:s7], [sflag:s8] =	dma.local @!p0 [hbm:s6], $0xF7A  }
0x23: {  	s9 =	sor.u32 $0xD0000000, s2;
	s6 =	simm.s32 $0x108;
	_ =	swait.ge @!p0 [sflag:s8], $0x0  }
0x24: {  	s3 =	sadd.s32 $0x88, s3;
	s6 =	simm.s32 @!p1 $0x1082;
	[sflag:s4] =	ssyncset.s32 $0xFFFFF086  }
0x25: {  	[simem:s6], [sflag:s4] =	dma.local [hbm:s3], $0xF7A  }
0x26: {  	[smem:$0x3F9D] =	sst s1;
	(tag) =	ssettag s2;
	_ =	strace s9  }
0x27: {  	s1 =	sld [smem:$0x3FAD]  }
0x28: {  	s2 =	sld [smem:$0x3FAE]  }
0x29: {  	s4 =	sld [smem:$0x3FB0]  }
0x2a: {  	p0 =	seq.s32 s5, $0x0;
	s5 =	sld [smem:$0x3FB1]  }
0x2b: {  	s6 =	sld [smem:$0x3FB2]  }
0x2c: {  	s7 =	sld [smem:$0x3FB3]  }
0x2d: {  	s3 =	simm.s32 $0x108;
	s8 =	sld [smem:$0x3FB4]  }
0x2e: {  	s3 =	simm.s32 @!p0 $0x1082;
	s9 =	sld [smem:$0x3FB5]  }
0x2f: {  	lr =	sadd.s32 s0, s3;
	s0 =	sld [smem:$0x3FAC]  }
0x30: {  	s3 =	sld [smem:$0x3FAF]  }
0x31: {  	[smem:$0x3FB8] =	sst s10  }
0x32: {  	s10 =	sld [smem:$0x3FB6];
	_ =	sdelay $0x3  }
0x33: {  	p0 =	seq.s32 s10, $0x1;
	s10 =	sld [smem:$0x3FB8];
	_ =	sdelay $0x3  }
0x34: {  	[smem:$0x3FB8] =	sst s10  }
0x35: {  	s10 =	sld [smem:$0x3FB7];
	_ =	sdelay $0x3  }
0x36: {  	p1 =	seq.s32 s10, $0x1;
	s10 =	sld [smem:$0x3FB8];
	_ =	sdelay $0x3  }
0x37: {  	[smem:$0x3FB8] =	sst s10  }
0x38: {  	s10 =	sld [smem:$0x3FB9]  }
0x39: {  	_ = 	snop;
	(pc) =	sbr.ind lr, $3  }
0x3a: {  	_ = 	snop  }
0x3b: {  	_ = 	snop  }
0x3c: {  	p2 =	seq.s32 s10, $0x1;
	s10 =	sld [smem:$0x3FB8]  }
0x3d: {  	_ =	shalt  }
0x3e: {  	_ =	shalt  }
0x3f: {  	_ =	shalt  }
0x40: {  	_ =	shalt  }
0x41: {  	_ =	shalt  }
0x42: {  	_ =	shalt  }
0x43: {  	_ =	shalt  }
0x44: {  	_ =	shalt  }
0x45: {  	_ =	shalt  }
0x46: {  	_ =	shalt  }
0x47: {  	_ =	shalt  }
0x48: {  	_ =	shalt  }
0x49: {  	_ =	shalt  }
0x4a: {  	_ =	shalt  }
0x4b: {  	_ =	shalt  }
0x4c: {  	_ =	shalt  }
0x4d: {  	_ =	shalt  }
0x4e: {  	_ =	shalt  }
0x4f: {  	_ =	shalt  }
0x50: {  	_ =	shalt  }
0x51: {  	_ =	shalt  }
0x52: {  	_ =	shalt  }
0x53: {  	_ =	shalt  }
0x54: {  	_ =	shalt  }
0x55: {  	_ =	shalt  }
0x56: {  	_ =	shalt  }
0x57: {  	_ =	shalt  }
0x58: {  	_ =	shalt  }
0x59: {  	_ =	shalt  }
0x5a: {  	_ =	shalt  }
0x5b: {  	_ =	shalt  }
0x5c: {  	_ =	shalt  }
0x5d: {  	_ =	shalt  }
0x5e: {  	_ =	shalt  }
0x5f: {  	_ =	shalt  }
0x60: {  	_ =	shalt  }
0x61: {  	_ =	shalt  }
0x62: {  	_ =	shalt  }
0x63: {  	_ =	shalt  }
0x64: {  	_ =	shalt  }
0x65: {  	_ =	shalt  }
0x66: {  	_ =	shalt  }
0x67: {  	_ =	shalt  }
0x68: {  	_ =	shalt  }
0x69: {  	_ =	shalt  }
0x6a: {  	_ =	shalt  }
0x6b: {  	_ =	shalt  }
0x6c: {  	_ =	shalt  }
0x6d: {  	_ =	shalt  }
0x6e: {  	_ =	shalt  }
0x6f: {  	_ =	shalt  }
0x70: {  	_ =	shalt  }
0x71: {  	_ =	shalt  }
0x72: {  	_ =	shalt  }
0x73: {  	_ =	shalt  }
0x74: {  	_ =	shalt  }
0x75: {  	_ =	shalt  }
0x76: {  	_ =	shalt  }
0x77: {  	_ =	shalt  }
0x78: {  	_ =	shalt  }
0x79: {  	_ =	shalt  }
0x7a: {  	_ =	shalt  }
0x7b: {  	_ =	shalt  }
0x7c: {  	_ =	shalt  }
0x7d: {  	_ =	shalt  }
0x7e: {  	_ =	shalt  }
0x7f: {  	_ =	shalt  }
0x80: {  	_ =	shalt  }
0x81: {  	_ =	shalt  }
0x82: {  	_ =	shalt  }
0x83: {  	_ =	shalt  }
0x84: {  	_ =	shalt  }
0x85: {  	_ =	shalt  }
0x86: {  	_ =	shalt  }
0x87: {  	_ =	shalt  }
.Lfunc_end0:
.L_simem_size_0:
called_computation_lowered:
.L_overlay_start_0:
0x88: {  	s2 =	sld [smem:$0x3FD9]  }
0x89: {  	s3 =	sld [smem:$0x3FFE];
	_ =	sdelay $0x1  }
0x8a: {  	s1 =	srdreg.scid  }
0x8b: {  	s0 =	sand.u32 $0x1, s1  }
0x8c: {  	s17 =	sshll.u32 s0, $0xA;
	s2 =	sadd.s32 s3, s2  }
0x8d: {  	s2 =	sadd.s32 s2, s17  }
0x8e: {  	[smem:$0x3FC4] =	sst s2  }
0x8f: {  	_ = 	snop  }
0x90: {  	s2 =	sld [smem:$0x3FD0];
	(tm) =	ssettm $0x1  }
0x91: {  	s18 =	sld [smem:$0x3FFB];
	_ =	sdelay $0x3  }
0x92: {  	_ =	strace s18  }
0x93: {  	s3 =	sld [smem:$0x3FFC];
	_ =	sdelay $0x3  }
0x94: {  	_ =	strace s3  }
0x95: {  	s3 =	sld [smem:$0x3FFD];
	_ =	sdelay $0x3  }
0x96: {  	_ =	strace s3  }
0x97: {  	_ =	strace $0x8FFFFFFF  }
0x98: {  	s19 =	sld [smem:$0x3FDB];
	_ =	sdelay $0x1  }
0x99: {  	s4 =	simm.s32 $_scs_section_size  }
0x9a: {  	s5 =	simm.s32 $_size__tile_overlayer_lowered;
	s6 =	simm.s32 $_tile_overlayer_lowered  }
0x9b: {  	s22 =	simm.s32 $0x1BFF;
	s21 =	sshll.u32 s6, $0x1;
	s3 =	sadd.s32 s4, s19  }
0x9c: {  	s7 =	simm.s32 $0x0;
	s20 =	sshll.u32 s5, $0x1;
	s5 =	sadd.s32 s21, s3  }
0x9d: {  	[timem:s7], [sflag:s22] =	dma.local [hbm:s5], s20  }
0x9e: {  	_ =	swait.ge [sflag:s22], s20  }
0x9f: {  	s4 =	ssub.s32 $0x0, s20;
	[sflag:s22] =	ssyncset.done $0x0  }
0xa0: {  	[sflag:s22] =	ssyncadd.s32 s4;
	_ =	sdelay $0x1  }
0xa1: {  	s23 =	simm.s32 $0x1B8B  }
0xa2: {  	_ =	swait.ge [sflag:s23], $0x1  }
0xa3: {  	[sflag:s23] =	ssyncset.done $0x0  }
0xa4: {  	s25 =	simm.s32 $0x1B8E;
	s24 =	sld [smem:$0x3FFE];
	[sflag:s23] =	ssyncadd.s32 $0xFFFFFFFF  }
0xa5: {  	s26 =	simm.s32 $execute0_lowered;
	[smem:$0x3FD2] =	sst s25  }
0xa6: {  	s5 =	sshll.u32 s26, $0x1;
	_ =	strace $0x80000046;
	[dreg:$0x1] =	wrdreg $0xFFFFFFFF  }
0xa7: {  	s28 =	simm.s32 $_size_execute0_lowered;
	s3 =	sadd.s32 s3, s5;
	[dreg:$0x0] =	wrdreg $0x0  }
0xa8: {  	s5 =	sshll.u32 s28, $0x1;
	[dreg:$0x2] =	wrdreg s3  }
0xa9: {  	[dreg:$0x3] =	wrdreg s5  }
0xaa: {  	[dreg:$0x4] =	wrdreg $0xC0  }
0xab: {  	_ =	task [dreg:s7], $0x5FFFF  }
0xac: {  	[dreg:$0x1] =	wrdreg $0xFFFFFFFF  }
0xad: {  	[dreg:$0x0] =	wrdreg $0x60  }
0xae: {  	[dreg:$0x2] =	wrdreg s2  }
0xaf: {  	[dreg:$0x3] =	wrdreg s24  }
0xb0: {  	[dreg:$0x4] =	wrdreg $0x9  }
0xb1: {  	_ =	task.clear_ibuf [dreg:s7], $0x5FFFF;
	_ =	strace $0x90000046  }
0xb2: {  	s29 =	simm.s32 $0x9;
	_ =	strace $0x80000048  }
0xb3: {  	_ =	swait.ge [sflag:s29], $0x1  }
0xb4: {  	[sflag:s29] =	ssyncadd.s32 $0xFFFFFFFF  }
0xb5: {  	_ =	strace $0x90000048  }
0xb6: {  	_ =	sfence  }
0xb7: {  	s30 =	sld [smem:$0x0];
	_ =	sdelay $0x2  }
0xb8: {  	s31 =	sshll.u32 s1, $0xD;
	s1 =	sshrl.u32 s1, $0x2  }
0xb9: {  	s3 =	sand.u32 $0x4000, s31;
	s1 =	sadd.s32 s1, s30  }
0xba: {  	s0 =	sor.u32 s3, s0;
	s1 =	sshll.u32 s1, $0x11  }
0xbb: {  	s0 =	sor.u32 s1, s0  }
0xbc: {  	s0 =	sadd.s32 $0x8F2B, s0  }
0xbd: {  	[sflag:s0] =	ssyncadd.remote.s32 $0x1  }
0xbe: {  	_ =	sfence.sel $0xFFFF  }
0xbf: {  	[dreg:$0x0] =	wrdreg $0xFFFFFFFF;
	(pc) =	sbr.abs _section_cstart, $3  }
0xc0: {  	[dreg:$0x1] =	wrdreg $0xFFFFFFFF  }
0xc1: {  	_ =	task.clear_ibuf [dreg:s7], $0x2FFFF;
	_ =	strace $0x9FFFFFFF  }
0xc2: {  	(tm) =	ssettm $0x7FFFFFFF  }
0xc3: {  	_ =	shalt  }
tec
execute0_lowered:
.L_overlay_start_1:
0x0: {  	(tag) =	ssettag $0x1  }
0x1: {  	s1 =	rddreg [dreg:$0x0]  }
0x2: {  	s0 =	rddreg [dreg:$0x1];
	s2 =	simm.s32 $0x0  }
0x3: {  	s3 =	srdreg.scid;
	s4 =	stileid.u32;
	s13 =	simm.s32 $0x9  }
0x4: {  	s29 =	simm.s32 $0x2;
	s31 =	simm.s32 $0x8;
	[smem:$0x7FF] =	sst s2  }
0x5: {  	s11 =	sadd.s32 $0x753A00, s0;
	s12 =	sadd.s32 $0xA00, s0;
	s3 =	sand.u32 $0x1, s3  }
0x6: {  	s4 =	sshll.u32 s4, $0x1;
	s6 =	sadd.s32 $0x758A00, s0;
	s10 =	sadd.s32 $0x100, s1  }
0x7: {  	_ =	strace $0x80000047;
	s25 =	ssub.s32 $0x2, s3;
	[dreg:$0x3] =	wrdreg s11  }
0x8: {  	s7 =	sor.u32 s3, s4;
	[dreg:$0x4] =	wrdreg s12;
	s26 =	sshrl.u32 s25, $0x1  }
0x9: {  	s4 =	sor.u32 $0x20, s7;
	s5 =	smul.u32 $0xC00, s7;
	s28 =	sshll.u32 s7, $0x3  }
.Ltmp0:
0xa: {  	s0 =	ssub.s32 s25, s26;
	s3 =	sadd.s32 s11, s28;
	(pc) =	sbr.rel .LBB2_1-.Ltmp0, $4  }
0xb: {  	s8 =	smul.u32 $0xC00, s4;
	s30 =	sshll.u32 s4, $0x3;
	[dreg:$0x5] =	wrdreg s3  }
0xc: {  	v3 =	vlaneseq.u32;
	v0 =	vimm.f32 $0.0e+00;
	s9 =	sadd.s32 s12, s5;
	s3 =	sadd.s32 s11, s30;
	s0 =	smax.u32 s0, $0x1  }
0xd: {  	vm0 =	vmmov $0xffff;
	vm1 =	vmmov $0xff;
	v2 =	vshrl.u32 v3, $0x3;
	s11 =	simm.s32 $0x0;
	[dreg:$0x6] =	wrdreg s3;
	s12 =	sadd.s32 s12, s8  }
0xe: {  	v1 =	vand.u32 $0x7, v3;
	v3 =	vor.u32 $0x8, v3;
	v2 =	vmul.u32 $0x8, v2;
	[dreg:$0x7] =	wrdreg s0;
	s3 =	simm.s32 $0x1;
	s8 =	simm.s32 $0x6  }
.LBB2_35:
0xf: {  	s0 =	simm.s32 $0x3  }
0x10: {  	_ =	swait.ge [sflag:s0], $0x1800  }
0x11: {  	[sflag:s0] =	ssyncset.done $0x0  }
0x12: {  	s4 =	simm.s32 $0x4;
	[sflag:s0] =	ssyncadd.s32 $0xFFFFE800  }
0x13: {  	_ =	swait.ge [sflag:s4], $0x1800  }
0x14: {  	s11 =	rddreg [dreg:$0x8]  }
0x15: {  	s30 =	rddreg [dreg:$0x7];
	s11 =	sadd.s32 $0x1, s11  }
0x16: {  	p0 =	sne.s32 s11, s30  }
.Ltmp1:
0x17: {  	_ = 	snop;
	(pc) =	sbr.rel @!p0 .LBB2_36-.Ltmp1, $3  }
0x18: {  	_ =	sdelay $0x1  }
0x19: {  	[sflag:s4] =	ssyncset.done $0x0  }
0x1a: {  	s13 =	simm.s32 $0x9;
	[sflag:s4] =	ssyncadd.s32 $0xFFFFE800  }
.LBB2_1:
0x1b: {  	s4 =	simm.s32 $0x200;
	s0 =	simm.s32 $0x0  }
.LBB2_2:
0x1c: {  	p0 =	sne.s32 s4, $0x5E00;
	[tilespmem:s0+$0x19970] =	vst v0;
	s5 =	smov.u32 s4;
	s4 =	sadd.s32 $0x200, s4  }
.Ltmp2:
0x1d: {  	[tilespmem:s0+$0x19960] =	vst v0;
	(pc) =	sbr.rel @p0 .LBB2_2-.Ltmp2, $3  }
0x1e: {  	[tilespmem:s0+$0x18160] =	vst v0  }
0x1f: {  	[tilespmem:s0+$0x18170] =	vst v0;
	_ =	sdelay $0x1  }
0x20: {  	s0 =	sshra.s32 s5, $0x2  }
0x21: {  	[tilespmem:s0+$0x19970] =	vst v0  }
0x22: {  	[tilespmem:s0+$0x19960] =	vst v0  }
0x23: {  	[dreg:$0x8] =	wrdreg s11;
	[tilespmem:s0+$0x18160] =	vst v0  }
0x24: {  	[tilespmem:s0+$0x18170] =	vst v0;
	s30 =	simm.s32 $0x0;
	s4 =	rddreg [dreg:$0x5]  }
0x25: {  	[tilespmem:s30], [sflag:$0x9] =	stream.linear.gather [hbm4b:s4+s30], $0x40, $0x38;
	[tilespmem:$0x1B100] =	vst v63  }
0x26: {  	_ =	swait.ge [sflag:s13], $0x40  }
0x27: {  	s0 =	simm.s32 $0xC100;
	s11 =	sadd.s32 $0x0, s9;
	[sflag:s13] =	ssyncset.done $0x0  }
0x28: {  	s5 =	simm.s32 $0xC300;
	s4 =	simm.s32 $0x40;
	[sflag:s13] =	ssyncadd.s32 $0xFFFFFFC0  }
.LBB2_4:
0x29: {  	[tilespmem:s0], [sflag:$0x9] =	stream.linear.gather [hbm4b:s11+s2], $0x180, $0x38;
	[tilespmem:$0x1B100] =	vst v63  }
0x2a: {  	s11 =	smov.u32 s4;
	s0 =	smov.u32 s5;
	p0 =	sne.s32 s4, $0xBC0  }
.Ltmp3:
0x2b: {  	s4 =	sadd.s32 $0x40, s4;
	(pc) =	sbr.rel @p0 .LBB2_4-.Ltmp3, $2  }
0x2c: {  	_ =	sdelay $0x2  }
0x2d: {  	s5 =	sadd.s32 $0x200, s5;
	s11 =	sadd.s32 s11, s9  }
0x2e: {  	[tilespmem:s0], [sflag:$0x9] =	stream.linear.gather [hbm4b:s11+s2], $0x180, $0x38;
	[tilespmem:$0x1B100] =	vst v63  }
0x2f: {  	_ =	swait.ge [sflag:s13], $0x4800  }
0x30: {  	[sflag:s13] =	ssyncset.done $0x0  }
0x31: {  	[sflag:s13] =	ssyncadd.s32 $0xFFFFB800  }
0x32: {  	v4 =	vld [tilespmem:$0x0];
	_ =	sdelay $0x4  }
0x33: {  	v5 =	vshrl.u32 v4, $0x3  }
0x34: {  	v5 =	vmul.u32 $0x18, v5  }
0x35: {  	v4 =	vand.u32 $0x7, v4  }
0x36: {  	v4 =	vor.u32 v4, v5  }
0x37: {  	v5 =	vperm.xlane v4, v1;
	_ =	sdelay $0x1  }
0x38: {  	v5 =	vadd.s32 v2, v5;
	_ =	sdelay $0x1  }
0x39: {  	v4 =	vperm.xlane v4, v3;
	_ =	sdelay $0x1  }
0x3a: {  	s14 =	simm.s32 $0x0;
	s5 =	simm.s32 $0x100;
	v4 =	vadd.s32 v2, v4  }
0x3b: {  	[tilespmem:s5], [sflag:$0x1] =	stream.indirect_vreg.gather [hbm4b:s1+s14], $0x80, v5, vm0, $0xb8;
	[tilespmem:$0x1B100] =	vst v63  }
0x3c: {  	s11 =	simm.s32 $0x900  }
0x3d: {  	[tilespmem:s11], [sflag:$0x1] =	stream.indirect_vreg.gather [hbm4b:s10+s14], $0x80, v5, vm1, $0xb8;
	[tilespmem:$0x1B100] =	vst v63  }
0x3e: {  	s13 =	simm.s32 $0xD00  }
0x3f: {  	[tilespmem:s13], [sflag:$0x1] =	stream.indirect_vreg.gather [hbm4b:s1+s14], $0x80, v4, vm0, $0xb8;
	[tilespmem:$0x1B100] =	vst v63  }
0x40: {  	s15 =	simm.s32 $0x1500  }
0x41: {  	[tilespmem:s15], [sflag:$0x1] =	stream.indirect_vreg.gather [hbm4b:s10+s14], $0x80, v4, vm1, $0xb8;
	[tilespmem:$0x1B100] =	vst v63  }
0x42: {  	v4 =	vld [tilespmem:$0x10];
	_ =	sdelay $0x4  }
0x43: {  	v5 =	vshrl.u32 v4, $0x3  }
0x44: {  	v5 =	vmul.u32 $0x18, v5  }
0x45: {  	v4 =	vand.u32 $0x7, v4  }
0x46: {  	v4 =	vor.u32 v4, v5  }
0x47: {  	v5 =	vperm.xlane v4, v1;
	_ =	sdelay $0x1  }
0x48: {  	v5 =	vadd.s32 v2, v5;
	_ =	sdelay $0x1  }
0x49: {  	v4 =	vperm.xlane v4, v3;
	_ =	sdelay $0x1  }
0x4a: {  	s16 =	simm.s32 $0x1900;
	v4 =	vadd.s32 v2, v4  }
0x4b: {  	[tilespmem:s16], [sflag:$0x1] =	stream.indirect_vreg.gather [hbm4b:s1+s14], $0x80, v5, vm0, $0xb8;
	[tilespmem:$0x1B100] =	vst v63  }
0x4c: {  	s17 =	simm.s32 $0x2100  }
0x4d: {  	[tilespmem:s17], [sflag:$0x1] =	stream.indirect_vreg.gather [hbm4b:s10+s14], $0x80, v5, vm1, $0xb8;
	[tilespmem:$0x1B100] =	vst v63  }
0x4e: {  	s18 =	simm.s32 $0x2500  }
0x4f: {  	[tilespmem:s18], [sflag:$0x1] =	stream.indirect_vreg.gather [hbm4b:s1+s14], $0x80, v4, vm0, $0xb8;
	[tilespmem:$0x1B100] =	vst v63  }
0x50: {  	s19 =	simm.s32 $0x2D00  }
0x51: {  	[tilespmem:s19], [sflag:$0x1] =	stream.indirect_vreg.gather [hbm4b:s10+s14], $0x80, v4, vm1, $0xb8;
	[tilespmem:$0x1B100] =	vst v63  }
0x52: {  	v4 =	vld [tilespmem:$0x20];
	_ =	sdelay $0x4  }
0x53: {  	v5 =	vshrl.u32 v4, $0x3  }
0x54: {  	v5 =	vmul.u32 $0x18, v5  }
0x55: {  	v4 =	vand.u32 $0x7, v4  }
0x56: {  	v4 =	vor.u32 v4, v5  }
0x57: {  	v5 =	vperm.xlane v4, v1;
	_ =	sdelay $0x1  }
0x58: {  	v5 =	vadd.s32 v2, v5;
	_ =	sdelay $0x1  }
0x59: {  	v4 =	vperm.xlane v4, v3;
	_ =	sdelay $0x1  }
0x5a: {  	s20 =	simm.s32 $0x3100;
	v4 =	vadd.s32 v2, v4  }
0x5b: {  	[tilespmem:s20], [sflag:$0x1] =	stream.indirect_vreg.gather [hbm4b:s1+s14], $0x80, v5, vm0, $0xb8;
	[tilespmem:$0x1B100] =	vst v63  }
0x5c: {  	s21 =	simm.s32 $0x3900  }
0x5d: {  	[tilespmem:s21], [sflag:$0x1] =	stream.indirect_vreg.gather [hbm4b:s10+s14], $0x80, v5, vm1, $0xb8;
	[tilespmem:$0x1B100] =	vst v63  }
0x5e: {  	s22 =	simm.s32 $0x3D00  }
0x5f: {  	[tilespmem:s22], [sflag:$0x1] =	stream.indirect_vreg.gather [hbm4b:s1+s14], $0x80, v4, vm0, $0xb8;
	[tilespmem:$0x1B100] =	vst v63  }
0x60: {  	s23 =	simm.s32 $0x4500  }
0x61: {  	[tilespmem:s23], [sflag:$0x1] =	stream.indirect_vreg.gather [hbm4b:s10+s14], $0x80, v4, vm1, $0xb8;
	[tilespmem:$0x1B100] =	vst v63  }
0x62: {  	v4 =	vld [tilespmem:$0x30];
	_ =	sdelay $0x4  }
0x63: {  	v5 =	vshrl.u32 v4, $0x3  }
0x64: {  	v5 =	vmul.u32 $0x18, v5  }
0x65: {  	v4 =	vand.u32 $0x7, v4  }
0x66: {  	v4 =	vor.u32 v4, v5  }
0x67: {  	v5 =	vperm.xlane v4, v1;
	_ =	sdelay $0x1  }
0x68: {  	v5 =	vadd.s32 v2, v5;
	_ =	sdelay $0x1  }
0x69: {  	v4 =	vperm.xlane v4, v3;
	_ =	sdelay $0x1  }
0x6a: {  	s24 =	simm.s32 $0x4900;
	v4 =	vadd.s32 v2, v4  }
0x6b: {  	[tilespmem:s24], [sflag:$0x1] =	stream.indirect_vreg.gather [hbm4b:s1+s14], $0x80, v5, vm0, $0xb8;
	[tilespmem:$0x1B100] =	vst v63  }
0x6c: {  	s25 =	simm.s32 $0x5100  }
0x6d: {  	[tilespmem:s25], [sflag:$0x1] =	stream.indirect_vreg.gather [hbm4b:s10+s14], $0x80, v5, vm1, $0xb8;
	[tilespmem:$0x1B100] =	vst v63  }
0x6e: {  	s26 =	simm.s32 $0x5500  }
0x6f: {  	[tilespmem:s26], [sflag:$0x1] =	stream.indirect_vreg.gather [hbm4b:s1+s14], $0x80, v4, vm0, $0xb8;
	[tilespmem:$0x1B100] =	vst v63  }
0x70: {  	s28 =	simm.s32 $0x5D00  }
0x71: {  	[tilespmem:s28], [sflag:$0x1] =	stream.indirect_vreg.gather [hbm4b:s10+s14], $0x80, v4, vm1, $0xb8;
	[tilespmem:$0x1B100] =	vst v63  }
0x72: {  	s4 =	simm.s32 $0x80;
	s0 =	simm.s32 $0x12100;
	s30 =	rddreg [dreg:$0x6]  }
0x73: {  	[tilespmem:s4], [sflag:$0x6] =	stream.linear.gather [hbm4b:s30+s14], $0x40, $0x38;
	[tilespmem:$0x1B100] =	vst v63  }
0x74: {  	s5 =	simm.s32 $0x12300;
	s11 =	sadd.s32 $0x0, s12;
	s4 =	simm.s32 $0x40  }
.LBB2_6:
0x75: {  	[tilespmem:s0], [sflag:$0x8] =	stream.linear.gather [hbm4b:s11+s14], $0x180, $0x38;
	[tilespmem:$0x1B100] =	vst v63  }
0x76: {  	s11 =	smov.u32 s4;
	s0 =	smov.u32 s5;
	p0 =	sne.s32 s4, $0xBC0  }
.Ltmp4:
0x77: {  	s4 =	sadd.s32 $0x40, s4;
	(pc) =	sbr.rel @p0 .LBB2_6-.Ltmp4, $2  }
0x78: {  	_ =	sdelay $0x2  }
0x79: {  	s5 =	sadd.s32 $0x200, s5;
	s11 =	sadd.s32 s11, s12  }
.Ltmp5:
0x7a: {  	(pc) =	sbr.rel .LBB2_8-.Ltmp5, $2  }
0x7b: {  	_ =	sdelay $0x2  }
0x7c: {  	[tilespmem:s0], [sflag:$0x8] =	stream.linear.gather [hbm4b:s11+s14], $0x180, $0x38;
	[tilespmem:$0x1B100] =	vst v63  }
.LBB2_33:
0x7d: {  	[tilespmem:s4], [sflag:$0x8] =	stream.linear.gather [hbm4b:s13+s2], $0x180, $0x38;
	[tilespmem:$0x1B100] =	vst v63  }
.LBB2_34:
0x7e: {  	s14 =	sadd.s32 $0x1, s14  }
0x7f: {  	p0 =	sne.s32 s14, $0x28  }
.Ltmp6:
0x80: {  	_ = 	snop;
	(pc) =	sbr.rel @!p0 .LBB2_35-.Ltmp6, $1  }
0x81: {  	_ =	sdelay $0x3  }
.LBB2_8:
0x82: {  	s0 =	sshll.u32 s14, $0x6  }
0x83: {  	s15 =	sor.u32 s7, s0  }
0x84: {  	p0 =	sgt.u32 s15, $0x9C3  }
.Ltmp7:
0x85: {  	_ = 	snop;
	(pc) =	sbr.rel @p0 .LBB2_34-.Ltmp7, $1  }
0x86: {  	_ =	sdelay $0x3  }
0x87: {  	p0 =	sgt.u32 s15, $0x983  }
.Ltmp8:
0x88: {  	_ = 	snop;
	(pc) =	sbr.rel @p0 .LBB2_11-.Ltmp8, $4  }
0x89: {  	_ = 	snop  }
0x8a: {  	_ =	swait.ge [sflag:s3], $0x6000  }
0x8b: {  	[sflag:s3] =	ssyncset.done $0x0  }
0x8c: {  	s0 =	sor.u32 $0x20, s15;
	s16 =	sadd.s32 $0x40, s15;
	[sflag:s3] =	ssyncadd.s32 $0xFFFFA000  }
.Ltmp9:
0x8d: {  	(pc) =	sbr.rel .LBB2_12-.Ltmp9, $4  }
0x8e: {  	_ = 	snop  }
0x8f: {  	s4 =	sshll.u32 s16, $0x3;
	s5 =	rddreg [dreg:$0x3]  }
0x90: {  	s4 =	sadd.s32 s5, s4  }
0x91: {  	[tilespmem:s2], [sflag:$0x5] =	stream.linear.gather [hbm4b:s4+s2], $0x40, $0x38;
	[tilespmem:$0x1B100] =	vst v63  }
.LBB2_11:
0x92: {  	p1 =	sgt.u32 s0, $0x9C3  }
.Ltmp10:
0x93: {  	_ = 	snop;
	(pc) =	sbr.rel @p1 .LBB2_13-.Ltmp10, $1  }
0x94: {  	_ =	sdelay $0x3  }
.LBB2_12:
0x95: {  	_ =	swait.ge [sflag:s8], $0x40  }
0x96: {  	[sflag:s8] =	ssyncset.done $0x0  }
0x97: {  	[sflag:s8] =	ssyncadd.s32 $0xFFFFFFC0  }
0x98: {  	v4 =	vld [tilespmem:$0x80];
	_ =	sdelay $0x4  }
0x99: {  	v5 =	vshrl.u32 v4, $0x3  }
0x9a: {  	v5 =	vmul.u32 $0x18, v5  }
0x9b: {  	v4 =	vand.u32 $0x7, v4  }
0x9c: {  	v4 =	vor.u32 v4, v5  }
0x9d: {  	v5 =	vperm.xlane v4, v1;
	_ =	sdelay $0x1  }
0x9e: {  	v5 =	vadd.s32 v2, v5;
	_ =	sdelay $0x1  }
0x9f: {  	v4 =	vperm.xlane v4, v3;
	_ =	sdelay $0x1  }
0xa0: {  	s4 =	simm.s32 $0x6100;
	v4 =	vadd.s32 v2, v4  }
0xa1: {  	[tilespmem:s4], [sflag:$0x2] =	stream.indirect_vreg.gather [hbm4b:s1+s2], $0x80, v5, vm0, $0xb8;
	[tilespmem:$0x1B100] =	vst v63  }
0xa2: {  	s5 =	simm.s32 $0x6900  }
0xa3: {  	[tilespmem:s5], [sflag:$0x2] =	stream.indirect_vreg.gather [hbm4b:s10+s2], $0x80, v5, vm1, $0xb8;
	[tilespmem:$0x1B100] =	vst v63  }
0xa4: {  	s11 =	simm.s32 $0x6D00  }
0xa5: {  	[tilespmem:s11], [sflag:$0x2] =	stream.indirect_vreg.gather [hbm4b:s1+s2], $0x80, v4, vm0, $0xb8;
	[tilespmem:$0x1B100] =	vst v63  }
0xa6: {  	s13 =	simm.s32 $0x7500  }
0xa7: {  	[tilespmem:s13], [sflag:$0x2] =	stream.indirect_vreg.gather [hbm4b:s10+s2], $0x80, v4, vm1, $0xb8;
	[tilespmem:$0x1B100] =	vst v63  }
0xa8: {  	v4 =	vld [tilespmem:$0x90];
	_ =	sdelay $0x4  }
0xa9: {  	v5 =	vshrl.u32 v4, $0x3  }
0xaa: {  	v5 =	vmul.u32 $0x18, v5  }
0xab: {  	v4 =	vand.u32 $0x7, v4  }
0xac: {  	v4 =	vor.u32 v4, v5  }
0xad: {  	v5 =	vperm.xlane v4, v1;
	_ =	sdelay $0x1  }
0xae: {  	v5 =	vadd.s32 v2, v5;
	_ =	sdelay $0x1  }
0xaf: {  	v4 =	vperm.xlane v4, v3;
	_ =	sdelay $0x1  }
0xb0: {  	s17 =	simm.s32 $0x7900;
	v4 =	vadd.s32 v2, v4  }
0xb1: {  	[tilespmem:s17], [sflag:$0x2] =	stream.indirect_vreg.gather [hbm4b:s1+s2], $0x80, v5, vm0, $0xb8;
	[tilespmem:$0x1B100] =	vst v63  }
0xb2: {  	s18 =	simm.s32 $0x8100  }
0xb3: {  	[tilespmem:s18], [sflag:$0x2] =	stream.indirect_vreg.gather [hbm4b:s10+s2], $0x80, v5, vm1, $0xb8;
	[tilespmem:$0x1B100] =	vst v63  }
0xb4: {  	s19 =	simm.s32 $0x8500  }
0xb5: {  	[tilespmem:s19], [sflag:$0x2] =	stream.indirect_vreg.gather [hbm4b:s1+s2], $0x80, v4, vm0, $0xb8;
	[tilespmem:$0x1B100] =	vst v63  }
0xb6: {  	s20 =	simm.s32 $0x8D00  }
0xb7: {  	[tilespmem:s20], [sflag:$0x2] =	stream.indirect_vreg.gather [hbm4b:s10+s2], $0x80, v4, vm1, $0xb8;
	[tilespmem:$0x1B100] =	vst v63  }
0xb8: {  	v4 =	vld [tilespmem:$0xA0];
	_ =	sdelay $0x4  }
0xb9: {  	v5 =	vshrl.u32 v4, $0x3  }
0xba: {  	v5 =	vmul.u32 $0x18, v5  }
0xbb: {  	v4 =	vand.u32 $0x7, v4  }
0xbc: {  	v4 =	vor.u32 v4, v5  }
0xbd: {  	v5 =	vperm.xlane v4, v1;
	_ =	sdelay $0x1  }
0xbe: {  	v5 =	vadd.s32 v2, v5;
	_ =	sdelay $0x1  }
0xbf: {  	v4 =	vperm.xlane v4, v3;
	_ =	sdelay $0x1  }
0xc0: {  	s21 =	simm.s32 $0x9100;
	v4 =	vadd.s32 v2, v4  }
0xc1: {  	[tilespmem:s21], [sflag:$0x2] =	stream.indirect_vreg.gather [hbm4b:s1+s2], $0x80, v5, vm0, $0xb8;
	[tilespmem:$0x1B100] =	vst v63  }
0xc2: {  	s22 =	simm.s32 $0x9900  }
0xc3: {  	[tilespmem:s22], [sflag:$0x2] =	stream.indirect_vreg.gather [hbm4b:s10+s2], $0x80, v5, vm1, $0xb8;
	[tilespmem:$0x1B100] =	vst v63  }
0xc4: {  	s23 =	simm.s32 $0x9D00  }
0xc5: {  	[tilespmem:s23], [sflag:$0x2] =	stream.indirect_vreg.gather [hbm4b:s1+s2], $0x80, v4, vm0, $0xb8;
	[tilespmem:$0x1B100] =	vst v63  }
0xc6: {  	s24 =	simm.s32 $0xA500  }
0xc7: {  	[tilespmem:s24], [sflag:$0x2] =	stream.indirect_vreg.gather [hbm4b:s10+s2], $0x80, v4, vm1, $0xb8;
	[tilespmem:$0x1B100] =	vst v63  }
0xc8: {  	v4 =	vld [tilespmem:$0xB0];
	_ =	sdelay $0x4  }
0xc9: {  	v5 =	vshrl.u32 v4, $0x3  }
0xca: {  	v5 =	vmul.u32 $0x18, v5  }
0xcb: {  	v4 =	vand.u32 $0x7, v4  }
0xcc: {  	v4 =	vor.u32 v4, v5  }
0xcd: {  	v5 =	vperm.xlane v4, v1;
	_ =	sdelay $0x1  }
0xce: {  	v5 =	vadd.s32 v2, v5;
	_ =	sdelay $0x1  }
0xcf: {  	v4 =	vperm.xlane v4, v3;
	_ =	sdelay $0x1  }
0xd0: {  	s25 =	simm.s32 $0xA900;
	v4 =	vadd.s32 v2, v4  }
0xd1: {  	[tilespmem:s25], [sflag:$0x2] =	stream.indirect_vreg.gather [hbm4b:s1+s2], $0x80, v5, vm0, $0xb8;
	[tilespmem:$0x1B100] =	vst v63  }
0xd2: {  	s26 =	simm.s32 $0xB100  }
0xd3: {  	[tilespmem:s26], [sflag:$0x2] =	stream.indirect_vreg.gather [hbm4b:s10+s2], $0x80, v5, vm1, $0xb8;
	[tilespmem:$0x1B100] =	vst v63  }
0xd4: {  	s28 =	simm.s32 $0xB500  }
0xd5: {  	[tilespmem:s28], [sflag:$0x2] =	stream.indirect_vreg.gather [hbm4b:s1+s2], $0x80, v4, vm0, $0xb8;
	[tilespmem:$0x1B100] =	vst v63  }
0xd6: {  	s30 =	simm.s32 $0xBD00  }
0xd7: {  	[tilespmem:s30], [sflag:$0x2] =	stream.indirect_vreg.gather [hbm4b:s10+s2], $0x80, v4, vm1, $0xb8;
	[tilespmem:$0x1B100] =	vst v63  }
.LBB2_13:
0xd8: {  	p1 =	seq.s32 s14, $0x0  }
0xd9: {  	s4 =	simm.s32 @!p1 $0x7  }
0xda: {  	_ =	swait.ge @!p1 [sflag:s4], $0x4800  }
0xdb: {  	[sflag:s4] =	ssyncset.done @!p1 $0x0  }
0xdc: {  	[sflag:s4] =	ssyncadd.s32 @!p1 $0xFFFFB800;
	s4 =	simm.s32 @!p1 $0x3  }
0xdd: {  	_ =	swait.ge @!p1 [sflag:s4], $0x1800  }
0xde: {  	s17 =	simm.s32 $0x0;
	[sflag:s4] =	ssyncset.done @!p1 $0x0  }
0xdf: {  	s24 =	simm.s32 $0xC300;
	s23 =	simm.s32 $0x18180;
	[sflag:s4] =	ssyncadd.s32 @!p1 $0xFFFFE800  }
.LBB2_14:
0xe0: {  	s4 =	smul.u32 $0x1800, s17;
	s22 =	simm.s32 $0xFFFFFFFE  }
0xe1: {  	s19 =	smov.u32 s23;
	s18 =	smov.u32 s24;
	s25 =	simm.s32 $0x0  }
0xe2: {  	s26 =	simm.s32 $0x0;
	s20 =	sor.u32 $0x100, s4;
	s21 =	sadd.s32 $0xD00, s4  }
.LBB2_15:
0xe3: {  	v6 =	vld [tilespmem:s18+$0xFFFFFE00]  }
0xe4: {  	v4 =	vld [tilespmem:s18+$0xFFFFFE80]  }
0xe5: {  	v5 =	vld [tilespmem:s18+$0xFFFFFF00];
	_ =	sdelay $0x3  }
0xe6: {  	s11 =	sand.u32 $0xC00, s25;
	v9 =	vbroadcast v6, $0x0;
	v11 =	vbroadcast v4, $0x0  }
0xe7: {  	s30 =	sand.u32 $0x40, s26;
	s13 =	sadd.s32 s11, s20;
	v15 =	vbroadcast v5, $0x0;
	v16 =	vbroadcast v6, $0x1  }
0xe8: {  	s28 =	sor.u32 $0x10, s30;
	s5 =	sadd.s32 s30, s13;
	v17 =	vbroadcast v4, $0x1;
	v20 =	vbroadcast v5, $0x1  }
0xe9: {  	s4 =	sadd.s32 s28, s13;
	v7 =	vld [tilespmem:s5+$0x0];
	v60 =	vbroadcast v6, $0x2;
	v62 =	vbroadcast v4, $0x2  }
0xea: {  	v8 =	vld [tilespmem:s4+$0x0];
	v27 =	vbroadcast v5, $0x2;
	v29 =	vbroadcast v6, $0x3  }
0xeb: {  	v32 =	vbroadcast v4, $0x3;
	v37 =	vbroadcast v5, $0x3  }
0xec: {  	v12 =	vld [tilespmem:s5+$0x80];
	v39 =	vbroadcast v6, $0x4;
	v42 =	vbroadcast v4, $0x4  }
0xed: {  	v13 =	vld [tilespmem:s4+$0x80];
	v47 =	vbroadcast v5, $0x4;
	v49 =	vbroadcast v6, $0x5  }
0xee: {  	v52 =	vbroadcast v4, $0x5;
	v10 =	vmul.f32 v7, v9  }
0xef: {  	v18 =	vld [tilespmem:s5+$0x100];
	v9 =	vmul.f32 v8, v9;
	v14 =	vmul.f32 v7, v11  }
0xf0: {  	v19 =	vld [tilespmem:s4+$0x100];
	v11 =	vmul.f32 v8, v11;
	v7 =	vmul.f32 v7, v15  }
0xf1: {  	v8 =	vmul.f32 v8, v15;
	v57 =	vmul.f32 v12, v16  }
0xf2: {  	v63 =	vld [tilespmem:s5+$0x180];
	v16 =	vmul.f32 v13, v16;
	v58 =	vmul.f32 v12, v17  }
0xf3: {  	v25 =	vld [tilespmem:s4+$0x180];
	v59 =	vmul.f32 v13, v17;
	v12 =	vmul.f32 v12, v20  }
0xf4: {  	v33 =	vld [tilespmem:s5+$0x200];
	v13 =	vmul.f32 v13, v20;
	v61 =	vmul.f32 v18, v60  }
0xf5: {  	v35 =	vld [tilespmem:s4+$0x200];
	v24 =	vmul.f32 v19, v60;
	v26 =	vmul.f32 v18, v62  }
0xf6: {  	v28 =	vmul.f32 v19, v62;
	v30 =	vmul.f32 v18, v27  }
0xf7: {  	v43 =	vld [tilespmem:s5+$0x280];
	v17 =	vmul.f32 v19, v27;
	v31 =	vmul.f32 v63, v29  }
0xf8: {  	v45 =	vld [tilespmem:s4+$0x280];
	v34 =	vmul.f32 v25, v29;
	v36 =	vmul.f32 v63, v32  }
0xf9: {  	v38 =	vmul.f32 v25, v32;
	v40 =	vmul.f32 v63, v37  }
0xfa: {  	v41 =	vmul.f32 v33, v39;
	v44 =	vmul.f32 v35, v39  }
0xfb: {  	v46 =	vmul.f32 v33, v42;
	v48 =	vmul.f32 v35, v42  }
0xfc: {  	v50 =	vmul.f32 v33, v47;
	v51 =	vmul.f32 v43, v49  }
0xfd: {  	v54 =	vmul.f32 v45, v49;
	v56 =	vmul.f32 v43, v52  }
0xfe: {  	v62 =	vbroadcast v4, $0x6;
	v27 =	vbroadcast v5, $0x6  }
0xff: {  	v29 =	vbroadcast v6, $0x7;
	v32 =	vbroadcast v4, $0x7;
	v10 =	vadd.f32 $0.0e+00, v10  }
0x100: {  	v39 =	vbroadcast v6, $0x8;
	v9 =	vadd.f32 $0.0e+00, v9;
	v14 =	vadd.f32 $0.0e+00, v14  }
0x101: {  	v42 =	vbroadcast v4, $0x8;
	v11 =	vadd.f32 $0.0e+00, v11;
	v8 =	vadd.f32 $0.0e+00, v8  }
0x102: {  	v49 =	vbroadcast v6, $0x9;
	v7 =	vadd.f32 $0.0e+00, v7;
	v10 =	vadd.f32 v57, v10  }
0x103: {  	v53 =	vld [tilespmem:s5+$0x300];
	v9 =	vadd.f32 v16, v9;
	v8 =	vadd.f32 v13, v8;
	v13 =	vmul.f32 v25, v37  }
0x104: {  	v55 =	vld [tilespmem:s4+$0x300];
	v14 =	vadd.f32 v58, v14;
	v16 =	vmul.f32 v35, v47;
	v57 =	vbroadcast v5, $0x5  }
0x105: {  	v11 =	vadd.f32 v59, v11;
	v58 =	vmul.f32 v45, v52;
	v59 =	vbroadcast v6, $0x6  }
0x106: {  	v7 =	vadd.f32 v12, v7;
	v37 =	vbroadcast v5, $0x7;
	v47 =	vbroadcast v5, $0x8  }
0x107: {  	v52 =	vbroadcast v4, $0x9;
	v10 =	vadd.f32 v61, v10;
	v9 =	vadd.f32 v24, v9  }
0x108: {  	v63 =	vld [tilespmem:s5+$0x380];
	v14 =	vadd.f32 v26, v14;
	v11 =	vadd.f32 v28, v11;
	v60 =	vmul.f32 v43, v57  }
0x109: {  	v7 =	vadd.f32 v30, v7;
	v61 =	vmul.f32 v53, v59;
	v24 =	vmul.f32 v55, v59  }
0x10a: {  	v25 =	vld [tilespmem:s4+$0x380];
	v8 =	vadd.f32 v17, v8;
	v26 =	vmul.f32 v53, v62;
	v28 =	vmul.f32 v55, v62  }
0x10b: {  	s11 =	sadd.s32 s11, s21;
	v30 =	vmul.f32 v53, v27;
	v59 =	vbroadcast v6, $0xA;
	v10 =	vadd.f32 v31, v10  }
0x10c: {  	s30 =	sadd.s32 s30, s11;
	v62 =	vbroadcast v4, $0xA;
	v9 =	vadd.f32 v34, v9;
	v12 =	vadd.f32 v36, v14  }
0x10d: {  	s28 =	sadd.s32 s28, s11;
	v33 =	vld [tilespmem:s30+$0x0];
	v11 =	vadd.f32 v38, v11;
	v14 =	vmul.f32 v45, v57;
	v31 =	vmul.f32 v63, v29  }
0x10e: {  	v35 =	vld [tilespmem:s28+$0x0];
	v7 =	vadd.f32 v40, v7;
	v36 =	vmul.f32 v63, v32;
	v40 =	vmul.f32 v63, v37  }
0x10f: {  	v8 =	vadd.f32 v13, v8;
	v57 =	vbroadcast v5, $0x9;
	v34 =	vmul.f32 v25, v29  }
0x110: {  	v38 =	vmul.f32 v25, v32;
	v29 =	vbroadcast v6, $0xB;
	v10 =	vadd.f32 v41, v10  }
0x111: {  	v32 =	vbroadcast v4, $0xB;
	v9 =	vadd.f32 v44, v9;
	v12 =	vadd.f32 v46, v12  }
0x112: {  	v43 =	vld [tilespmem:s30+$0x80];
	v8 =	vadd.f32 v16, v8;
	v16 =	vmul.f32 v55, v27;
	v41 =	vmul.f32 v33, v39  }
0x113: {  	v11 =	vadd.f32 v48, v11;
	v44 =	vmul.f32 v35, v39;
	v46 =	vmul.f32 v33, v42  }
0x114: {  	v45 =	vld [tilespmem:s28+$0x80];
	v7 =	vadd.f32 v50, v7;
	v48 =	vmul.f32 v35, v42;
	v50 =	vmul.f32 v33, v47  }
0x115: {  	v27 =	vbroadcast v5, $0xA;
	v39 =	vbroadcast v6, $0xC  }
0x116: {  	v42 =	vbroadcast v4, $0xC;
	v10 =	vadd.f32 v51, v10;
	v12 =	vadd.f32 v56, v12  }
0x117: {  	v53 =	vld [tilespmem:s30+$0x100];
	v8 =	vadd.f32 v14, v8;
	v14 =	vmul.f32 v25, v37;
	v51 =	vmul.f32 v43, v49  }
0x118: {  	v7 =	vadd.f32 v60, v7;
	v56 =	vmul.f32 v43, v52;
	v60 =	vmul.f32 v43, v57  }
0x119: {  	v55 =	vld [tilespmem:s28+$0x100];
	v9 =	vadd.f32 v54, v9;
	v37 =	vbroadcast v5, $0xB;
	v54 =	vmul.f32 v45, v49  }
0x11a: {  	v11 =	vadd.f32 v58, v11;
	v58 =	vmul.f32 v45, v52;
	v49 =	vbroadcast v6, $0xD  }
0x11b: {  	v52 =	vbroadcast v4, $0xD;
	v10 =	vadd.f32 v61, v10;
	v12 =	vadd.f32 v26, v12  }
0x11c: {  	v63 =	vld [tilespmem:s30+$0x180];
	v8 =	vadd.f32 v16, v8;
	v16 =	vmul.f32 v35, v47;
	v61 =	vmul.f32 v53, v59  }
0x11d: {  	v7 =	vadd.f32 v30, v7;
	v26 =	vmul.f32 v53, v62;
	v30 =	vmul.f32 v53, v27  }
0x11e: {  	v9 =	vadd.f32 v24, v9;
	v47 =	vbroadcast v5, $0xC;
	v24 =	vmul.f32 v55, v59  }
0x11f: {  	v25 =	vld [tilespmem:s28+$0x180];
	v11 =	vadd.f32 v28, v11;
	v28 =	vmul.f32 v55, v62;
	v59 =	vbroadcast v6, $0xE  }
0x120: {  	v6 =	vbroadcast v6, $0xF;
	v10 =	vadd.f32 v31, v10;
	v12 =	vadd.f32 v36, v12  }
0x121: {  	v8 =	vadd.f32 v14, v8;
	v14 =	vmul.f32 v45, v57;
	v31 =	vmul.f32 v63, v29  }
0x122: {  	v33 =	vld [tilespmem:s30+$0x200];
	v7 =	vadd.f32 v40, v7;
	v36 =	vmul.f32 v63, v32;
	v40 =	vmul.f32 v63, v37  }
0x123: {  	v35 =	vld [tilespmem:s28+$0x200];
	v9 =	vadd.f32 v34, v9;
	v57 =	vbroadcast v5, $0xD;
	v63 =	vbroadcast v4, $0xE  }
0x124: {  	v11 =	vadd.f32 v38, v11;
	v4 =	vbroadcast v4, $0xF;
	v34 =	vmul.f32 v25, v29  }
0x125: {  	v53 =	vld [tilespmem:s30+$0x300];
	v38 =	vmul.f32 v25, v32;
	v10 =	vadd.f32 v41, v10;
	v9 =	vadd.f32 v44, v9  }
0x126: {  	v43 =	vld [tilespmem:s30+$0x280];
	v12 =	vadd.f32 v46, v12;
	v8 =	vadd.f32 v16, v8;
	v16 =	vmul.f32 v55, v27  }
0x127: {  	v11 =	vadd.f32 v48, v11;
	v41 =	vmul.f32 v33, v39;
	v46 =	vmul.f32 v33, v42  }
0x128: {  	v45 =	vld [tilespmem:s28+$0x280];
	v7 =	vadd.f32 v50, v7;
	v50 =	vmul.f32 v33, v47;
	v44 =	vmul.f32 v35, v39  }
0x129: {  	v48 =	vmul.f32 v35, v42;
	v10 =	vadd.f32 v51, v10;
	v9 =	vadd.f32 v54, v9  }
0x12a: {  	v62 =	vmul.f32 v53, v59;
	v12 =	vadd.f32 v56, v12;
	v11 =	vadd.f32 v58, v11  }
0x12b: {  	v8 =	vadd.f32 v14, v8;
	v14 =	vmul.f32 v25, v37;
	v51 =	vmul.f32 v43, v49  }
0x12c: {  	v7 =	vadd.f32 v60, v7;
	v56 =	vmul.f32 v43, v52;
	v60 =	vmul.f32 v43, v57  }
0x12d: {  	v54 =	vmul.f32 v45, v49;
	v10 =	vadd.f32 v61, v10;
	v9 =	vadd.f32 v24, v9  }
0x12e: {  	v55 =	vld [tilespmem:s28+$0x300];
	v58 =	vmul.f32 v45, v52;
	v12 =	vadd.f32 v26, v12;
	v11 =	vadd.f32 v28, v11  }
0x12f: {  	v7 =	vadd.f32 v30, v7;
	v8 =	vadd.f32 v16, v8;
	v16 =	vmul.f32 v35, v47  }
0x130: {  	v24 =	vmul.f32 v53, v63;
	v10 =	vadd.f32 v31, v10;
	v9 =	vadd.f32 v34, v9  }
0x131: {  	v26 =	vbroadcast v5, $0xE;
	v12 =	vadd.f32 v36, v12;
	v11 =	vadd.f32 v38, v11  }
0x132: {  	v5 =	vbroadcast v5, $0xF;
	v7 =	vadd.f32 v40, v7;
	v8 =	vadd.f32 v14, v8  }
0x133: {  	v61 =	vld [tilespmem:s30+$0x380];
	v23 =	vmul.f32 v55, v59;
	v10 =	vadd.f32 v41, v10;
	v9 =	vadd.f32 v44, v9  }
0x134: {  	v21 =	vld [tilespmem:s28+$0x380];
	v25 =	vmul.f32 v55, v63;
	v12 =	vadd.f32 v46, v12;
	v11 =	vadd.f32 v48, v11  }
0x135: {  	v14 =	vmul.f32 v45, v57;
	v7 =	vadd.f32 v50, v7;
	v8 =	vadd.f32 v16, v8  }
0x136: {  	v28 =	vmul.f32 v53, v26;
	v10 =	vadd.f32 v51, v10;
	v9 =	vadd.f32 v54, v9  }
0x137: {  	v15 =	vmul.f32 v55, v26;
	v12 =	vadd.f32 v56, v12;
	v11 =	vadd.f32 v58, v11  }
0x138: {  	v27 =	vmul.f32 v61, v6;
	v7 =	vadd.f32 v60, v7;
	v10 =	vadd.f32 v62, v10  }
0x139: {  	v6 =	vmul.f32 v21, v6;
	v8 =	vadd.f32 v14, v8;
	v9 =	vadd.f32 v23, v9  }
0x13a: {  	v29 =	vmul.f32 v61, v4;
	v12 =	vadd.f32 v24, v12;
	v10 =	vadd.f32 v27, v10  }
0x13b: {  	v4 =	vmul.f32 v21, v4;
	v11 =	vadd.f32 v25, v11;
	v6 =	vadd.f32 v6, v9  }
0x13c: {  	v31 =	vmul.f32 v61, v5;
	v7 =	vadd.f32 v28, v7;
	v30 =	vadd.f32 v29, v12;
	[tilespmem:s19+$0xFFFFFF80] =	vst v10  }
0x13d: {  	v5 =	vmul.f32 v21, v5;
	v8 =	vadd.f32 v15, v8;
	v4 =	vadd.f32 v4, v11;
	[tilespmem:s19+$0xFFFFFF90] =	vst v6  }
0x13e: {  	v32 =	vadd.f32 v31, v7;
	[tilespmem:s19+$0xFFFFFFA0] =	vst v30  }
0x13f: {  	v5 =	vadd.f32 v5, v8;
	[tilespmem:s19+$0xFFFFFFB0] =	vst v4  }
0x140: {  	[tilespmem:s19+$0xFFFFFFC0] =	vst v32  }
0x141: {  	[tilespmem:s19+$0xFFFFFFD0] =	vst v5  }
0x142: {  	v6 =	vld [tilespmem:s18+$0x0]  }
0x143: {  	v4 =	vld [tilespmem:s18+$0x80]  }
0x144: {  	v5 =	vld [tilespmem:s18+$0x100];
	_ =	sdelay $0x1  }
0x145: {  	s30 =	sadd.s32 $0x20, s26  }
0x146: {  	s30 =	sand.u32 $0x60, s30  }
0x147: {  	s4 =	sadd.s32 s30, s13;
	s28 =	sor.u32 $0x10, s30;
	v35 =	vbroadcast v6, $0x0;
	v37 =	vbroadcast v4, $0x0  }
0x148: {  	s13 =	sadd.s32 s28, s13;
	v33 =	vld [tilespmem:s4+$0x0];
	v41 =	vbroadcast v5, $0x0;
	v42 =	vbroadcast v6, $0x1  }
0x149: {  	v34 =	vld [tilespmem:s13+$0x0];
	v44 =	vbroadcast v4, $0x1;
	v48 =	vbroadcast v5, $0x1  }
0x14a: {  	v50 =	vbroadcast v6, $0x2;
	v52 =	vbroadcast v4, $0x2  }
0x14b: {  	v38 =	vld [tilespmem:s4+$0x80];
	v57 =	vbroadcast v5, $0x2;
	v59 =	vbroadcast v6, $0x3  }
0x14c: {  	v39 =	vld [tilespmem:s13+$0x80];
	v62 =	vbroadcast v4, $0x3;
	v27 =	vbroadcast v5, $0x3  }
0x14d: {  	v29 =	vbroadcast v6, $0x4;
	v32 =	vbroadcast v4, $0x4  }
0x14e: {  	v45 =	vld [tilespmem:s4+$0x100];
	v36 =	vmul.f32 v33, v35;
	v9 =	vmul.f32 v34, v35  }
0x14f: {  	v46 =	vld [tilespmem:s13+$0x100];
	v40 =	vmul.f32 v33, v37;
	v11 =	vmul.f32 v34, v37  }
0x150: {  	v7 =	vmul.f32 v33, v41;
	v8 =	vmul.f32 v34, v41  }
0x151: {  	v53 =	vld [tilespmem:s4+$0x180];
	v43 =	vmul.f32 v38, v42;
	v16 =	vmul.f32 v39, v42  }
0x152: {  	v55 =	vld [tilespmem:s13+$0x180];
	v47 =	vmul.f32 v38, v44;
	v49 =	vmul.f32 v39, v44  }
0x153: {  	v12 =	vmul.f32 v38, v48;
	v13 =	vmul.f32 v39, v48  }
0x154: {  	v63 =	vld [tilespmem:s4+$0x200];
	v51 =	vmul.f32 v45, v50;
	v54 =	vmul.f32 v46, v50  }
0x155: {  	v25 =	vld [tilespmem:s13+$0x200];
	v56 =	vmul.f32 v45, v52;
	v58 =	vmul.f32 v46, v52  }
0x156: {  	v60 =	vmul.f32 v45, v57;
	v17 =	vmul.f32 v46, v57  }
0x157: {  	v61 =	vmul.f32 v53, v59;
	v24 =	vmul.f32 v55, v59  }
0x158: {  	v26 =	vmul.f32 v53, v62;
	v28 =	vmul.f32 v55, v62  }
0x159: {  	v30 =	vmul.f32 v53, v27;
	v31 =	vmul.f32 v63, v29  }
0x15a: {  	v34 =	vmul.f32 v25, v29;
	v37 =	vbroadcast v5, $0x4  }
0x15b: {  	v38 =	vmul.f32 v25, v32;
	v39 =	vbroadcast v6, $0x5  }
0x15c: {  	v42 =	vbroadcast v4, $0x5;
	v52 =	vbroadcast v4, $0x6  }
0x15d: {  	v57 =	vbroadcast v5, $0x6;
	v59 =	vbroadcast v6, $0x7  }
0x15e: {  	v62 =	vbroadcast v4, $0x7;
	v10 =	vadd.f32 $0.0e+00, v36;
	v9 =	vadd.f32 $0.0e+00, v9  }
0x15f: {  	v33 =	vld [tilespmem:s4+$0x280];
	v29 =	vbroadcast v6, $0x8;
	v14 =	vadd.f32 $0.0e+00, v40;
	v11 =	vadd.f32 $0.0e+00, v11  }
0x160: {  	v35 =	vld [tilespmem:s13+$0x280];
	v8 =	vadd.f32 $0.0e+00, v8;
	v36 =	vmul.f32 v63, v32;
	v40 =	vmul.f32 v63, v37  }
0x161: {  	v32 =	vbroadcast v4, $0x8;
	v9 =	vadd.f32 v16, v9;
	v14 =	vadd.f32 v47, v14  }
0x162: {  	v8 =	vadd.f32 v13, v8;
	v13 =	vmul.f32 v55, v27;
	v16 =	vmul.f32 v25, v37  }
0x163: {  	v11 =	vadd.f32 v49, v11;
	v47 =	vbroadcast v5, $0x5;
	v49 =	vbroadcast v6, $0x6  }
0x164: {  	v45 =	vld [tilespmem:s13+$0x300];
	v7 =	vadd.f32 $0.0e+00, v7;
	v27 =	vbroadcast v5, $0x7;
	v37 =	vbroadcast v5, $0x8  }
0x165: {  	v10 =	vadd.f32 v43, v10;
	v41 =	vmul.f32 v33, v39;
	v44 =	vmul.f32 v35, v39  }
0x166: {  	v53 =	vld [tilespmem:s4+$0x380];
	v7 =	vadd.f32 v12, v7;
	v46 =	vmul.f32 v33, v42;
	v48 =	vmul.f32 v35, v42  }
0x167: {  	v39 =	vbroadcast v6, $0x9;
	v10 =	vadd.f32 v51, v10;
	v9 =	vadd.f32 v54, v9  }
0x168: {  	v43 =	vld [tilespmem:s4+$0x300];
	v42 =	vbroadcast v4, $0x9;
	v14 =	vadd.f32 v56, v14;
	v11 =	vadd.f32 v58, v11  }
0x169: {  	v55 =	vld [tilespmem:s13+$0x380];
	v7 =	vadd.f32 v60, v7;
	v50 =	vmul.f32 v33, v47;
	v54 =	vmul.f32 v45, v49  }
0x16a: {  	v58 =	vmul.f32 v45, v52;
	v12 =	vadd.f32 v26, v14;
	v14 =	vmul.f32 v35, v47  }
0x16b: {  	v10 =	vadd.f32 v61, v10;
	v61 =	vmul.f32 v53, v59;
	v26 =	vmul.f32 v53, v62  }
0x16c: {  	s30 =	sadd.s32 s30, s11;
	v7 =	vadd.f32 v30, v7;
	v30 =	vmul.f32 v53, v27;
	v47 =	vbroadcast v5, $0x9  }
0x16d: {  	s11 =	sadd.s32 s28, s11;
	v63 =	vld [tilespmem:s30+$0x0];
	v8 =	vadd.f32 v17, v8;
	v51 =	vmul.f32 v43, v49;
	v56 =	vmul.f32 v43, v52  }
0x16e: {  	v25 =	vld [tilespmem:s11+$0x0];
	v9 =	vadd.f32 v24, v9;
	v60 =	vmul.f32 v43, v57;
	v24 =	vmul.f32 v55, v59  }
0x16f: {  	v11 =	vadd.f32 v28, v11;
	v28 =	vmul.f32 v55, v62;
	v49 =	vbroadcast v6, $0xA  }
0x170: {  	v8 =	vadd.f32 v13, v8;
	v52 =	vbroadcast v4, $0xA;
	v59 =	vbroadcast v6, $0xB  }
0x171: {  	v62 =	vbroadcast v4, $0xB;
	v10 =	vadd.f32 v31, v10;
	v9 =	vadd.f32 v34, v9  }
0x172: {  	v33 =	vld [tilespmem:s30+$0x80];
	v12 =	vadd.f32 v36, v12;
	v8 =	vadd.f32 v16, v8;
	v16 =	vmul.f32 v45, v57  }
0x173: {  	v11 =	vadd.f32 v38, v11;
	v31 =	vmul.f32 v63, v29;
	v34 =	vmul.f32 v25, v29  }
0x174: {  	v35 =	vld [tilespmem:s11+$0x80];
	v7 =	vadd.f32 v40, v7;
	v36 =	vmul.f32 v63, v32;
	v38 =	vmul.f32 v25, v32  }
0x175: {  	v40 =	vmul.f32 v63, v37;
	v10 =	vadd.f32 v41, v10;
	v9 =	vadd.f32 v44, v9  }
0x176: {  	v43 =	vld [tilespmem:s30+$0x100];
	v57 =	vbroadcast v5, $0xA;
	v12 =	vadd.f32 v46, v12;
	v11 =	vadd.f32 v48, v11  }
0x177: {  	v53 =	vld [tilespmem:s30+$0x180];
	v8 =	vadd.f32 v14, v8;
	v14 =	vmul.f32 v55, v27;
	v41 =	vmul.f32 v33, v39  }
0x178: {  	v45 =	vld [tilespmem:s11+$0x100];
	v7 =	vadd.f32 v50, v7;
	v46 =	vmul.f32 v33, v42;
	v50 =	vmul.f32 v33, v47  }
0x179: {  	v44 =	vmul.f32 v35, v39;
	v48 =	vmul.f32 v35, v42;
	v10 =	vadd.f32 v51, v10  }
0x17a: {  	v9 =	vadd.f32 v54, v9;
	v8 =	vadd.f32 v16, v8;
	v16 =	vmul.f32 v25, v37  }
0x17b: {  	v12 =	vadd.f32 v56, v12;
	v51 =	vmul.f32 v43, v49;
	v56 =	vmul.f32 v43, v52  }
0x17c: {  	v55 =	vld [tilespmem:s11+$0x180];
	v7 =	vadd.f32 v60, v7;
	v60 =	vmul.f32 v43, v57;
	v25 =	vmul.f32 v53, v62  }
0x17d: {  	v11 =	vadd.f32 v58, v11;
	v54 =	vmul.f32 v45, v49;
	v58 =	vmul.f32 v45, v52  }
0x17e: {  	v52 =	vbroadcast v4, $0xE;
	v10 =	vadd.f32 v61, v10;
	v9 =	vadd.f32 v24, v9  }
0x17f: {  	v63 =	vld [tilespmem:s30+$0x200];
	v12 =	vadd.f32 v26, v12;
	v8 =	vadd.f32 v14, v8;
	v14 =	vmul.f32 v35, v47  }
0x180: {  	v11 =	vadd.f32 v28, v11;
	v61 =	vmul.f32 v53, v59;
	v26 =	vbroadcast v5, $0xB  }
0x181: {  	v7 =	vadd.f32 v30, v7;
	v28 =	vbroadcast v6, $0xC;
	v23 =	vmul.f32 v55, v59  }
0x182: {  	v27 =	vmul.f32 v55, v62;
	v10 =	vadd.f32 v31, v10;
	v9 =	vadd.f32 v34, v9  }
0x183: {  	v32 =	vld [tilespmem:s30+$0x280];
	v12 =	vadd.f32 v36, v12;
	v8 =	vadd.f32 v16, v8;
	v16 =	vmul.f32 v45, v57  }
0x184: {  	v11 =	vadd.f32 v38, v11;
	v29 =	vmul.f32 v53, v26;
	v30 =	vmul.f32 v63, v28  }
0x185: {  	v42 =	vld [tilespmem:s30+$0x300];
	v7 =	vadd.f32 v40, v7;
	v31 =	vbroadcast v4, $0xC;
	v36 =	vbroadcast v5, $0xC  }
0x186: {  	v38 =	vbroadcast v6, $0xD;
	v57 =	vbroadcast v5, $0xE;
	v10 =	vadd.f32 v41, v10  }
0x187: {  	v8 =	vadd.f32 v14, v8;
	v14 =	vmul.f32 v55, v26;
	v35 =	vmul.f32 v63, v31  }
0x188: {  	v24 =	vld [tilespmem:s11+$0x200];
	v9 =	vadd.f32 v44, v9;
	v39 =	vmul.f32 v63, v36;
	v40 =	vmul.f32 v32, v38  }
0x189: {  	v12 =	vadd.f32 v46, v12;
	v41 =	vbroadcast v4, $0xD;
	v46 =	vbroadcast v5, $0xD  }
0x18a: {  	v11 =	vadd.f32 v48, v11;
	v48 =	vbroadcast v6, $0xE;
	v55 =	vmul.f32 v42, v52  }
0x18b: {  	v7 =	vadd.f32 v50, v7;
	v6 =	vbroadcast v6, $0xF;
	v4 =	vbroadcast v4, $0xF  }
0x18c: {  	v59 =	vmul.f32 v42, v57;
	v5 =	vbroadcast v5, $0xF;
	v10 =	vadd.f32 v51, v10  }
0x18d: {  	v34 =	vld [tilespmem:s11+$0x280];
	v33 =	vmul.f32 v24, v28;
	v9 =	vadd.f32 v54, v9;
	v12 =	vadd.f32 v56, v12  }
0x18e: {  	v37 =	vmul.f32 v24, v31;
	v11 =	vadd.f32 v58, v11;
	v7 =	vadd.f32 v60, v7  }
0x18f: {  	v8 =	vadd.f32 v16, v8;
	v16 =	vmul.f32 v24, v36;
	v45 =	vmul.f32 v32, v41  }
0x190: {  	v44 =	vld [tilespmem:s11+$0x300];
	v49 =	vmul.f32 v32, v46;
	v10 =	vadd.f32 v61, v10;
	v9 =	vadd.f32 v23, v9  }
0x191: {  	v51 =	vmul.f32 v42, v48;
	v12 =	vadd.f32 v25, v12;
	v11 =	vadd.f32 v27, v11  }
0x192: {  	v50 =	vld [tilespmem:s30+$0x380];
	v43 =	vmul.f32 v34, v38;
	v7 =	vadd.f32 v29, v7;
	v8 =	vadd.f32 v14, v8  }
0x193: {  	v53 =	vld [tilespmem:s11+$0x380];
	v47 =	vmul.f32 v34, v41;
	v10 =	vadd.f32 v30, v10;
	v9 =	vadd.f32 v33, v9  }
0x194: {  	v14 =	vmul.f32 v34, v46;
	v12 =	vadd.f32 v35, v12;
	v11 =	vadd.f32 v37, v11  }
0x195: {  	v54 =	vmul.f32 v44, v48;
	v7 =	vadd.f32 v39, v7;
	v8 =	vadd.f32 v16, v8  }
0x196: {  	v56 =	vmul.f32 v44, v52;
	v10 =	vadd.f32 v40, v10;
	v9 =	vadd.f32 v43, v9  }
0x197: {  	v58 =	vmul.f32 v50, v6;
	v12 =	vadd.f32 v45, v12;
	v11 =	vadd.f32 v47, v11  }
0x198: {  	v6 =	vmul.f32 v53, v6;
	v7 =	vadd.f32 v49, v7;
	v10 =	vadd.f32 v51, v10  }
0x199: {  	v60 =	vmul.f32 v50, v4;
	v8 =	vadd.f32 v14, v8;
	v9 =	vadd.f32 v54, v9  }
0x19a: {  	v15 =	vmul.f32 v44, v57;
	v12 =	vadd.f32 v55, v12;
	v10 =	vadd.f32 v58, v10  }
0x19b: {  	s22 =	sadd.s32 $0x2, s22;
	v4 =	vmul.f32 v53, v4;
	v11 =	vadd.f32 v56, v11;
	v6 =	vadd.f32 v6, v9  }
0x19c: {  	p2 =	slt.u32 s22, $0xA;
	v62 =	vmul.f32 v50, v5;
	v7 =	vadd.f32 v59, v7;
	v61 =	vadd.f32 v60, v12;
	[tilespmem:s19+$0x0] =	vst v10  }
.Ltmp11:
0x19d: {  	v5 =	vmul.f32 v53, v5;
	v8 =	vadd.f32 v15, v8;
	v4 =	vadd.f32 v4, v11;
	[tilespmem:s19+$0x10] =	vst v6;
	(pc) =	sbr.rel @p2 .LBB2_15-.Ltmp11, $4  }
0x19e: {  	v63 =	vadd.f32 v62, v7;
	[tilespmem:s19+$0x20] =	vst v61  }
0x19f: {  	v5 =	vadd.f32 v5, v8;
	[tilespmem:s19+$0x30] =	vst v4  }
0x1a0: {  	s25 =	sadd.s32 $0x200, s25;
	[tilespmem:s19+$0x40] =	vst v63  }
0x1a1: {  	s26 =	sadd.s32 $0x40, s26;
	s18 =	sadd.s32 $0x400, s18;
	[tilespmem:s19+$0x50] =	vst v5;
	s19 =	sadd.s32 $0x100, s19  }
0x1a2: {  	s17 =	sadd.s32 $0x1, s17  }
0x1a3: {  	p2 =	sne.s32 s17, $0x4  }
.Ltmp12:
0x1a4: {  	_ = 	snop;
	(pc) =	sbr.rel @p2 .LBB2_14-.Ltmp12, $2  }
0x1a5: {  	_ =	sdelay $0x2  }
0x1a6: {  	s24 =	sadd.s32 $0x1800, s24;
	s23 =	sadd.s32 $0x600, s23  }
.Ltmp13:
0x1a7: {  	(pc) =	sbr.rel @p0 .LBB2_21-.Ltmp13, $3  }
0x1a8: {  	s4 =	smul.u32 $0x300, s15;
	_ =	sdelay $0x1  }
0x1a9: {  	s5 =	simm.s32 $0x18100;
	s4 =	sadd.s32 s6, s4  }
0x1aa: {  	[hbm4b:s4+s2] =	stream.linear.scatter [tilespmem:s5], [sflag:$0x3], $0x1800, $0x38;
	[tilespmem:$0x1B100] =	vst v63  }
0x1ab: {  	s4 =	smul.u32 $0xC00, s16  }
0x1ac: {  	s5 =	rddreg [dreg:$0x4]  }
0x1ad: {  	s11 =	simm.s32 $0x40;
	s4 =	sadd.s32 s5, s4  }
0x1ae: {  	s13 =	simm.s32 $0xC300;
	s5 =	simm.s32 $0xC100;
	s16 =	sadd.s32 $0x0, s4  }
.LBB2_19:
0x1af: {  	[tilespmem:s5], [sflag:$0x7] =	stream.linear.gather [hbm4b:s16+s2], $0x180, $0x38;
	[tilespmem:$0x1B100] =	vst v63  }
0x1b0: {  	s16 =	smov.u32 s11;
	s5 =	smov.u32 s13;
	p2 =	seq.s32 s11, $0xBC0  }
.Ltmp14:
0x1b1: {  	s11 =	sadd.s32 $0x40, s11;
	(pc) =	sbr.rel @!p2 .LBB2_19-.Ltmp14, $2  }
0x1b2: {  	_ =	sdelay $0x2  }
0x1b3: {  	s13 =	sadd.s32 $0x200, s13;
	s16 =	sadd.s32 s16, s4  }
.Ltmp15:
0x1b4: {  	(pc) =	sbr.rel .LBB2_22-.Ltmp15, $2  }
0x1b5: {  	_ =	sdelay $0x2  }
0x1b6: {  	[tilespmem:s5], [sflag:$0x7] =	stream.linear.gather [hbm4b:s16+s2], $0x180, $0x38;
	[tilespmem:$0x1B100] =	vst v63  }
.LBB2_21:
0x1b7: {  	p2 =	sgt.u32 s0, $0x9C3  }
.Ltmp16:
0x1b8: {  	_ = 	snop;
	(pc) =	sbr.rel @p2 .LBB2_34-.Ltmp16, $1  }
0x1b9: {  	_ =	sdelay $0x3  }
.LBB2_22:
0x1ba: {  	p2 =	sgt.u32 s15, $0x963  }
.Ltmp17:
0x1bb: {  	_ = 	snop;
	(pc) =	sbr.rel @p2 .LBB2_24-.Ltmp17, $4  }
0x1bc: {  	_ = 	snop  }
0x1bd: {  	_ =	swait.ge [sflag:s29], $0x6000  }
0x1be: {  	[sflag:s29] =	ssyncset.done $0x0  }
0x1bf: {  	s15 =	sadd.s32 $0x60, s15;
	[sflag:s29] =	ssyncadd.s32 $0xFFFFA000  }
.Ltmp18:
0x1c0: {  	(pc) =	sbr.rel .LBB2_25-.Ltmp18, $4  }
0x1c1: {  	_ = 	snop  }
0x1c2: {  	s4 =	sshll.u32 s15, $0x3;
	s5 =	rddreg [dreg:$0x3]  }
0x1c3: {  	s30 =	simm.s32 $0x80;
	s4 =	sadd.s32 s5, s4  }
0x1c4: {  	[tilespmem:s30], [sflag:$0x6] =	stream.linear.gather [hbm4b:s4+s2], $0x40, $0x38;
	[tilespmem:$0x1B100] =	vst v63  }
.LBB2_24:
.Ltmp19:
0x1c5: {  	(pc) =	sbr.rel @p0 .LBB2_26-.Ltmp19, $1  }
0x1c6: {  	_ =	sdelay $0x3  }
.LBB2_25:
0x1c7: {  	s4 =	simm.s32 $0x5  }
0x1c8: {  	_ =	swait.ge [sflag:s4], $0x40  }
0x1c9: {  	[sflag:s4] =	ssyncset.done $0x0  }
0x1ca: {  	[sflag:s4] =	ssyncadd.s32 $0xFFFFFFC0  }
0x1cb: {  	v4 =	vld [tilespmem:$0x0];
	_ =	sdelay $0x4  }
0x1cc: {  	v5 =	vshrl.u32 v4, $0x3  }
0x1cd: {  	v5 =	vmul.u32 $0x18, v5  }
0x1ce: {  	v4 =	vand.u32 $0x7, v4  }
0x1cf: {  	v4 =	vor.u32 v4, v5  }
0x1d0: {  	v5 =	vperm.xlane v4, v1;
	_ =	sdelay $0x1  }
0x1d1: {  	v5 =	vadd.s32 v2, v5;
	_ =	sdelay $0x1  }
0x1d2: {  	v4 =	vperm.xlane v4, v3;
	_ =	sdelay $0x1  }
0x1d3: {  	s5 =	simm.s32 $0x100;
	v4 =	vadd.s32 v2, v4  }
0x1d4: {  	[tilespmem:s5], [sflag:$0x1] =	stream.indirect_vreg.gather [hbm4b:s1+s2], $0x80, v5, vm0, $0xb8;
	[tilespmem:$0x1B100] =	vst v63  }
0x1d5: {  	s11 =	simm.s32 $0x900  }
0x1d6: {  	[tilespmem:s11], [sflag:$0x1] =	stream.indirect_vreg.gather [hbm4b:s10+s2], $0x80, v5, vm1, $0xb8;
	[tilespmem:$0x1B100] =	vst v63  }
0x1d7: {  	s13 =	simm.s32 $0xD00  }
0x1d8: {  	[tilespmem:s13], [sflag:$0x1] =	stream.indirect_vreg.gather [hbm4b:s1+s2], $0x80, v4, vm0, $0xb8;
	[tilespmem:$0x1B100] =	vst v63  }
0x1d9: {  	s16 =	simm.s32 $0x1500  }
0x1da: {  	[tilespmem:s16], [sflag:$0x1] =	stream.indirect_vreg.gather [hbm4b:s10+s2], $0x80, v4, vm1, $0xb8;
	[tilespmem:$0x1B100] =	vst v63  }
0x1db: {  	v4 =	vld [tilespmem:$0x10];
	_ =	sdelay $0x4  }
0x1dc: {  	v5 =	vshrl.u32 v4, $0x3  }
0x1dd: {  	v5 =	vmul.u32 $0x18, v5  }
0x1de: {  	v4 =	vand.u32 $0x7, v4  }
0x1df: {  	v4 =	vor.u32 v4, v5  }
0x1e0: {  	v5 =	vperm.xlane v4, v1;
	_ =	sdelay $0x1  }
0x1e1: {  	v5 =	vadd.s32 v2, v5;
	_ =	sdelay $0x1  }
0x1e2: {  	v4 =	vperm.xlane v4, v3;
	_ =	sdelay $0x1  }
0x1e3: {  	s17 =	simm.s32 $0x1900;
	v4 =	vadd.s32 v2, v4  }
0x1e4: {  	[tilespmem:s17], [sflag:$0x1] =	stream.indirect_vreg.gather [hbm4b:s1+s2], $0x80, v5, vm0, $0xb8;
	[tilespmem:$0x1B100] =	vst v63  }
0x1e5: {  	s18 =	simm.s32 $0x2100  }
0x1e6: {  	[tilespmem:s18], [sflag:$0x1] =	stream.indirect_vreg.gather [hbm4b:s10+s2], $0x80, v5, vm1, $0xb8;
	[tilespmem:$0x1B100] =	vst v63  }
0x1e7: {  	s19 =	simm.s32 $0x2500  }
0x1e8: {  	[tilespmem:s19], [sflag:$0x1] =	stream.indirect_vreg.gather [hbm4b:s1+s2], $0x80, v4, vm0, $0xb8;
	[tilespmem:$0x1B100] =	vst v63  }
0x1e9: {  	s20 =	simm.s32 $0x2D00  }
0x1ea: {  	[tilespmem:s20], [sflag:$0x1] =	stream.indirect_vreg.gather [hbm4b:s10+s2], $0x80, v4, vm1, $0xb8;
	[tilespmem:$0x1B100] =	vst v63  }
0x1eb: {  	v4 =	vld [tilespmem:$0x20];
	_ =	sdelay $0x4  }
0x1ec: {  	v5 =	vshrl.u32 v4, $0x3  }
0x1ed: {  	v5 =	vmul.u32 $0x18, v5  }
0x1ee: {  	v4 =	vand.u32 $0x7, v4  }
0x1ef: {  	v4 =	vor.u32 v4, v5  }
0x1f0: {  	v5 =	vperm.xlane v4, v1;
	_ =	sdelay $0x1  }
0x1f1: {  	v5 =	vadd.s32 v2, v5;
	_ =	sdelay $0x1  }
0x1f2: {  	v4 =	vperm.xlane v4, v3;
	_ =	sdelay $0x1  }
0x1f3: {  	s21 =	simm.s32 $0x3100;
	v4 =	vadd.s32 v2, v4  }
0x1f4: {  	[tilespmem:s21], [sflag:$0x1] =	stream.indirect_vreg.gather [hbm4b:s1+s2], $0x80, v5, vm0, $0xb8;
	[tilespmem:$0x1B100] =	vst v63  }
0x1f5: {  	s22 =	simm.s32 $0x3900  }
0x1f6: {  	[tilespmem:s22], [sflag:$0x1] =	stream.indirect_vreg.gather [hbm4b:s10+s2], $0x80, v5, vm1, $0xb8;
	[tilespmem:$0x1B100] =	vst v63  }
0x1f7: {  	s23 =	simm.s32 $0x3D00  }
0x1f8: {  	[tilespmem:s23], [sflag:$0x1] =	stream.indirect_vreg.gather [hbm4b:s1+s2], $0x80, v4, vm0, $0xb8;
	[tilespmem:$0x1B100] =	vst v63  }
0x1f9: {  	s24 =	simm.s32 $0x4500  }
0x1fa: {  	[tilespmem:s24], [sflag:$0x1] =	stream.indirect_vreg.gather [hbm4b:s10+s2], $0x80, v4, vm1, $0xb8;
	[tilespmem:$0x1B100] =	vst v63  }
0x1fb: {  	v4 =	vld [tilespmem:$0x30];
	_ =	sdelay $0x4  }
0x1fc: {  	v5 =	vshrl.u32 v4, $0x3  }
0x1fd: {  	v5 =	vmul.u32 $0x18, v5  }
0x1fe: {  	v4 =	vand.u32 $0x7, v4  }
0x1ff: {  	v4 =	vor.u32 v4, v5  }
0x200: {  	v5 =	vperm.xlane v4, v1;
	_ =	sdelay $0x1  }
0x201: {  	v5 =	vadd.s32 v2, v5;
	_ =	sdelay $0x1  }
0x202: {  	v4 =	vperm.xlane v4, v3;
	_ =	sdelay $0x1  }
0x203: {  	s25 =	simm.s32 $0x4900;
	v4 =	vadd.s32 v2, v4  }
0x204: {  	[tilespmem:s25], [sflag:$0x1] =	stream.indirect_vreg.gather [hbm4b:s1+s2], $0x80, v5, vm0, $0xb8;
	[tilespmem:$0x1B100] =	vst v63  }
0x205: {  	s26 =	simm.s32 $0x5100  }
0x206: {  	[tilespmem:s26], [sflag:$0x1] =	stream.indirect_vreg.gather [hbm4b:s10+s2], $0x80, v5, vm1, $0xb8;
	[tilespmem:$0x1B100] =	vst v63  }
0x207: {  	s28 =	simm.s32 $0x5500  }
0x208: {  	[tilespmem:s28], [sflag:$0x1] =	stream.indirect_vreg.gather [hbm4b:s1+s2], $0x80, v4, vm0, $0xb8;
	[tilespmem:$0x1B100] =	vst v63  }
0x209: {  	s30 =	simm.s32 $0x5D00  }
0x20a: {  	[tilespmem:s30], [sflag:$0x1] =	stream.indirect_vreg.gather [hbm4b:s10+s2], $0x80, v4, vm1, $0xb8;
	[tilespmem:$0x1B100] =	vst v63  }
.LBB2_26:
0x20b: {  	_ =	swait.ge [sflag:s31], $0x4800  }
0x20c: {  	[sflag:s31] =	ssyncset.done $0x0  }
0x20d: {  	s4 =	simm.s32 @!p1 $0x4;
	[sflag:s31] =	ssyncadd.s32 $0xFFFFB800  }
0x20e: {  	_ =	swait.ge @!p1 [sflag:s4], $0x1800  }
0x20f: {  	s16 =	simm.s32 $0x0;
	[sflag:s4] =	ssyncset.done @!p1 $0x0  }
0x210: {  	s17 =	simm.s32 $0x12300;
	s18 =	simm.s32 $0x19980;
	[sflag:s4] =	ssyncadd.s32 @!p1 $0xFFFFE800  }
.LBB2_27:
0x211: {  	s4 =	smul.u32 $0x1800, s16;
	s21 =	simm.s32 $0xFFFFFFFE  }
0x212: {  	s22 =	smov.u32 s18;
	s23 =	smov.u32 s17;
	s24 =	simm.s32 $0x0  }
0x213: {  	s25 =	simm.s32 $0x0;
	s19 =	sadd.s32 $0x6100, s4;
	s20 =	sadd.s32 $0x6D00, s4  }
.LBB2_28:
0x214: {  	v6 =	vld [tilespmem:s23+$0xFFFFFE00]  }
0x215: {  	v4 =	vld [tilespmem:s23+$0xFFFFFE80]  }
0x216: {  	v5 =	vld [tilespmem:s23+$0xFFFFFF00];
	_ =	sdelay $0x3  }
0x217: {  	s11 =	sand.u32 $0xC00, s24;
	v9 =	vbroadcast v6, $0x0;
	v11 =	vbroadcast v4, $0x0  }
0x218: {  	s28 =	sand.u32 $0x40, s25;
	s13 =	sadd.s32 s11, s19;
	v15 =	vbroadcast v5, $0x0;
	v16 =	vbroadcast v6, $0x1  }
0x219: {  	s26 =	sor.u32 $0x10, s28;
	s5 =	sadd.s32 s28, s13;
	v17 =	vbroadcast v4, $0x1;
	v20 =	vbroadcast v5, $0x1  }
0x21a: {  	s4 =	sadd.s32 s26, s13;
	v7 =	vld [tilespmem:s5+$0x0];
	v60 =	vbroadcast v6, $0x2;
	v62 =	vbroadcast v4, $0x2  }
0x21b: {  	v8 =	vld [tilespmem:s4+$0x0];
	v27 =	vbroadcast v5, $0x2;
	v29 =	vbroadcast v6, $0x3  }
0x21c: {  	v32 =	vbroadcast v4, $0x3;
	v37 =	vbroadcast v5, $0x3  }
0x21d: {  	v12 =	vld [tilespmem:s5+$0x80];
	v39 =	vbroadcast v6, $0x4;
	v42 =	vbroadcast v4, $0x4  }
0x21e: {  	v13 =	vld [tilespmem:s4+$0x80];
	v47 =	vbroadcast v5, $0x4;
	v49 =	vbroadcast v6, $0x5  }
0x21f: {  	v52 =	vbroadcast v4, $0x5;
	v10 =	vmul.f32 v7, v9  }
0x220: {  	v18 =	vld [tilespmem:s5+$0x100];
	v9 =	vmul.f32 v8, v9;
	v14 =	vmul.f32 v7, v11  }
0x221: {  	v19 =	vld [tilespmem:s4+$0x100];
	v11 =	vmul.f32 v8, v11;
	v7 =	vmul.f32 v7, v15  }
0x222: {  	v8 =	vmul.f32 v8, v15;
	v57 =	vmul.f32 v12, v16  }
0x223: {  	v63 =	vld [tilespmem:s5+$0x180];
	v16 =	vmul.f32 v13, v16;
	v58 =	vmul.f32 v12, v17  }
0x224: {  	v25 =	vld [tilespmem:s4+$0x180];
	v59 =	vmul.f32 v13, v17;
	v12 =	vmul.f32 v12, v20  }
0x225: {  	v33 =	vld [tilespmem:s5+$0x200];
	v13 =	vmul.f32 v13, v20;
	v61 =	vmul.f32 v18, v60  }
0x226: {  	v35 =	vld [tilespmem:s4+$0x200];
	v24 =	vmul.f32 v19, v60;
	v26 =	vmul.f32 v18, v62  }
0x227: {  	v28 =	vmul.f32 v19, v62;
	v30 =	vmul.f32 v18, v27  }
0x228: {  	v43 =	vld [tilespmem:s5+$0x280];
	v17 =	vmul.f32 v19, v27;
	v31 =	vmul.f32 v63, v29  }
0x229: {  	v45 =	vld [tilespmem:s4+$0x280];
	v34 =	vmul.f32 v25, v29;
	v36 =	vmul.f32 v63, v32  }
0x22a: {  	v38 =	vmul.f32 v25, v32;
	v40 =	vmul.f32 v63, v37  }
0x22b: {  	v41 =	vmul.f32 v33, v39;
	v44 =	vmul.f32 v35, v39  }
0x22c: {  	v46 =	vmul.f32 v33, v42;
	v48 =	vmul.f32 v35, v42  }
0x22d: {  	v50 =	vmul.f32 v33, v47;
	v51 =	vmul.f32 v43, v49  }
0x22e: {  	v54 =	vmul.f32 v45, v49;
	v56 =	vmul.f32 v43, v52  }
0x22f: {  	v62 =	vbroadcast v4, $0x6;
	v27 =	vbroadcast v5, $0x6  }
0x230: {  	v29 =	vbroadcast v6, $0x7;
	v32 =	vbroadcast v4, $0x7;
	v10 =	vadd.f32 $0.0e+00, v10  }
0x231: {  	v39 =	vbroadcast v6, $0x8;
	v9 =	vadd.f32 $0.0e+00, v9;
	v14 =	vadd.f32 $0.0e+00, v14  }
0x232: {  	v42 =	vbroadcast v4, $0x8;
	v11 =	vadd.f32 $0.0e+00, v11;
	v8 =	vadd.f32 $0.0e+00, v8  }
0x233: {  	v49 =	vbroadcast v6, $0x9;
	v7 =	vadd.f32 $0.0e+00, v7;
	v10 =	vadd.f32 v57, v10  }
0x234: {  	v53 =	vld [tilespmem:s5+$0x300];
	v9 =	vadd.f32 v16, v9;
	v8 =	vadd.f32 v13, v8;
	v13 =	vmul.f32 v25, v37  }
0x235: {  	v55 =	vld [tilespmem:s4+$0x300];
	v14 =	vadd.f32 v58, v14;
	v16 =	vmul.f32 v35, v47;
	v57 =	vbroadcast v5, $0x5  }
0x236: {  	v11 =	vadd.f32 v59, v11;
	v58 =	vmul.f32 v45, v52;
	v59 =	vbroadcast v6, $0x6  }
0x237: {  	v7 =	vadd.f32 v12, v7;
	v37 =	vbroadcast v5, $0x7;
	v47 =	vbroadcast v5, $0x8  }
0x238: {  	v52 =	vbroadcast v4, $0x9;
	v10 =	vadd.f32 v61, v10;
	v9 =	vadd.f32 v24, v9  }
0x239: {  	v63 =	vld [tilespmem:s5+$0x380];
	v14 =	vadd.f32 v26, v14;
	v11 =	vadd.f32 v28, v11;
	v60 =	vmul.f32 v43, v57  }
0x23a: {  	v7 =	vadd.f32 v30, v7;
	v61 =	vmul.f32 v53, v59;
	v24 =	vmul.f32 v55, v59  }
0x23b: {  	v25 =	vld [tilespmem:s4+$0x380];
	v8 =	vadd.f32 v17, v8;
	v26 =	vmul.f32 v53, v62;
	v28 =	vmul.f32 v55, v62  }
0x23c: {  	s11 =	sadd.s32 s11, s20;
	v30 =	vmul.f32 v53, v27;
	v59 =	vbroadcast v6, $0xA;
	v10 =	vadd.f32 v31, v10  }
0x23d: {  	s28 =	sadd.s32 s28, s11;
	v62 =	vbroadcast v4, $0xA;
	v9 =	vadd.f32 v34, v9;
	v12 =	vadd.f32 v36, v14  }
0x23e: {  	s26 =	sadd.s32 s26, s11;
	v33 =	vld [tilespmem:s28+$0x0];
	v11 =	vadd.f32 v38, v11;
	v14 =	vmul.f32 v45, v57;
	v31 =	vmul.f32 v63, v29  }
0x23f: {  	v35 =	vld [tilespmem:s26+$0x0];
	v7 =	vadd.f32 v40, v7;
	v36 =	vmul.f32 v63, v32;
	v40 =	vmul.f32 v63, v37  }
0x240: {  	v8 =	vadd.f32 v13, v8;
	v57 =	vbroadcast v5, $0x9;
	v34 =	vmul.f32 v25, v29  }
0x241: {  	v38 =	vmul.f32 v25, v32;
	v29 =	vbroadcast v6, $0xB;
	v10 =	vadd.f32 v41, v10  }
0x242: {  	v32 =	vbroadcast v4, $0xB;
	v9 =	vadd.f32 v44, v9;
	v12 =	vadd.f32 v46, v12  }
0x243: {  	v43 =	vld [tilespmem:s28+$0x80];
	v8 =	vadd.f32 v16, v8;
	v16 =	vmul.f32 v55, v27;
	v41 =	vmul.f32 v33, v39  }
0x244: {  	v11 =	vadd.f32 v48, v11;
	v44 =	vmul.f32 v35, v39;
	v46 =	vmul.f32 v33, v42  }
0x245: {  	v45 =	vld [tilespmem:s26+$0x80];
	v7 =	vadd.f32 v50, v7;
	v48 =	vmul.f32 v35, v42;
	v50 =	vmul.f32 v33, v47  }
0x246: {  	v27 =	vbroadcast v5, $0xA;
	v39 =	vbroadcast v6, $0xC  }
0x247: {  	v42 =	vbroadcast v4, $0xC;
	v10 =	vadd.f32 v51, v10;
	v12 =	vadd.f32 v56, v12  }
0x248: {  	v53 =	vld [tilespmem:s28+$0x100];
	v8 =	vadd.f32 v14, v8;
	v14 =	vmul.f32 v25, v37;
	v51 =	vmul.f32 v43, v49  }
0x249: {  	v7 =	vadd.f32 v60, v7;
	v56 =	vmul.f32 v43, v52;
	v60 =	vmul.f32 v43, v57  }
0x24a: {  	v55 =	vld [tilespmem:s26+$0x100];
	v9 =	vadd.f32 v54, v9;
	v37 =	vbroadcast v5, $0xB;
	v54 =	vmul.f32 v45, v49  }
0x24b: {  	v11 =	vadd.f32 v58, v11;
	v58 =	vmul.f32 v45, v52;
	v49 =	vbroadcast v6, $0xD  }
0x24c: {  	v52 =	vbroadcast v4, $0xD;
	v10 =	vadd.f32 v61, v10;
	v12 =	vadd.f32 v26, v12  }
0x24d: {  	v63 =	vld [tilespmem:s28+$0x180];
	v8 =	vadd.f32 v16, v8;
	v16 =	vmul.f32 v35, v47;
	v61 =	vmul.f32 v53, v59  }
0x24e: {  	v7 =	vadd.f32 v30, v7;
	v26 =	vmul.f32 v53, v62;
	v30 =	vmul.f32 v53, v27  }
0x24f: {  	v9 =	vadd.f32 v24, v9;
	v47 =	vbroadcast v5, $0xC;
	v24 =	vmul.f32 v55, v59  }
0x250: {  	v25 =	vld [tilespmem:s26+$0x180];
	v11 =	vadd.f32 v28, v11;
	v28 =	vmul.f32 v55, v62;
	v59 =	vbroadcast v6, $0xE  }
0x251: {  	v6 =	vbroadcast v6, $0xF;
	v10 =	vadd.f32 v31, v10;
	v12 =	vadd.f32 v36, v12  }
0x252: {  	v8 =	vadd.f32 v14, v8;
	v14 =	vmul.f32 v45, v57;
	v31 =	vmul.f32 v63, v29  }
0x253: {  	v33 =	vld [tilespmem:s28+$0x200];
	v7 =	vadd.f32 v40, v7;
	v36 =	vmul.f32 v63, v32;
	v40 =	vmul.f32 v63, v37  }
0x254: {  	v35 =	vld [tilespmem:s26+$0x200];
	v9 =	vadd.f32 v34, v9;
	v57 =	vbroadcast v5, $0xD;
	v63 =	vbroadcast v4, $0xE  }
0x255: {  	v11 =	vadd.f32 v38, v11;
	v4 =	vbroadcast v4, $0xF;
	v34 =	vmul.f32 v25, v29  }
0x256: {  	v53 =	vld [tilespmem:s28+$0x300];
	v38 =	vmul.f32 v25, v32;
	v10 =	vadd.f32 v41, v10;
	v9 =	vadd.f32 v44, v9  }
0x257: {  	v43 =	vld [tilespmem:s28+$0x280];
	v12 =	vadd.f32 v46, v12;
	v8 =	vadd.f32 v16, v8;
	v16 =	vmul.f32 v55, v27  }
0x258: {  	v11 =	vadd.f32 v48, v11;
	v41 =	vmul.f32 v33, v39;
	v46 =	vmul.f32 v33, v42  }
0x259: {  	v45 =	vld [tilespmem:s26+$0x280];
	v7 =	vadd.f32 v50, v7;
	v50 =	vmul.f32 v33, v47;
	v44 =	vmul.f32 v35, v39  }
0x25a: {  	v48 =	vmul.f32 v35, v42;
	v10 =	vadd.f32 v51, v10;
	v9 =	vadd.f32 v54, v9  }
0x25b: {  	v62 =	vmul.f32 v53, v59;
	v12 =	vadd.f32 v56, v12;
	v11 =	vadd.f32 v58, v11  }
0x25c: {  	v8 =	vadd.f32 v14, v8;
	v14 =	vmul.f32 v25, v37;
	v51 =	vmul.f32 v43, v49  }
0x25d: {  	v7 =	vadd.f32 v60, v7;
	v56 =	vmul.f32 v43, v52;
	v60 =	vmul.f32 v43, v57  }
0x25e: {  	v54 =	vmul.f32 v45, v49;
	v10 =	vadd.f32 v61, v10;
	v9 =	vadd.f32 v24, v9  }
0x25f: {  	v55 =	vld [tilespmem:s26+$0x300];
	v58 =	vmul.f32 v45, v52;
	v12 =	vadd.f32 v26, v12;
	v11 =	vadd.f32 v28, v11  }
0x260: {  	v7 =	vadd.f32 v30, v7;
	v8 =	vadd.f32 v16, v8;
	v16 =	vmul.f32 v35, v47  }
0x261: {  	v24 =	vmul.f32 v53, v63;
	v10 =	vadd.f32 v31, v10;
	v9 =	vadd.f32 v34, v9  }
0x262: {  	v26 =	vbroadcast v5, $0xE;
	v12 =	vadd.f32 v36, v12;
	v11 =	vadd.f32 v38, v11  }
0x263: {  	v5 =	vbroadcast v5, $0xF;
	v7 =	vadd.f32 v40, v7;
	v8 =	vadd.f32 v14, v8  }
0x264: {  	v61 =	vld [tilespmem:s28+$0x380];
	v23 =	vmul.f32 v55, v59;
	v10 =	vadd.f32 v41, v10;
	v9 =	vadd.f32 v44, v9  }
0x265: {  	v21 =	vld [tilespmem:s26+$0x380];
	v25 =	vmul.f32 v55, v63;
	v12 =	vadd.f32 v46, v12;
	v11 =	vadd.f32 v48, v11  }
0x266: {  	v14 =	vmul.f32 v45, v57;
	v7 =	vadd.f32 v50, v7;
	v8 =	vadd.f32 v16, v8  }
0x267: {  	v28 =	vmul.f32 v53, v26;
	v10 =	vadd.f32 v51, v10;
	v9 =	vadd.f32 v54, v9  }
0x268: {  	v15 =	vmul.f32 v55, v26;
	v12 =	vadd.f32 v56, v12;
	v11 =	vadd.f32 v58, v11  }
0x269: {  	v27 =	vmul.f32 v61, v6;
	v7 =	vadd.f32 v60, v7;
	v10 =	vadd.f32 v62, v10  }
0x26a: {  	v6 =	vmul.f32 v21, v6;
	v8 =	vadd.f32 v14, v8;
	v9 =	vadd.f32 v23, v9  }
0x26b: {  	v29 =	vmul.f32 v61, v4;
	v12 =	vadd.f32 v24, v12;
	v10 =	vadd.f32 v27, v10  }
0x26c: {  	v4 =	vmul.f32 v21, v4;
	v11 =	vadd.f32 v25, v11;
	v6 =	vadd.f32 v6, v9  }
0x26d: {  	v31 =	vmul.f32 v61, v5;
	v7 =	vadd.f32 v28, v7;
	v30 =	vadd.f32 v29, v12;
	[tilespmem:s22+$0xFFFFFF80] =	vst v10  }
0x26e: {  	v5 =	vmul.f32 v21, v5;
	v8 =	vadd.f32 v15, v8;
	v4 =	vadd.f32 v4, v11;
	[tilespmem:s22+$0xFFFFFF90] =	vst v6  }
0x26f: {  	v32 =	vadd.f32 v31, v7;
	[tilespmem:s22+$0xFFFFFFA0] =	vst v30  }
0x270: {  	v5 =	vadd.f32 v5, v8;
	[tilespmem:s22+$0xFFFFFFB0] =	vst v4  }
0x271: {  	[tilespmem:s22+$0xFFFFFFC0] =	vst v32  }
0x272: {  	[tilespmem:s22+$0xFFFFFFD0] =	vst v5  }
0x273: {  	v6 =	vld [tilespmem:s23+$0x0]  }
0x274: {  	v4 =	vld [tilespmem:s23+$0x80]  }
0x275: {  	v5 =	vld [tilespmem:s23+$0x100];
	_ =	sdelay $0x1  }
0x276: {  	s28 =	sadd.s32 $0x20, s25  }
0x277: {  	s30 =	sand.u32 $0x60, s28  }
0x278: {  	s4 =	sadd.s32 s30, s13;
	s26 =	sor.u32 $0x10, s30;
	v35 =	vbroadcast v6, $0x0;
	v37 =	vbroadcast v4, $0x0  }
0x279: {  	s13 =	sadd.s32 s26, s13;
	v33 =	vld [tilespmem:s4+$0x0];
	v41 =	vbroadcast v5, $0x0;
	v42 =	vbroadcast v6, $0x1  }
0x27a: {  	v34 =	vld [tilespmem:s13+$0x0];
	v44 =	vbroadcast v4, $0x1;
	v48 =	vbroadcast v5, $0x1  }
0x27b: {  	v50 =	vbroadcast v6, $0x2;
	v52 =	vbroadcast v4, $0x2  }
0x27c: {  	v38 =	vld [tilespmem:s4+$0x80];
	v57 =	vbroadcast v5, $0x2;
	v59 =	vbroadcast v6, $0x3  }
0x27d: {  	v39 =	vld [tilespmem:s13+$0x80];
	v62 =	vbroadcast v4, $0x3;
	v27 =	vbroadcast v5, $0x3  }
0x27e: {  	v29 =	vbroadcast v6, $0x4;
	v32 =	vbroadcast v4, $0x4  }
0x27f: {  	v45 =	vld [tilespmem:s4+$0x100];
	v36 =	vmul.f32 v33, v35;
	v9 =	vmul.f32 v34, v35  }
0x280: {  	v46 =	vld [tilespmem:s13+$0x100];
	v40 =	vmul.f32 v33, v37;
	v11 =	vmul.f32 v34, v37  }
0x281: {  	v7 =	vmul.f32 v33, v41;
	v8 =	vmul.f32 v34, v41  }
0x282: {  	v53 =	vld [tilespmem:s4+$0x180];
	v43 =	vmul.f32 v38, v42;
	v16 =	vmul.f32 v39, v42  }
0x283: {  	v55 =	vld [tilespmem:s13+$0x180];
	v47 =	vmul.f32 v38, v44;
	v49 =	vmul.f32 v39, v44  }
0x284: {  	v12 =	vmul.f32 v38, v48;
	v13 =	vmul.f32 v39, v48  }
0x285: {  	v63 =	vld [tilespmem:s4+$0x200];
	v51 =	vmul.f32 v45, v50;
	v54 =	vmul.f32 v46, v50  }
0x286: {  	v25 =	vld [tilespmem:s13+$0x200];
	v56 =	vmul.f32 v45, v52;
	v58 =	vmul.f32 v46, v52  }
0x287: {  	v60 =	vmul.f32 v45, v57;
	v17 =	vmul.f32 v46, v57  }
0x288: {  	v61 =	vmul.f32 v53, v59;
	v24 =	vmul.f32 v55, v59  }
0x289: {  	v26 =	vmul.f32 v53, v62;
	v28 =	vmul.f32 v55, v62  }
0x28a: {  	v30 =	vmul.f32 v53, v27;
	v31 =	vmul.f32 v63, v29  }
0x28b: {  	v34 =	vmul.f32 v25, v29;
	v37 =	vbroadcast v5, $0x4  }
0x28c: {  	v38 =	vmul.f32 v25, v32;
	v39 =	vbroadcast v6, $0x5  }
0x28d: {  	v42 =	vbroadcast v4, $0x5;
	v52 =	vbroadcast v4, $0x6  }
0x28e: {  	v57 =	vbroadcast v5, $0x6;
	v59 =	vbroadcast v6, $0x7  }
0x28f: {  	v62 =	vbroadcast v4, $0x7;
	v10 =	vadd.f32 $0.0e+00, v36;
	v9 =	vadd.f32 $0.0e+00, v9  }
0x290: {  	v33 =	vld [tilespmem:s4+$0x280];
	v29 =	vbroadcast v6, $0x8;
	v14 =	vadd.f32 $0.0e+00, v40;
	v11 =	vadd.f32 $0.0e+00, v11  }
0x291: {  	v35 =	vld [tilespmem:s13+$0x280];
	v8 =	vadd.f32 $0.0e+00, v8;
	v36 =	vmul.f32 v63, v32;
	v40 =	vmul.f32 v63, v37  }
0x292: {  	v32 =	vbroadcast v4, $0x8;
	v9 =	vadd.f32 v16, v9;
	v14 =	vadd.f32 v47, v14  }
0x293: {  	v8 =	vadd.f32 v13, v8;
	v13 =	vmul.f32 v55, v27;
	v16 =	vmul.f32 v25, v37  }
0x294: {  	v11 =	vadd.f32 v49, v11;
	v47 =	vbroadcast v5, $0x5;
	v49 =	vbroadcast v6, $0x6  }
0x295: {  	v45 =	vld [tilespmem:s13+$0x300];
	v7 =	vadd.f32 $0.0e+00, v7;
	v27 =	vbroadcast v5, $0x7;
	v37 =	vbroadcast v5, $0x8  }
0x296: {  	v10 =	vadd.f32 v43, v10;
	v41 =	vmul.f32 v33, v39;
	v44 =	vmul.f32 v35, v39  }
0x297: {  	v53 =	vld [tilespmem:s4+$0x380];
	v7 =	vadd.f32 v12, v7;
	v46 =	vmul.f32 v33, v42;
	v48 =	vmul.f32 v35, v42  }
0x298: {  	v39 =	vbroadcast v6, $0x9;
	v10 =	vadd.f32 v51, v10;
	v9 =	vadd.f32 v54, v9  }
0x299: {  	v43 =	vld [tilespmem:s4+$0x300];
	v42 =	vbroadcast v4, $0x9;
	v14 =	vadd.f32 v56, v14;
	v11 =	vadd.f32 v58, v11  }
0x29a: {  	v55 =	vld [tilespmem:s13+$0x380];
	v7 =	vadd.f32 v60, v7;
	v50 =	vmul.f32 v33, v47;
	v54 =	vmul.f32 v45, v49  }
0x29b: {  	v58 =	vmul.f32 v45, v52;
	v12 =	vadd.f32 v26, v14;
	v14 =	vmul.f32 v35, v47  }
0x29c: {  	v10 =	vadd.f32 v61, v10;
	v61 =	vmul.f32 v53, v59;
	v26 =	vmul.f32 v53, v62  }
0x29d: {  	s30 =	sadd.s32 s30, s11;
	v7 =	vadd.f32 v30, v7;
	v30 =	vmul.f32 v53, v27;
	v47 =	vbroadcast v5, $0x9  }
0x29e: {  	s11 =	sadd.s32 s26, s11;
	v63 =	vld [tilespmem:s30+$0x0];
	v8 =	vadd.f32 v17, v8;
	v51 =	vmul.f32 v43, v49;
	v56 =	vmul.f32 v43, v52  }
0x29f: {  	v25 =	vld [tilespmem:s11+$0x0];
	v9 =	vadd.f32 v24, v9;
	v60 =	vmul.f32 v43, v57;
	v24 =	vmul.f32 v55, v59  }
0x2a0: {  	v11 =	vadd.f32 v28, v11;
	v28 =	vmul.f32 v55, v62;
	v49 =	vbroadcast v6, $0xA  }
0x2a1: {  	v8 =	vadd.f32 v13, v8;
	v52 =	vbroadcast v4, $0xA;
	v59 =	vbroadcast v6, $0xB  }
0x2a2: {  	v62 =	vbroadcast v4, $0xB;
	v10 =	vadd.f32 v31, v10;
	v9 =	vadd.f32 v34, v9  }
0x2a3: {  	v33 =	vld [tilespmem:s30+$0x80];
	v12 =	vadd.f32 v36, v12;
	v8 =	vadd.f32 v16, v8;
	v16 =	vmul.f32 v45, v57  }
0x2a4: {  	v11 =	vadd.f32 v38, v11;
	v31 =	vmul.f32 v63, v29;
	v34 =	vmul.f32 v25, v29  }
0x2a5: {  	v35 =	vld [tilespmem:s11+$0x80];
	v7 =	vadd.f32 v40, v7;
	v36 =	vmul.f32 v63, v32;
	v38 =	vmul.f32 v25, v32  }
0x2a6: {  	v40 =	vmul.f32 v63, v37;
	v10 =	vadd.f32 v41, v10;
	v9 =	vadd.f32 v44, v9  }
0x2a7: {  	v43 =	vld [tilespmem:s30+$0x100];
	v57 =	vbroadcast v5, $0xA;
	v12 =	vadd.f32 v46, v12;
	v11 =	vadd.f32 v48, v11  }
0x2a8: {  	v53 =	vld [tilespmem:s30+$0x180];
	v8 =	vadd.f32 v14, v8;
	v14 =	vmul.f32 v55, v27;
	v41 =	vmul.f32 v33, v39  }
0x2a9: {  	v45 =	vld [tilespmem:s11+$0x100];
	v7 =	vadd.f32 v50, v7;
	v46 =	vmul.f32 v33, v42;
	v50 =	vmul.f32 v33, v47  }
0x2aa: {  	v44 =	vmul.f32 v35, v39;
	v48 =	vmul.f32 v35, v42;
	v10 =	vadd.f32 v51, v10  }
0x2ab: {  	v9 =	vadd.f32 v54, v9;
	v8 =	vadd.f32 v16, v8;
	v16 =	vmul.f32 v25, v37  }
0x2ac: {  	v12 =	vadd.f32 v56, v12;
	v51 =	vmul.f32 v43, v49;
	v56 =	vmul.f32 v43, v52  }
0x2ad: {  	v55 =	vld [tilespmem:s11+$0x180];
	v7 =	vadd.f32 v60, v7;
	v60 =	vmul.f32 v43, v57;
	v25 =	vmul.f32 v53, v62  }
0x2ae: {  	v11 =	vadd.f32 v58, v11;
	v54 =	vmul.f32 v45, v49;
	v58 =	vmul.f32 v45, v52  }
0x2af: {  	v52 =	vbroadcast v4, $0xE;
	v10 =	vadd.f32 v61, v10;
	v9 =	vadd.f32 v24, v9  }
0x2b0: {  	v63 =	vld [tilespmem:s30+$0x200];
	v12 =	vadd.f32 v26, v12;
	v8 =	vadd.f32 v14, v8;
	v14 =	vmul.f32 v35, v47  }
0x2b1: {  	v11 =	vadd.f32 v28, v11;
	v61 =	vmul.f32 v53, v59;
	v26 =	vbroadcast v5, $0xB  }
0x2b2: {  	v7 =	vadd.f32 v30, v7;
	v28 =	vbroadcast v6, $0xC;
	v23 =	vmul.f32 v55, v59  }
0x2b3: {  	v27 =	vmul.f32 v55, v62;
	v10 =	vadd.f32 v31, v10;
	v9 =	vadd.f32 v34, v9  }
0x2b4: {  	v32 =	vld [tilespmem:s30+$0x280];
	v12 =	vadd.f32 v36, v12;
	v8 =	vadd.f32 v16, v8;
	v16 =	vmul.f32 v45, v57  }
0x2b5: {  	v11 =	vadd.f32 v38, v11;
	v29 =	vmul.f32 v53, v26;
	v30 =	vmul.f32 v63, v28  }
0x2b6: {  	v42 =	vld [tilespmem:s30+$0x300];
	v7 =	vadd.f32 v40, v7;
	v31 =	vbroadcast v4, $0xC;
	v36 =	vbroadcast v5, $0xC  }
0x2b7: {  	v38 =	vbroadcast v6, $0xD;
	v57 =	vbroadcast v5, $0xE;
	v10 =	vadd.f32 v41, v10  }
0x2b8: {  	v8 =	vadd.f32 v14, v8;
	v14 =	vmul.f32 v55, v26;
	v35 =	vmul.f32 v63, v31  }
0x2b9: {  	v24 =	vld [tilespmem:s11+$0x200];
	v9 =	vadd.f32 v44, v9;
	v39 =	vmul.f32 v63, v36;
	v40 =	vmul.f32 v32, v38  }
0x2ba: {  	v12 =	vadd.f32 v46, v12;
	v41 =	vbroadcast v4, $0xD;
	v46 =	vbroadcast v5, $0xD  }
0x2bb: {  	v11 =	vadd.f32 v48, v11;
	v48 =	vbroadcast v6, $0xE;
	v55 =	vmul.f32 v42, v52  }
0x2bc: {  	v7 =	vadd.f32 v50, v7;
	v6 =	vbroadcast v6, $0xF;
	v4 =	vbroadcast v4, $0xF  }
0x2bd: {  	v59 =	vmul.f32 v42, v57;
	v5 =	vbroadcast v5, $0xF;
	v10 =	vadd.f32 v51, v10  }
0x2be: {  	v34 =	vld [tilespmem:s11+$0x280];
	v33 =	vmul.f32 v24, v28;
	v9 =	vadd.f32 v54, v9;
	v12 =	vadd.f32 v56, v12  }
0x2bf: {  	v37 =	vmul.f32 v24, v31;
	v11 =	vadd.f32 v58, v11;
	v7 =	vadd.f32 v60, v7  }
0x2c0: {  	v8 =	vadd.f32 v16, v8;
	v16 =	vmul.f32 v24, v36;
	v45 =	vmul.f32 v32, v41  }
0x2c1: {  	v44 =	vld [tilespmem:s11+$0x300];
	v49 =	vmul.f32 v32, v46;
	v10 =	vadd.f32 v61, v10;
	v9 =	vadd.f32 v23, v9  }
0x2c2: {  	v51 =	vmul.f32 v42, v48;
	v12 =	vadd.f32 v25, v12;
	v11 =	vadd.f32 v27, v11  }
0x2c3: {  	v50 =	vld [tilespmem:s30+$0x380];
	v43 =	vmul.f32 v34, v38;
	v7 =	vadd.f32 v29, v7;
	v8 =	vadd.f32 v14, v8  }
0x2c4: {  	v53 =	vld [tilespmem:s11+$0x380];
	v47 =	vmul.f32 v34, v41;
	v10 =	vadd.f32 v30, v10;
	v9 =	vadd.f32 v33, v9  }
0x2c5: {  	v14 =	vmul.f32 v34, v46;
	v12 =	vadd.f32 v35, v12;
	v11 =	vadd.f32 v37, v11  }
0x2c6: {  	v54 =	vmul.f32 v44, v48;
	v7 =	vadd.f32 v39, v7;
	v8 =	vadd.f32 v16, v8  }
0x2c7: {  	v56 =	vmul.f32 v44, v52;
	v10 =	vadd.f32 v40, v10;
	v9 =	vadd.f32 v43, v9  }
0x2c8: {  	v58 =	vmul.f32 v50, v6;
	v12 =	vadd.f32 v45, v12;
	v11 =	vadd.f32 v47, v11  }
0x2c9: {  	v6 =	vmul.f32 v53, v6;
	v7 =	vadd.f32 v49, v7;
	v10 =	vadd.f32 v51, v10  }
0x2ca: {  	v60 =	vmul.f32 v50, v4;
	v8 =	vadd.f32 v14, v8;
	v9 =	vadd.f32 v54, v9  }
0x2cb: {  	v15 =	vmul.f32 v44, v57;
	v12 =	vadd.f32 v55, v12;
	v10 =	vadd.f32 v58, v10  }
0x2cc: {  	s21 =	sadd.s32 $0x2, s21;
	v4 =	vmul.f32 v53, v4;
	v11 =	vadd.f32 v56, v11;
	v6 =	vadd.f32 v6, v9  }
0x2cd: {  	p0 =	slt.u32 s21, $0xA;
	v62 =	vmul.f32 v50, v5;
	v7 =	vadd.f32 v59, v7;
	v61 =	vadd.f32 v60, v12;
	[tilespmem:s22+$0x0] =	vst v10  }
.Ltmp20:
0x2ce: {  	v5 =	vmul.f32 v53, v5;
	v8 =	vadd.f32 v15, v8;
	v4 =	vadd.f32 v4, v11;
	[tilespmem:s22+$0x10] =	vst v6;
	(pc) =	sbr.rel @p0 .LBB2_28-.Ltmp20, $4  }
0x2cf: {  	v63 =	vadd.f32 v62, v7;
	[tilespmem:s22+$0x20] =	vst v61  }
0x2d0: {  	v5 =	vadd.f32 v5, v8;
	[tilespmem:s22+$0x30] =	vst v4  }
0x2d1: {  	s24 =	sadd.s32 $0x200, s24;
	[tilespmem:s22+$0x40] =	vst v63  }
0x2d2: {  	s25 =	sadd.s32 $0x40, s25;
	s23 =	sadd.s32 $0x400, s23;
	[tilespmem:s22+$0x50] =	vst v5;
	s22 =	sadd.s32 $0x100, s22  }
0x2d3: {  	s16 =	sadd.s32 $0x1, s16  }
0x2d4: {  	p0 =	sne.s32 s16, $0x4  }
.Ltmp21:
0x2d5: {  	_ = 	snop;
	(pc) =	sbr.rel @p0 .LBB2_27-.Ltmp21, $2  }
0x2d6: {  	_ =	sdelay $0x2  }
0x2d7: {  	s17 =	sadd.s32 $0x1800, s17;
	s18 =	sadd.s32 $0x600, s18  }
.Ltmp22:
0x2d8: {  	(pc) =	sbr.rel @p2 .LBB2_34-.Ltmp22, $3  }
0x2d9: {  	s0 =	smul.u32 $0x300, s0;
	_ =	sdelay $0x1  }
0x2da: {  	s4 =	simm.s32 $0x19900;
	s0 =	sadd.s32 s6, s0  }
0x2db: {  	[hbm4b:s0+s2] =	stream.linear.scatter [tilespmem:s4], [sflag:$0x4], $0x1800, $0x38;
	[tilespmem:$0x1B100] =	vst v63  }
0x2dc: {  	s0 =	smul.u32 $0xC00, s15  }
0x2dd: {  	s4 =	rddreg [dreg:$0x4]  }
0x2de: {  	s5 =	simm.s32 $0x40;
	s0 =	sadd.s32 s4, s0  }
0x2df: {  	s11 =	simm.s32 $0x12300;
	s4 =	simm.s32 $0x12100;
	s13 =	sadd.s32 $0x0, s0  }
.LBB2_32:
0x2e0: {  	[tilespmem:s4], [sflag:$0x8] =	stream.linear.gather [hbm4b:s13+s2], $0x180, $0x38;
	[tilespmem:$0x1B100] =	vst v63  }
0x2e1: {  	s13 =	smov.u32 s5;
	s4 =	smov.u32 s11;
	p0 =	sne.s32 s5, $0xBC0  }
.Ltmp23:
0x2e2: {  	s5 =	sadd.s32 $0x40, s5;
	(pc) =	sbr.rel @p0 .LBB2_32-.Ltmp23, $2  }
0x2e3: {  	_ =	sdelay $0x2  }
0x2e4: {  	s11 =	sadd.s32 $0x200, s11;
	s13 =	sadd.s32 s13, s0  }
.Ltmp24:
0x2e5: {  	_ = 	snop;
	(pc) =	sbr.rel .LBB2_33-.Ltmp24, $1  }
0x2e6: {  	_ =	sdelay $0x3  }
.LBB2_36:
0x2e7: {  	_ =	sfence.sel $0x180000  }
0x2e8: {  	[bflag:$0x0] =	sbarrier.arrive $0xFFFF  }
0x2e9: {  	_ =	strace $0x90000047  }
0x2ea: {  	s0 =	stileid.u32;
	[bflag:$0x2] =	sbarrier.arrive $0xFFFF  }
0x2eb: {  	p0 =	sne.s32 s0, $0x0;
	s0 =	rddreg [dreg:$0x2]  }
0x2ec: {  	s0 =	sadd.s32 @!p0 $0x100000, s0  }
0x2ed: {  	[sflag:s0] =	ssyncadd.tile.s32 @!p0 $0x1;
	_ =	shalt  }
.Lfunc_end2:
_tile_overlayer_lowered:
.L_overlay_start_2:
0x2ee: {  	(tag) =	ssettag $0x2  }
0x2ef: {  	s0 =	rddreg [dreg:$0x0];
	s2 =	stileid.u32  }
0x2f0: {  	s1 =	rddreg [dreg:$0x1];
	p0 =	sne.s32 s2, $0x0  }
0x2f1: {  	s3 =	rddreg [dreg:$0x2];
	[bflag:$0x3] =	sbarrier.arrive $0xFFFF;
	s2 =	simm.s32 @!p0 $0x1C09  }
0x2f2: {  	[timem:s3], [sflag:s2] =	dma.local @!p0 [hbm:s0], s1  }
0x2f3: {  	s0 =	simm.s32 @!p0 $0x9  }
0x2f4: {  	_ =	swait.ge @!p0 [sflag:s0], s1  }
0x2f5: {  	s1 =	ssub.s32 @!p0 $0x0, s1;
	[sflag:s0] =	ssyncset.done @!p0 $0x0  }
0x2f6: {  	[sflag:s0] =	ssyncadd.s32 @!p0 s1  }
0x2f7: {  	[bflag:$0x3] =	sbarrier.arrive $0xFFFF  }
0x2f8: {  	_ =	shalt  }

</sc_bundles>
